<compile_context>
chip_gen: v7x
topology: tpu7x:2x2x1
jax: 0.10.2.dev20260603
libtpu: 0.0.44.dev20260713+nightly
codegen_flags: <defaults>
</compile_context>

<pallas_src>
import functools

import jax
import jax.numpy as jnp
import numpy as np
from jax import lax
from jax.experimental import pallas as pl
from jax.experimental.pallas import tpu as pltpu
from jax.experimental.pallas import tpu_sc as plsc

D = 128
K = 16
Q = 16384
GW = K * D
OUT_W = GW + 3 * K
NC, NS = 2, 16
NW = NC * NS
QPW = Q // NW
QB = 128
NQB = QPW // QB
NBLK = NQB * K
NBUF = 2

_LANE = np.arange(16, dtype=np.int32)
_CONSTS = np.stack([_LANE] + [(_LANE + s) % 16 for s in range(16)])
_CONST_BLOCK = np.zeros((8, 128), dtype=np.int32)
_CONST_BLOCK.reshape(-1, 16)[: _CONSTS.shape[0]] = _CONSTS


def _build_kernel():
  mesh = plsc.VectorSubcoreMesh(
      core_axis_name="c", subcore_axis_name="s", num_cores=NC, num_subcores=NS
  )

  @functools.partial(
      pl.kernel,
      out_type=jax.ShapeDtypeStruct((OUT_W, Q), jnp.float32),
      mesh=mesh,
      compiler_params=pltpu.CompilerParams(needs_layout_passes=False),
      scratch_types=[
          pltpu.VMEM((8, 128), jnp.int32),
          pltpu.VMEM((K, QPW), jnp.int32),
          [pltpu.VMEM((QB, D), jnp.float32) for _ in range(NBUF)],
          [pltpu.VMEM((D, QB), jnp.float32) for _ in range(NBUF)],
          [pltpu.SemaphoreType.DMA for _ in range(NBUF)],
          [pltpu.SemaphoreType.DMA for _ in range(NBUF)],
          pltpu.SemaphoreType.DMA,
      ],
  )
  def run(x_hbm, idxt_hbm, dist_hbm, sint_hbm, cost_hbm, const_hbm, out_hbm,
          const_v, idx_nm, rows_v, st_v, sem_g, sem_w, sem_f):
    wid = lax.axis_index("s") * NC + lax.axis_index("c")
    qbase = wid * QPW

    ft_cps = [
        pltpu.make_async_copy(
            src.at[:, pl.ds(qbase, QPW)],
            out_hbm.at[pl.ds(GW + sec * K, K), pl.ds(qbase, QPW)],
            sem_f,
        )
        for sec, src in enumerate((dist_hbm, sint_hbm, cost_hbm))
    ]
    for cp in ft_cps:
      cp.start()

    pltpu.sync_copy(const_hbm, const_v)
    pltpu.sync_copy(idxt_hbm.at[:, pl.ds(qbase, QPW)], idx_nm)

    def cv(n):
      return const_v[n // 8, pl.ds((n % 8) * 16, 16)]

    def gather_cp(it, b):
      qc = it // K
      j = lax.rem(it, K)
      return pltpu.make_async_copy(
          x_hbm.at[idx_nm.at[j, pl.ds(qc * QB, QB)]], rows_v[b], sem_g[b]
      )

    def write_cp(it, b):
      qc = it // K
      j = lax.rem(it, K)
      return pltpu.make_async_copy(
          st_v[b],
          out_hbm.at[pl.ds(j * D, D), pl.ds(qbase + qc * QB, QB)],
          sem_w[b],
      )

    gather_cp(0, 0).start()

    @pl.loop(0, NBLK // NBUF)
    def _(g):
      for b in range(NBUF):
        it = g * NBUF + b
        @pl.when(g > 0)
        def _():
          write_cp(it - NBUF, b).wait()

        @pl.when(it + 1 < NBLK)
        def _():
          gather_cp(it + 1, 1 - b).start()

        gather_cp(it, b).wait()

        diags = [cv(1 + s) for s in range(16)]

        @plsc.parallel_loop(0, QB // 16, unroll=2)
        def _(tb):
          va = cv(0) + tb * 16
          for cb in range(D // 16):
            vs = [
                plsc.load_gather(rows_v[b], [va, diags[s] + cb * 16])
                for s in range(16)
            ]
            for s in range(16):
              plsc.store_scatter(st_v[b], [diags[s] + cb * 16, va], vs[s])

        write_cp(it, b).start()

    for b in range(NBUF):
      write_cp(NBLK - NBUF + b, b).wait()
    for cp in ft_cps:
      cp.wait()

  return run


def kernel(x, idx, dis, angle_t_sin, angle_t_cos):
  run = _build_kernel()
  out_t = run(
      x,
      idx.astype(jnp.int32).T,
      dis.T,
      angle_t_sin.T,
      angle_t_cos.T,
      jnp.asarray(_CONST_BLOCK),
  )
  return out_t.T

# --- scband reference (transcript-rebuilt; emitter-appended) ---
"""Pipeline reference for scband-idx-layer2-58514634441009 (READ-ONLY COPY).

The authoritative reference and input builder live on the scoring server;
editing this copy changes nothing except your own understanding.
"""

import jax, jax.numpy as jnp
import numpy as np


def setup_inputs(seed: int = 0) -> dict:
    key = jax.random.key(seed)
    k_x, k_idx, k_dis, k_sin, k_cos = jax.random.split(key, 5)
    x = jax.random.normal(k_x, (100000, 128), dtype=jnp.float32)
    idx = jax.random.randint(k_idx, (16384, 16), 0, 100000, dtype=jnp.int64)
    dis = jax.random.uniform(k_dis, (16384, 16), dtype=jnp.float32)
    angle_t_sin = jax.random.normal(k_sin, (16384, 16), dtype=jnp.float32)
    angle_t_cos = jax.random.normal(k_cos, (16384, 16), dtype=jnp.float32)
    return {"x": x, "idx": idx, "dis": dis, "angle_t_sin": angle_t_sin, "angle_t_cos": angle_t_cos}


def reference(x, idx, dis, angle_t_sin, angle_t_cos):
    h, w = idx.shape
    # per-query gather of neighbor features: equivalent to the torch loop of
    # index_select + view(1, -1) + cat along dim 0
    gathered = jnp.take(x, idx, axis=0)          # [h, w, d]
    gathered = gathered.reshape(h, -1)           # [h, w*d]
    dis = dis.reshape(h, -1)
    angle_t_sin = angle_t_sin.reshape(h, -1)
    angle_t_cos = angle_t_cos.reshape(h, -1)
    out = jnp.concatenate((gathered, dis, angle_t_sin, angle_t_cos), axis=1)
    return out

if __name__ == "__main__":
    import jax
    _d = setup_inputs()
    print(jax.jit(kernel)(*tuple(_d.values())))

</pallas_src>

<mosaic_0001>
#map = affine_map<(d0, d1) -> (0, 0)>
module attributes {stable_mosaic.version = 14 : i64} {
  func.func @run(%arg0: i32, %arg1: i32, %arg2: memref<100000x128xf32, #tpu.memory_space<hbm>>, %arg3: memref<16x16384xi32, #tpu.memory_space<hbm>>, %arg4: memref<16x16384xf32, #tpu.memory_space<hbm>>, %arg5: memref<16x16384xf32, #tpu.memory_space<hbm>>, %arg6: memref<16x16384xf32, #tpu.memory_space<hbm>>, %arg7: memref<8x128xi32, #tpu.memory_space<hbm>>, %arg8: memref<2096x16384xf32, #tpu.memory_space<hbm>>, %arg9: memref<8x128xi32, #tpu.memory_space<vmem>>, %arg10: memref<16x512xi32, #tpu.memory_space<vmem>>, %arg11: memref<128x128xf32, #tpu.memory_space<vmem>>, %arg12: memref<128x128xf32, #tpu.memory_space<vmem>>, %arg13: memref<128x128xf32, #tpu.memory_space<vmem>>, %arg14: memref<128x128xf32, #tpu.memory_space<vmem>>, %arg15: memref<!tpu.dma_semaphore, #tpu.memory_space<semaphore_mem>>, %arg16: memref<!tpu.dma_semaphore, #tpu.memory_space<semaphore_mem>>, %arg17: memref<!tpu.dma_semaphore, #tpu.memory_space<semaphore_mem>>, %arg18: memref<!tpu.dma_semaphore, #tpu.memory_space<semaphore_mem>>, %arg19: memref<!tpu.dma_semaphore, #tpu.memory_space<semaphore_mem>>) attributes {dimension_semantics = [#tpu.dimension_semantics<core_parallel>, #tpu.dimension_semantics<subcore_parallel>], iteration_bounds = array<i64: 2, 16>, scalar_prefetch = 0 : i64, scratch_operands = 11 : i64, tpu.core_type = #tpu.core_type<sc_vector_subcore>, window_params = [{transform_indices = #map}, {transform_indices = #map}, {transform_indices = #map}, {transform_indices = #map}, {transform_indices = #map}, {transform_indices = #map}, {transform_indices = #map}]} {
    %mul3A = arith.constant 2 : i32
    %mul3A_0 = arith.muli %arg1, %mul3A : i32
    %add3A = arith.addi %mul3A_0, %arg0 : i32
    %mul3A_1 = arith.constant 512 : i32
    %mul3A_2 = arith.muli %add3A, %mul3A_1 : i32
    %dma_start3A = arith.constant 2048 : i32
    %dma_start3A_3 = tpu.memref_slice %arg8[%dma_start3A, %mul3A_2] : memref<2096x16384xf32, #tpu.memory_space<hbm>> -> memref<16x512xf32, #tpu.memory_space<hbm>>
    %dma_start3A_4 = arith.constant 0 : i32
    %dma_start3A_5 = tpu.memref_slice %arg4[%dma_start3A_4, %mul3A_2] : memref<16x16384xf32, #tpu.memory_space<hbm>> -> memref<16x512xf32, #tpu.memory_space<hbm>>
    tpu.enqueue_dma source(%dma_start3A_5 : memref<16x512xf32, #tpu.memory_space<hbm>>) target(%dma_start3A_3 : memref<16x512xf32, #tpu.memory_space<hbm>>) target_semaphore(%arg19 : memref<!tpu.dma_semaphore, #tpu.memory_space<semaphore_mem>>)
    %dma_start3A_6 = arith.constant 2064 : i32
    %dma_start3A_7 = tpu.memref_slice %arg8[%dma_start3A_6, %mul3A_2] : memref<2096x16384xf32, #tpu.memory_space<hbm>> -> memref<16x512xf32, #tpu.memory_space<hbm>>
    %dma_start3A_8 = arith.constant 0 : i32
    %dma_start3A_9 = tpu.memref_slice %arg5[%dma_start3A_8, %mul3A_2] : memref<16x16384xf32, #tpu.memory_space<hbm>> -> memref<16x512xf32, #tpu.memory_space<hbm>>
    tpu.enqueue_dma source(%dma_start3A_9 : memref<16x512xf32, #tpu.memory_space<hbm>>) target(%dma_start3A_7 : memref<16x512xf32, #tpu.memory_space<hbm>>) target_semaphore(%arg19 : memref<!tpu.dma_semaphore, #tpu.memory_space<semaphore_mem>>)
    %dma_start3A_10 = arith.constant 2080 : i32
    %dma_start3A_11 = tpu.memref_slice %arg8[%dma_start3A_10, %mul3A_2] : memref<2096x16384xf32, #tpu.memory_space<hbm>> -> memref<16x512xf32, #tpu.memory_space<hbm>>
    %dma_start3A_12 = arith.constant 0 : i32
    %dma_start3A_13 = tpu.memref_slice %arg6[%dma_start3A_12, %mul3A_2] : memref<16x16384xf32, #tpu.memory_space<hbm>> -> memref<16x512xf32, #tpu.memory_space<hbm>>
    tpu.enqueue_dma source(%dma_start3A_13 : memref<16x512xf32, #tpu.memory_space<hbm>>) target(%dma_start3A_11 : memref<16x512xf32, #tpu.memory_space<hbm>>) target_semaphore(%arg19 : memref<!tpu.dma_semaphore, #tpu.memory_space<semaphore_mem>>)
    "tpu.region"() ({
      %run_scoped3A = tpu.sem_alloc : memref<!tpu.dma_semaphore, #tpu.memory_space<semaphore_mem>>
      tpu.enqueue_dma source(%arg7 : memref<8x128xi32, #tpu.memory_space<hbm>>) target(%arg9 : memref<8x128xi32, #tpu.memory_space<vmem>>) target_semaphore(%run_scoped3A : memref<!tpu.dma_semaphore, #tpu.memory_space<semaphore_mem>>)
      tpu.wait_dma2 semaphore(%run_scoped3A : memref<!tpu.dma_semaphore, #tpu.memory_space<semaphore_mem>>) src(%arg7 : memref<8x128xi32, #tpu.memory_space<hbm>>) dst(%arg9 : memref<8x128xi32, #tpu.memory_space<vmem>>)
      tpu.yield
    }) : () -> ()
    "tpu.region"() ({
      %run_scoped3A = tpu.sem_alloc : memref<!tpu.dma_semaphore, #tpu.memory_space<semaphore_mem>>
      %dma_start3A_55 = arith.constant 0 : i32
      %dma_start3A_56 = tpu.memref_slice %arg3[%dma_start3A_55, %mul3A_2] : memref<16x16384xi32, #tpu.memory_space<hbm>> -> memref<16x512xi32, #tpu.memory_space<hbm>>
      %dma_start3A_57 = arith.constant 0 : i32
      %dma_start3A_58 = tpu.memref_slice %arg3[%dma_start3A_57, %mul3A_2] : memref<16x16384xi32, #tpu.memory_space<hbm>> -> memref<16x512xi32, #tpu.memory_space<hbm>>
      tpu.enqueue_dma source(%dma_start3A_58 : memref<16x512xi32, #tpu.memory_space<hbm>>) target(%arg10 : memref<16x512xi32, #tpu.memory_space<vmem>>) target_semaphore(%run_scoped3A : memref<!tpu.dma_semaphore, #tpu.memory_space<semaphore_mem>>)
      %dma_wait3A_59 = arith.constant 0 : i32
      %dma_wait3A_60 = tpu.memref_slice %arg3[%dma_wait3A_59, %mul3A_2] : memref<16x16384xi32, #tpu.memory_space<hbm>> -> memref<16x512xi32, #tpu.memory_space<hbm>>
      %dma_wait3A_61 = arith.constant 0 : i32
      %dma_wait3A_62 = tpu.memref_slice %arg3[%dma_wait3A_61, %mul3A_2] : memref<16x16384xi32, #tpu.memory_space<hbm>> -> memref<16x512xi32, #tpu.memory_space<hbm>>
      tpu.wait_dma2 semaphore(%run_scoped3A : memref<!tpu.dma_semaphore, #tpu.memory_space<semaphore_mem>>) src(%dma_wait3A_62 : memref<16x512xi32, #tpu.memory_space<hbm>>) dst(%arg10 : memref<16x512xi32, #tpu.memory_space<vmem>>)
      tpu.yield
    }) : () -> ()
    %rem3A = arith.constant 0 : i32
    %rem3A_14 = arith.constant 16 : i32
    %rem3A_15 = arith.remsi %rem3A, %rem3A_14 : i32
    %dma_start3A_16 = arith.constant 0 : i32
    %dma_start3A_17 = tpu.memref_slice %arg10[%rem3A_15, %dma_start3A_16] : memref<16x512xi32, #tpu.memory_space<vmem>> -> memref<1x128xi32, #tpu.memory_space<vmem>>
    %dma_start3A_18 = tpu.memref_squeeze %dma_start3A_17 : memref<1x128xi32, #tpu.memory_space<vmem>> -> memref<128xi32, #tpu.memory_space<vmem>>
    %dma_start3A_19 = arith.constant 0 : i32
    %dma_start3A_20 = arith.constant 0 : i32
    %dma_start3A_21 = tpu.memref_slice %arg2[%dma_start3A_19, %dma_start3A_20] : memref<100000x128xf32, #tpu.memory_space<hbm>> -> memref<100000x128xf32, #tpu.memory_space<hbm>>
    tpu.enqueue_indirect_dma source(%dma_start3A_21 : memref<100000x128xf32, #tpu.memory_space<hbm>>) target(%arg11 : memref<128x128xf32, #tpu.memory_space<vmem>>) offsets(%dma_start3A_18 : memref<128xi32, #tpu.memory_space<vmem>>) semaphore(%arg15 : memref<!tpu.dma_semaphore, #tpu.memory_space<semaphore_mem>>)
    %scan3A = arith.constant 0 : i32
    %scan3A_22 = arith.constant 32 : i32
    %scan3A_23 = arith.addi %scan3A, %scan3A_22 : i32
    %scan3A_24 = arith.constant 1 : i32
    scf.for %scan3A_55 = %scan3A to %scan3A_23 step %scan3A_24  : i32 {
      %mul3A_56 = arith.constant 1 : i32
      %mul3A_57 = arith.muli %scan3A_55, %mul3A_56 : i32
      %add3A_58 = arith.constant 0 : i32
      %add3A_59 = arith.addi %add3A_58, %mul3A_57 : i32
      %mul3A_60 = arith.constant 2 : i32
      %mul3A_61 = arith.muli %add3A_59, %mul3A_60 : i32
      %add3A_62 = arith.constant 0 : i32
      %add3A_63 = arith.addi %mul3A_61, %add3A_62 : i32
      %gt3A = arith.constant 0 : i32
      %gt3A_64 = arith.cmpi sgt, %add3A_59, %gt3A : i32
      %convert_element_type3A = arith.extui %gt3A_64 : i1 to i32
      %cond3A = arith.constant 0 : i32
      %cond3A_65 = arith.cmpi ne, %convert_element_type3A, %cond3A : i32
      scf.if %cond3A_65 {
        %sub3A_345 = arith.constant 2 : i32
        %sub3A_346 = arith.subi %add3A_63, %sub3A_345 : i32
        %jit3A_347 = arith.constant 16 : i32
        %div3A_348 = arith.divsi %sub3A_346, %jit3A_347 : i32
        %sign3A_349 = arith.constant 0 : i32
        %sign3A_350 = arith.cmpi sgt, %sub3A_346, %sign3A_349 : i32
        %sign3A_351 = arith.extui %sign3A_350 : i1 to i32
        %sign3A_352 = arith.constant 0 : i32
        %sign3A_353 = arith.cmpi slt, %sub3A_346, %sign3A_352 : i32
        %sign3A_354 = arith.extui %sign3A_353 : i1 to i32
        %sign3A_355 = arith.subi %sign3A_351, %sign3A_354 : i32
        %sign3A_356 = arith.constant 0 : i32
        %sign3A_357 = arith.cmpi sgt, %jit3A_347, %sign3A_356 : i32
        %sign3A_358 = arith.extui %sign3A_357 : i1 to i32
        %sign3A_359 = arith.constant 0 : i32
        %sign3A_360 = arith.cmpi slt, %jit3A_347, %sign3A_359 : i32
        %sign3A_361 = arith.extui %sign3A_360 : i1 to i32
        %sign3A_362 = arith.subi %sign3A_358, %sign3A_361 : i32
        %ne3A_363 = arith.cmpi ne, %sign3A_355, %sign3A_362 : i32
        %rem3A_364 = arith.remsi %sub3A_346, %jit3A_347 : i32
        %ne3A_365 = arith.constant 0 : i32
        %ne3A_366 = arith.cmpi ne, %rem3A_364, %ne3A_365 : i32
        %and3A_367 = arith.andi %ne3A_363, %ne3A_366 : i1
        %sub3A_368 = arith.constant 1 : i32
        %sub3A_369 = arith.subi %div3A_348, %sub3A_368 : i32
        %select_n3A_370 = arith.select %and3A_367, %sub3A_369, %div3A_348 : i32
        %rem3A_371 = arith.constant 16 : i32
        %rem3A_372 = arith.remsi %sub3A_346, %rem3A_371 : i32
        %mul3A_373 = arith.constant 128 : i32
        %mul3A_374 = arith.muli %rem3A_372, %mul3A_373 : i32
        %mul3A_375 = arith.constant 128 : i32
        %mul3A_376 = arith.muli %select_n3A_370, %mul3A_375 : i32
        %add3A_377 = arith.addi %mul3A_2, %mul3A_376 : i32
        %dma_wait3A_378 = tpu.memref_slice %arg8[%mul3A_374, %add3A_377] : memref<2096x16384xf32, #tpu.memory_space<hbm>> -> memref<128x128xf32, #tpu.memory_space<hbm>>
        %dma_wait3A_379 = tpu.memref_slice %arg8[%mul3A_374, %add3A_377] : memref<2096x16384xf32, #tpu.memory_space<hbm>> -> memref<128x128xf32, #tpu.memory_space<hbm>>
        tpu.wait_dma2 semaphore(%arg17 : memref<!tpu.dma_semaphore, #tpu.memory_space<semaphore_mem>>) src(%arg13 : memref<128x128xf32, #tpu.memory_space<vmem>>) dst(%dma_wait3A_379 : memref<128x128xf32, #tpu.memory_space<hbm>>)
      } else {
      }
      %add3A_66 = arith.constant 1 : i32
      %add3A_67 = arith.addi %add3A_63, %add3A_66 : i32
      %lt3A = arith.constant 64 : i32
      %lt3A_68 = arith.cmpi slt, %add3A_67, %lt3A : i32
      %convert_element_type3A_69 = arith.extui %lt3A_68 : i1 to i32
      %cond3A_70 = arith.constant 0 : i32
      %cond3A_71 = arith.cmpi ne, %convert_element_type3A_69, %cond3A_70 : i32
      scf.if %cond3A_71 {
        %add3A_345 = arith.constant 1 : i32
        %add3A_346 = arith.addi %add3A_63, %add3A_345 : i32
        %jit3A_347 = arith.constant 16 : i32
        %div3A_348 = arith.divsi %add3A_346, %jit3A_347 : i32
        %sign3A_349 = arith.constant 0 : i32
        %sign3A_350 = arith.cmpi sgt, %add3A_346, %sign3A_349 : i32
        %sign3A_351 = arith.extui %sign3A_350 : i1 to i32
        %sign3A_352 = arith.constant 0 : i32
        %sign3A_353 = arith.cmpi slt, %add3A_346, %sign3A_352 : i32
        %sign3A_354 = arith.extui %sign3A_353 : i1 to i32
        %sign3A_355 = arith.subi %sign3A_351, %sign3A_354 : i32
        %sign3A_356 = arith.constant 0 : i32
        %sign3A_357 = arith.cmpi sgt, %jit3A_347, %sign3A_356 : i32
        %sign3A_358 = arith.extui %sign3A_357 : i1 to i32
        %sign3A_359 = arith.constant 0 : i32
        %sign3A_360 = arith.cmpi slt, %jit3A_347, %sign3A_359 : i32
        %sign3A_361 = arith.extui %sign3A_360 : i1 to i32
        %sign3A_362 = arith.subi %sign3A_358, %sign3A_361 : i32
        %ne3A_363 = arith.cmpi ne, %sign3A_355, %sign3A_362 : i32
        %rem3A_364 = arith.remsi %add3A_346, %jit3A_347 : i32
        %ne3A_365 = arith.constant 0 : i32
        %ne3A_366 = arith.cmpi ne, %rem3A_364, %ne3A_365 : i32
        %and3A_367 = arith.andi %ne3A_363, %ne3A_366 : i1
        %sub3A_368 = arith.constant 1 : i32
        %sub3A_369 = arith.subi %div3A_348, %sub3A_368 : i32
        %select_n3A_370 = arith.select %and3A_367, %sub3A_369, %div3A_348 : i32
        %rem3A_371 = arith.constant 16 : i32
        %rem3A_372 = arith.remsi %add3A_346, %rem3A_371 : i32
        %mul3A_373 = arith.constant 128 : i32
        %mul3A_374 = arith.muli %select_n3A_370, %mul3A_373 : i32
        %dma_start3A_375 = tpu.memref_slice %arg10[%rem3A_372, %mul3A_374] : memref<16x512xi32, #tpu.memory_space<vmem>> -> memref<1x128xi32, #tpu.memory_space<vmem>>
        %dma_start3A_376 = tpu.memref_squeeze %dma_start3A_375 : memref<1x128xi32, #tpu.memory_space<vmem>> -> memref<128xi32, #tpu.memory_space<vmem>>
        %dma_start3A_377 = arith.constant 0 : i32
        %dma_start3A_378 = arith.constant 0 : i32
        %dma_start3A_379 = tpu.memref_slice %arg2[%dma_start3A_377, %dma_start3A_378] : memref<100000x128xf32, #tpu.memory_space<hbm>> -> memref<100000x128xf32, #tpu.memory_space<hbm>>
        tpu.enqueue_indirect_dma source(%dma_start3A_379 : memref<100000x128xf32, #tpu.memory_space<hbm>>) target(%arg12 : memref<128x128xf32, #tpu.memory_space<vmem>>) offsets(%dma_start3A_376 : memref<128xi32, #tpu.memory_space<vmem>>) semaphore(%arg16 : memref<!tpu.dma_semaphore, #tpu.memory_space<semaphore_mem>>)
      } else {
      }
      %jit3A = arith.constant 16 : i32
      %div3A = arith.divsi %add3A_63, %jit3A : i32
      %sign3A = arith.constant 0 : i32
      %sign3A_72 = arith.cmpi sgt, %add3A_63, %sign3A : i32
      %sign3A_73 = arith.extui %sign3A_72 : i1 to i32
      %sign3A_74 = arith.constant 0 : i32
      %sign3A_75 = arith.cmpi slt, %add3A_63, %sign3A_74 : i32
      %sign3A_76 = arith.extui %sign3A_75 : i1 to i32
      %sign3A_77 = arith.subi %sign3A_73, %sign3A_76 : i32
      %sign3A_78 = arith.constant 0 : i32
      %sign3A_79 = arith.cmpi sgt, %jit3A, %sign3A_78 : i32
      %sign3A_80 = arith.extui %sign3A_79 : i1 to i32
      %sign3A_81 = arith.constant 0 : i32
      %sign3A_82 = arith.cmpi slt, %jit3A, %sign3A_81 : i32
      %sign3A_83 = arith.extui %sign3A_82 : i1 to i32
      %sign3A_84 = arith.subi %sign3A_80, %sign3A_83 : i32
      %ne3A = arith.cmpi ne, %sign3A_77, %sign3A_84 : i32
      %rem3A_85 = arith.remsi %add3A_63, %jit3A : i32
      %ne3A_86 = arith.constant 0 : i32
      %ne3A_87 = arith.cmpi ne, %rem3A_85, %ne3A_86 : i32
      %and3A = arith.andi %ne3A, %ne3A_87 : i1
      %sub3A = arith.constant 1 : i32
      %sub3A_88 = arith.subi %div3A, %sub3A : i32
      %select_n3A = arith.select %and3A, %sub3A_88, %div3A : i32
      %rem3A_89 = arith.constant 16 : i32
      %rem3A_90 = arith.remsi %add3A_63, %rem3A_89 : i32
      %mul3A_91 = arith.constant 128 : i32
      %mul3A_92 = arith.muli %select_n3A, %mul3A_91 : i32
      %dma_wait3A_93 = tpu.memref_slice %arg10[%rem3A_90, %mul3A_92] : memref<16x512xi32, #tpu.memory_space<vmem>> -> memref<1x128xi32, #tpu.memory_space<vmem>>
      %dma_wait3A_94 = tpu.memref_squeeze %dma_wait3A_93 : memref<1x128xi32, #tpu.memory_space<vmem>> -> memref<128xi32, #tpu.memory_space<vmem>>
      %dma_wait3A_95 = arith.constant 0 : i32
      %dma_wait3A_96 = arith.constant 0 : i32
      %dma_wait3A_97 = tpu.memref_slice %arg2[%dma_wait3A_95, %dma_wait3A_96] : memref<100000x128xf32, #tpu.memory_space<hbm>> -> memref<100000x128xf32, #tpu.memory_space<hbm>>
      tpu.wait_indirect_dma semaphore(%arg15 : memref<!tpu.dma_semaphore, #tpu.memory_space<semaphore_mem>>) src(%dma_wait3A_97 : memref<100000x128xf32, #tpu.memory_space<hbm>>) dst(%arg11 : memref<128x128xf32, #tpu.memory_space<vmem>>)
      %get3A = arith.constant 0 : i32
      %get3A_98 = arith.index_cast %get3A : i32 to index
      %get3A_99 = arith.constant 16 : index
      %get3A_100 = tpu.vector_load %arg9[%get3A_98, %get3A_99] {strides = array<i32>} : memref<8x128xi32, #tpu.memory_space<vmem>>, vector<16xi32>,
      %get3A_101 = arith.constant 0 : i32
      %get3A_102 = arith.index_cast %get3A_101 : i32 to index
      %get3A_103 = arith.constant 32 : index
      %get3A_104 = tpu.vector_load %arg9[%get3A_102, %get3A_103] {strides = array<i32>} : memref<8x128xi32, #tpu.memory_space<vmem>>, vector<16xi32>,
      %get3A_105 = arith.constant 0 : i32
      %get3A_106 = arith.index_cast %get3A_105 : i32 to index
      %get3A_107 = arith.constant 48 : index
      %get3A_108 = tpu.vector_load %arg9[%get3A_106, %get3A_107] {strides = array<i32>} : memref<8x128xi32, #tpu.memory_space<vmem>>, vector<16xi32>,
      %get3A_109 = arith.constant 0 : i32
      %get3A_110 = arith.index_cast %get3A_109 : i32 to index
      %get3A_111 = arith.constant 64 : index
      %get3A_112 = tpu.vector_load %arg9[%get3A_110, %get3A_111] {strides = array<i32>} : memref<8x128xi32, #tpu.memory_space<vmem>>, vector<16xi32>,
      %get3A_113 = arith.constant 0 : i32
      %get3A_114 = arith.index_cast %get3A_113 : i32 to index
      %get3A_115 = arith.constant 80 : index
      %get3A_116 = tpu.vector_load %arg9[%get3A_114, %get3A_115] {strides = array<i32>} : memref<8x128xi32, #tpu.memory_space<vmem>>, vector<16xi32>,
      %get3A_117 = arith.constant 0 : i32
      %get3A_118 = arith.index_cast %get3A_117 : i32 to index
      %get3A_119 = arith.constant 96 : index
      %get3A_120 = tpu.vector_load %arg9[%get3A_118, %get3A_119] {strides = array<i32>} : memref<8x128xi32, #tpu.memory_space<vmem>>, vector<16xi32>,
      %get3A_121 = arith.constant 0 : i32
      %get3A_122 = arith.index_cast %get3A_121 : i32 to index
      %get3A_123 = arith.constant 112 : index
      %get3A_124 = tpu.vector_load %arg9[%get3A_122, %get3A_123] {strides = array<i32>} : memref<8x128xi32, #tpu.memory_space<vmem>>, vector<16xi32>,
      %get3A_125 = arith.constant 1 : i32
      %get3A_126 = arith.index_cast %get3A_125 : i32 to index
      %get3A_127 = arith.constant 0 : index
      %get3A_128 = tpu.vector_load %arg9[%get3A_126, %get3A_127] {strides = array<i32>} : memref<8x128xi32, #tpu.memory_space<vmem>>, vector<16xi32>,
      %get3A_129 = arith.constant 1 : i32
      %get3A_130 = arith.index_cast %get3A_129 : i32 to index
      %get3A_131 = arith.constant 16 : index
      %get3A_132 = tpu.vector_load %arg9[%get3A_130, %get3A_131] {strides = array<i32>} : memref<8x128xi32, #tpu.memory_space<vmem>>, vector<16xi32>,
      %get3A_133 = arith.constant 1 : i32
      %get3A_134 = arith.index_cast %get3A_133 : i32 to index
      %get3A_135 = arith.constant 32 : index
      %get3A_136 = tpu.vector_load %arg9[%get3A_134, %get3A_135] {strides = array<i32>} : memref<8x128xi32, #tpu.memory_space<vmem>>, vector<16xi32>,
      %get3A_137 = arith.constant 1 : i32
      %get3A_138 = arith.index_cast %get3A_137 : i32 to index
      %get3A_139 = arith.constant 48 : index
      %get3A_140 = tpu.vector_load %arg9[%get3A_138, %get3A_139] {strides = array<i32>} : memref<8x128xi32, #tpu.memory_space<vmem>>, vector<16xi32>,
      %get3A_141 = arith.constant 1 : i32
      %get3A_142 = arith.index_cast %get3A_141 : i32 to index
      %get3A_143 = arith.constant 64 : index
      %get3A_144 = tpu.vector_load %arg9[%get3A_142, %get3A_143] {strides = array<i32>} : memref<8x128xi32, #tpu.memory_space<vmem>>, vector<16xi32>,
      %get3A_145 = arith.constant 1 : i32
      %get3A_146 = arith.index_cast %get3A_145 : i32 to index
      %get3A_147 = arith.constant 80 : index
      %get3A_148 = tpu.vector_load %arg9[%get3A_146, %get3A_147] {strides = array<i32>} : memref<8x128xi32, #tpu.memory_space<vmem>>, vector<16xi32>,
      %get3A_149 = arith.constant 1 : i32
      %get3A_150 = arith.index_cast %get3A_149 : i32 to index
      %get3A_151 = arith.constant 96 : index
      %get3A_152 = tpu.vector_load %arg9[%get3A_150, %get3A_151] {strides = array<i32>} : memref<8x128xi32, #tpu.memory_space<vmem>>, vector<16xi32>,
      %get3A_153 = arith.constant 1 : i32
      %get3A_154 = arith.index_cast %get3A_153 : i32 to index
      %get3A_155 = arith.constant 112 : index
      %get3A_156 = tpu.vector_load %arg9[%get3A_154, %get3A_155] {strides = array<i32>} : memref<8x128xi32, #tpu.memory_space<vmem>>, vector<16xi32>,
      %get3A_157 = arith.constant 2 : i32
      %get3A_158 = arith.index_cast %get3A_157 : i32 to index
      %get3A_159 = arith.constant 0 : index
      %get3A_160 = tpu.vector_load %arg9[%get3A_158, %get3A_159] {strides = array<i32>} : memref<8x128xi32, #tpu.memory_space<vmem>>, vector<16xi32>,
      %parallel_loop3A = arith.constant 0 : i32
      %parallel_loop3A_161 = arith.constant 8 : i32
      %parallel_loop3A_162 = arith.constant 1 : i32
      scf.for %parallel_loop3A_345 = %parallel_loop3A to %parallel_loop3A_161 step %parallel_loop3A_162  : i32 {
        %parallel_loop3A_346 = arith.constant 0 : i32
        %parallel_loop3A_347 = arith.index_cast %parallel_loop3A_346 : i32 to index
        %parallel_loop3A_348 = arith.constant 0 : index
        %parallel_loop3A_349 = tpu.vector_load %arg9[%parallel_loop3A_347, %parallel_loop3A_348] {strides = array<i32>} : memref<8x128xi32, #tpu.memory_space<vmem>>, vector<16xi32>,
        %parallel_loop3A_350 = arith.constant 16 : i32
        %parallel_loop3A_351 = arith.muli %parallel_loop3A_345, %parallel_loop3A_350 : i32
        %parallel_loop3A_352 = vector.broadcast %parallel_loop3A_351 : i32 to vector<16xi32>
        %parallel_loop3A_353 = arith.addi %parallel_loop3A_349, %parallel_loop3A_352 : vector<16xi32>
        %parallel_loop3A_354 = arith.constant 0 : i32
        %parallel_loop3A_355 = vector.broadcast %parallel_loop3A_354 : i32 to vector<16xi32>
        %parallel_loop3A_356 = arith.addi %get3A_100, %parallel_loop3A_355 : vector<16xi32>
        %parallel_loop3A_357 = tpu.vector_load_idx %arg11[%parallel_loop3A_353, %parallel_loop3A_356] : memref<128x128xf32, #tpu.memory_space<vmem>>[vector<16xi32>, vector<16xi32>], vector<16xf32>,
        %parallel_loop3A_358 = arith.constant 0 : i32
        %parallel_loop3A_359 = vector.broadcast %parallel_loop3A_358 : i32 to vector<16xi32>
        %parallel_loop3A_360 = arith.addi %get3A_104, %parallel_loop3A_359 : vector<16xi32>
        %parallel_loop3A_361 = tpu.vector_load_idx %arg11[%parallel_loop3A_353, %parallel_loop3A_360] : memref<128x128xf32, #tpu.memory_space<vmem>>[vector<16xi32>, vector<16xi32>], vector<16xf32>,
        %parallel_loop3A_362 = arith.constant 0 : i32
        %parallel_loop3A_363 = vector.broadcast %parallel_loop3A_362 : i32 to vector<16xi32>
        %parallel_loop3A_364 = arith.addi %get3A_108, %parallel_loop3A_363 : vector<16xi32>
        %parallel_loop3A_365 = tpu.vector_load_idx %arg11[%parallel_loop3A_353, %parallel_loop3A_364] : memref<128x128xf32, #tpu.memory_space<vmem>>[vector<16xi32>, vector<16xi32>], vector<16xf32>,
        %parallel_loop3A_366 = arith.constant 0 : i32
        %parallel_loop3A_367 = vector.broadcast %parallel_loop3A_366 : i32 to vector<16xi32>
        %parallel_loop3A_368 = arith.addi %get3A_112, %parallel_loop3A_367 : vector<16xi32>
        %parallel_loop3A_369 = tpu.vector_load_idx %arg11[%parallel_loop3A_353, %parallel_loop3A_368] : memref<128x128xf32, #tpu.memory_space<vmem>>[vector<16xi32>, vector<16xi32>], vector<16xf32>,
        %parallel_loop3A_370 = arith.constant 0 : i32
        %parallel_loop3A_371 = vector.broadcast %parallel_loop3A_370 : i32 to vector<16xi32>
        %parallel_loop3A_372 = arith.addi %get3A_116, %parallel_loop3A_371 : vector<16xi32>
        %parallel_loop3A_373 = tpu.vector_load_idx %arg11[%parallel_loop3A_353, %parallel_loop3A_372] : memref<128x128xf32, #tpu.memory_space<vmem>>[vector<16xi32>, vector<16xi32>], vector<16xf32>,
        %parallel_loop3A_374 = arith.constant 0 : i32
        %parallel_loop3A_375 = vector.broadcast %parallel_loop3A_374 : i32 to vector<16xi32>
        %parallel_loop3A_376 = arith.addi %get3A_120, %parallel_loop3A_375 : vector<16xi32>
        %parallel_loop3A_377 = tpu.vector_load_idx %arg11[%parallel_loop3A_353, %parallel_loop3A_376] : memref<128x128xf32, #tpu.memory_space<vmem>>[vector<16xi32>, vector<16xi32>], vector<16xf32>,
        %parallel_loop3A_378 = arith.constant 0 : i32
        %parallel_loop3A_379 = vector.broadcast %parallel_loop3A_378 : i32 to vector<16xi32>
        %parallel_loop3A_380 = arith.addi %get3A_124, %parallel_loop3A_379 : vector<16xi32>
        %parallel_loop3A_381 = tpu.vector_load_idx %arg11[%parallel_loop3A_353, %parallel_loop3A_380] : memref<128x128xf32, #tpu.memory_space<vmem>>[vector<16xi32>, vector<16xi32>], vector<16xf32>,
        %parallel_loop3A_382 = arith.constant 0 : i32
        %parallel_loop3A_383 = vector.broadcast %parallel_loop3A_382 : i32 to vector<16xi32>
        %parallel_loop3A_384 = arith.addi %get3A_128, %parallel_loop3A_383 : vector<16xi32>
        %parallel_loop3A_385 = tpu.vector_load_idx %arg11[%parallel_loop3A_353, %parallel_loop3A_384] : memref<128x128xf32, #tpu.memory_space<vmem>>[vector<16xi32>, vector<16xi32>], vector<16xf32>,
        %parallel_loop3A_386 = arith.constant 0 : i32
        %parallel_loop3A_387 = vector.broadcast %parallel_loop3A_386 : i32 to vector<16xi32>
        %parallel_loop3A_388 = arith.addi %get3A_132, %parallel_loop3A_387 : vector<16xi32>
        %parallel_loop3A_389 = tpu.vector_load_idx %arg11[%parallel_loop3A_353, %parallel_loop3A_388] : memref<128x128xf32, #tpu.memory_space<vmem>>[vector<16xi32>, vector<16xi32>], vector<16xf32>,
        %parallel_loop3A_390 = arith.constant 0 : i32
        %parallel_loop3A_391 = vector.broadcast %parallel_loop3A_390 : i32 to vector<16xi32>
        %parallel_loop3A_392 = arith.addi %get3A_136, %parallel_loop3A_391 : vector<16xi32>
        %parallel_loop3A_393 = tpu.vector_load_idx %arg11[%parallel_loop3A_353, %parallel_loop3A_392] : memref<128x128xf32, #tpu.memory_space<vmem>>[vector<16xi32>, vector<16xi32>], vector<16xf32>,
        %parallel_loop3A_394 = arith.constant 0 : i32
        %parallel_loop3A_395 = vector.broadcast %parallel_loop3A_394 : i32 to vector<16xi32>
        %parallel_loop3A_396 = arith.addi %get3A_140, %parallel_loop3A_395 : vector<16xi32>
        %parallel_loop3A_397 = tpu.vector_load_idx %arg11[%parallel_loop3A_353, %parallel_loop3A_396] : memref<128x128xf32, #tpu.memory_space<vmem>>[vector<16xi32>, vector<16xi32>], vector<16xf32>,
        %parallel_loop3A_398 = arith.constant 0 : i32
        %parallel_loop3A_399 = vector.broadcast %parallel_loop3A_398 : i32 to vector<16xi32>
        %parallel_loop3A_400 = arith.addi %get3A_144, %parallel_loop3A_399 : vector<16xi32>
        %parallel_loop3A_401 = tpu.vector_load_idx %arg11[%parallel_loop3A_353, %parallel_loop3A_400] : memref<128x128xf32, #tpu.memory_space<vmem>>[vector<16xi32>, vector<16xi32>], vector<16xf32>,
        %parallel_loop3A_402 = arith.constant 0 : i32
        %parallel_loop3A_403 = vector.broadcast %parallel_loop3A_402 : i32 to vector<16xi32>
        %parallel_loop3A_404 = arith.addi %get3A_148, %parallel_loop3A_403 : vector<16xi32>
        %parallel_loop3A_405 = tpu.vector_load_idx %arg11[%parallel_loop3A_353, %parallel_loop3A_404] : memref<128x128xf32, #tpu.memory_space<vmem>>[vector<16xi32>, vector<16xi32>], vector<16xf32>,
        %parallel_loop3A_406 = arith.constant 0 : i32
        %parallel_loop3A_407 = vector.broadcast %parallel_loop3A_406 : i32 to vector<16xi32>
        %parallel_loop3A_408 = arith.addi %get3A_152, %parallel_loop3A_407 : vector<16xi32>
        %parallel_loop3A_409 = tpu.vector_load_idx %arg11[%parallel_loop3A_353, %parallel_loop3A_408] : memref<128x128xf32, #tpu.memory_space<vmem>>[vector<16xi32>, vector<16xi32>], vector<16xf32>,
        %parallel_loop3A_410 = arith.constant 0 : i32
        %parallel_loop3A_411 = vector.broadcast %parallel_loop3A_410 : i32 to vector<16xi32>
        %parallel_loop3A_412 = arith.addi %get3A_156, %parallel_loop3A_411 : vector<16xi32>
        %parallel_loop3A_413 = tpu.vector_load_idx %arg11[%parallel_loop3A_353, %parallel_loop3A_412] : memref<128x128xf32, #tpu.memory_space<vmem>>[vector<16xi32>, vector<16xi32>], vector<16xf32>,
        %parallel_loop3A_414 = arith.constant 0 : i32
        %parallel_loop3A_415 = vector.broadcast %parallel_loop3A_414 : i32 to vector<16xi32>
        %parallel_loop3A_416 = arith.addi %get3A_160, %parallel_loop3A_415 : vector<16xi32>
        %parallel_loop3A_417 = tpu.vector_load_idx %arg11[%parallel_loop3A_353, %parallel_loop3A_416] : memref<128x128xf32, #tpu.memory_space<vmem>>[vector<16xi32>, vector<16xi32>], vector<16xf32>,
        %parallel_loop3A_418 = arith.constant 0 : i32
        %parallel_loop3A_419 = vector.broadcast %parallel_loop3A_418 : i32 to vector<16xi32>
        %parallel_loop3A_420 = arith.addi %get3A_100, %parallel_loop3A_419 : vector<16xi32>
        tpu.vector_store_idx %arg13[%parallel_loop3A_420, %parallel_loop3A_353], %parallel_loop3A_357 : memref<128x128xf32, #tpu.memory_space<vmem>>[vector<16xi32>, vector<16xi32>], vector<16xf32>,
        %parallel_loop3A_421 = arith.constant 0 : i32
        %parallel_loop3A_422 = vector.broadcast %parallel_loop3A_421 : i32 to vector<16xi32>
        %parallel_loop3A_423 = arith.addi %get3A_104, %parallel_loop3A_422 : vector<16xi32>
        tpu.vector_store_idx %arg13[%parallel_loop3A_423, %parallel_loop3A_353], %parallel_loop3A_361 : memref<128x128xf32, #tpu.memory_space<vmem>>[vector<16xi32>, vector<16xi32>], vector<16xf32>,
        %parallel_loop3A_424 = arith.constant 0 : i32
        %parallel_loop3A_425 = vector.broadcast %parallel_loop3A_424 : i32 to vector<16xi32>
        %parallel_loop3A_426 = arith.addi %get3A_108, %parallel_loop3A_425 : vector<16xi32>
        tpu.vector_store_idx %arg13[%parallel_loop3A_426, %parallel_loop3A_353], %parallel_loop3A_365 : memref<128x128xf32, #tpu.memory_space<vmem>>[vector<16xi32>, vector<16xi32>], vector<16xf32>,
        %parallel_loop3A_427 = arith.constant 0 : i32
        %parallel_loop3A_428 = vector.broadcast %parallel_loop3A_427 : i32 to vector<16xi32>
        %parallel_loop3A_429 = arith.addi %get3A_112, %parallel_loop3A_428 : vector<16xi32>
        tpu.vector_store_idx %arg13[%parallel_loop3A_429, %parallel_loop3A_353], %parallel_loop3A_369 : memref<128x128xf32, #tpu.memory_space<vmem>>[vector<16xi32>, vector<16xi32>], vector<16xf32>,
        %parallel_loop3A_430 = arith.constant 0 : i32
        %parallel_loop3A_431 = vector.broadcast %parallel_loop3A_430 : i32 to vector<16xi32>
        %parallel_loop3A_432 = arith.addi %get3A_116, %parallel_loop3A_431 : vector<16xi32>
        tpu.vector_store_idx %arg13[%parallel_loop3A_432, %parallel_loop3A_353], %parallel_loop3A_373 : memref<128x128xf32, #tpu.memory_space<vmem>>[vector<16xi32>, vector<16xi32>], vector<16xf32>,
        %parallel_loop3A_433 = arith.constant 0 : i32
        %parallel_loop3A_434 = vector.broadcast %parallel_loop3A_433 : i32 to vector<16xi32>
        %parallel_loop3A_435 = arith.addi %get3A_120, %parallel_loop3A_434 : vector<16xi32>
        tpu.vector_store_idx %arg13[%parallel_loop3A_435, %parallel_loop3A_353], %parallel_loop3A_377 : memref<128x128xf32, #tpu.memory_space<vmem>>[vector<16xi32>, vector<16xi32>], vector<16xf32>,
        %parallel_loop3A_436 = arith.constant 0 : i32
        %parallel_loop3A_437 = vector.broadcast %parallel_loop3A_436 : i32 to vector<16xi32>
        %parallel_loop3A_438 = arith.addi %get3A_124, %parallel_loop3A_437 : vector<16xi32>
        tpu.vector_store_idx %arg13[%parallel_loop3A_438, %parallel_loop3A_353], %parallel_loop3A_381 : memref<128x128xf32, #tpu.memory_space<vmem>>[vector<16xi32>, vector<16xi32>], vector<16xf32>,
        %parallel_loop3A_439 = arith.constant 0 : i32
        %parallel_loop3A_440 = vector.broadcast %parallel_loop3A_439 : i32 to vector<16xi32>
        %parallel_loop3A_441 = arith.addi %get3A_128, %parallel_loop3A_440 : vector<16xi32>
        tpu.vector_store_idx %arg13[%parallel_loop3A_441, %parallel_loop3A_353], %parallel_loop3A_385 : memref<128x128xf32, #tpu.memory_space<vmem>>[vector<16xi32>, vector<16xi32>], vector<16xf32>,
        %parallel_loop3A_442 = arith.constant 0 : i32
        %parallel_loop3A_443 = vector.broadcast %parallel_loop3A_442 : i32 to vector<16xi32>
        %parallel_loop3A_444 = arith.addi %get3A_132, %parallel_loop3A_443 : vector<16xi32>
        tpu.vector_store_idx %arg13[%parallel_loop3A_444, %parallel_loop3A_353], %parallel_loop3A_389 : memref<128x128xf32, #tpu.memory_space<vmem>>[vector<16xi32>, vector<16xi32>], vector<16xf32>,
        %parallel_loop3A_445 = arith.constant 0 : i32
        %parallel_loop3A_446 = vector.broadcast %parallel_loop3A_445 : i32 to vector<16xi32>
        %parallel_loop3A_447 = arith.addi %get3A_136, %parallel_loop3A_446 : vector<16xi32>
        tpu.vector_store_idx %arg13[%parallel_loop3A_447, %parallel_loop3A_353], %parallel_loop3A_393 : memref<128x128xf32, #tpu.memory_space<vmem>>[vector<16xi32>, vector<16xi32>], vector<16xf32>,
        %parallel_loop3A_448 = arith.constant 0 : i32
        %parallel_loop3A_449 = vector.broadcast %parallel_loop3A_448 : i32 to vector<16xi32>
        %parallel_loop3A_450 = arith.addi %get3A_140, %parallel_loop3A_449 : vector<16xi32>
        tpu.vector_store_idx %arg13[%parallel_loop3A_450, %parallel_loop3A_353], %parallel_loop3A_397 : memref<128x128xf32, #tpu.memory_space<vmem>>[vector<16xi32>, vector<16xi32>], vector<16xf32>,
        %parallel_loop3A_451 = arith.constant 0 : i32
        %parallel_loop3A_452 = vector.broadcast %parallel_loop3A_451 : i32 to vector<16xi32>
        %parallel_loop3A_453 = arith.addi %get3A_144, %parallel_loop3A_452 : vector<16xi32>
        tpu.vector_store_idx %arg13[%parallel_loop3A_453, %parallel_loop3A_353], %parallel_loop3A_401 : memref<128x128xf32, #tpu.memory_space<vmem>>[vector<16xi32>, vector<16xi32>], vector<16xf32>,
        %parallel_loop3A_454 = arith.constant 0 : i32
        %parallel_loop3A_455 = vector.broadcast %parallel_loop3A_454 : i32 to vector<16xi32>
        %parallel_loop3A_456 = arith.addi %get3A_148, %parallel_loop3A_455 : vector<16xi32>
        tpu.vector_store_idx %arg13[%parallel_loop3A_456, %parallel_loop3A_353], %parallel_loop3A_405 : memref<128x128xf32, #tpu.memory_space<vmem>>[vector<16xi32>, vector<16xi32>], vector<16xf32>,
        %parallel_loop3A_457 = arith.constant 0 : i32
        %parallel_loop3A_458 = vector.broadcast %parallel_loop3A_457 : i32 to vector<16xi32>
        %parallel_loop3A_459 = arith.addi %get3A_152, %parallel_loop3A_458 : vector<16xi32>
        tpu.vector_store_idx %arg13[%parallel_loop3A_459, %parallel_loop3A_353], %parallel_loop3A_409 : memref<128x128xf32, #tpu.memory_space<vmem>>[vector<16xi32>, vector<16xi32>], vector<16xf32>,
        %parallel_loop3A_460 = arith.constant 0 : i32
        %parallel_loop3A_461 = vector.broadcast %parallel_loop3A_460 : i32 to vector<16xi32>
        %parallel_loop3A_462 = arith.addi %get3A_156, %parallel_loop3A_461 : vector<16xi32>
        tpu.vector_store_idx %arg13[%parallel_loop3A_462, %parallel_loop3A_353], %parallel_loop3A_413 : memref<128x128xf32, #tpu.memory_space<vmem>>[vector<16xi32>, vector<16xi32>], vector<16xf32>,
        %parallel_loop3A_463 = arith.constant 0 : i32
        %parallel_loop3A_464 = vector.broadcast %parallel_loop3A_463 : i32 to vector<16xi32>
        %parallel_loop3A_465 = arith.addi %get3A_160, %parallel_loop3A_464 : vector<16xi32>
        tpu.vector_store_idx %arg13[%parallel_loop3A_465, %parallel_loop3A_353], %parallel_loop3A_417 : memref<128x128xf32, #tpu.memory_space<vmem>>[vector<16xi32>, vector<16xi32>], vector<16xf32>,
        %parallel_loop3A_466 = arith.constant 16 : i32
        %parallel_loop3A_467 = vector.broadcast %parallel_loop3A_466 : i32 to vector<16xi32>
        %parallel_loop3A_468 = arith.addi %get3A_100, %parallel_loop3A_467 : vector<16xi32>
        %parallel_loop3A_469 = tpu.vector_load_idx %arg11[%parallel_loop3A_353, %parallel_loop3A_468] : memref<128x128xf32, #tpu.memory_space<vmem>>[vector<16xi32>, vector<16xi32>], vector<16xf32>,
        %parallel_loop3A_470 = arith.constant 16 : i32
        %parallel_loop3A_471 = vector.broadcast %parallel_loop3A_470 : i32 to vector<16xi32>
        %parallel_loop3A_472 = arith.addi %get3A_104, %parallel_loop3A_471 : vector<16xi32>
        %parallel_loop3A_473 = tpu.vector_load_idx %arg11[%parallel_loop3A_353, %parallel_loop3A_472] : memref<128x128xf32, #tpu.memory_space<vmem>>[vector<16xi32>, vector<16xi32>], vector<16xf32>,
        %parallel_loop3A_474 = arith.constant 16 : i32
        %parallel_loop3A_475 = vector.broadcast %parallel_loop3A_474 : i32 to vector<16xi32>
        %parallel_loop3A_476 = arith.addi %get3A_108, %parallel_loop3A_475 : vector<16xi32>
        %parallel_loop3A_477 = tpu.vector_load_idx %arg11[%parallel_loop3A_353, %parallel_loop3A_476] : memref<128x128xf32, #tpu.memory_space<vmem>>[vector<16xi32>, vector<16xi32>], vector<16xf32>,
        %parallel_loop3A_478 = arith.constant 16 : i32
        %parallel_loop3A_479 = vector.broadcast %parallel_loop3A_478 : i32 to vector<16xi32>
        %parallel_loop3A_480 = arith.addi %get3A_112, %parallel_loop3A_479 : vector<16xi32>
        %parallel_loop3A_481 = tpu.vector_load_idx %arg11[%parallel_loop3A_353, %parallel_loop3A_480] : memref<128x128xf32, #tpu.memory_space<vmem>>[vector<16xi32>, vector<16xi32>], vector<16xf32>,
        %parallel_loop3A_482 = arith.constant 16 : i32
        %parallel_loop3A_483 = vector.broadcast %parallel_loop3A_482 : i32 to vector<16xi32>
        %parallel_loop3A_484 = arith.addi %get3A_116, %parallel_loop3A_483 : vector<16xi32>
        %parallel_loop3A_485 = tpu.vector_load_idx %arg11[%parallel_loop3A_353, %parallel_loop3A_484] : memref<128x128xf32, #tpu.memory_space<vmem>>[vector<16xi32>, vector<16xi32>], vector<16xf32>,
        %parallel_loop3A_486 = arith.constant 16 : i32
        %parallel_loop3A_487 = vector.broadcast %parallel_loop3A_486 : i32 to vector<16xi32>
        %parallel_loop3A_488 = arith.addi %get3A_120, %parallel_loop3A_487 : vector<16xi32>
        %parallel_loop3A_489 = tpu.vector_load_idx %arg11[%parallel_loop3A_353, %parallel_loop3A_488] : memref<128x128xf32, #tpu.memory_space<vmem>>[vector<16xi32>, vector<16xi32>], vector<16xf32>,
        %parallel_loop3A_490 = arith.constant 16 : i32
        %parallel_loop3A_491 = vector.broadcast %parallel_loop3A_490 : i32 to vector<16xi32>
        %parallel_loop3A_492 = arith.addi %get3A_124, %parallel_loop3A_491 : vector<16xi32>
        %parallel_loop3A_493 = tpu.vector_load_idx %arg11[%parallel_loop3A_353, %parallel_loop3A_492] : memref<128x128xf32, #tpu.memory_space<vmem>>[vector<16xi32>, vector<16xi32>], vector<16xf32>,
        %parallel_loop3A_494 = arith.constant 16 : i32
        %parallel_loop3A_495 = vector.broadcast %parallel_loop3A_494 : i32 to vector<16xi32>
        %parallel_loop3A_496 = arith.addi %get3A_128, %parallel_loop3A_495 : vector<16xi32>
        %parallel_loop3A_497 = tpu.vector_load_idx %arg11[%parallel_loop3A_353, %parallel_loop3A_496] : memref<128x128xf32, #tpu.memory_space<vmem>>[vector<16xi32>, vector<16xi32>], vector<16xf32>,
        %parallel_loop3A_498 = arith.constant 16 : i32
        %parallel_loop3A_499 = vector.broadcast %parallel_loop3A_498 : i32 to vector<16xi32>
        %parallel_loop3A_500 = arith.addi %get3A_132, %parallel_loop3A_499 : vector<16xi32>
        %parallel_loop3A_501 = tpu.vector_load_idx %arg11[%parallel_loop3A_353, %parallel_loop3A_500] : memref<128x128xf32, #tpu.memory_space<vmem>>[vector<16xi32>, vector<16xi32>], vector<16xf32>,
        %parallel_loop3A_502 = arith.constant 16 : i32
        %parallel_loop3A_503 = vector.broadcast %parallel_loop3A_502 : i32 to vector<16xi32>
        %parallel_loop3A_504 = arith.addi %get3A_136, %parallel_loop3A_503 : vector<16xi32>
        %parallel_loop3A_505 = tpu.vector_load_idx %arg11[%parallel_loop3A_353, %parallel_loop3A_504] : memref<128x128xf32, #tpu.memory_space<vmem>>[vector<16xi32>, vector<16xi32>], vector<16xf32>,
        %parallel_loop3A_506 = arith.constant 16 : i32
        %parallel_loop3A_507 = vector.broadcast %parallel_loop3A_506 : i32 to vector<16xi32>
        %parallel_loop3A_508 = arith.addi %get3A_140, %parallel_loop3A_507 : vector<16xi32>
        %parallel_loop3A_509 = tpu.vector_load_idx %arg11[%parallel_loop3A_353, %parallel_loop3A_508] : memref<128x128xf32, #tpu.memory_space<vmem>>[vector<16xi32>, vector<16xi32>], vector<16xf32>,
        %parallel_loop3A_510 = arith.constant 16 : i32
        %parallel_loop3A_511 = vector.broadcast %parallel_loop3A_510 : i32 to vector<16xi32>
        %parallel_loop3A_512 = arith.addi %get3A_144, %parallel_loop3A_511 : vector<16xi32>
        %parallel_loop3A_513 = tpu.vector_load_idx %arg11[%parallel_loop3A_353, %parallel_loop3A_512] : memref<128x128xf32, #tpu.memory_space<vmem>>[vector<16xi32>, vector<16xi32>], vector<16xf32>,
        %parallel_loop3A_514 = arith.constant 16 : i32
        %parallel_loop3A_515 = vector.broadcast %parallel_loop3A_514 : i32 to vector<16xi32>
        %parallel_loop3A_516 = arith.addi %get3A_148, %parallel_loop3A_515 : vector<16xi32>
        %parallel_loop3A_517 = tpu.vector_load_idx %arg11[%parallel_loop3A_353, %parallel_loop3A_516] : memref<128x128xf32, #tpu.memory_space<vmem>>[vector<16xi32>, vector<16xi32>], vector<16xf32>,
        %parallel_loop3A_518 = arith.constant 16 : i32
        %parallel_loop3A_519 = vector.broadcast %parallel_loop3A_518 : i32 to vector<16xi32>
        %parallel_loop3A_520 = arith.addi %get3A_152, %parallel_loop3A_519 : vector<16xi32>
        %parallel_loop3A_521 = tpu.vector_load_idx %arg11[%parallel_loop3A_353, %parallel_loop3A_520] : memref<128x128xf32, #tpu.memory_space<vmem>>[vector<16xi32>, vector<16xi32>], vector<16xf32>,
        %parallel_loop3A_522 = arith.constant 16 : i32
        %parallel_loop3A_523 = vector.broadcast %parallel_loop3A_522 : i32 to vector<16xi32>
        %parallel_loop3A_524 = arith.addi %get3A_156, %parallel_loop3A_523 : vector<16xi32>
        %parallel_loop3A_525 = tpu.vector_load_idx %arg11[%parallel_loop3A_353, %parallel_loop3A_524] : memref<128x128xf32, #tpu.memory_space<vmem>>[vector<16xi32>, vector<16xi32>], vector<16xf32>,
        %parallel_loop3A_526 = arith.constant 16 : i32
        %parallel_loop3A_527 = vector.broadcast %parallel_loop3A_526 : i32 to vector<16xi32>
        %parallel_loop3A_528 = arith.addi %get3A_160, %parallel_loop3A_527 : vector<16xi32>
        %parallel_loop3A_529 = tpu.vector_load_idx %arg11[%parallel_loop3A_353, %parallel_loop3A_528] : memref<128x128xf32, #tpu.memory_space<vmem>>[vector<16xi32>, vector<16xi32>], vector<16xf32>,
        %parallel_loop3A_530 = arith.constant 16 : i32
        %parallel_loop3A_531 = vector.broadcast %parallel_loop3A_530 : i32 to vector<16xi32>
        %parallel_loop3A_532 = arith.addi %get3A_100, %parallel_loop3A_531 : vector<16xi32>
        tpu.vector_store_idx %arg13[%parallel_loop3A_532, %parallel_loop3A_353], %parallel_loop3A_469 : memref<128x128xf32, #tpu.memory_space<vmem>>[vector<16xi32>, vector<16xi32>], vector<16xf32>,
        %parallel_loop3A_533 = arith.constant 16 : i32
        %parallel_loop3A_534 = vector.broadcast %parallel_loop3A_533 : i32 to vector<16xi32>
        %parallel_loop3A_535 = arith.addi %get3A_104, %parallel_loop3A_534 : vector<16xi32>
        tpu.vector_store_idx %arg13[%parallel_loop3A_535, %parallel_loop3A_353], %parallel_loop3A_473 : memref<128x128xf32, #tpu.memory_space<vmem>>[vector<16xi32>, vector<16xi32>], vector<16xf32>,
        %parallel_loop3A_536 = arith.constant 16 : i32
        %parallel_loop3A_537 = vector.broadcast %parallel_loop3A_536 : i32 to vector<16xi32>
        %parallel_loop3A_538 = arith.addi %get3A_108, %parallel_loop3A_537 : vector<16xi32>
        tpu.vector_store_idx %arg13[%parallel_loop3A_538, %parallel_loop3A_353], %parallel_loop3A_477 : memref<128x128xf32, #tpu.memory_space<vmem>>[vector<16xi32>, vector<16xi32>], vector<16xf32>,
        %parallel_loop3A_539 = arith.constant 16 : i32
        %parallel_loop3A_540 = vector.broadcast %parallel_loop3A_539 : i32 to vector<16xi32>
        %parallel_loop3A_541 = arith.addi %get3A_112, %parallel_loop3A_540 : vector<16xi32>
        tpu.vector_store_idx %arg13[%parallel_loop3A_541, %parallel_loop3A_353], %parallel_loop3A_481 : memref<128x128xf32, #tpu.memory_space<vmem>>[vector<16xi32>, vector<16xi32>], vector<16xf32>,
        %parallel_loop3A_542 = arith.constant 16 : i32
        %parallel_loop3A_543 = vector.broadcast %parallel_loop3A_542 : i32 to vector<16xi32>
        %parallel_loop3A_544 = arith.addi %get3A_116, %parallel_loop3A_543 : vector<16xi32>
        tpu.vector_store_idx %arg13[%parallel_loop3A_544, %parallel_loop3A_353], %parallel_loop3A_485 : memref<128x128xf32, #tpu.memory_space<vmem>>[vector<16xi32>, vector<16xi32>], vector<16xf32>,
        %parallel_loop3A_545 = arith.constant 16 : i32
        %parallel_loop3A_546 = vector.broadcast %parallel_loop3A_545 : i32 to vector<16xi32>
        %parallel_loop3A_547 = arith.addi %get3A_120, %parallel_loop3A_546 : vector<16xi32>
        tpu.vector_store_idx %arg13[%parallel_loop3A_547, %parallel_loop3A_353], %parallel_loop3A_489 : memref<128x128xf32, #tpu.memory_space<vmem>>[vector<16xi32>, vector<16xi32>], vector<16xf32>,
        %parallel_loop3A_548 = arith.constant 16 : i32
        %parallel_loop3A_549 = vector.broadcast %parallel_loop3A_548 : i32 to vector<16xi32>
        %parallel_loop3A_550 = arith.addi %get3A_124, %parallel_loop3A_549 : vector<16xi32>
        tpu.vector_store_idx %arg13[%parallel_loop3A_550, %parallel_loop3A_353], %parallel_loop3A_493 : memref<128x128xf32, #tpu.memory_space<vmem>>[vector<16xi32>, vector<16xi32>], vector<16xf32>,
        %parallel_loop3A_551 = arith.constant 16 : i32
        %parallel_loop3A_552 = vector.broadcast %parallel_loop3A_551 : i32 to vector<16xi32>
        %parallel_loop3A_553 = arith.addi %get3A_128, %parallel_loop3A_552 : vector<16xi32>
        tpu.vector_store_idx %arg13[%parallel_loop3A_553, %parallel_loop3A_353], %parallel_loop3A_497 : memref<128x128xf32, #tpu.memory_space<vmem>>[vector<16xi32>, vector<16xi32>], vector<16xf32>,
        %parallel_loop3A_554 = arith.constant 16 : i32
        %parallel_loop3A_555 = vector.broadcast %parallel_loop3A_554 : i32 to vector<16xi32>
        %parallel_loop3A_556 = arith.addi %get3A_132, %parallel_loop3A_555 : vector<16xi32>
        tpu.vector_store_idx %arg13[%parallel_loop3A_556, %parallel_loop3A_353], %parallel_loop3A_501 : memref<128x128xf32, #tpu.memory_space<vmem>>[vector<16xi32>, vector<16xi32>], vector<16xf32>,
        %parallel_loop3A_557 = arith.constant 16 : i32
        %parallel_loop3A_558 = vector.broadcast %parallel_loop3A_557 : i32 to vector<16xi32>
        %parallel_loop3A_559 = arith.addi %get3A_136, %parallel_loop3A_558 : vector<16xi32>
        tpu.vector_store_idx %arg13[%parallel_loop3A_559, %parallel_loop3A_353], %parallel_loop3A_505 : memref<128x128xf32, #tpu.memory_space<vmem>>[vector<16xi32>, vector<16xi32>], vector<16xf32>,
        %parallel_loop3A_560 = arith.constant 16 : i32
        %parallel_loop3A_561 = vector.broadcast %parallel_loop3A_560 : i32 to vector<16xi32>
        %parallel_loop3A_562 = arith.addi %get3A_140, %parallel_loop3A_561 : vector<16xi32>
        tpu.vector_store_idx %arg13[%parallel_loop3A_562, %parallel_loop3A_353], %parallel_loop3A_509 : memref<128x128xf32, #tpu.memory_space<vmem>>[vector<16xi32>, vector<16xi32>], vector<16xf32>,
        %parallel_loop3A_563 = arith.constant 16 : i32
        %parallel_loop3A_564 = vector.broadcast %parallel_loop3A_563 : i32 to vector<16xi32>
        %parallel_loop3A_565 = arith.addi %get3A_144, %parallel_loop3A_564 : vector<16xi32>
        tpu.vector_store_idx %arg13[%parallel_loop3A_565, %parallel_loop3A_353], %parallel_loop3A_513 : memref<128x128xf32, #tpu.memory_space<vmem>>[vector<16xi32>, vector<16xi32>], vector<16xf32>,
        %parallel_loop3A_566 = arith.constant 16 : i32
        %parallel_loop3A_567 = vector.broadcast %parallel_loop3A_566 : i32 to vector<16xi32>
        %parallel_loop3A_568 = arith.addi %get3A_148, %parallel_loop3A_567 : vector<16xi32>
        tpu.vector_store_idx %arg13[%parallel_loop3A_568, %parallel_loop3A_353], %parallel_loop3A_517 : memref<128x128xf32, #tpu.memory_space<vmem>>[vector<16xi32>, vector<16xi32>], vector<16xf32>,
        %parallel_loop3A_569 = arith.constant 16 : i32
        %parallel_loop3A_570 = vector.broadcast %parallel_loop3A_569 : i32 to vector<16xi32>
        %parallel_loop3A_571 = arith.addi %get3A_152, %parallel_loop3A_570 : vector<16xi32>
        tpu.vector_store_idx %arg13[%parallel_loop3A_571, %parallel_loop3A_353], %parallel_loop3A_521 : memref<128x128xf32, #tpu.memory_space<vmem>>[vector<16xi32>, vector<16xi32>], vector<16xf32>,
        %parallel_loop3A_572 = arith.constant 16 : i32
        %parallel_loop3A_573 = vector.broadcast %parallel_loop3A_572 : i32 to vector<16xi32>
        %parallel_loop3A_574 = arith.addi %get3A_156, %parallel_loop3A_573 : vector<16xi32>
        tpu.vector_store_idx %arg13[%parallel_loop3A_574, %parallel_loop3A_353], %parallel_loop3A_525 : memref<128x128xf32, #tpu.memory_space<vmem>>[vector<16xi32>, vector<16xi32>], vector<16xf32>,
        %parallel_loop3A_575 = arith.constant 16 : i32
        %parallel_loop3A_576 = vector.broadcast %parallel_loop3A_575 : i32 to vector<16xi32>
        %parallel_loop3A_577 = arith.addi %get3A_160, %parallel_loop3A_576 : vector<16xi32>
        tpu.vector_store_idx %arg13[%parallel_loop3A_577, %parallel_loop3A_353], %parallel_loop3A_529 : memref<128x128xf32, #tpu.memory_space<vmem>>[vector<16xi32>, vector<16xi32>], vector<16xf32>,
        %parallel_loop3A_578 = arith.constant 32 : i32
        %parallel_loop3A_579 = vector.broadcast %parallel_loop3A_578 : i32 to vector<16xi32>
        %parallel_loop3A_580 = arith.addi %get3A_100, %parallel_loop3A_579 : vector<16xi32>
        %parallel_loop3A_581 = tpu.vector_load_idx %arg11[%parallel_loop3A_353, %parallel_loop3A_580] : memref<128x128xf32, #tpu.memory_space<vmem>>[vector<16xi32>, vector<16xi32>], vector<16xf32>,
        %parallel_loop3A_582 = arith.constant 32 : i32
        %parallel_loop3A_583 = vector.broadcast %parallel_loop3A_582 : i32 to vector<16xi32>
        %parallel_loop3A_584 = arith.addi %get3A_104, %parallel_loop3A_583 : vector<16xi32>
        %parallel_loop3A_585 = tpu.vector_load_idx %arg11[%parallel_loop3A_353, %parallel_loop3A_584] : memref<128x128xf32, #tpu.memory_space<vmem>>[vector<16xi32>, vector<16xi32>], vector<16xf32>,
        %parallel_loop3A_586 = arith.constant 32 : i32
        %parallel_loop3A_587 = vector.broadcast %parallel_loop3A_586 : i32 to vector<16xi32>
        %parallel_loop3A_588 = arith.addi %get3A_108, %parallel_loop3A_587 : vector<16xi32>
        %parallel_loop3A_589 = tpu.vector_load_idx %arg11[%parallel_loop3A_353, %parallel_loop3A_588] : memref<128x128xf32, #tpu.memory_space<vmem>>[vector<16xi32>, vector<16xi32>], vector<16xf32>,
        %parallel_loop3A_590 = arith.constant 32 : i32
        %parallel_loop3A_591 = vector.broadcast %parallel_loop3A_590 : i32 to vector<16xi32>
        %parallel_loop3A_592 = arith.addi %get3A_112, %parallel_loop3A_591 : vector<16xi32>
        %parallel_loop3A_593 = tpu.vector_load_idx %arg11[%parallel_loop3A_353, %parallel_loop3A_592] : memref<128x128xf32, #tpu.memory_space<vmem>>[vector<16xi32>, vector<16xi32>], vector<16xf32>,
        %parallel_loop3A_594 = arith.constant 32 : i32
        %parallel_loop3A_595 = vector.broadcast %parallel_loop3A_594 : i32 to vector<16xi32>
        %parallel_loop3A_596 = arith.addi %get3A_116, %parallel_loop3A_595 : vector<16xi32>
        %parallel_loop3A_597 = tpu.vector_load_idx %arg11[%parallel_loop3A_353, %parallel_loop3A_596] : memref<128x128xf32, #tpu.memory_space<vmem>>[vector<16xi32>, vector<16xi32>], vector<16xf32>,
        %parallel_loop3A_598 = arith.constant 32 : i32
        %parallel_loop3A_599 = vector.broadcast %parallel_loop3A_598 : i32 to vector<16xi32>
        %parallel_loop3A_600 = arith.addi %get3A_120, %parallel_loop3A_599 : vector<16xi32>
        %parallel_loop3A_601 = tpu.vector_load_idx %arg11[%parallel_loop3A_353, %parallel_loop3A_600] : memref<128x128xf32, #tpu.memory_space<vmem>>[vector<16xi32>, vector<16xi32>], vector<16xf32>,
        %parallel_loop3A_602 = arith.constant 32 : i32
        %parallel_loop3A_603 = vector.broadcast %parallel_loop3A_602 : i32 to vector<16xi32>
        %parallel_loop3A_604 = arith.addi %get3A_124, %parallel_loop3A_603 : vector<16xi32>
        %parallel_loop3A_605 = tpu.vector_load_idx %arg11[%parallel_loop3A_353, %parallel_loop3A_604] : memref<128x128xf32, #tpu.memory_space<vmem>>[vector<16xi32>, vector<16xi32>], vector<16xf32>,
        %parallel_loop3A_606 = arith.constant 32 : i32
        %parallel_loop3A_607 = vector.broadcast %parallel_loop3A_606 : i32 to vector<16xi32>
        %parallel_loop3A_608 = arith.addi %get3A_128, %parallel_loop3A_607 : vector<16xi32>
        %parallel_loop3A_609 = tpu.vector_load_idx %arg11[%parallel_loop3A_353, %parallel_loop3A_608] : memref<128x128xf32, #tpu.memory_space<vmem>>[vector<16xi32>, vector<16xi32>], vector<16xf32>,
        %parallel_loop3A_610 = arith.constant 32 : i32
        %parallel_loop3A_611 = vector.broadcast %parallel_loop3A_610 : i32 to vector<16xi32>
        %parallel_loop3A_612 = arith.addi %get3A_132, %parallel_loop3A_611 : vector<16xi32>
        %parallel_loop3A_613 = tpu.vector_load_idx %arg11[%parallel_loop3A_353, %parallel_loop3A_612] : memref<128x128xf32, #tpu.memory_space<vmem>>[vector<16xi32>, vector<16xi32>], vector<16xf32>,
        %parallel_loop3A_614 = arith.constant 32 : i32
        %parallel_loop3A_615 = vector.broadcast %parallel_loop3A_614 : i32 to vector<16xi32>
        %parallel_loop3A_616 = arith.addi %get3A_136, %parallel_loop3A_615 : vector<16xi32>
        %parallel_loop3A_617 = tpu.vector_load_idx %arg11[%parallel_loop3A_353, %parallel_loop3A_616] : memref<128x128xf32, #tpu.memory_space<vmem>>[vector<16xi32>, vector<16xi32>], vector<16xf32>,
        %parallel_loop3A_618 = arith.constant 32 : i32
        %parallel_loop3A_619 = vector.broadcast %parallel_loop3A_618 : i32 to vector<16xi32>
        %parallel_loop3A_620 = arith.addi %get3A_140, %parallel_loop3A_619 : vector<16xi32>
        %parallel_loop3A_621 = tpu.vector_load_idx %arg11[%parallel_loop3A_353, %parallel_loop3A_620] : memref<128x128xf32, #tpu.memory_space<vmem>>[vector<16xi32>, vector<16xi32>], vector<16xf32>,
        %parallel_loop3A_622 = arith.constant 32 : i32
        %parallel_loop3A_623 = vector.broadcast %parallel_loop3A_622 : i32 to vector<16xi32>
        %parallel_loop3A_624 = arith.addi %get3A_144, %parallel_loop3A_623 : vector<16xi32>
        %parallel_loop3A_625 = tpu.vector_load_idx %arg11[%parallel_loop3A_353, %parallel_loop3A_624] : memref<128x128xf32, #tpu.memory_space<vmem>>[vector<16xi32>, vector<16xi32>], vector<16xf32>,
        %parallel_loop3A_626 = arith.constant 32 : i32
        %parallel_loop3A_627 = vector.broadcast %parallel_loop3A_626 : i32 to vector<16xi32>
        %parallel_loop3A_628 = arith.addi %get3A_148, %parallel_loop3A_627 : vector<16xi32>
        %parallel_loop3A_629 = tpu.vector_load_idx %arg11[%parallel_loop3A_353, %parallel_loop3A_628] : memref<128x128xf32, #tpu.memory_space<vmem>>[vector<16xi32>, vector<16xi32>], vector<16xf32>,
        %parallel_loop3A_630 = arith.constant 32 : i32
        %parallel_loop3A_631 = vector.broadcast %parallel_loop3A_630 : i32 to vector<16xi32>
        %parallel_loop3A_632 = arith.addi %get3A_152, %parallel_loop3A_631 : vector<16xi32>
        %parallel_loop3A_633 = tpu.vector_load_idx %arg11[%parallel_loop3A_353, %parallel_loop3A_632] : memref<128x128xf32, #tpu.memory_space<vmem>>[vector<16xi32>, vector<16xi32>], vector<16xf32>,
        %parallel_loop3A_634 = arith.constant 32 : i32
        %parallel_loop3A_635 = vector.broadcast %parallel_loop3A_634 : i32 to vector<16xi32>
        %parallel_loop3A_636 = arith.addi %get3A_156, %parallel_loop3A_635 : vector<16xi32>
        %parallel_loop3A_637 = tpu.vector_load_idx %arg11[%parallel_loop3A_353, %parallel_loop3A_636] : memref<128x128xf32, #tpu.memory_space<vmem>>[vector<16xi32>, vector<16xi32>], vector<16xf32>,
        %parallel_loop3A_638 = arith.constant 32 : i32
        %parallel_loop3A_639 = vector.broadcast %parallel_loop3A_638 : i32 to vector<16xi32>
        %parallel_loop3A_640 = arith.addi %get3A_160, %parallel_loop3A_639 : vector<16xi32>
        %parallel_loop3A_641 = tpu.vector_load_idx %arg11[%parallel_loop3A_353, %parallel_loop3A_640] : memref<128x128xf32, #tpu.memory_space<vmem>>[vector<16xi32>, vector<16xi32>], vector<16xf32>,
        %parallel_loop3A_642 = arith.constant 32 : i32
        %parallel_loop3A_643 = vector.broadcast %parallel_loop3A_642 : i32 to vector<16xi32>
        %parallel_loop3A_644 = arith.addi %get3A_100, %parallel_loop3A_643 : vector<16xi32>
        tpu.vector_store_idx %arg13[%parallel_loop3A_644, %parallel_loop3A_353], %parallel_loop3A_581 : memref<128x128xf32, #tpu.memory_space<vmem>>[vector<16xi32>, vector<16xi32>], vector<16xf32>,
        %parallel_loop3A_645 = arith.constant 32 : i32
        %parallel_loop3A_646 = vector.broadcast %parallel_loop3A_645 : i32 to vector<16xi32>
        %parallel_loop3A_647 = arith.addi %get3A_104, %parallel_loop3A_646 : vector<16xi32>
        tpu.vector_store_idx %arg13[%parallel_loop3A_647, %parallel_loop3A_353], %parallel_loop3A_585 : memref<128x128xf32, #tpu.memory_space<vmem>>[vector<16xi32>, vector<16xi32>], vector<16xf32>,
        %parallel_loop3A_648 = arith.constant 32 : i32
        %parallel_loop3A_649 = vector.broadcast %parallel_loop3A_648 : i32 to vector<16xi32>
        %parallel_loop3A_650 = arith.addi %get3A_108, %parallel_loop3A_649 : vector<16xi32>
        tpu.vector_store_idx %arg13[%parallel_loop3A_650, %parallel_loop3A_353], %parallel_loop3A_589 : memref<128x128xf32, #tpu.memory_space<vmem>>[vector<16xi32>, vector<16xi32>], vector<16xf32>,
        %parallel_loop3A_651 = arith.constant 32 : i32
        %parallel_loop3A_652 = vector.broadcast %parallel_loop3A_651 : i32 to vector<16xi32>
        %parallel_loop3A_653 = arith.addi %get3A_112, %parallel_loop3A_652 : vector<16xi32>
        tpu.vector_store_idx %arg13[%parallel_loop3A_653, %parallel_loop3A_353], %parallel_loop3A_593 : memref<128x128xf32, #tpu.memory_space<vmem>>[vector<16xi32>, vector<16xi32>], vector<16xf32>,
        %parallel_loop3A_654 = arith.constant 32 : i32
        %parallel_loop3A_655 = vector.broadcast %parallel_loop3A_654 : i32 to vector<16xi32>
        %parallel_loop3A_656 = arith.addi %get3A_116, %parallel_loop3A_655 : vector<16xi32>
        tpu.vector_store_idx %arg13[%parallel_loop3A_656, %parallel_loop3A_353], %parallel_loop3A_597 : memref<128x128xf32, #tpu.memory_space<vmem>>[vector<16xi32>, vector<16xi32>], vector<16xf32>,
        %parallel_loop3A_657 = arith.constant 32 : i32
        %parallel_loop3A_658 = vector.broadcast %parallel_loop3A_657 : i32 to vector<16xi32>
        %parallel_loop3A_659 = arith.addi %get3A_120, %parallel_loop3A_658 : vector<16xi32>
        tpu.vector_store_idx %arg13[%parallel_loop3A_659, %parallel_loop3A_353], %parallel_loop3A_601 : memref<128x128xf32, #tpu.memory_space<vmem>>[vector<16xi32>, vector<16xi32>], vector<16xf32>,
        %parallel_loop3A_660 = arith.constant 32 : i32
        %parallel_loop3A_661 = vector.broadcast %parallel_loop3A_660 : i32 to vector<16xi32>
        %parallel_loop3A_662 = arith.addi %get3A_124, %parallel_loop3A_661 : vector<16xi32>
        tpu.vector_store_idx %arg13[%parallel_loop3A_662, %parallel_loop3A_353], %parallel_loop3A_605 : memref<128x128xf32, #tpu.memory_space<vmem>>[vector<16xi32>, vector<16xi32>], vector<16xf32>,
        %parallel_loop3A_663 = arith.constant 32 : i32
        %parallel_loop3A_664 = vector.broadcast %parallel_loop3A_663 : i32 to vector<16xi32>
        %parallel_loop3A_665 = arith.addi %get3A_128, %parallel_loop3A_664 : vector<16xi32>
        tpu.vector_store_idx %arg13[%parallel_loop3A_665, %parallel_loop3A_353], %parallel_loop3A_609 : memref<128x128xf32, #tpu.memory_space<vmem>>[vector<16xi32>, vector<16xi32>], vector<16xf32>,
        %parallel_loop3A_666 = arith.constant 32 : i32
        %parallel_loop3A_667 = vector.broadcast %parallel_loop3A_666 : i32 to vector<16xi32>
        %parallel_loop3A_668 = arith.addi %get3A_132, %parallel_loop3A_667 : vector<16xi32>
        tpu.vector_store_idx %arg13[%parallel_loop3A_668, %parallel_loop3A_353], %parallel_loop3A_613 : memref<128x128xf32, #tpu.memory_space<vmem>>[vector<16xi32>, vector<16xi32>], vector<16xf32>,
        %parallel_loop3A_669 = arith.constant 32 : i32
        %parallel_loop3A_670 = vector.broadcast %parallel_loop3A_669 : i32 to vector<16xi32>
        %parallel_loop3A_671 = arith.addi %get3A_136, %parallel_loop3A_670 : vector<16xi32>
        tpu.vector_store_idx %arg13[%parallel_loop3A_671, %parallel_loop3A_353], %parallel_loop3A_617 : memref<128x128xf32, #tpu.memory_space<vmem>>[vector<16xi32>, vector<16xi32>], vector<16xf32>,
        %parallel_loop3A_672 = arith.constant 32 : i32
        %parallel_loop3A_673 = vector.broadcast %parallel_loop3A_672 : i32 to vector<16xi32>
        %parallel_loop3A_674 = arith.addi %get3A_140, %parallel_loop3A_673 : vector<16xi32>
        tpu.vector_store_idx %arg13[%parallel_loop3A_674, %parallel_loop3A_353], %parallel_loop3A_621 : memref<128x128xf32, #tpu.memory_space<vmem>>[vector<16xi32>, vector<16xi32>], vector<16xf32>,
        %parallel_loop3A_675 = arith.constant 32 : i32
        %parallel_loop3A_676 = vector.broadcast %parallel_loop3A_675 : i32 to vector<16xi32>
        %parallel_loop3A_677 = arith.addi %get3A_144, %parallel_loop3A_676 : vector<16xi32>
        tpu.vector_store_idx %arg13[%parallel_loop3A_677, %parallel_loop3A_353], %parallel_loop3A_625 : memref<128x128xf32, #tpu.memory_space<vmem>>[vector<16xi32>, vector<16xi32>], vector<16xf32>,
        %parallel_loop3A_678 = arith.constant 32 : i32
        %parallel_loop3A_679 = vector.broadcast %parallel_loop3A_678 : i32 to vector<16xi32>
        %parallel_loop3A_680 = arith.addi %get3A_148, %parallel_loop3A_679 : vector<16xi32>
        tpu.vector_store_idx %arg13[%parallel_loop3A_680, %parallel_loop3A_353], %parallel_loop3A_629 : memref<128x128xf32, #tpu.memory_space<vmem>>[vector<16xi32>, vector<16xi32>], vector<16xf32>,
        %parallel_loop3A_681 = arith.constant 32 : i32
        %parallel_loop3A_682 = vector.broadcast %parallel_loop3A_681 : i32 to vector<16xi32>
        %parallel_loop3A_683 = arith.addi %get3A_152, %parallel_loop3A_682 : vector<16xi32>
        tpu.vector_store_idx %arg13[%parallel_loop3A_683, %parallel_loop3A_353], %parallel_loop3A_633 : memref<128x128xf32, #tpu.memory_space<vmem>>[vector<16xi32>, vector<16xi32>], vector<16xf32>,
        %parallel_loop3A_684 = arith.constant 32 : i32
        %parallel_loop3A_685 = vector.broadcast %parallel_loop3A_684 : i32 to vector<16xi32>
        %parallel_loop3A_686 = arith.addi %get3A_156, %parallel_loop3A_685 : vector<16xi32>
        tpu.vector_store_idx %arg13[%parallel_loop3A_686, %parallel_loop3A_353], %parallel_loop3A_637 : memref<128x128xf32, #tpu.memory_space<vmem>>[vector<16xi32>, vector<16xi32>], vector<16xf32>,
        %parallel_loop3A_687 = arith.constant 32 : i32
        %parallel_loop3A_688 = vector.broadcast %parallel_loop3A_687 : i32 to vector<16xi32>
        %parallel_loop3A_689 = arith.addi %get3A_160, %parallel_loop3A_688 : vector<16xi32>
        tpu.vector_store_idx %arg13[%parallel_loop3A_689, %parallel_loop3A_353], %parallel_loop3A_641 : memref<128x128xf32, #tpu.memory_space<vmem>>[vector<16xi32>, vector<16xi32>], vector<16xf32>,
        %parallel_loop3A_690 = arith.constant 48 : i32
        %parallel_loop3A_691 = vector.broadcast %parallel_loop3A_690 : i32 to vector<16xi32>
        %parallel_loop3A_692 = arith.addi %get3A_100, %parallel_loop3A_691 : vector<16xi32>
        %parallel_loop3A_693 = tpu.vector_load_idx %arg11[%parallel_loop3A_353, %parallel_loop3A_692] : memref<128x128xf32, #tpu.memory_space<vmem>>[vector<16xi32>, vector<16xi32>], vector<16xf32>,
        %parallel_loop3A_694 = arith.constant 48 : i32
        %parallel_loop3A_695 = vector.broadcast %parallel_loop3A_694 : i32 to vector<16xi32>
        %parallel_loop3A_696 = arith.addi %get3A_104, %parallel_loop3A_695 : vector<16xi32>
        %parallel_loop3A_697 = tpu.vector_load_idx %arg11[%parallel_loop3A_353, %parallel_loop3A_696] : memref<128x128xf32, #tpu.memory_space<vmem>>[vector<16xi32>, vector<16xi32>], vector<16xf32>,
        %parallel_loop3A_698 = arith.constant 48 : i32
        %parallel_loop3A_699 = vector.broadcast %parallel_loop3A_698 : i32 to vector<16xi32>
        %parallel_loop3A_700 = arith.addi %get3A_108, %parallel_loop3A_699 : vector<16xi32>
        %parallel_loop3A_701 = tpu.vector_load_idx %arg11[%parallel_loop3A_353, %parallel_loop3A_700] : memref<128x128xf32, #tpu.memory_space<vmem>>[vector<16xi32>, vector<16xi32>], vector<16xf32>,
        %parallel_loop3A_702 = arith.constant 48 : i32
        %parallel_loop3A_703 = vector.broadcast %parallel_loop3A_702 : i32 to vector<16xi32>
        %parallel_loop3A_704 = arith.addi %get3A_112, %parallel_loop3A_703 : vector<16xi32>
        %parallel_loop3A_705 = tpu.vector_load_idx %arg11[%parallel_loop3A_353, %parallel_loop3A_704] : memref<128x128xf32, #tpu.memory_space<vmem>>[vector<16xi32>, vector<16xi32>], vector<16xf32>,
        %parallel_loop3A_706 = arith.constant 48 : i32
        %parallel_loop3A_707 = vector.broadcast %parallel_loop3A_706 : i32 to vector<16xi32>
        %parallel_loop3A_708 = arith.addi %get3A_116, %parallel_loop3A_707 : vector<16xi32>
        %parallel_loop3A_709 = tpu.vector_load_idx %arg11[%parallel_loop3A_353, %parallel_loop3A_708] : memref<128x128xf32, #tpu.memory_space<vmem>>[vector<16xi32>, vector<16xi32>], vector<16xf32>,
        %parallel_loop3A_710 = arith.constant 48 : i32
        %parallel_loop3A_711 = vector.broadcast %parallel_loop3A_710 : i32 to vector<16xi32>
        %parallel_loop3A_712 = arith.addi %get3A_120, %parallel_loop3A_711 : vector<16xi32>
        %parallel_loop3A_713 = tpu.vector_load_idx %arg11[%parallel_loop3A_353, %parallel_loop3A_712] : memref<128x128xf32, #tpu.memory_space<vmem>>[vector<16xi32>, vector<16xi32>], vector<16xf32>,
        %parallel_loop3A_714 = arith.constant 48 : i32
        %parallel_loop3A_715 = vector.broadcast %parallel_loop3A_714 : i32 to vector<16xi32>
        %parallel_loop3A_716 = arith.addi %get3A_124, %parallel_loop3A_715 : vector<16xi32>
        %parallel_loop3A_717 = tpu.vector_load_idx %arg11[%parallel_loop3A_353, %parallel_loop3A_716] : memref<128x128xf32, #tpu.memory_space<vmem>>[vector<16xi32>, vector<16xi32>], vector<16xf32>,
        %parallel_loop3A_718 = arith.constant 48 : i32
        %parallel_loop3A_719 = vector.broadcast %parallel_loop3A_718 : i32 to vector<16xi32>
        %parallel_loop3A_720 = arith.addi %get3A_128, %parallel_loop3A_719 : vector<16xi32>
        %parallel_loop3A_721 = tpu.vector_load_idx %arg11[%parallel_loop3A_353, %parallel_loop3A_720] : memref<128x128xf32, #tpu.memory_space<vmem>>[vector<16xi32>, vector<16xi32>], vector<16xf32>,
        %parallel_loop3A_722 = arith.constant 48 : i32
        %parallel_loop3A_723 = vector.broadcast %parallel_loop3A_722 : i32 to vector<16xi32>
        %parallel_loop3A_724 = arith.addi %get3A_132, %parallel_loop3A_723 : vector<16xi32>
        %parallel_loop3A_725 = tpu.vector_load_idx %arg11[%parallel_loop3A_353, %parallel_loop3A_724] : memref<128x128xf32, #tpu.memory_space<vmem>>[vector<16xi32>, vector<16xi32>], vector<16xf32>,
        %parallel_loop3A_726 = arith.constant 48 : i32
        %parallel_loop3A_727 = vector.broadcast %parallel_loop3A_726 : i32 to vector<16xi32>
        %parallel_loop3A_728 = arith.addi %get3A_136, %parallel_loop3A_727 : vector<16xi32>
        %parallel_loop3A_729 = tpu.vector_load_idx %arg11[%parallel_loop3A_353, %parallel_loop3A_728] : memref<128x128xf32, #tpu.memory_space<vmem>>[vector<16xi32>, vector<16xi32>], vector<16xf32>,
        %parallel_loop3A_730 = arith.constant 48 : i32
        %parallel_loop3A_731 = vector.broadcast %parallel_loop3A_730 : i32 to vector<16xi32>
        %parallel_loop3A_732 = arith.addi %get3A_140, %parallel_loop3A_731 : vector<16xi32>
        %parallel_loop3A_733 = tpu.vector_load_idx %arg11[%parallel_loop3A_353, %parallel_loop3A_732] : memref<128x128xf32, #tpu.memory_space<vmem>>[vector<16xi32>, vector<16xi32>], vector<16xf32>,
        %parallel_loop3A_734 = arith.constant 48 : i32
        %parallel_loop3A_735 = vector.broadcast %parallel_loop3A_734 : i32 to vector<16xi32>
        %parallel_loop3A_736 = arith.addi %get3A_144, %parallel_loop3A_735 : vector<16xi32>
        %parallel_loop3A_737 = tpu.vector_load_idx %arg11[%parallel_loop3A_353, %parallel_loop3A_736] : memref<128x128xf32, #tpu.memory_space<vmem>>[vector<16xi32>, vector<16xi32>], vector<16xf32>,
        %parallel_loop3A_738 = arith.constant 48 : i32
        %parallel_loop3A_739 = vector.broadcast %parallel_loop3A_738 : i32 to vector<16xi32>
        %parallel_loop3A_740 = arith.addi %get3A_148, %parallel_loop3A_739 : vector<16xi32>
        %parallel_loop3A_741 = tpu.vector_load_idx %arg11[%parallel_loop3A_353, %parallel_loop3A_740] : memref<128x128xf32, #tpu.memory_space<vmem>>[vector<16xi32>, vector<16xi32>], vector<16xf32>,
        %parallel_loop3A_742 = arith.constant 48 : i32
        %parallel_loop3A_743 = vector.broadcast %parallel_loop3A_742 : i32 to vector<16xi32>
        %parallel_loop3A_744 = arith.addi %get3A_152, %parallel_loop3A_743 : vector<16xi32>
        %parallel_loop3A_745 = tpu.vector_load_idx %arg11[%parallel_loop3A_353, %parallel_loop3A_744] : memref<128x128xf32, #tpu.memory_space<vmem>>[vector<16xi32>, vector<16xi32>], vector<16xf32>,
        %parallel_loop3A_746 = arith.constant 48 : i32
        %parallel_loop3A_747 = vector.broadcast %parallel_loop3A_746 : i32 to vector<16xi32>
        %parallel_loop3A_748 = arith.addi %get3A_156, %parallel_loop3A_747 : vector<16xi32>
        %parallel_loop3A_749 = tpu.vector_load_idx %arg11[%parallel_loop3A_353, %parallel_loop3A_748] : memref<128x128xf32, #tpu.memory_space<vmem>>[vector<16xi32>, vector<16xi32>], vector<16xf32>,
        %parallel_loop3A_750 = arith.constant 48 : i32
        %parallel_loop3A_751 = vector.broadcast %parallel_loop3A_750 : i32 to vector<16xi32>
        %parallel_loop3A_752 = arith.addi %get3A_160, %parallel_loop3A_751 : vector<16xi32>
        %parallel_loop3A_753 = tpu.vector_load_idx %arg11[%parallel_loop3A_353, %parallel_loop3A_752] : memref<128x128xf32, #tpu.memory_space<vmem>>[vector<16xi32>, vector<16xi32>], vector<16xf32>,
        %parallel_loop3A_754 = arith.constant 48 : i32
        %parallel_loop3A_755 = vector.broadcast %parallel_loop3A_754 : i32 to vector<16xi32>
        %parallel_loop3A_756 = arith.addi %get3A_100, %parallel_loop3A_755 : vector<16xi32>
        tpu.vector_store_idx %arg13[%parallel_loop3A_756, %parallel_loop3A_353], %parallel_loop3A_693 : memref<128x128xf32, #tpu.memory_space<vmem>>[vector<16xi32>, vector<16xi32>], vector<16xf32>,
        %parallel_loop3A_757 = arith.constant 48 : i32
        %parallel_loop3A_758 = vector.broadcast %parallel_loop3A_757 : i32 to vector<16xi32>
        %parallel_loop3A_759 = arith.addi %get3A_104, %parallel_loop3A_758 : vector<16xi32>
        tpu.vector_store_idx %arg13[%parallel_loop3A_759, %parallel_loop3A_353], %parallel_loop3A_697 : memref<128x128xf32, #tpu.memory_space<vmem>>[vector<16xi32>, vector<16xi32>], vector<16xf32>,
        %parallel_loop3A_760 = arith.constant 48 : i32
        %parallel_loop3A_761 = vector.broadcast %parallel_loop3A_760 : i32 to vector<16xi32>
        %parallel_loop3A_762 = arith.addi %get3A_108, %parallel_loop3A_761 : vector<16xi32>
        tpu.vector_store_idx %arg13[%parallel_loop3A_762, %parallel_loop3A_353], %parallel_loop3A_701 : memref<128x128xf32, #tpu.memory_space<vmem>>[vector<16xi32>, vector<16xi32>], vector<16xf32>,
        %parallel_loop3A_763 = arith.constant 48 : i32
        %parallel_loop3A_764 = vector.broadcast %parallel_loop3A_763 : i32 to vector<16xi32>
        %parallel_loop3A_765 = arith.addi %get3A_112, %parallel_loop3A_764 : vector<16xi32>
        tpu.vector_store_idx %arg13[%parallel_loop3A_765, %parallel_loop3A_353], %parallel_loop3A_705 : memref<128x128xf32, #tpu.memory_space<vmem>>[vector<16xi32>, vector<16xi32>], vector<16xf32>,
        %parallel_loop3A_766 = arith.constant 48 : i32
        %parallel_loop3A_767 = vector.broadcast %parallel_loop3A_766 : i32 to vector<16xi32>
        %parallel_loop3A_768 = arith.addi %get3A_116, %parallel_loop3A_767 : vector<16xi32>
        tpu.vector_store_idx %arg13[%parallel_loop3A_768, %parallel_loop3A_353], %parallel_loop3A_709 : memref<128x128xf32, #tpu.memory_space<vmem>>[vector<16xi32>, vector<16xi32>], vector<16xf32>,
        %parallel_loop3A_769 = arith.constant 48 : i32
        %parallel_loop3A_770 = vector.broadcast %parallel_loop3A_769 : i32 to vector<16xi32>
        %parallel_loop3A_771 = arith.addi %get3A_120, %parallel_loop3A_770 : vector<16xi32>
        tpu.vector_store_idx %arg13[%parallel_loop3A_771, %parallel_loop3A_353], %parallel_loop3A_713 : memref<128x128xf32, #tpu.memory_space<vmem>>[vector<16xi32>, vector<16xi32>], vector<16xf32>,
        %parallel_loop3A_772 = arith.constant 48 : i32
        %parallel_loop3A_773 = vector.broadcast %parallel_loop3A_772 : i32 to vector<16xi32>
        %parallel_loop3A_774 = arith.addi %get3A_124, %parallel_loop3A_773 : vector<16xi32>
        tpu.vector_store_idx %arg13[%parallel_loop3A_774, %parallel_loop3A_353], %parallel_loop3A_717 : memref<128x128xf32, #tpu.memory_space<vmem>>[vector<16xi32>, vector<16xi32>], vector<16xf32>,
        %parallel_loop3A_775 = arith.constant 48 : i32
        %parallel_loop3A_776 = vector.broadcast %parallel_loop3A_775 : i32 to vector<16xi32>
        %parallel_loop3A_777 = arith.addi %get3A_128, %parallel_loop3A_776 : vector<16xi32>
        tpu.vector_store_idx %arg13[%parallel_loop3A_777, %parallel_loop3A_353], %parallel_loop3A_721 : memref<128x128xf32, #tpu.memory_space<vmem>>[vector<16xi32>, vector<16xi32>], vector<16xf32>,
        %parallel_loop3A_778 = arith.constant 48 : i32
        %parallel_loop3A_779 = vector.broadcast %parallel_loop3A_778 : i32 to vector<16xi32>
        %parallel_loop3A_780 = arith.addi %get3A_132, %parallel_loop3A_779 : vector<16xi32>
        tpu.vector_store_idx %arg13[%parallel_loop3A_780, %parallel_loop3A_353], %parallel_loop3A_725 : memref<128x128xf32, #tpu.memory_space<vmem>>[vector<16xi32>, vector<16xi32>], vector<16xf32>,
        %parallel_loop3A_781 = arith.constant 48 : i32
        %parallel_loop3A_782 = vector.broadcast %parallel_loop3A_781 : i32 to vector<16xi32>
        %parallel_loop3A_783 = arith.addi %get3A_136, %parallel_loop3A_782 : vector<16xi32>
        tpu.vector_store_idx %arg13[%parallel_loop3A_783, %parallel_loop3A_353], %parallel_loop3A_729 : memref<128x128xf32, #tpu.memory_space<vmem>>[vector<16xi32>, vector<16xi32>], vector<16xf32>,
        %parallel_loop3A_784 = arith.constant 48 : i32
        %parallel_loop3A_785 = vector.broadcast %parallel_loop3A_784 : i32 to vector<16xi32>
        %parallel_loop3A_786 = arith.addi %get3A_140, %parallel_loop3A_785 : vector<16xi32>
        tpu.vector_store_idx %arg13[%parallel_loop3A_786, %parallel_loop3A_353], %parallel_loop3A_733 : memref<128x128xf32, #tpu.memory_space<vmem>>[vector<16xi32>, vector<16xi32>], vector<16xf32>,
        %parallel_loop3A_787 = arith.constant 48 : i32
        %parallel_loop3A_788 = vector.broadcast %parallel_loop3A_787 : i32 to vector<16xi32>
        %parallel_loop3A_789 = arith.addi %get3A_144, %parallel_loop3A_788 : vector<16xi32>
        tpu.vector_store_idx %arg13[%parallel_loop3A_789, %parallel_loop3A_353], %parallel_loop3A_737 : memref<128x128xf32, #tpu.memory_space<vmem>>[vector<16xi32>, vector<16xi32>], vector<16xf32>,
        %parallel_loop3A_790 = arith.constant 48 : i32
        %parallel_loop3A_791 = vector.broadcast %parallel_loop3A_790 : i32 to vector<16xi32>
        %parallel_loop3A_792 = arith.addi %get3A_148, %parallel_loop3A_791 : vector<16xi32>
        tpu.vector_store_idx %arg13[%parallel_loop3A_792, %parallel_loop3A_353], %parallel_loop3A_741 : memref<128x128xf32, #tpu.memory_space<vmem>>[vector<16xi32>, vector<16xi32>], vector<16xf32>,
        %parallel_loop3A_793 = arith.constant 48 : i32
        %parallel_loop3A_794 = vector.broadcast %parallel_loop3A_793 : i32 to vector<16xi32>
        %parallel_loop3A_795 = arith.addi %get3A_152, %parallel_loop3A_794 : vector<16xi32>
        tpu.vector_store_idx %arg13[%parallel_loop3A_795, %parallel_loop3A_353], %parallel_loop3A_745 : memref<128x128xf32, #tpu.memory_space<vmem>>[vector<16xi32>, vector<16xi32>], vector<16xf32>,
        %parallel_loop3A_796 = arith.constant 48 : i32
        %parallel_loop3A_797 = vector.broadcast %parallel_loop3A_796 : i32 to vector<16xi32>
        %parallel_loop3A_798 = arith.addi %get3A_156, %parallel_loop3A_797 : vector<16xi32>
        tpu.vector_store_idx %arg13[%parallel_loop3A_798, %parallel_loop3A_353], %parallel_loop3A_749 : memref<128x128xf32, #tpu.memory_space<vmem>>[vector<16xi32>, vector<16xi32>], vector<16xf32>,
        %parallel_loop3A_799 = arith.constant 48 : i32
        %parallel_loop3A_800 = vector.broadcast %parallel_loop3A_799 : i32 to vector<16xi32>
        %parallel_loop3A_801 = arith.addi %get3A_160, %parallel_loop3A_800 : vector<16xi32>
        tpu.vector_store_idx %arg13[%parallel_loop3A_801, %parallel_loop3A_353], %parallel_loop3A_753 : memref<128x128xf32, #tpu.memory_space<vmem>>[vector<16xi32>, vector<16xi32>], vector<16xf32>,
        %parallel_loop3A_802 = arith.constant 64 : i32
        %parallel_loop3A_803 = vector.broadcast %parallel_loop3A_802 : i32 to vector<16xi32>
        %parallel_loop3A_804 = arith.addi %get3A_100, %parallel_loop3A_803 : vector<16xi32>
        %parallel_loop3A_805 = tpu.vector_load_idx %arg11[%parallel_loop3A_353, %parallel_loop3A_804] : memref<128x128xf32, #tpu.memory_space<vmem>>[vector<16xi32>, vector<16xi32>], vector<16xf32>,
        %parallel_loop3A_806 = arith.constant 64 : i32
        %parallel_loop3A_807 = vector.broadcast %parallel_loop3A_806 : i32 to vector<16xi32>
        %parallel_loop3A_808 = arith.addi %get3A_104, %parallel_loop3A_807 : vector<16xi32>
        %parallel_loop3A_809 = tpu.vector_load_idx %arg11[%parallel_loop3A_353, %parallel_loop3A_808] : memref<128x128xf32, #tpu.memory_space<vmem>>[vector<16xi32>, vector<16xi32>], vector<16xf32>,
        %parallel_loop3A_810 = arith.constant 64 : i32
        %parallel_loop3A_811 = vector.broadcast %parallel_loop3A_810 : i32 to vector<16xi32>
        %parallel_loop3A_812 = arith.addi %get3A_108, %parallel_loop3A_811 : vector<16xi32>
        %parallel_loop3A_813 = tpu.vector_load_idx %arg11[%parallel_loop3A_353, %parallel_loop3A_812] : memref<128x128xf32, #tpu.memory_space<vmem>>[vector<16xi32>, vector<16xi32>], vector<16xf32>,
        %parallel_loop3A_814 = arith.constant 64 : i32
        %parallel_loop3A_815 = vector.broadcast %parallel_loop3A_814 : i32 to vector<16xi32>
        %parallel_loop3A_816 = arith.addi %get3A_112, %parallel_loop3A_815 : vector<16xi32>
        %parallel_loop3A_817 = tpu.vector_load_idx %arg11[%parallel_loop3A_353, %parallel_loop3A_816] : memref<128x128xf32, #tpu.memory_space<vmem>>[vector<16xi32>, vector<16xi32>], vector<16xf32>,
        %parallel_loop3A_818 = arith.constant 64 : i32
        %parallel_loop3A_819 = vector.broadcast %parallel_loop3A_818 : i32 to vector<16xi32>
        %parallel_loop3A_820 = arith.addi %get3A_116, %parallel_loop3A_819 : vector<16xi32>
        %parallel_loop3A_821 = tpu.vector_load_idx %arg11[%parallel_loop3A_353, %parallel_loop3A_820] : memref<128x128xf32, #tpu.memory_space<vmem>>[vector<16xi32>, vector<16xi32>], vector<16xf32>,
        %parallel_loop3A_822 = arith.constant 64 : i32
        %parallel_loop3A_823 = vector.broadcast %parallel_loop3A_822 : i32 to vector<16xi32>
        %parallel_loop3A_824 = arith.addi %get3A_120, %parallel_loop3A_823 : vector<16xi32>
        %parallel_loop3A_825 = tpu.vector_load_idx %arg11[%parallel_loop3A_353, %parallel_loop3A_824] : memref<128x128xf32, #tpu.memory_space<vmem>>[vector<16xi32>, vector<16xi32>], vector<16xf32>,
        %parallel_loop3A_826 = arith.constant 64 : i32
        %parallel_loop3A_827 = vector.broadcast %parallel_loop3A_826 : i32 to vector<16xi32>
        %parallel_loop3A_828 = arith.addi %get3A_124, %parallel_loop3A_827 : vector<16xi32>
        %parallel_loop3A_829 = tpu.vector_load_idx %arg11[%parallel_loop3A_353, %parallel_loop3A_828] : memref<128x128xf32, #tpu.memory_space<vmem>>[vector<16xi32>, vector<16xi32>], vector<16xf32>,
        %parallel_loop3A_830 = arith.constant 64 : i32
        %parallel_loop3A_831 = vector.broadcast %parallel_loop3A_830 : i32 to vector<16xi32>
        %parallel_loop3A_832 = arith.addi %get3A_128, %parallel_loop3A_831 : vector<16xi32>
        %parallel_loop3A_833 = tpu.vector_load_idx %arg11[%parallel_loop3A_353, %parallel_loop3A_832] : memref<128x128xf32, #tpu.memory_space<vmem>>[vector<16xi32>, vector<16xi32>], vector<16xf32>,
        %parallel_loop3A_834 = arith.constant 64 : i32
        %parallel_loop3A_835 = vector.broadcast %parallel_loop3A_834 : i32 to vector<16xi32>
        %parallel_loop3A_836 = arith.addi %get3A_132, %parallel_loop3A_835 : vector<16xi32>
        %parallel_loop3A_837 = tpu.vector_load_idx %arg11[%parallel_loop3A_353, %parallel_loop3A_836] : memref<128x128xf32, #tpu.memory_space<vmem>>[vector<16xi32>, vector<16xi32>], vector<16xf32>,
        %parallel_loop3A_838 = arith.constant 64 : i32
        %parallel_loop3A_839 = vector.broadcast %parallel_loop3A_838 : i32 to vector<16xi32>
        %parallel_loop3A_840 = arith.addi %get3A_136, %parallel_loop3A_839 : vector<16xi32>
        %parallel_loop3A_841 = tpu.vector_load_idx %arg11[%parallel_loop3A_353, %parallel_loop3A_840] : memref<128x128xf32, #tpu.memory_space<vmem>>[vector<16xi32>, vector<16xi32>], vector<16xf32>,
        %parallel_loop3A_842 = arith.constant 64 : i32
        %parallel_loop3A_843 = vector.broadcast %parallel_loop3A_842 : i32 to vector<16xi32>
        %parallel_loop3A_844 = arith.addi %get3A_140, %parallel_loop3A_843 : vector<16xi32>
        %parallel_loop3A_845 = tpu.vector_load_idx %arg11[%parallel_loop3A_353, %parallel_loop3A_844] : memref<128x128xf32, #tpu.memory_space<vmem>>[vector<16xi32>, vector<16xi32>], vector<16xf32>,
        %parallel_loop3A_846 = arith.constant 64 : i32
        %parallel_loop3A_847 = vector.broadcast %parallel_loop3A_846 : i32 to vector<16xi32>
        %parallel_loop3A_848 = arith.addi %get3A_144, %parallel_loop3A_847 : vector<16xi32>
        %parallel_loop3A_849 = tpu.vector_load_idx %arg11[%parallel_loop3A_353, %parallel_loop3A_848] : memref<128x128xf32, #tpu.memory_space<vmem>>[vector<16xi32>, vector<16xi32>], vector<16xf32>,
        %parallel_loop3A_850 = arith.constant 64 : i32
        %parallel_loop3A_851 = vector.broadcast %parallel_loop3A_850 : i32 to vector<16xi32>
        %parallel_loop3A_852 = arith.addi %get3A_148, %parallel_loop3A_851 : vector<16xi32>
        %parallel_loop3A_853 = tpu.vector_load_idx %arg11[%parallel_loop3A_353, %parallel_loop3A_852] : memref<128x128xf32, #tpu.memory_space<vmem>>[vector<16xi32>, vector<16xi32>], vector<16xf32>,
        %parallel_loop3A_854 = arith.constant 64 : i32
        %parallel_loop3A_855 = vector.broadcast %parallel_loop3A_854 : i32 to vector<16xi32>
        %parallel_loop3A_856 = arith.addi %get3A_152, %parallel_loop3A_855 : vector<16xi32>
        %parallel_loop3A_857 = tpu.vector_load_idx %arg11[%parallel_loop3A_353, %parallel_loop3A_856] : memref<128x128xf32, #tpu.memory_space<vmem>>[vector<16xi32>, vector<16xi32>], vector<16xf32>,
        %parallel_loop3A_858 = arith.constant 64 : i32
        %parallel_loop3A_859 = vector.broadcast %parallel_loop3A_858 : i32 to vector<16xi32>
        %parallel_loop3A_860 = arith.addi %get3A_156, %parallel_loop3A_859 : vector<16xi32>
        %parallel_loop3A_861 = tpu.vector_load_idx %arg11[%parallel_loop3A_353, %parallel_loop3A_860] : memref<128x128xf32, #tpu.memory_space<vmem>>[vector<16xi32>, vector<16xi32>], vector<16xf32>,
        %parallel_loop3A_862 = arith.constant 64 : i32
        %parallel_loop3A_863 = vector.broadcast %parallel_loop3A_862 : i32 to vector<16xi32>
        %parallel_loop3A_864 = arith.addi %get3A_160, %parallel_loop3A_863 : vector<16xi32>
        %parallel_loop3A_865 = tpu.vector_load_idx %arg11[%parallel_loop3A_353, %parallel_loop3A_864] : memref<128x128xf32, #tpu.memory_space<vmem>>[vector<16xi32>, vector<16xi32>], vector<16xf32>,
        %parallel_loop3A_866 = arith.constant 64 : i32
        %parallel_loop3A_867 = vector.broadcast %parallel_loop3A_866 : i32 to vector<16xi32>
        %parallel_loop3A_868 = arith.addi %get3A_100, %parallel_loop3A_867 : vector<16xi32>
        tpu.vector_store_idx %arg13[%parallel_loop3A_868, %parallel_loop3A_353], %parallel_loop3A_805 : memref<128x128xf32, #tpu.memory_space<vmem>>[vector<16xi32>, vector<16xi32>], vector<16xf32>,
        %parallel_loop3A_869 = arith.constant 64 : i32
        %parallel_loop3A_870 = vector.broadcast %parallel_loop3A_869 : i32 to vector<16xi32>
        %parallel_loop3A_871 = arith.addi %get3A_104, %parallel_loop3A_870 : vector<16xi32>
        tpu.vector_store_idx %arg13[%parallel_loop3A_871, %parallel_loop3A_353], %parallel_loop3A_809 : memref<128x128xf32, #tpu.memory_space<vmem>>[vector<16xi32>, vector<16xi32>], vector<16xf32>,
        %parallel_loop3A_872 = arith.constant 64 : i32
        %parallel_loop3A_873 = vector.broadcast %parallel_loop3A_872 : i32 to vector<16xi32>
        %parallel_loop3A_874 = arith.addi %get3A_108, %parallel_loop3A_873 : vector<16xi32>
        tpu.vector_store_idx %arg13[%parallel_loop3A_874, %parallel_loop3A_353], %parallel_loop3A_813 : memref<128x128xf32, #tpu.memory_space<vmem>>[vector<16xi32>, vector<16xi32>], vector<16xf32>,
        %parallel_loop3A_875 = arith.constant 64 : i32
        %parallel_loop3A_876 = vector.broadcast %parallel_loop3A_875 : i32 to vector<16xi32>
        %parallel_loop3A_877 = arith.addi %get3A_112, %parallel_loop3A_876 : vector<16xi32>
        tpu.vector_store_idx %arg13[%parallel_loop3A_877, %parallel_loop3A_353], %parallel_loop3A_817 : memref<128x128xf32, #tpu.memory_space<vmem>>[vector<16xi32>, vector<16xi32>], vector<16xf32>,
        %parallel_loop3A_878 = arith.constant 64 : i32
        %parallel_loop3A_879 = vector.broadcast %parallel_loop3A_878 : i32 to vector<16xi32>
        %parallel_loop3A_880 = arith.addi %get3A_116, %parallel_loop3A_879 : vector<16xi32>
        tpu.vector_store_idx %arg13[%parallel_loop3A_880, %parallel_loop3A_353], %parallel_loop3A_821 : memref<128x128xf32, #tpu.memory_space<vmem>>[vector<16xi32>, vector<16xi32>], vector<16xf32>,
        %parallel_loop3A_881 = arith.constant 64 : i32
        %parallel_loop3A_882 = vector.broadcast %parallel_loop3A_881 : i32 to vector<16xi32>
        %parallel_loop3A_883 = arith.addi %get3A_120, %parallel_loop3A_882 : vector<16xi32>
        tpu.vector_store_idx %arg13[%parallel_loop3A_883, %parallel_loop3A_353], %parallel_loop3A_825 : memref<128x128xf32, #tpu.memory_space<vmem>>[vector<16xi32>, vector<16xi32>], vector<16xf32>,
        %parallel_loop3A_884 = arith.constant 64 : i32
        %parallel_loop3A_885 = vector.broadcast %parallel_loop3A_884 : i32 to vector<16xi32>
        %parallel_loop3A_886 = arith.addi %get3A_124, %parallel_loop3A_885 : vector<16xi32>
        tpu.vector_store_idx %arg13[%parallel_loop3A_886, %parallel_loop3A_353], %parallel_loop3A_829 : memref<128x128xf32, #tpu.memory_space<vmem>>[vector<16xi32>, vector<16xi32>], vector<16xf32>,
        %parallel_loop3A_887 = arith.constant 64 : i32
        %parallel_loop3A_888 = vector.broadcast %parallel_loop3A_887 : i32 to vector<16xi32>
        %parallel_loop3A_889 = arith.addi %get3A_128, %parallel_loop3A_888 : vector<16xi32>
        tpu.vector_store_idx %arg13[%parallel_loop3A_889, %parallel_loop3A_353], %parallel_loop3A_833 : memref<128x128xf32, #tpu.memory_space<vmem>>[vector<16xi32>, vector<16xi32>], vector<16xf32>,
        %parallel_loop3A_890 = arith.constant 64 : i32
        %parallel_loop3A_891 = vector.broadcast %parallel_loop3A_890 : i32 to vector<16xi32>
        %parallel_loop3A_892 = arith.addi %get3A_132, %parallel_loop3A_891 : vector<16xi32>
        tpu.vector_store_idx %arg13[%parallel_loop3A_892, %parallel_loop3A_353], %parallel_loop3A_837 : memref<128x128xf32, #tpu.memory_space<vmem>>[vector<16xi32>, vector<16xi32>], vector<16xf32>,
        %parallel_loop3A_893 = arith.constant 64 : i32
        %parallel_loop3A_894 = vector.broadcast %parallel_loop3A_893 : i32 to vector<16xi32>
        %parallel_loop3A_895 = arith.addi %get3A_136, %parallel_loop3A_894 : vector<16xi32>
        tpu.vector_store_idx %arg13[%parallel_loop3A_895, %parallel_loop3A_353], %parallel_loop3A_841 : memref<128x128xf32, #tpu.memory_space<vmem>>[vector<16xi32>, vector<16xi32>], vector<16xf32>,
        %parallel_loop3A_896 = arith.constant 64 : i32
        %parallel_loop3A_897 = vector.broadcast %parallel_loop3A_896 : i32 to vector<16xi32>
        %parallel_loop3A_898 = arith.addi %get3A_140, %parallel_loop3A_897 : vector<16xi32>
        tpu.vector_store_idx %arg13[%parallel_loop3A_898, %parallel_loop3A_353], %parallel_loop3A_845 : memref<128x128xf32, #tpu.memory_space<vmem>>[vector<16xi32>, vector<16xi32>], vector<16xf32>,
        %parallel_loop3A_899 = arith.constant 64 : i32
        %parallel_loop3A_900 = vector.broadcast %parallel_loop3A_899 : i32 to vector<16xi32>
        %parallel_loop3A_901 = arith.addi %get3A_144, %parallel_loop3A_900 : vector<16xi32>
        tpu.vector_store_idx %arg13[%parallel_loop3A_901, %parallel_loop3A_353], %parallel_loop3A_849 : memref<128x128xf32, #tpu.memory_space<vmem>>[vector<16xi32>, vector<16xi32>], vector<16xf32>,
        %parallel_loop3A_902 = arith.constant 64 : i32
        %parallel_loop3A_903 = vector.broadcast %parallel_loop3A_902 : i32 to vector<16xi32>
        %parallel_loop3A_904 = arith.addi %get3A_148, %parallel_loop3A_903 : vector<16xi32>
        tpu.vector_store_idx %arg13[%parallel_loop3A_904, %parallel_loop3A_353], %parallel_loop3A_853 : memref<128x128xf32, #tpu.memory_space<vmem>>[vector<16xi32>, vector<16xi32>], vector<16xf32>,
        %parallel_loop3A_905 = arith.constant 64 : i32
        %parallel_loop3A_906 = vector.broadcast %parallel_loop3A_905 : i32 to vector<16xi32>
        %parallel_loop3A_907 = arith.addi %get3A_152, %parallel_loop3A_906 : vector<16xi32>
        tpu.vector_store_idx %arg13[%parallel_loop3A_907, %parallel_loop3A_353], %parallel_loop3A_857 : memref<128x128xf32, #tpu.memory_space<vmem>>[vector<16xi32>, vector<16xi32>], vector<16xf32>,
        %parallel_loop3A_908 = arith.constant 64 : i32
        %parallel_loop3A_909 = vector.broadcast %parallel_loop3A_908 : i32 to vector<16xi32>
        %parallel_loop3A_910 = arith.addi %get3A_156, %parallel_loop3A_909 : vector<16xi32>
        tpu.vector_store_idx %arg13[%parallel_loop3A_910, %parallel_loop3A_353], %parallel_loop3A_861 : memref<128x128xf32, #tpu.memory_space<vmem>>[vector<16xi32>, vector<16xi32>], vector<16xf32>,
        %parallel_loop3A_911 = arith.constant 64 : i32
        %parallel_loop3A_912 = vector.broadcast %parallel_loop3A_911 : i32 to vector<16xi32>
        %parallel_loop3A_913 = arith.addi %get3A_160, %parallel_loop3A_912 : vector<16xi32>
        tpu.vector_store_idx %arg13[%parallel_loop3A_913, %parallel_loop3A_353], %parallel_loop3A_865 : memref<128x128xf32, #tpu.memory_space<vmem>>[vector<16xi32>, vector<16xi32>], vector<16xf32>,
        %parallel_loop3A_914 = arith.constant 80 : i32
        %parallel_loop3A_915 = vector.broadcast %parallel_loop3A_914 : i32 to vector<16xi32>
        %parallel_loop3A_916 = arith.addi %get3A_100, %parallel_loop3A_915 : vector<16xi32>
        %parallel_loop3A_917 = tpu.vector_load_idx %arg11[%parallel_loop3A_353, %parallel_loop3A_916] : memref<128x128xf32, #tpu.memory_space<vmem>>[vector<16xi32>, vector<16xi32>], vector<16xf32>,
        %parallel_loop3A_918 = arith.constant 80 : i32
        %parallel_loop3A_919 = vector.broadcast %parallel_loop3A_918 : i32 to vector<16xi32>
        %parallel_loop3A_920 = arith.addi %get3A_104, %parallel_loop3A_919 : vector<16xi32>
        %parallel_loop3A_921 = tpu.vector_load_idx %arg11[%parallel_loop3A_353, %parallel_loop3A_920] : memref<128x128xf32, #tpu.memory_space<vmem>>[vector<16xi32>, vector<16xi32>], vector<16xf32>,
        %parallel_loop3A_922 = arith.constant 80 : i32
        %parallel_loop3A_923 = vector.broadcast %parallel_loop3A_922 : i32 to vector<16xi32>
        %parallel_loop3A_924 = arith.addi %get3A_108, %parallel_loop3A_923 : vector<16xi32>
        %parallel_loop3A_925 = tpu.vector_load_idx %arg11[%parallel_loop3A_353, %parallel_loop3A_924] : memref<128x128xf32, #tpu.memory_space<vmem>>[vector<16xi32>, vector<16xi32>], vector<16xf32>,
        %parallel_loop3A_926 = arith.constant 80 : i32
        %parallel_loop3A_927 = vector.broadcast %parallel_loop3A_926 : i32 to vector<16xi32>
        %parallel_loop3A_928 = arith.addi %get3A_112, %parallel_loop3A_927 : vector<16xi32>
        %parallel_loop3A_929 = tpu.vector_load_idx %arg11[%parallel_loop3A_353, %parallel_loop3A_928] : memref<128x128xf32, #tpu.memory_space<vmem>>[vector<16xi32>, vector<16xi32>], vector<16xf32>,
        %parallel_loop3A_930 = arith.constant 80 : i32
        %parallel_loop3A_931 = vector.broadcast %parallel_loop3A_930 : i32 to vector<16xi32>
        %parallel_loop3A_932 = arith.addi %get3A_116, %parallel_loop3A_931 : vector<16xi32>
        %parallel_loop3A_933 = tpu.vector_load_idx %arg11[%parallel_loop3A_353, %parallel_loop3A_932] : memref<128x128xf32, #tpu.memory_space<vmem>>[vector<16xi32>, vector<16xi32>], vector<16xf32>,
        %parallel_loop3A_934 = arith.constant 80 : i32
        %parallel_loop3A_935 = vector.broadcast %parallel_loop3A_934 : i32 to vector<16xi32>
        %parallel_loop3A_936 = arith.addi %get3A_120, %parallel_loop3A_935 : vector<16xi32>
        %parallel_loop3A_937 = tpu.vector_load_idx %arg11[%parallel_loop3A_353, %parallel_loop3A_936] : memref<128x128xf32, #tpu.memory_space<vmem>>[vector<16xi32>, vector<16xi32>], vector<16xf32>,
        %parallel_loop3A_938 = arith.constant 80 : i32
        %parallel_loop3A_939 = vector.broadcast %parallel_loop3A_938 : i32 to vector<16xi32>
        %parallel_loop3A_940 = arith.addi %get3A_124, %parallel_loop3A_939 : vector<16xi32>
        %parallel_loop3A_941 = tpu.vector_load_idx %arg11[%parallel_loop3A_353, %parallel_loop3A_940] : memref<128x128xf32, #tpu.memory_space<vmem>>[vector<16xi32>, vector<16xi32>], vector<16xf32>,
        %parallel_loop3A_942 = arith.constant 80 : i32
        %parallel_loop3A_943 = vector.broadcast %parallel_loop3A_942 : i32 to vector<16xi32>
        %parallel_loop3A_944 = arith.addi %get3A_128, %parallel_loop3A_943 : vector<16xi32>
        %parallel_loop3A_945 = tpu.vector_load_idx %arg11[%parallel_loop3A_353, %parallel_loop3A_944] : memref<128x128xf32, #tpu.memory_space<vmem>>[vector<16xi32>, vector<16xi32>], vector<16xf32>,
        %parallel_loop3A_946 = arith.constant 80 : i32
        %parallel_loop3A_947 = vector.broadcast %parallel_loop3A_946 : i32 to vector<16xi32>
        %parallel_loop3A_948 = arith.addi %get3A_132, %parallel_loop3A_947 : vector<16xi32>
        %parallel_loop3A_949 = tpu.vector_load_idx %arg11[%parallel_loop3A_353, %parallel_loop3A_948] : memref<128x128xf32, #tpu.memory_space<vmem>>[vector<16xi32>, vector<16xi32>], vector<16xf32>,
        %parallel_loop3A_950 = arith.constant 80 : i32
        %parallel_loop3A_951 = vector.broadcast %parallel_loop3A_950 : i32 to vector<16xi32>
        %parallel_loop3A_952 = arith.addi %get3A_136, %parallel_loop3A_951 : vector<16xi32>
        %parallel_loop3A_953 = tpu.vector_load_idx %arg11[%parallel_loop3A_353, %parallel_loop3A_952] : memref<128x128xf32, #tpu.memory_space<vmem>>[vector<16xi32>, vector<16xi32>], vector<16xf32>,
        %parallel_loop3A_954 = arith.constant 80 : i32
        %parallel_loop3A_955 = vector.broadcast %parallel_loop3A_954 : i32 to vector<16xi32>
        %parallel_loop3A_956 = arith.addi %get3A_140, %parallel_loop3A_955 : vector<16xi32>
        %parallel_loop3A_957 = tpu.vector_load_idx %arg11[%parallel_loop3A_353, %parallel_loop3A_956] : memref<128x128xf32, #tpu.memory_space<vmem>>[vector<16xi32>, vector<16xi32>], vector<16xf32>,
        %parallel_loop3A_958 = arith.constant 80 : i32
        %parallel_loop3A_959 = vector.broadcast %parallel_loop3A_958 : i32 to vector<16xi32>
        %parallel_loop3A_960 = arith.addi %get3A_144, %parallel_loop3A_959 : vector<16xi32>
        %parallel_loop3A_961 = tpu.vector_load_idx %arg11[%parallel_loop3A_353, %parallel_loop3A_960] : memref<128x128xf32, #tpu.memory_space<vmem>>[vector<16xi32>, vector<16xi32>], vector<16xf32>,
        %parallel_loop3A_962 = arith.constant 80 : i32
        %parallel_loop3A_963 = vector.broadcast %parallel_loop3A_962 : i32 to vector<16xi32>
        %parallel_loop3A_964 = arith.addi %get3A_148, %parallel_loop3A_963 : vector<16xi32>
        %parallel_loop3A_965 = tpu.vector_load_idx %arg11[%parallel_loop3A_353, %parallel_loop3A_964] : memref<128x128xf32, #tpu.memory_space<vmem>>[vector<16xi32>, vector<16xi32>], vector<16xf32>,
        %parallel_loop3A_966 = arith.constant 80 : i32
        %parallel_loop3A_967 = vector.broadcast %parallel_loop3A_966 : i32 to vector<16xi32>
        %parallel_loop3A_968 = arith.addi %get3A_152, %parallel_loop3A_967 : vector<16xi32>
        %parallel_loop3A_969 = tpu.vector_load_idx %arg11[%parallel_loop3A_353, %parallel_loop3A_968] : memref<128x128xf32, #tpu.memory_space<vmem>>[vector<16xi32>, vector<16xi32>], vector<16xf32>,
        %parallel_loop3A_970 = arith.constant 80 : i32
        %parallel_loop3A_971 = vector.broadcast %parallel_loop3A_970 : i32 to vector<16xi32>
        %parallel_loop3A_972 = arith.addi %get3A_156, %parallel_loop3A_971 : vector<16xi32>
        %parallel_loop3A_973 = tpu.vector_load_idx %arg11[%parallel_loop3A_353, %parallel_loop3A_972] : memref<128x128xf32, #tpu.memory_space<vmem>>[vector<16xi32>, vector<16xi32>], vector<16xf32>,
        %parallel_loop3A_974 = arith.constant 80 : i32
        %parallel_loop3A_975 = vector.broadcast %parallel_loop3A_974 : i32 to vector<16xi32>
        %parallel_loop3A_976 = arith.addi %get3A_160, %parallel_loop3A_975 : vector<16xi32>
        %parallel_loop3A_977 = tpu.vector_load_idx %arg11[%parallel_loop3A_353, %parallel_loop3A_976] : memref<128x128xf32, #tpu.memory_space<vmem>>[vector<16xi32>, vector<16xi32>], vector<16xf32>,
        %parallel_loop3A_978 = arith.constant 80 : i32
        %parallel_loop3A_979 = vector.broadcast %parallel_loop3A_978 : i32 to vector<16xi32>
        %parallel_loop3A_980 = arith.addi %get3A_100, %parallel_loop3A_979 : vector<16xi32>
        tpu.vector_store_idx %arg13[%parallel_loop3A_980, %parallel_loop3A_353], %parallel_loop3A_917 : memref<128x128xf32, #tpu.memory_space<vmem>>[vector<16xi32>, vector<16xi32>], vector<16xf32>,
        %parallel_loop3A_981 = arith.constant 80 : i32
        %parallel_loop3A_982 = vector.broadcast %parallel_loop3A_981 : i32 to vector<16xi32>
        %parallel_loop3A_983 = arith.addi %get3A_104, %parallel_loop3A_982 : vector<16xi32>
        tpu.vector_store_idx %arg13[%parallel_loop3A_983, %parallel_loop3A_353], %parallel_loop3A_921 : memref<128x128xf32, #tpu.memory_space<vmem>>[vector<16xi32>, vector<16xi32>], vector<16xf32>,
        %parallel_loop3A_984 = arith.constant 80 : i32
        %parallel_loop3A_985 = vector.broadcast %parallel_loop3A_984 : i32 to vector<16xi32>
        %parallel_loop3A_986 = arith.addi %get3A_108, %parallel_loop3A_985 : vector<16xi32>
        tpu.vector_store_idx %arg13[%parallel_loop3A_986, %parallel_loop3A_353], %parallel_loop3A_925 : memref<128x128xf32, #tpu.memory_space<vmem>>[vector<16xi32>, vector<16xi32>], vector<16xf32>,
        %parallel_loop3A_987 = arith.constant 80 : i32
        %parallel_loop3A_988 = vector.broadcast %parallel_loop3A_987 : i32 to vector<16xi32>
        %parallel_loop3A_989 = arith.addi %get3A_112, %parallel_loop3A_988 : vector<16xi32>
        tpu.vector_store_idx %arg13[%parallel_loop3A_989, %parallel_loop3A_353], %parallel_loop3A_929 : memref<128x128xf32, #tpu.memory_space<vmem>>[vector<16xi32>, vector<16xi32>], vector<16xf32>,
        %parallel_loop3A_990 = arith.constant 80 : i32
        %parallel_loop3A_991 = vector.broadcast %parallel_loop3A_990 : i32 to vector<16xi32>
        %parallel_loop3A_992 = arith.addi %get3A_116, %parallel_loop3A_991 : vector<16xi32>
        tpu.vector_store_idx %arg13[%parallel_loop3A_992, %parallel_loop3A_353], %parallel_loop3A_933 : memref<128x128xf32, #tpu.memory_space<vmem>>[vector<16xi32>, vector<16xi32>], vector<16xf32>,
        %parallel_loop3A_993 = arith.constant 80 : i32
        %parallel_loop3A_994 = vector.broadcast %parallel_loop3A_993 : i32 to vector<16xi32>
        %parallel_loop3A_995 = arith.addi %get3A_120, %parallel_loop3A_994 : vector<16xi32>
        tpu.vector_store_idx %arg13[%parallel_loop3A_995, %parallel_loop3A_353], %parallel_loop3A_937 : memref<128x128xf32, #tpu.memory_space<vmem>>[vector<16xi32>, vector<16xi32>], vector<16xf32>,
        %parallel_loop3A_996 = arith.constant 80 : i32
        %parallel_loop3A_997 = vector.broadcast %parallel_loop3A_996 : i32 to vector<16xi32>
        %parallel_loop3A_998 = arith.addi %get3A_124, %parallel_loop3A_997 : vector<16xi32>
        tpu.vector_store_idx %arg13[%parallel_loop3A_998, %parallel_loop3A_353], %parallel_loop3A_941 : memref<128x128xf32, #tpu.memory_space<vmem>>[vector<16xi32>, vector<16xi32>], vector<16xf32>,
        %parallel_loop3A_999 = arith.constant 80 : i32
        %parallel_loop3A_1000 = vector.broadcast %parallel_loop3A_999 : i32 to vector<16xi32>
        %parallel_loop3A_1001 = arith.addi %get3A_128, %parallel_loop3A_1000 : vector<16xi32>
        tpu.vector_store_idx %arg13[%parallel_loop3A_1001, %parallel_loop3A_353], %parallel_loop3A_945 : memref<128x128xf32, #tpu.memory_space<vmem>>[vector<16xi32>, vector<16xi32>], vector<16xf32>,
        %parallel_loop3A_1002 = arith.constant 80 : i32
        %parallel_loop3A_1003 = vector.broadcast %parallel_loop3A_1002 : i32 to vector<16xi32>
        %parallel_loop3A_1004 = arith.addi %get3A_132, %parallel_loop3A_1003 : vector<16xi32>
        tpu.vector_store_idx %arg13[%parallel_loop3A_1004, %parallel_loop3A_353], %parallel_loop3A_949 : memref<128x128xf32, #tpu.memory_space<vmem>>[vector<16xi32>, vector<16xi32>], vector<16xf32>,
        %parallel_loop3A_1005 = arith.constant 80 : i32
        %parallel_loop3A_1006 = vector.broadcast %parallel_loop3A_1005 : i32 to vector<16xi32>
        %parallel_loop3A_1007 = arith.addi %get3A_136, %parallel_loop3A_1006 : vector<16xi32>
        tpu.vector_store_idx %arg13[%parallel_loop3A_1007, %parallel_loop3A_353], %parallel_loop3A_953 : memref<128x128xf32, #tpu.memory_space<vmem>>[vector<16xi32>, vector<16xi32>], vector<16xf32>,
        %parallel_loop3A_1008 = arith.constant 80 : i32
        %parallel_loop3A_1009 = vector.broadcast %parallel_loop3A_1008 : i32 to vector<16xi32>
        %parallel_loop3A_1010 = arith.addi %get3A_140, %parallel_loop3A_1009 : vector<16xi32>
        tpu.vector_store_idx %arg13[%parallel_loop3A_1010, %parallel_loop3A_353], %parallel_loop3A_957 : memref<128x128xf32, #tpu.memory_space<vmem>>[vector<16xi32>, vector<16xi32>], vector<16xf32>,
        %parallel_loop3A_1011 = arith.constant 80 : i32
        %parallel_loop3A_1012 = vector.broadcast %parallel_loop3A_1011 : i32 to vector<16xi32>
        %parallel_loop3A_1013 = arith.addi %get3A_144, %parallel_loop3A_1012 : vector<16xi32>
        tpu.vector_store_idx %arg13[%parallel_loop3A_1013, %parallel_loop3A_353], %parallel_loop3A_961 : memref<128x128xf32, #tpu.memory_space<vmem>>[vector<16xi32>, vector<16xi32>], vector<16xf32>,
        %parallel_loop3A_1014 = arith.constant 80 : i32
        %parallel_loop3A_1015 = vector.broadcast %parallel_loop3A_1014 : i32 to vector<16xi32>
        %parallel_loop3A_1016 = arith.addi %get3A_148, %parallel_loop3A_1015 : vector<16xi32>
        tpu.vector_store_idx %arg13[%parallel_loop3A_1016, %parallel_loop3A_353], %parallel_loop3A_965 : memref<128x128xf32, #tpu.memory_space<vmem>>[vector<16xi32>, vector<16xi32>], vector<16xf32>,
        %parallel_loop3A_1017 = arith.constant 80 : i32
        %parallel_loop3A_1018 = vector.broadcast %parallel_loop3A_1017 : i32 to vector<16xi32>
        %parallel_loop3A_1019 = arith.addi %get3A_152, %parallel_loop3A_1018 : vector<16xi32>
        tpu.vector_store_idx %arg13[%parallel_loop3A_1019, %parallel_loop3A_353], %parallel_loop3A_969 : memref<128x128xf32, #tpu.memory_space<vmem>>[vector<16xi32>, vector<16xi32>], vector<16xf32>,
        %parallel_loop3A_1020 = arith.constant 80 : i32
        %parallel_loop3A_1021 = vector.broadcast %parallel_loop3A_1020 : i32 to vector<16xi32>
        %parallel_loop3A_1022 = arith.addi %get3A_156, %parallel_loop3A_1021 : vector<16xi32>
        tpu.vector_store_idx %arg13[%parallel_loop3A_1022, %parallel_loop3A_353], %parallel_loop3A_973 : memref<128x128xf32, #tpu.memory_space<vmem>>[vector<16xi32>, vector<16xi32>], vector<16xf32>,
        %parallel_loop3A_1023 = arith.constant 80 : i32
        %parallel_loop3A_1024 = vector.broadcast %parallel_loop3A_1023 : i32 to vector<16xi32>
        %parallel_loop3A_1025 = arith.addi %get3A_160, %parallel_loop3A_1024 : vector<16xi32>
        tpu.vector_store_idx %arg13[%parallel_loop3A_1025, %parallel_loop3A_353], %parallel_loop3A_977 : memref<128x128xf32, #tpu.memory_space<vmem>>[vector<16xi32>, vector<16xi32>], vector<16xf32>,
        %parallel_loop3A_1026 = arith.constant 96 : i32
        %parallel_loop3A_1027 = vector.broadcast %parallel_loop3A_1026 : i32 to vector<16xi32>
        %parallel_loop3A_1028 = arith.addi %get3A_100, %parallel_loop3A_1027 : vector<16xi32>
        %parallel_loop3A_1029 = tpu.vector_load_idx %arg11[%parallel_loop3A_353, %parallel_loop3A_1028] : memref<128x128xf32, #tpu.memory_space<vmem>>[vector<16xi32>, vector<16xi32>], vector<16xf32>,
        %parallel_loop3A_1030 = arith.constant 96 : i32
        %parallel_loop3A_1031 = vector.broadcast %parallel_loop3A_1030 : i32 to vector<16xi32>
        %parallel_loop3A_1032 = arith.addi %get3A_104, %parallel_loop3A_1031 : vector<16xi32>
        %parallel_loop3A_1033 = tpu.vector_load_idx %arg11[%parallel_loop3A_353, %parallel_loop3A_1032] : memref<128x128xf32, #tpu.memory_space<vmem>>[vector<16xi32>, vector<16xi32>], vector<16xf32>,
        %parallel_loop3A_1034 = arith.constant 96 : i32
        %parallel_loop3A_1035 = vector.broadcast %parallel_loop3A_1034 : i32 to vector<16xi32>
        %parallel_loop3A_1036 = arith.addi %get3A_108, %parallel_loop3A_1035 : vector<16xi32>
        %parallel_loop3A_1037 = tpu.vector_load_idx %arg11[%parallel_loop3A_353, %parallel_loop3A_1036] : memref<128x128xf32, #tpu.memory_space<vmem>>[vector<16xi32>, vector<16xi32>], vector<16xf32>,
        %parallel_loop3A_1038 = arith.constant 96 : i32
        %parallel_loop3A_1039 = vector.broadcast %parallel_loop3A_1038 : i32 to vector<16xi32>
        %parallel_loop3A_1040 = arith.addi %get3A_112, %parallel_loop3A_1039 : vector<16xi32>
        %parallel_loop3A_1041 = tpu.vector_load_idx %arg11[%parallel_loop3A_353, %parallel_loop3A_1040] : memref<128x128xf32, #tpu.memory_space<vmem>>[vector<16xi32>, vector<16xi32>], vector<16xf32>,
        %parallel_loop3A_1042 = arith.constant 96 : i32
        %parallel_loop3A_1043 = vector.broadcast %parallel_loop3A_1042 : i32 to vector<16xi32>
        %parallel_loop3A_1044 = arith.addi %get3A_116, %parallel_loop3A_1043 : vector<16xi32>
        %parallel_loop3A_1045 = tpu.vector_load_idx %arg11[%parallel_loop3A_353, %parallel_loop3A_1044] : memref<128x128xf32, #tpu.memory_space<vmem>>[vector<16xi32>, vector<16xi32>], vector<16xf32>,
        %parallel_loop3A_1046 = arith.constant 96 : i32
        %parallel_loop3A_1047 = vector.broadcast %parallel_loop3A_1046 : i32 to vector<16xi32>
        %parallel_loop3A_1048 = arith.addi %get3A_120, %parallel_loop3A_1047 : vector<16xi32>
        %parallel_loop3A_1049 = tpu.vector_load_idx %arg11[%parallel_loop3A_353, %parallel_loop3A_1048] : memref<128x128xf32, #tpu.memory_space<vmem>>[vector<16xi32>, vector<16xi32>], vector<16xf32>,
        %parallel_loop3A_1050 = arith.constant 96 : i32
        %parallel_loop3A_1051 = vector.broadcast %parallel_loop3A_1050 : i32 to vector<16xi32>
        %parallel_loop3A_1052 = arith.addi %get3A_124, %parallel_loop3A_1051 : vector<16xi32>
        %parallel_loop3A_1053 = tpu.vector_load_idx %arg11[%parallel_loop3A_353, %parallel_loop3A_1052] : memref<128x128xf32, #tpu.memory_space<vmem>>[vector<16xi32>, vector<16xi32>], vector<16xf32>,
        %parallel_loop3A_1054 = arith.constant 96 : i32
        %parallel_loop3A_1055 = vector.broadcast %parallel_loop3A_1054 : i32 to vector<16xi32>
        %parallel_loop3A_1056 = arith.addi %get3A_128, %parallel_loop3A_1055 : vector<16xi32>
        %parallel_loop3A_1057 = tpu.vector_load_idx %arg11[%parallel_loop3A_353, %parallel_loop3A_1056] : memref<128x128xf32, #tpu.memory_space<vmem>>[vector<16xi32>, vector<16xi32>], vector<16xf32>,
        %parallel_loop3A_1058 = arith.constant 96 : i32
        %parallel_loop3A_1059 = vector.broadcast %parallel_loop3A_1058 : i32 to vector<16xi32>
        %parallel_loop3A_1060 = arith.addi %get3A_132, %parallel_loop3A_1059 : vector<16xi32>
        %parallel_loop3A_1061 = tpu.vector_load_idx %arg11[%parallel_loop3A_353, %parallel_loop3A_1060] : memref<128x128xf32, #tpu.memory_space<vmem>>[vector<16xi32>, vector<16xi32>], vector<16xf32>,
        %parallel_loop3A_1062 = arith.constant 96 : i32
        %parallel_loop3A_1063 = vector.broadcast %parallel_loop3A_1062 : i32 to vector<16xi32>
        %parallel_loop3A_1064 = arith.addi %get3A_136, %parallel_loop3A_1063 : vector<16xi32>
        %parallel_loop3A_1065 = tpu.vector_load_idx %arg11[%parallel_loop3A_353, %parallel_loop3A_1064] : memref<128x128xf32, #tpu.memory_space<vmem>>[vector<16xi32>, vector<16xi32>], vector<16xf32>,
        %parallel_loop3A_1066 = arith.constant 96 : i32
        %parallel_loop3A_1067 = vector.broadcast %parallel_loop3A_1066 : i32 to vector<16xi32>
        %parallel_loop3A_1068 = arith.addi %get3A_140, %parallel_loop3A_1067 : vector<16xi32>
        %parallel_loop3A_1069 = tpu.vector_load_idx %arg11[%parallel_loop3A_353, %parallel_loop3A_1068] : memref<128x128xf32, #tpu.memory_space<vmem>>[vector<16xi32>, vector<16xi32>], vector<16xf32>,
        %parallel_loop3A_1070 = arith.constant 96 : i32
        %parallel_loop3A_1071 = vector.broadcast %parallel_loop3A_1070 : i32 to vector<16xi32>
        %parallel_loop3A_1072 = arith.addi %get3A_144, %parallel_loop3A_1071 : vector<16xi32>
        %parallel_loop3A_1073 = tpu.vector_load_idx %arg11[%parallel_loop3A_353, %parallel_loop3A_1072] : memref<128x128xf32, #tpu.memory_space<vmem>>[vector<16xi32>, vector<16xi32>], vector<16xf32>,
        %parallel_loop3A_1074 = arith.constant 96 : i32
        %parallel_loop3A_1075 = vector.broadcast %parallel_loop3A_1074 : i32 to vector<16xi32>
        %parallel_loop3A_1076 = arith.addi %get3A_148, %parallel_loop3A_1075 : vector<16xi32>
        %parallel_loop3A_1077 = tpu.vector_load_idx %arg11[%parallel_loop3A_353, %parallel_loop3A_1076] : memref<128x128xf32, #tpu.memory_space<vmem>>[vector<16xi32>, vector<16xi32>], vector<16xf32>,
        %parallel_loop3A_1078 = arith.constant 96 : i32
        %parallel_loop3A_1079 = vector.broadcast %parallel_loop3A_1078 : i32 to vector<16xi32>
        %parallel_loop3A_1080 = arith.addi %get3A_152, %parallel_loop3A_1079 : vector<16xi32>
        %parallel_loop3A_1081 = tpu.vector_load_idx %arg11[%parallel_loop3A_353, %parallel_loop3A_1080] : memref<128x128xf32, #tpu.memory_space<vmem>>[vector<16xi32>, vector<16xi32>], vector<16xf32>,
        %parallel_loop3A_1082 = arith.constant 96 : i32
        %parallel_loop3A_1083 = vector.broadcast %parallel_loop3A_1082 : i32 to vector<16xi32>
        %parallel_loop3A_1084 = arith.addi %get3A_156, %parallel_loop3A_1083 : vector<16xi32>
        %parallel_loop3A_1085 = tpu.vector_load_idx %arg11[%parallel_loop3A_353, %parallel_loop3A_1084] : memref<128x128xf32, #tpu.memory_space<vmem>>[vector<16xi32>, vector<16xi32>], vector<16xf32>,
        %parallel_loop3A_1086 = arith.constant 96 : i32
        %parallel_loop3A_1087 = vector.broadcast %parallel_loop3A_1086 : i32 to vector<16xi32>
        %parallel_loop3A_1088 = arith.addi %get3A_160, %parallel_loop3A_1087 : vector<16xi32>
        %parallel_loop3A_1089 = tpu.vector_load_idx %arg11[%parallel_loop3A_353, %parallel_loop3A_1088] : memref<128x128xf32, #tpu.memory_space<vmem>>[vector<16xi32>, vector<16xi32>], vector<16xf32>,
        %parallel_loop3A_1090 = arith.constant 96 : i32
        %parallel_loop3A_1091 = vector.broadcast %parallel_loop3A_1090 : i32 to vector<16xi32>
        %parallel_loop3A_1092 = arith.addi %get3A_100, %parallel_loop3A_1091 : vector<16xi32>
        tpu.vector_store_idx %arg13[%parallel_loop3A_1092, %parallel_loop3A_353], %parallel_loop3A_1029 : memref<128x128xf32, #tpu.memory_space<vmem>>[vector<16xi32>, vector<16xi32>], vector<16xf32>,
        %parallel_loop3A_1093 = arith.constant 96 : i32
        %parallel_loop3A_1094 = vector.broadcast %parallel_loop3A_1093 : i32 to vector<16xi32>
        %parallel_loop3A_1095 = arith.addi %get3A_104, %parallel_loop3A_1094 : vector<16xi32>
        tpu.vector_store_idx %arg13[%parallel_loop3A_1095, %parallel_loop3A_353], %parallel_loop3A_1033 : memref<128x128xf32, #tpu.memory_space<vmem>>[vector<16xi32>, vector<16xi32>], vector<16xf32>,
        %parallel_loop3A_1096 = arith.constant 96 : i32
        %parallel_loop3A_1097 = vector.broadcast %parallel_loop3A_1096 : i32 to vector<16xi32>
        %parallel_loop3A_1098 = arith.addi %get3A_108, %parallel_loop3A_1097 : vector<16xi32>
        tpu.vector_store_idx %arg13[%parallel_loop3A_1098, %parallel_loop3A_353], %parallel_loop3A_1037 : memref<128x128xf32, #tpu.memory_space<vmem>>[vector<16xi32>, vector<16xi32>], vector<16xf32>,
        %parallel_loop3A_1099 = arith.constant 96 : i32
        %parallel_loop3A_1100 = vector.broadcast %parallel_loop3A_1099 : i32 to vector<16xi32>
        %parallel_loop3A_1101 = arith.addi %get3A_112, %parallel_loop3A_1100 : vector<16xi32>
        tpu.vector_store_idx %arg13[%parallel_loop3A_1101, %parallel_loop3A_353], %parallel_loop3A_1041 : memref<128x128xf32, #tpu.memory_space<vmem>>[vector<16xi32>, vector<16xi32>], vector<16xf32>,
        %parallel_loop3A_1102 = arith.constant 96 : i32
        %parallel_loop3A_1103 = vector.broadcast %parallel_loop3A_1102 : i32 to vector<16xi32>
        %parallel_loop3A_1104 = arith.addi %get3A_116, %parallel_loop3A_1103 : vector<16xi32>
        tpu.vector_store_idx %arg13[%parallel_loop3A_1104, %parallel_loop3A_353], %parallel_loop3A_1045 : memref<128x128xf32, #tpu.memory_space<vmem>>[vector<16xi32>, vector<16xi32>], vector<16xf32>,
        %parallel_loop3A_1105 = arith.constant 96 : i32
        %parallel_loop3A_1106 = vector.broadcast %parallel_loop3A_1105 : i32 to vector<16xi32>
        %parallel_loop3A_1107 = arith.addi %get3A_120, %parallel_loop3A_1106 : vector<16xi32>
        tpu.vector_store_idx %arg13[%parallel_loop3A_1107, %parallel_loop3A_353], %parallel_loop3A_1049 : memref<128x128xf32, #tpu.memory_space<vmem>>[vector<16xi32>, vector<16xi32>], vector<16xf32>,
        %parallel_loop3A_1108 = arith.constant 96 : i32
        %parallel_loop3A_1109 = vector.broadcast %parallel_loop3A_1108 : i32 to vector<16xi32>
        %parallel_loop3A_1110 = arith.addi %get3A_124, %parallel_loop3A_1109 : vector<16xi32>
        tpu.vector_store_idx %arg13[%parallel_loop3A_1110, %parallel_loop3A_353], %parallel_loop3A_1053 : memref<128x128xf32, #tpu.memory_space<vmem>>[vector<16xi32>, vector<16xi32>], vector<16xf32>,
        %parallel_loop3A_1111 = arith.constant 96 : i32
        %parallel_loop3A_1112 = vector.broadcast %parallel_loop3A_1111 : i32 to vector<16xi32>
        %parallel_loop3A_1113 = arith.addi %get3A_128, %parallel_loop3A_1112 : vector<16xi32>
        tpu.vector_store_idx %arg13[%parallel_loop3A_1113, %parallel_loop3A_353], %parallel_loop3A_1057 : memref<128x128xf32, #tpu.memory_space<vmem>>[vector<16xi32>, vector<16xi32>], vector<16xf32>,
        %parallel_loop3A_1114 = arith.constant 96 : i32
        %parallel_loop3A_1115 = vector.broadcast %parallel_loop3A_1114 : i32 to vector<16xi32>
        %parallel_loop3A_1116 = arith.addi %get3A_132, %parallel_loop3A_1115 : vector<16xi32>
        tpu.vector_store_idx %arg13[%parallel_loop3A_1116, %parallel_loop3A_353], %parallel_loop3A_1061 : memref<128x128xf32, #tpu.memory_space<vmem>>[vector<16xi32>, vector<16xi32>], vector<16xf32>,
        %parallel_loop3A_1117 = arith.constant 96 : i32
        %parallel_loop3A_1118 = vector.broadcast %parallel_loop3A_1117 : i32 to vector<16xi32>
        %parallel_loop3A_1119 = arith.addi %get3A_136, %parallel_loop3A_1118 : vector<16xi32>
        tpu.vector_store_idx %arg13[%parallel_loop3A_1119, %parallel_loop3A_353], %parallel_loop3A_1065 : memref<128x128xf32, #tpu.memory_space<vmem>>[vector<16xi32>, vector<16xi32>], vector<16xf32>,
        %parallel_loop3A_1120 = arith.constant 96 : i32
        %parallel_loop3A_1121 = vector.broadcast %parallel_loop3A_1120 : i32 to vector<16xi32>
        %parallel_loop3A_1122 = arith.addi %get3A_140, %parallel_loop3A_1121 : vector<16xi32>
        tpu.vector_store_idx %arg13[%parallel_loop3A_1122, %parallel_loop3A_353], %parallel_loop3A_1069 : memref<128x128xf32, #tpu.memory_space<vmem>>[vector<16xi32>, vector<16xi32>], vector<16xf32>,
        %parallel_loop3A_1123 = arith.constant 96 : i32
        %parallel_loop3A_1124 = vector.broadcast %parallel_loop3A_1123 : i32 to vector<16xi32>
        %parallel_loop3A_1125 = arith.addi %get3A_144, %parallel_loop3A_1124 : vector<16xi32>
        tpu.vector_store_idx %arg13[%parallel_loop3A_1125, %parallel_loop3A_353], %parallel_loop3A_1073 : memref<128x128xf32, #tpu.memory_space<vmem>>[vector<16xi32>, vector<16xi32>], vector<16xf32>,
        %parallel_loop3A_1126 = arith.constant 96 : i32
        %parallel_loop3A_1127 = vector.broadcast %parallel_loop3A_1126 : i32 to vector<16xi32>
        %parallel_loop3A_1128 = arith.addi %get3A_148, %parallel_loop3A_1127 : vector<16xi32>
        tpu.vector_store_idx %arg13[%parallel_loop3A_1128, %parallel_loop3A_353], %parallel_loop3A_1077 : memref<128x128xf32, #tpu.memory_space<vmem>>[vector<16xi32>, vector<16xi32>], vector<16xf32>,
        %parallel_loop3A_1129 = arith.constant 96 : i32
        %parallel_loop3A_1130 = vector.broadcast %parallel_loop3A_1129 : i32 to vector<16xi32>
        %parallel_loop3A_1131 = arith.addi %get3A_152, %parallel_loop3A_1130 : vector<16xi32>
        tpu.vector_store_idx %arg13[%parallel_loop3A_1131, %parallel_loop3A_353], %parallel_loop3A_1081 : memref<128x128xf32, #tpu.memory_space<vmem>>[vector<16xi32>, vector<16xi32>], vector<16xf32>,
        %parallel_loop3A_1132 = arith.constant 96 : i32
        %parallel_loop3A_1133 = vector.broadcast %parallel_loop3A_1132 : i32 to vector<16xi32>
        %parallel_loop3A_1134 = arith.addi %get3A_156, %parallel_loop3A_1133 : vector<16xi32>
        tpu.vector_store_idx %arg13[%parallel_loop3A_1134, %parallel_loop3A_353], %parallel_loop3A_1085 : memref<128x128xf32, #tpu.memory_space<vmem>>[vector<16xi32>, vector<16xi32>], vector<16xf32>,
        %parallel_loop3A_1135 = arith.constant 96 : i32
        %parallel_loop3A_1136 = vector.broadcast %parallel_loop3A_1135 : i32 to vector<16xi32>
        %parallel_loop3A_1137 = arith.addi %get3A_160, %parallel_loop3A_1136 : vector<16xi32>
        tpu.vector_store_idx %arg13[%parallel_loop3A_1137, %parallel_loop3A_353], %parallel_loop3A_1089 : memref<128x128xf32, #tpu.memory_space<vmem>>[vector<16xi32>, vector<16xi32>], vector<16xf32>,
        %parallel_loop3A_1138 = arith.constant 112 : i32
        %parallel_loop3A_1139 = vector.broadcast %parallel_loop3A_1138 : i32 to vector<16xi32>
        %parallel_loop3A_1140 = arith.addi %get3A_100, %parallel_loop3A_1139 : vector<16xi32>
        %parallel_loop3A_1141 = tpu.vector_load_idx %arg11[%parallel_loop3A_353, %parallel_loop3A_1140] : memref<128x128xf32, #tpu.memory_space<vmem>>[vector<16xi32>, vector<16xi32>], vector<16xf32>,
        %parallel_loop3A_1142 = arith.constant 112 : i32
        %parallel_loop3A_1143 = vector.broadcast %parallel_loop3A_1142 : i32 to vector<16xi32>
        %parallel_loop3A_1144 = arith.addi %get3A_104, %parallel_loop3A_1143 : vector<16xi32>
        %parallel_loop3A_1145 = tpu.vector_load_idx %arg11[%parallel_loop3A_353, %parallel_loop3A_1144] : memref<128x128xf32, #tpu.memory_space<vmem>>[vector<16xi32>, vector<16xi32>], vector<16xf32>,
        %parallel_loop3A_1146 = arith.constant 112 : i32
        %parallel_loop3A_1147 = vector.broadcast %parallel_loop3A_1146 : i32 to vector<16xi32>
        %parallel_loop3A_1148 = arith.addi %get3A_108, %parallel_loop3A_1147 : vector<16xi32>
        %parallel_loop3A_1149 = tpu.vector_load_idx %arg11[%parallel_loop3A_353, %parallel_loop3A_1148] : memref<128x128xf32, #tpu.memory_space<vmem>>[vector<16xi32>, vector<16xi32>], vector<16xf32>,
        %parallel_loop3A_1150 = arith.constant 112 : i32
        %parallel_loop3A_1151 = vector.broadcast %parallel_loop3A_1150 : i32 to vector<16xi32>
        %parallel_loop3A_1152 = arith.addi %get3A_112, %parallel_loop3A_1151 : vector<16xi32>
        %parallel_loop3A_1153 = tpu.vector_load_idx %arg11[%parallel_loop3A_353, %parallel_loop3A_1152] : memref<128x128xf32, #tpu.memory_space<vmem>>[vector<16xi32>, vector<16xi32>], vector<16xf32>,
        %parallel_loop3A_1154 = arith.constant 112 : i32
        %parallel_loop3A_1155 = vector.broadcast %parallel_loop3A_1154 : i32 to vector<16xi32>
        %parallel_loop3A_1156 = arith.addi %get3A_116, %parallel_loop3A_1155 : vector<16xi32>
        %parallel_loop3A_1157 = tpu.vector_load_idx %arg11[%parallel_loop3A_353, %parallel_loop3A_1156] : memref<128x128xf32, #tpu.memory_space<vmem>>[vector<16xi32>, vector<16xi32>], vector<16xf32>,
        %parallel_loop3A_1158 = arith.constant 112 : i32
        %parallel_loop3A_1159 = vector.broadcast %parallel_loop3A_1158 : i32 to vector<16xi32>
        %parallel_loop3A_1160 = arith.addi %get3A_120, %parallel_loop3A_1159 : vector<16xi32>
        %parallel_loop3A_1161 = tpu.vector_load_idx %arg11[%parallel_loop3A_353, %parallel_loop3A_1160] : memref<128x128xf32, #tpu.memory_space<vmem>>[vector<16xi32>, vector<16xi32>], vector<16xf32>,
        %parallel_loop3A_1162 = arith.constant 112 : i32
        %parallel_loop3A_1163 = vector.broadcast %parallel_loop3A_1162 : i32 to vector<16xi32>
        %parallel_loop3A_1164 = arith.addi %get3A_124, %parallel_loop3A_1163 : vector<16xi32>
        %parallel_loop3A_1165 = tpu.vector_load_idx %arg11[%parallel_loop3A_353, %parallel_loop3A_1164] : memref<128x128xf32, #tpu.memory_space<vmem>>[vector<16xi32>, vector<16xi32>], vector<16xf32>,
        %parallel_loop3A_1166 = arith.constant 112 : i32
        %parallel_loop3A_1167 = vector.broadcast %parallel_loop3A_1166 : i32 to vector<16xi32>
        %parallel_loop3A_1168 = arith.addi %get3A_128, %parallel_loop3A_1167 : vector<16xi32>
        %parallel_loop3A_1169 = tpu.vector_load_idx %arg11[%parallel_loop3A_353, %parallel_loop3A_1168] : memref<128x128xf32, #tpu.memory_space<vmem>>[vector<16xi32>, vector<16xi32>], vector<16xf32>,
        %parallel_loop3A_1170 = arith.constant 112 : i32
        %parallel_loop3A_1171 = vector.broadcast %parallel_loop3A_1170 : i32 to vector<16xi32>
        %parallel_loop3A_1172 = arith.addi %get3A_132, %parallel_loop3A_1171 : vector<16xi32>
        %parallel_loop3A_1173 = tpu.vector_load_idx %arg11[%parallel_loop3A_353, %parallel_loop3A_1172] : memref<128x128xf32, #tpu.memory_space<vmem>>[vector<16xi32>, vector<16xi32>], vector<16xf32>,
        %parallel_loop3A_1174 = arith.constant 112 : i32
        %parallel_loop3A_1175 = vector.broadcast %parallel_loop3A_1174 : i32 to vector<16xi32>
        %parallel_loop3A_1176 = arith.addi %get3A_136, %parallel_loop3A_1175 : vector<16xi32>
        %parallel_loop3A_1177 = tpu.vector_load_idx %arg11[%parallel_loop3A_353, %parallel_loop3A_1176] : memref<128x128xf32, #tpu.memory_space<vmem>>[vector<16xi32>, vector<16xi32>], vector<16xf32>,
        %parallel_loop3A_1178 = arith.constant 112 : i32
        %parallel_loop3A_1179 = vector.broadcast %parallel_loop3A_1178 : i32 to vector<16xi32>
        %parallel_loop3A_1180 = arith.addi %get3A_140, %parallel_loop3A_1179 : vector<16xi32>
        %parallel_loop3A_1181 = tpu.vector_load_idx %arg11[%parallel_loop3A_353, %parallel_loop3A_1180] : memref<128x128xf32, #tpu.memory_space<vmem>>[vector<16xi32>, vector<16xi32>], vector<16xf32>,
        %parallel_loop3A_1182 = arith.constant 112 : i32
        %parallel_loop3A_1183 = vector.broadcast %parallel_loop3A_1182 : i32 to vector<16xi32>
        %parallel_loop3A_1184 = arith.addi %get3A_144, %parallel_loop3A_1183 : vector<16xi32>
        %parallel_loop3A_1185 = tpu.vector_load_idx %arg11[%parallel_loop3A_353, %parallel_loop3A_1184] : memref<128x128xf32, #tpu.memory_space<vmem>>[vector<16xi32>, vector<16xi32>], vector<16xf32>,
        %parallel_loop3A_1186 = arith.constant 112 : i32
        %parallel_loop3A_1187 = vector.broadcast %parallel_loop3A_1186 : i32 to vector<16xi32>
        %parallel_loop3A_1188 = arith.addi %get3A_148, %parallel_loop3A_1187 : vector<16xi32>
        %parallel_loop3A_1189 = tpu.vector_load_idx %arg11[%parallel_loop3A_353, %parallel_loop3A_1188] : memref<128x128xf32, #tpu.memory_space<vmem>>[vector<16xi32>, vector<16xi32>], vector<16xf32>,
        %parallel_loop3A_1190 = arith.constant 112 : i32
        %parallel_loop3A_1191 = vector.broadcast %parallel_loop3A_1190 : i32 to vector<16xi32>
        %parallel_loop3A_1192 = arith.addi %get3A_152, %parallel_loop3A_1191 : vector<16xi32>
        %parallel_loop3A_1193 = tpu.vector_load_idx %arg11[%parallel_loop3A_353, %parallel_loop3A_1192] : memref<128x128xf32, #tpu.memory_space<vmem>>[vector<16xi32>, vector<16xi32>], vector<16xf32>,
        %parallel_loop3A_1194 = arith.constant 112 : i32
        %parallel_loop3A_1195 = vector.broadcast %parallel_loop3A_1194 : i32 to vector<16xi32>
        %parallel_loop3A_1196 = arith.addi %get3A_156, %parallel_loop3A_1195 : vector<16xi32>
        %parallel_loop3A_1197 = tpu.vector_load_idx %arg11[%parallel_loop3A_353, %parallel_loop3A_1196] : memref<128x128xf32, #tpu.memory_space<vmem>>[vector<16xi32>, vector<16xi32>], vector<16xf32>,
        %parallel_loop3A_1198 = arith.constant 112 : i32
        %parallel_loop3A_1199 = vector.broadcast %parallel_loop3A_1198 : i32 to vector<16xi32>
        %parallel_loop3A_1200 = arith.addi %get3A_160, %parallel_loop3A_1199 : vector<16xi32>
        %parallel_loop3A_1201 = tpu.vector_load_idx %arg11[%parallel_loop3A_353, %parallel_loop3A_1200] : memref<128x128xf32, #tpu.memory_space<vmem>>[vector<16xi32>, vector<16xi32>], vector<16xf32>,
        %parallel_loop3A_1202 = arith.constant 112 : i32
        %parallel_loop3A_1203 = vector.broadcast %parallel_loop3A_1202 : i32 to vector<16xi32>
        %parallel_loop3A_1204 = arith.addi %get3A_100, %parallel_loop3A_1203 : vector<16xi32>
        tpu.vector_store_idx %arg13[%parallel_loop3A_1204, %parallel_loop3A_353], %parallel_loop3A_1141 : memref<128x128xf32, #tpu.memory_space<vmem>>[vector<16xi32>, vector<16xi32>], vector<16xf32>,
        %parallel_loop3A_1205 = arith.constant 112 : i32
        %parallel_loop3A_1206 = vector.broadcast %parallel_loop3A_1205 : i32 to vector<16xi32>
        %parallel_loop3A_1207 = arith.addi %get3A_104, %parallel_loop3A_1206 : vector<16xi32>
        tpu.vector_store_idx %arg13[%parallel_loop3A_1207, %parallel_loop3A_353], %parallel_loop3A_1145 : memref<128x128xf32, #tpu.memory_space<vmem>>[vector<16xi32>, vector<16xi32>], vector<16xf32>,
        %parallel_loop3A_1208 = arith.constant 112 : i32
        %parallel_loop3A_1209 = vector.broadcast %parallel_loop3A_1208 : i32 to vector<16xi32>
        %parallel_loop3A_1210 = arith.addi %get3A_108, %parallel_loop3A_1209 : vector<16xi32>
        tpu.vector_store_idx %arg13[%parallel_loop3A_1210, %parallel_loop3A_353], %parallel_loop3A_1149 : memref<128x128xf32, #tpu.memory_space<vmem>>[vector<16xi32>, vector<16xi32>], vector<16xf32>,
        %parallel_loop3A_1211 = arith.constant 112 : i32
        %parallel_loop3A_1212 = vector.broadcast %parallel_loop3A_1211 : i32 to vector<16xi32>
        %parallel_loop3A_1213 = arith.addi %get3A_112, %parallel_loop3A_1212 : vector<16xi32>
        tpu.vector_store_idx %arg13[%parallel_loop3A_1213, %parallel_loop3A_353], %parallel_loop3A_1153 : memref<128x128xf32, #tpu.memory_space<vmem>>[vector<16xi32>, vector<16xi32>], vector<16xf32>,
        %parallel_loop3A_1214 = arith.constant 112 : i32
        %parallel_loop3A_1215 = vector.broadcast %parallel_loop3A_1214 : i32 to vector<16xi32>
        %parallel_loop3A_1216 = arith.addi %get3A_116, %parallel_loop3A_1215 : vector<16xi32>
        tpu.vector_store_idx %arg13[%parallel_loop3A_1216, %parallel_loop3A_353], %parallel_loop3A_1157 : memref<128x128xf32, #tpu.memory_space<vmem>>[vector<16xi32>, vector<16xi32>], vector<16xf32>,
        %parallel_loop3A_1217 = arith.constant 112 : i32
        %parallel_loop3A_1218 = vector.broadcast %parallel_loop3A_1217 : i32 to vector<16xi32>
        %parallel_loop3A_1219 = arith.addi %get3A_120, %parallel_loop3A_1218 : vector<16xi32>
        tpu.vector_store_idx %arg13[%parallel_loop3A_1219, %parallel_loop3A_353], %parallel_loop3A_1161 : memref<128x128xf32, #tpu.memory_space<vmem>>[vector<16xi32>, vector<16xi32>], vector<16xf32>,
        %parallel_loop3A_1220 = arith.constant 112 : i32
        %parallel_loop3A_1221 = vector.broadcast %parallel_loop3A_1220 : i32 to vector<16xi32>
        %parallel_loop3A_1222 = arith.addi %get3A_124, %parallel_loop3A_1221 : vector<16xi32>
        tpu.vector_store_idx %arg13[%parallel_loop3A_1222, %parallel_loop3A_353], %parallel_loop3A_1165 : memref<128x128xf32, #tpu.memory_space<vmem>>[vector<16xi32>, vector<16xi32>], vector<16xf32>,
        %parallel_loop3A_1223 = arith.constant 112 : i32
        %parallel_loop3A_1224 = vector.broadcast %parallel_loop3A_1223 : i32 to vector<16xi32>
        %parallel_loop3A_1225 = arith.addi %get3A_128, %parallel_loop3A_1224 : vector<16xi32>
        tpu.vector_store_idx %arg13[%parallel_loop3A_1225, %parallel_loop3A_353], %parallel_loop3A_1169 : memref<128x128xf32, #tpu.memory_space<vmem>>[vector<16xi32>, vector<16xi32>], vector<16xf32>,
        %parallel_loop3A_1226 = arith.constant 112 : i32
        %parallel_loop3A_1227 = vector.broadcast %parallel_loop3A_1226 : i32 to vector<16xi32>
        %parallel_loop3A_1228 = arith.addi %get3A_132, %parallel_loop3A_1227 : vector<16xi32>
        tpu.vector_store_idx %arg13[%parallel_loop3A_1228, %parallel_loop3A_353], %parallel_loop3A_1173 : memref<128x128xf32, #tpu.memory_space<vmem>>[vector<16xi32>, vector<16xi32>], vector<16xf32>,
        %parallel_loop3A_1229 = arith.constant 112 : i32
        %parallel_loop3A_1230 = vector.broadcast %parallel_loop3A_1229 : i32 to vector<16xi32>
        %parallel_loop3A_1231 = arith.addi %get3A_136, %parallel_loop3A_1230 : vector<16xi32>
        tpu.vector_store_idx %arg13[%parallel_loop3A_1231, %parallel_loop3A_353], %parallel_loop3A_1177 : memref<128x128xf32, #tpu.memory_space<vmem>>[vector<16xi32>, vector<16xi32>], vector<16xf32>,
        %parallel_loop3A_1232 = arith.constant 112 : i32
        %parallel_loop3A_1233 = vector.broadcast %parallel_loop3A_1232 : i32 to vector<16xi32>
        %parallel_loop3A_1234 = arith.addi %get3A_140, %parallel_loop3A_1233 : vector<16xi32>
        tpu.vector_store_idx %arg13[%parallel_loop3A_1234, %parallel_loop3A_353], %parallel_loop3A_1181 : memref<128x128xf32, #tpu.memory_space<vmem>>[vector<16xi32>, vector<16xi32>], vector<16xf32>,
        %parallel_loop3A_1235 = arith.constant 112 : i32
        %parallel_loop3A_1236 = vector.broadcast %parallel_loop3A_1235 : i32 to vector<16xi32>
        %parallel_loop3A_1237 = arith.addi %get3A_144, %parallel_loop3A_1236 : vector<16xi32>
        tpu.vector_store_idx %arg13[%parallel_loop3A_1237, %parallel_loop3A_353], %parallel_loop3A_1185 : memref<128x128xf32, #tpu.memory_space<vmem>>[vector<16xi32>, vector<16xi32>], vector<16xf32>,
        %parallel_loop3A_1238 = arith.constant 112 : i32
        %parallel_loop3A_1239 = vector.broadcast %parallel_loop3A_1238 : i32 to vector<16xi32>
        %parallel_loop3A_1240 = arith.addi %get3A_148, %parallel_loop3A_1239 : vector<16xi32>
        tpu.vector_store_idx %arg13[%parallel_loop3A_1240, %parallel_loop3A_353], %parallel_loop3A_1189 : memref<128x128xf32, #tpu.memory_space<vmem>>[vector<16xi32>, vector<16xi32>], vector<16xf32>,
        %parallel_loop3A_1241 = arith.constant 112 : i32
        %parallel_loop3A_1242 = vector.broadcast %parallel_loop3A_1241 : i32 to vector<16xi32>
        %parallel_loop3A_1243 = arith.addi %get3A_152, %parallel_loop3A_1242 : vector<16xi32>
        tpu.vector_store_idx %arg13[%parallel_loop3A_1243, %parallel_loop3A_353], %parallel_loop3A_1193 : memref<128x128xf32, #tpu.memory_space<vmem>>[vector<16xi32>, vector<16xi32>], vector<16xf32>,
        %parallel_loop3A_1244 = arith.constant 112 : i32
        %parallel_loop3A_1245 = vector.broadcast %parallel_loop3A_1244 : i32 to vector<16xi32>
        %parallel_loop3A_1246 = arith.addi %get3A_156, %parallel_loop3A_1245 : vector<16xi32>
        tpu.vector_store_idx %arg13[%parallel_loop3A_1246, %parallel_loop3A_353], %parallel_loop3A_1197 : memref<128x128xf32, #tpu.memory_space<vmem>>[vector<16xi32>, vector<16xi32>], vector<16xf32>,
        %parallel_loop3A_1247 = arith.constant 112 : i32
        %parallel_loop3A_1248 = vector.broadcast %parallel_loop3A_1247 : i32 to vector<16xi32>
        %parallel_loop3A_1249 = arith.addi %get3A_160, %parallel_loop3A_1248 : vector<16xi32>
        tpu.vector_store_idx %arg13[%parallel_loop3A_1249, %parallel_loop3A_353], %parallel_loop3A_1201 : memref<128x128xf32, #tpu.memory_space<vmem>>[vector<16xi32>, vector<16xi32>], vector<16xf32>,
      } {sc.loop_unroll_factor = 2 : i64, sc.parallel_access}
      %jit3A_163 = arith.constant 16 : i32
      %div3A_164 = arith.divsi %add3A_63, %jit3A_163 : i32
      %sign3A_165 = arith.constant 0 : i32
      %sign3A_166 = arith.cmpi sgt, %add3A_63, %sign3A_165 : i32
      %sign3A_167 = arith.extui %sign3A_166 : i1 to i32
      %sign3A_168 = arith.constant 0 : i32
      %sign3A_169 = arith.cmpi slt, %add3A_63, %sign3A_168 : i32
      %sign3A_170 = arith.extui %sign3A_169 : i1 to i32
      %sign3A_171 = arith.subi %sign3A_167, %sign3A_170 : i32
      %sign3A_172 = arith.constant 0 : i32
      %sign3A_173 = arith.cmpi sgt, %jit3A_163, %sign3A_172 : i32
      %sign3A_174 = arith.extui %sign3A_173 : i1 to i32
      %sign3A_175 = arith.constant 0 : i32
      %sign3A_176 = arith.cmpi slt, %jit3A_163, %sign3A_175 : i32
      %sign3A_177 = arith.extui %sign3A_176 : i1 to i32
      %sign3A_178 = arith.subi %sign3A_174, %sign3A_177 : i32
      %ne3A_179 = arith.cmpi ne, %sign3A_171, %sign3A_178 : i32
      %rem3A_180 = arith.remsi %add3A_63, %jit3A_163 : i32
      %ne3A_181 = arith.constant 0 : i32
      %ne3A_182 = arith.cmpi ne, %rem3A_180, %ne3A_181 : i32
      %and3A_183 = arith.andi %ne3A_179, %ne3A_182 : i1
      %sub3A_184 = arith.constant 1 : i32
      %sub3A_185 = arith.subi %div3A_164, %sub3A_184 : i32
      %select_n3A_186 = arith.select %and3A_183, %sub3A_185, %div3A_164 : i32
      %rem3A_187 = arith.constant 16 : i32
      %rem3A_188 = arith.remsi %add3A_63, %rem3A_187 : i32
      %mul3A_189 = arith.constant 128 : i32
      %mul3A_190 = arith.muli %rem3A_188, %mul3A_189 : i32
      %mul3A_191 = arith.constant 128 : i32
      %mul3A_192 = arith.muli %select_n3A_186, %mul3A_191 : i32
      %add3A_193 = arith.addi %mul3A_2, %mul3A_192 : i32
      %dma_start3A_194 = tpu.memref_slice %arg8[%mul3A_190, %add3A_193] : memref<2096x16384xf32, #tpu.memory_space<hbm>> -> memref<128x128xf32, #tpu.memory_space<hbm>>
      %dma_start3A_195 = tpu.memref_slice %arg8[%mul3A_190, %add3A_193] : memref<2096x16384xf32, #tpu.memory_space<hbm>> -> memref<128x128xf32, #tpu.memory_space<hbm>>
      tpu.enqueue_dma source(%arg13 : memref<128x128xf32, #tpu.memory_space<vmem>>) target(%dma_start3A_195 : memref<128x128xf32, #tpu.memory_space<hbm>>) target_semaphore(%arg17 : memref<!tpu.dma_semaphore, #tpu.memory_space<semaphore_mem>>)
      %mul3A_196 = arith.constant 2 : i32
      %mul3A_197 = arith.muli %add3A_59, %mul3A_196 : i32
      %add3A_198 = arith.constant 1 : i32
      %add3A_199 = arith.addi %mul3A_197, %add3A_198 : i32
      %gt3A_200 = arith.constant 0 : i32
      %gt3A_201 = arith.cmpi sgt, %add3A_59, %gt3A_200 : i32
      %convert_element_type3A_202 = arith.extui %gt3A_201 : i1 to i32
      %cond3A_203 = arith.constant 0 : i32
      %cond3A_204 = arith.cmpi ne, %convert_element_type3A_202, %cond3A_203 : i32
      scf.if %cond3A_204 {
        %sub3A_345 = arith.constant 2 : i32
        %sub3A_346 = arith.subi %add3A_199, %sub3A_345 : i32
        %jit3A_347 = arith.constant 16 : i32
        %div3A_348 = arith.divsi %sub3A_346, %jit3A_347 : i32
        %sign3A_349 = arith.constant 0 : i32
        %sign3A_350 = arith.cmpi sgt, %sub3A_346, %sign3A_349 : i32
        %sign3A_351 = arith.extui %sign3A_350 : i1 to i32
        %sign3A_352 = arith.constant 0 : i32
        %sign3A_353 = arith.cmpi slt, %sub3A_346, %sign3A_352 : i32
        %sign3A_354 = arith.extui %sign3A_353 : i1 to i32
        %sign3A_355 = arith.subi %sign3A_351, %sign3A_354 : i32
        %sign3A_356 = arith.constant 0 : i32
        %sign3A_357 = arith.cmpi sgt, %jit3A_347, %sign3A_356 : i32
        %sign3A_358 = arith.extui %sign3A_357 : i1 to i32
        %sign3A_359 = arith.constant 0 : i32
        %sign3A_360 = arith.cmpi slt, %jit3A_347, %sign3A_359 : i32
        %sign3A_361 = arith.extui %sign3A_360 : i1 to i32
        %sign3A_362 = arith.subi %sign3A_358, %sign3A_361 : i32
        %ne3A_363 = arith.cmpi ne, %sign3A_355, %sign3A_362 : i32
        %rem3A_364 = arith.remsi %sub3A_346, %jit3A_347 : i32
        %ne3A_365 = arith.constant 0 : i32
        %ne3A_366 = arith.cmpi ne, %rem3A_364, %ne3A_365 : i32
        %and3A_367 = arith.andi %ne3A_363, %ne3A_366 : i1
        %sub3A_368 = arith.constant 1 : i32
        %sub3A_369 = arith.subi %div3A_348, %sub3A_368 : i32
        %select_n3A_370 = arith.select %and3A_367, %sub3A_369, %div3A_348 : i32
        %rem3A_371 = arith.constant 16 : i32
        %rem3A_372 = arith.remsi %sub3A_346, %rem3A_371 : i32
        %mul3A_373 = arith.constant 128 : i32
        %mul3A_374 = arith.muli %rem3A_372, %mul3A_373 : i32
        %mul3A_375 = arith.constant 128 : i32
        %mul3A_376 = arith.muli %select_n3A_370, %mul3A_375 : i32
        %add3A_377 = arith.addi %mul3A_2, %mul3A_376 : i32
        %dma_wait3A_378 = tpu.memref_slice %arg8[%mul3A_374, %add3A_377] : memref<2096x16384xf32, #tpu.memory_space<hbm>> -> memref<128x128xf32, #tpu.memory_space<hbm>>
        %dma_wait3A_379 = tpu.memref_slice %arg8[%mul3A_374, %add3A_377] : memref<2096x16384xf32, #tpu.memory_space<hbm>> -> memref<128x128xf32, #tpu.memory_space<hbm>>
        tpu.wait_dma2 semaphore(%arg18 : memref<!tpu.dma_semaphore, #tpu.memory_space<semaphore_mem>>) src(%arg14 : memref<128x128xf32, #tpu.memory_space<vmem>>) dst(%dma_wait3A_379 : memref<128x128xf32, #tpu.memory_space<hbm>>)
      } else {
      }
      %add3A_205 = arith.constant 1 : i32
      %add3A_206 = arith.addi %add3A_199, %add3A_205 : i32
      %lt3A_207 = arith.constant 64 : i32
      %lt3A_208 = arith.cmpi slt, %add3A_206, %lt3A_207 : i32
      %convert_element_type3A_209 = arith.extui %lt3A_208 : i1 to i32
      %cond3A_210 = arith.constant 0 : i32
      %cond3A_211 = arith.cmpi ne, %convert_element_type3A_209, %cond3A_210 : i32
      scf.if %cond3A_211 {
        %add3A_345 = arith.constant 1 : i32
        %add3A_346 = arith.addi %add3A_199, %add3A_345 : i32
        %jit3A_347 = arith.constant 16 : i32
        %div3A_348 = arith.divsi %add3A_346, %jit3A_347 : i32
        %sign3A_349 = arith.constant 0 : i32
        %sign3A_350 = arith.cmpi sgt, %add3A_346, %sign3A_349 : i32
        %sign3A_351 = arith.extui %sign3A_350 : i1 to i32
        %sign3A_352 = arith.constant 0 : i32
        %sign3A_353 = arith.cmpi slt, %add3A_346, %sign3A_352 : i32
        %sign3A_354 = arith.extui %sign3A_353 : i1 to i32
        %sign3A_355 = arith.subi %sign3A_351, %sign3A_354 : i32
        %sign3A_356 = arith.constant 0 : i32
        %sign3A_357 = arith.cmpi sgt, %jit3A_347, %sign3A_356 : i32
        %sign3A_358 = arith.extui %sign3A_357 : i1 to i32
        %sign3A_359 = arith.constant 0 : i32
        %sign3A_360 = arith.cmpi slt, %jit3A_347, %sign3A_359 : i32
        %sign3A_361 = arith.extui %sign3A_360 : i1 to i32
        %sign3A_362 = arith.subi %sign3A_358, %sign3A_361 : i32
        %ne3A_363 = arith.cmpi ne, %sign3A_355, %sign3A_362 : i32
        %rem3A_364 = arith.remsi %add3A_346, %jit3A_347 : i32
        %ne3A_365 = arith.constant 0 : i32
        %ne3A_366 = arith.cmpi ne, %rem3A_364, %ne3A_365 : i32
        %and3A_367 = arith.andi %ne3A_363, %ne3A_366 : i1
        %sub3A_368 = arith.constant 1 : i32
        %sub3A_369 = arith.subi %div3A_348, %sub3A_368 : i32
        %select_n3A_370 = arith.select %and3A_367, %sub3A_369, %div3A_348 : i32
        %rem3A_371 = arith.constant 16 : i32
        %rem3A_372 = arith.remsi %add3A_346, %rem3A_371 : i32
        %mul3A_373 = arith.constant 128 : i32
        %mul3A_374 = arith.muli %select_n3A_370, %mul3A_373 : i32
        %dma_start3A_375 = tpu.memref_slice %arg10[%rem3A_372, %mul3A_374] : memref<16x512xi32, #tpu.memory_space<vmem>> -> memref<1x128xi32, #tpu.memory_space<vmem>>
        %dma_start3A_376 = tpu.memref_squeeze %dma_start3A_375 : memref<1x128xi32, #tpu.memory_space<vmem>> -> memref<128xi32, #tpu.memory_space<vmem>>
        %dma_start3A_377 = arith.constant 0 : i32
        %dma_start3A_378 = arith.constant 0 : i32
        %dma_start3A_379 = tpu.memref_slice %arg2[%dma_start3A_377, %dma_start3A_378] : memref<100000x128xf32, #tpu.memory_space<hbm>> -> memref<100000x128xf32, #tpu.memory_space<hbm>>
        tpu.enqueue_indirect_dma source(%dma_start3A_379 : memref<100000x128xf32, #tpu.memory_space<hbm>>) target(%arg11 : memref<128x128xf32, #tpu.memory_space<vmem>>) offsets(%dma_start3A_376 : memref<128xi32, #tpu.memory_space<vmem>>) semaphore(%arg15 : memref<!tpu.dma_semaphore, #tpu.memory_space<semaphore_mem>>)
      } else {
      }
      %jit3A_212 = arith.constant 16 : i32
      %div3A_213 = arith.divsi %add3A_199, %jit3A_212 : i32
      %sign3A_214 = arith.constant 0 : i32
      %sign3A_215 = arith.cmpi sgt, %add3A_199, %sign3A_214 : i32
      %sign3A_216 = arith.extui %sign3A_215 : i1 to i32
      %sign3A_217 = arith.constant 0 : i32
      %sign3A_218 = arith.cmpi slt, %add3A_199, %sign3A_217 : i32
      %sign3A_219 = arith.extui %sign3A_218 : i1 to i32
      %sign3A_220 = arith.subi %sign3A_216, %sign3A_219 : i32
      %sign3A_221 = arith.constant 0 : i32
      %sign3A_222 = arith.cmpi sgt, %jit3A_212, %sign3A_221 : i32
      %sign3A_223 = arith.extui %sign3A_222 : i1 to i32
      %sign3A_224 = arith.constant 0 : i32
      %sign3A_225 = arith.cmpi slt, %jit3A_212, %sign3A_224 : i32
      %sign3A_226 = arith.extui %sign3A_225 : i1 to i32
      %sign3A_227 = arith.subi %sign3A_223, %sign3A_226 : i32
      %ne3A_228 = arith.cmpi ne, %sign3A_220, %sign3A_227 : i32
      %rem3A_229 = arith.remsi %add3A_199, %jit3A_212 : i32
      %ne3A_230 = arith.constant 0 : i32
      %ne3A_231 = arith.cmpi ne, %rem3A_229, %ne3A_230 : i32
      %and3A_232 = arith.andi %ne3A_228, %ne3A_231 : i1
      %sub3A_233 = arith.constant 1 : i32
      %sub3A_234 = arith.subi %div3A_213, %sub3A_233 : i32
      %select_n3A_235 = arith.select %and3A_232, %sub3A_234, %div3A_213 : i32
      %rem3A_236 = arith.constant 16 : i32
      %rem3A_237 = arith.remsi %add3A_199, %rem3A_236 : i32
      %mul3A_238 = arith.constant 128 : i32
      %mul3A_239 = arith.muli %select_n3A_235, %mul3A_238 : i32
      %dma_wait3A_240 = tpu.memref_slice %arg10[%rem3A_237, %mul3A_239] : memref<16x512xi32, #tpu.memory_space<vmem>> -> memref<1x128xi32, #tpu.memory_space<vmem>>
      %dma_wait3A_241 = tpu.memref_squeeze %dma_wait3A_240 : memref<1x128xi32, #tpu.memory_space<vmem>> -> memref<128xi32, #tpu.memory_space<vmem>>
      %dma_wait3A_242 = arith.constant 0 : i32
      %dma_wait3A_243 = arith.constant 0 : i32
      %dma_wait3A_244 = tpu.memref_slice %arg2[%dma_wait3A_242, %dma_wait3A_243] : memref<100000x128xf32, #tpu.memory_space<hbm>> -> memref<100000x128xf32, #tpu.memory_space<hbm>>
      tpu.wait_indirect_dma semaphore(%arg16 : memref<!tpu.dma_semaphore, #tpu.memory_space<semaphore_mem>>) src(%dma_wait3A_244 : memref<100000x128xf32, #tpu.memory_space<hbm>>) dst(%arg12 : memref<128x128xf32, #tpu.memory_space<vmem>>)
      %get3A_245 = arith.constant 0 : i32
      %get3A_246 = arith.index_cast %get3A_245 : i32 to index
      %get3A_247 = arith.constant 16 : index
      %get3A_248 = tpu.vector_load %arg9[%get3A_246, %get3A_247] {strides = array<i32>} : memref<8x128xi32, #tpu.memory_space<vmem>>, vector<16xi32>,
      %get3A_249 = arith.constant 0 : i32
      %get3A_250 = arith.index_cast %get3A_249 : i32 to index
      %get3A_251 = arith.constant 32 : index
      %get3A_252 = tpu.vector_load %arg9[%get3A_250, %get3A_251] {strides = array<i32>} : memref<8x128xi32, #tpu.memory_space<vmem>>, vector<16xi32>,
      %get3A_253 = arith.constant 0 : i32
      %get3A_254 = arith.index_cast %get3A_253 : i32 to index
      %get3A_255 = arith.constant 48 : index
      %get3A_256 = tpu.vector_load %arg9[%get3A_254, %get3A_255] {strides = array<i32>} : memref<8x128xi32, #tpu.memory_space<vmem>>, vector<16xi32>,
      %get3A_257 = arith.constant 0 : i32
      %get3A_258 = arith.index_cast %get3A_257 : i32 to index
      %get3A_259 = arith.constant 64 : index
      %get3A_260 = tpu.vector_load %arg9[%get3A_258, %get3A_259] {strides = array<i32>} : memref<8x128xi32, #tpu.memory_space<vmem>>, vector<16xi32>,
      %get3A_261 = arith.constant 0 : i32
      %get3A_262 = arith.index_cast %get3A_261 : i32 to index
      %get3A_263 = arith.constant 80 : index
      %get3A_264 = tpu.vector_load %arg9[%get3A_262, %get3A_263] {strides = array<i32>} : memref<8x128xi32, #tpu.memory_space<vmem>>, vector<16xi32>,
      %get3A_265 = arith.constant 0 : i32
      %get3A_266 = arith.index_cast %get3A_265 : i32 to index
      %get3A_267 = arith.constant 96 : index
      %get3A_268 = tpu.vector_load %arg9[%get3A_266, %get3A_267] {strides = array<i32>} : memref<8x128xi32, #tpu.memory_space<vmem>>, vector<16xi32>,
      %get3A_269 = arith.constant 0 : i32
      %get3A_270 = arith.index_cast %get3A_269 : i32 to index
      %get3A_271 = arith.constant 112 : index
      %get3A_272 = tpu.vector_load %arg9[%get3A_270, %get3A_271] {strides = array<i32>} : memref<8x128xi32, #tpu.memory_space<vmem>>, vector<16xi32>,
      %get3A_273 = arith.constant 1 : i32
      %get3A_274 = arith.index_cast %get3A_273 : i32 to index
      %get3A_275 = arith.constant 0 : index
      %get3A_276 = tpu.vector_load %arg9[%get3A_274, %get3A_275] {strides = array<i32>} : memref<8x128xi32, #tpu.memory_space<vmem>>, vector<16xi32>,
      %get3A_277 = arith.constant 1 : i32
      %get3A_278 = arith.index_cast %get3A_277 : i32 to index
      %get3A_279 = arith.constant 16 : index
      %get3A_280 = tpu.vector_load %arg9[%get3A_278, %get3A_279] {strides = array<i32>} : memref<8x128xi32, #tpu.memory_space<vmem>>, vector<16xi32>,
      %get3A_281 = arith.constant 1 : i32
      %get3A_282 = arith.index_cast %get3A_281 : i32 to index
      %get3A_283 = arith.constant 32 : index
      %get3A_284 = tpu.vector_load %arg9[%get3A_282, %get3A_283] {strides = array<i32>} : memref<8x128xi32, #tpu.memory_space<vmem>>, vector<16xi32>,
      %get3A_285 = arith.constant 1 : i32
      %get3A_286 = arith.index_cast %get3A_285 : i32 to index
      %get3A_287 = arith.constant 48 : index
      %get3A_288 = tpu.vector_load %arg9[%get3A_286, %get3A_287] {strides = array<i32>} : memref<8x128xi32, #tpu.memory_space<vmem>>, vector<16xi32>,
      %get3A_289 = arith.constant 1 : i32
      %get3A_290 = arith.index_cast %get3A_289 : i32 to index
      %get3A_291 = arith.constant 64 : index
      %get3A_292 = tpu.vector_load %arg9[%get3A_290, %get3A_291] {strides = array<i32>} : memref<8x128xi32, #tpu.memory_space<vmem>>, vector<16xi32>,
      %get3A_293 = arith.constant 1 : i32
      %get3A_294 = arith.index_cast %get3A_293 : i32 to index
      %get3A_295 = arith.constant 80 : index
      %get3A_296 = tpu.vector_load %arg9[%get3A_294, %get3A_295] {strides = array<i32>} : memref<8x128xi32, #tpu.memory_space<vmem>>, vector<16xi32>,
      %get3A_297 = arith.constant 1 : i32
      %get3A_298 = arith.index_cast %get3A_297 : i32 to index
      %get3A_299 = arith.constant 96 : index
      %get3A_300 = tpu.vector_load %arg9[%get3A_298, %get3A_299] {strides = array<i32>} : memref<8x128xi32, #tpu.memory_space<vmem>>, vector<16xi32>,
      %get3A_301 = arith.constant 1 : i32
      %get3A_302 = arith.index_cast %get3A_301 : i32 to index
      %get3A_303 = arith.constant 112 : index
      %get3A_304 = tpu.vector_load %arg9[%get3A_302, %get3A_303] {strides = array<i32>} : memref<8x128xi32, #tpu.memory_space<vmem>>, vector<16xi32>,
      %get3A_305 = arith.constant 2 : i32
      %get3A_306 = arith.index_cast %get3A_305 : i32 to index
      %get3A_307 = arith.constant 0 : index
      %get3A_308 = tpu.vector_load %arg9[%get3A_306, %get3A_307] {strides = array<i32>} : memref<8x128xi32, #tpu.memory_space<vmem>>, vector<16xi32>,
      %parallel_loop3A_309 = arith.constant 0 : i32
      %parallel_loop3A_310 = arith.constant 8 : i32
      %parallel_loop3A_311 = arith.constant 1 : i32
      scf.for %parallel_loop3A_345 = %parallel_loop3A_309 to %parallel_loop3A_310 step %parallel_loop3A_311  : i32 {
        %parallel_loop3A_346 = arith.constant 0 : i32
        %parallel_loop3A_347 = arith.index_cast %parallel_loop3A_346 : i32 to index
        %parallel_loop3A_348 = arith.constant 0 : index
        %parallel_loop3A_349 = tpu.vector_load %arg9[%parallel_loop3A_347, %parallel_loop3A_348] {strides = array<i32>} : memref<8x128xi32, #tpu.memory_space<vmem>>, vector<16xi32>,
        %parallel_loop3A_350 = arith.constant 16 : i32
        %parallel_loop3A_351 = arith.muli %parallel_loop3A_345, %parallel_loop3A_350 : i32
        %parallel_loop3A_352 = vector.broadcast %parallel_loop3A_351 : i32 to vector<16xi32>
        %parallel_loop3A_353 = arith.addi %parallel_loop3A_349, %parallel_loop3A_352 : vector<16xi32>
        %parallel_loop3A_354 = arith.constant 0 : i32
        %parallel_loop3A_355 = vector.broadcast %parallel_loop3A_354 : i32 to vector<16xi32>
        %parallel_loop3A_356 = arith.addi %get3A_248, %parallel_loop3A_355 : vector<16xi32>
        %parallel_loop3A_357 = tpu.vector_load_idx %arg12[%parallel_loop3A_353, %parallel_loop3A_356] : memref<128x128xf32, #tpu.memory_space<vmem>>[vector<16xi32>, vector<16xi32>], vector<16xf32>,
        %parallel_loop3A_358 = arith.constant 0 : i32
        %parallel_loop3A_359 = vector.broadcast %parallel_loop3A_358 : i32 to vector<16xi32>
        %parallel_loop3A_360 = arith.addi %get3A_252, %parallel_loop3A_359 : vector<16xi32>
        %parallel_loop3A_361 = tpu.vector_load_idx %arg12[%parallel_loop3A_353, %parallel_loop3A_360] : memref<128x128xf32, #tpu.memory_space<vmem>>[vector<16xi32>, vector<16xi32>], vector<16xf32>,
        %parallel_loop3A_362 = arith.constant 0 : i32
        %parallel_loop3A_363 = vector.broadcast %parallel_loop3A_362 : i32 to vector<16xi32>
        %parallel_loop3A_364 = arith.addi %get3A_256, %parallel_loop3A_363 : vector<16xi32>
        %parallel_loop3A_365 = tpu.vector_load_idx %arg12[%parallel_loop3A_353, %parallel_loop3A_364] : memref<128x128xf32, #tpu.memory_space<vmem>>[vector<16xi32>, vector<16xi32>], vector<16xf32>,
        %parallel_loop3A_366 = arith.constant 0 : i32
        %parallel_loop3A_367 = vector.broadcast %parallel_loop3A_366 : i32 to vector<16xi32>
        %parallel_loop3A_368 = arith.addi %get3A_260, %parallel_loop3A_367 : vector<16xi32>
        %parallel_loop3A_369 = tpu.vector_load_idx %arg12[%parallel_loop3A_353, %parallel_loop3A_368] : memref<128x128xf32, #tpu.memory_space<vmem>>[vector<16xi32>, vector<16xi32>], vector<16xf32>,
        %parallel_loop3A_370 = arith.constant 0 : i32
        %parallel_loop3A_371 = vector.broadcast %parallel_loop3A_370 : i32 to vector<16xi32>
        %parallel_loop3A_372 = arith.addi %get3A_264, %parallel_loop3A_371 : vector<16xi32>
        %parallel_loop3A_373 = tpu.vector_load_idx %arg12[%parallel_loop3A_353, %parallel_loop3A_372] : memref<128x128xf32, #tpu.memory_space<vmem>>[vector<16xi32>, vector<16xi32>], vector<16xf32>,
        %parallel_loop3A_374 = arith.constant 0 : i32
        %parallel_loop3A_375 = vector.broadcast %parallel_loop3A_374 : i32 to vector<16xi32>
        %parallel_loop3A_376 = arith.addi %get3A_268, %parallel_loop3A_375 : vector<16xi32>
        %parallel_loop3A_377 = tpu.vector_load_idx %arg12[%parallel_loop3A_353, %parallel_loop3A_376] : memref<128x128xf32, #tpu.memory_space<vmem>>[vector<16xi32>, vector<16xi32>], vector<16xf32>,
        %parallel_loop3A_378 = arith.constant 0 : i32
        %parallel_loop3A_379 = vector.broadcast %parallel_loop3A_378 : i32 to vector<16xi32>
        %parallel_loop3A_380 = arith.addi %get3A_272, %parallel_loop3A_379 : vector<16xi32>
        %parallel_loop3A_381 = tpu.vector_load_idx %arg12[%parallel_loop3A_353, %parallel_loop3A_380] : memref<128x128xf32, #tpu.memory_space<vmem>>[vector<16xi32>, vector<16xi32>], vector<16xf32>,
        %parallel_loop3A_382 = arith.constant 0 : i32
        %parallel_loop3A_383 = vector.broadcast %parallel_loop3A_382 : i32 to vector<16xi32>
        %parallel_loop3A_384 = arith.addi %get3A_276, %parallel_loop3A_383 : vector<16xi32>
        %parallel_loop3A_385 = tpu.vector_load_idx %arg12[%parallel_loop3A_353, %parallel_loop3A_384] : memref<128x128xf32, #tpu.memory_space<vmem>>[vector<16xi32>, vector<16xi32>], vector<16xf32>,
        %parallel_loop3A_386 = arith.constant 0 : i32
        %parallel_loop3A_387 = vector.broadcast %parallel_loop3A_386 : i32 to vector<16xi32>
        %parallel_loop3A_388 = arith.addi %get3A_280, %parallel_loop3A_387 : vector<16xi32>
        %parallel_loop3A_389 = tpu.vector_load_idx %arg12[%parallel_loop3A_353, %parallel_loop3A_388] : memref<128x128xf32, #tpu.memory_space<vmem>>[vector<16xi32>, vector<16xi32>], vector<16xf32>,
        %parallel_loop3A_390 = arith.constant 0 : i32
        %parallel_loop3A_391 = vector.broadcast %parallel_loop3A_390 : i32 to vector<16xi32>
        %parallel_loop3A_392 = arith.addi %get3A_284, %parallel_loop3A_391 : vector<16xi32>
        %parallel_loop3A_393 = tpu.vector_load_idx %arg12[%parallel_loop3A_353, %parallel_loop3A_392] : memref<128x128xf32, #tpu.memory_space<vmem>>[vector<16xi32>, vector<16xi32>], vector<16xf32>,
        %parallel_loop3A_394 = arith.constant 0 : i32
        %parallel_loop3A_395 = vector.broadcast %parallel_loop3A_394 : i32 to vector<16xi32>
        %parallel_loop3A_396 = arith.addi %get3A_288, %parallel_loop3A_395 : vector<16xi32>
        %parallel_loop3A_397 = tpu.vector_load_idx %arg12[%parallel_loop3A_353, %parallel_loop3A_396] : memref<128x128xf32, #tpu.memory_space<vmem>>[vector<16xi32>, vector<16xi32>], vector<16xf32>,
        %parallel_loop3A_398 = arith.constant 0 : i32
        %parallel_loop3A_399 = vector.broadcast %parallel_loop3A_398 : i32 to vector<16xi32>
        %parallel_loop3A_400 = arith.addi %get3A_292, %parallel_loop3A_399 : vector<16xi32>
        %parallel_loop3A_401 = tpu.vector_load_idx %arg12[%parallel_loop3A_353, %parallel_loop3A_400] : memref<128x128xf32, #tpu.memory_space<vmem>>[vector<16xi32>, vector<16xi32>], vector<16xf32>,
        %parallel_loop3A_402 = arith.constant 0 : i32
        %parallel_loop3A_403 = vector.broadcast %parallel_loop3A_402 : i32 to vector<16xi32>
        %parallel_loop3A_404 = arith.addi %get3A_296, %parallel_loop3A_403 : vector<16xi32>
        %parallel_loop3A_405 = tpu.vector_load_idx %arg12[%parallel_loop3A_353, %parallel_loop3A_404] : memref<128x128xf32, #tpu.memory_space<vmem>>[vector<16xi32>, vector<16xi32>], vector<16xf32>,
        %parallel_loop3A_406 = arith.constant 0 : i32
        %parallel_loop3A_407 = vector.broadcast %parallel_loop3A_406 : i32 to vector<16xi32>
        %parallel_loop3A_408 = arith.addi %get3A_300, %parallel_loop3A_407 : vector<16xi32>
        %parallel_loop3A_409 = tpu.vector_load_idx %arg12[%parallel_loop3A_353, %parallel_loop3A_408] : memref<128x128xf32, #tpu.memory_space<vmem>>[vector<16xi32>, vector<16xi32>], vector<16xf32>,
        %parallel_loop3A_410 = arith.constant 0 : i32
        %parallel_loop3A_411 = vector.broadcast %parallel_loop3A_410 : i32 to vector<16xi32>
        %parallel_loop3A_412 = arith.addi %get3A_304, %parallel_loop3A_411 : vector<16xi32>
        %parallel_loop3A_413 = tpu.vector_load_idx %arg12[%parallel_loop3A_353, %parallel_loop3A_412] : memref<128x128xf32, #tpu.memory_space<vmem>>[vector<16xi32>, vector<16xi32>], vector<16xf32>,
        %parallel_loop3A_414 = arith.constant 0 : i32
        %parallel_loop3A_415 = vector.broadcast %parallel_loop3A_414 : i32 to vector<16xi32>
        %parallel_loop3A_416 = arith.addi %get3A_308, %parallel_loop3A_415 : vector<16xi32>
        %parallel_loop3A_417 = tpu.vector_load_idx %arg12[%parallel_loop3A_353, %parallel_loop3A_416] : memref<128x128xf32, #tpu.memory_space<vmem>>[vector<16xi32>, vector<16xi32>], vector<16xf32>,
        %parallel_loop3A_418 = arith.constant 0 : i32
        %parallel_loop3A_419 = vector.broadcast %parallel_loop3A_418 : i32 to vector<16xi32>
        %parallel_loop3A_420 = arith.addi %get3A_248, %parallel_loop3A_419 : vector<16xi32>
        tpu.vector_store_idx %arg14[%parallel_loop3A_420, %parallel_loop3A_353], %parallel_loop3A_357 : memref<128x128xf32, #tpu.memory_space<vmem>>[vector<16xi32>, vector<16xi32>], vector<16xf32>,
        %parallel_loop3A_421 = arith.constant 0 : i32
        %parallel_loop3A_422 = vector.broadcast %parallel_loop3A_421 : i32 to vector<16xi32>
        %parallel_loop3A_423 = arith.addi %get3A_252, %parallel_loop3A_422 : vector<16xi32>
        tpu.vector_store_idx %arg14[%parallel_loop3A_423, %parallel_loop3A_353], %parallel_loop3A_361 : memref<128x128xf32, #tpu.memory_space<vmem>>[vector<16xi32>, vector<16xi32>], vector<16xf32>,
        %parallel_loop3A_424 = arith.constant 0 : i32
        %parallel_loop3A_425 = vector.broadcast %parallel_loop3A_424 : i32 to vector<16xi32>
        %parallel_loop3A_426 = arith.addi %get3A_256, %parallel_loop3A_425 : vector<16xi32>
        tpu.vector_store_idx %arg14[%parallel_loop3A_426, %parallel_loop3A_353], %parallel_loop3A_365 : memref<128x128xf32, #tpu.memory_space<vmem>>[vector<16xi32>, vector<16xi32>], vector<16xf32>,
        %parallel_loop3A_427 = arith.constant 0 : i32
        %parallel_loop3A_428 = vector.broadcast %parallel_loop3A_427 : i32 to vector<16xi32>
        %parallel_loop3A_429 = arith.addi %get3A_260, %parallel_loop3A_428 : vector<16xi32>
        tpu.vector_store_idx %arg14[%parallel_loop3A_429, %parallel_loop3A_353], %parallel_loop3A_369 : memref<128x128xf32, #tpu.memory_space<vmem>>[vector<16xi32>, vector<16xi32>], vector<16xf32>,
        %parallel_loop3A_430 = arith.constant 0 : i32
        %parallel_loop3A_431 = vector.broadcast %parallel_loop3A_430 : i32 to vector<16xi32>
        %parallel_loop3A_432 = arith.addi %get3A_264, %parallel_loop3A_431 : vector<16xi32>
        tpu.vector_store_idx %arg14[%parallel_loop3A_432, %parallel_loop3A_353], %parallel_loop3A_373 : memref<128x128xf32, #tpu.memory_space<vmem>>[vector<16xi32>, vector<16xi32>], vector<16xf32>,
        %parallel_loop3A_433 = arith.constant 0 : i32
        %parallel_loop3A_434 = vector.broadcast %parallel_loop3A_433 : i32 to vector<16xi32>
        %parallel_loop3A_435 = arith.addi %get3A_268, %parallel_loop3A_434 : vector<16xi32>
        tpu.vector_store_idx %arg14[%parallel_loop3A_435, %parallel_loop3A_353], %parallel_loop3A_377 : memref<128x128xf32, #tpu.memory_space<vmem>>[vector<16xi32>, vector<16xi32>], vector<16xf32>,
        %parallel_loop3A_436 = arith.constant 0 : i32
        %parallel_loop3A_437 = vector.broadcast %parallel_loop3A_436 : i32 to vector<16xi32>
        %parallel_loop3A_438 = arith.addi %get3A_272, %parallel_loop3A_437 : vector<16xi32>
        tpu.vector_store_idx %arg14[%parallel_loop3A_438, %parallel_loop3A_353], %parallel_loop3A_381 : memref<128x128xf32, #tpu.memory_space<vmem>>[vector<16xi32>, vector<16xi32>], vector<16xf32>,
        %parallel_loop3A_439 = arith.constant 0 : i32
        %parallel_loop3A_440 = vector.broadcast %parallel_loop3A_439 : i32 to vector<16xi32>
        %parallel_loop3A_441 = arith.addi %get3A_276, %parallel_loop3A_440 : vector<16xi32>
        tpu.vector_store_idx %arg14[%parallel_loop3A_441, %parallel_loop3A_353], %parallel_loop3A_385 : memref<128x128xf32, #tpu.memory_space<vmem>>[vector<16xi32>, vector<16xi32>], vector<16xf32>,
        %parallel_loop3A_442 = arith.constant 0 : i32
        %parallel_loop3A_443 = vector.broadcast %parallel_loop3A_442 : i32 to vector<16xi32>
        %parallel_loop3A_444 = arith.addi %get3A_280, %parallel_loop3A_443 : vector<16xi32>
        tpu.vector_store_idx %arg14[%parallel_loop3A_444, %parallel_loop3A_353], %parallel_loop3A_389 : memref<128x128xf32, #tpu.memory_space<vmem>>[vector<16xi32>, vector<16xi32>], vector<16xf32>,
        %parallel_loop3A_445 = arith.constant 0 : i32
        %parallel_loop3A_446 = vector.broadcast %parallel_loop3A_445 : i32 to vector<16xi32>
        %parallel_loop3A_447 = arith.addi %get3A_284, %parallel_loop3A_446 : vector<16xi32>
        tpu.vector_store_idx %arg14[%parallel_loop3A_447, %parallel_loop3A_353], %parallel_loop3A_393 : memref<128x128xf32, #tpu.memory_space<vmem>>[vector<16xi32>, vector<16xi32>], vector<16xf32>,
        %parallel_loop3A_448 = arith.constant 0 : i32
        %parallel_loop3A_449 = vector.broadcast %parallel_loop3A_448 : i32 to vector<16xi32>
        %parallel_loop3A_450 = arith.addi %get3A_288, %parallel_loop3A_449 : vector<16xi32>
        tpu.vector_store_idx %arg14[%parallel_loop3A_450, %parallel_loop3A_353], %parallel_loop3A_397 : memref<128x128xf32, #tpu.memory_space<vmem>>[vector<16xi32>, vector<16xi32>], vector<16xf32>,
        %parallel_loop3A_451 = arith.constant 0 : i32
        %parallel_loop3A_452 = vector.broadcast %parallel_loop3A_451 : i32 to vector<16xi32>
        %parallel_loop3A_453 = arith.addi %get3A_292, %parallel_loop3A_452 : vector<16xi32>
        tpu.vector_store_idx %arg14[%parallel_loop3A_453, %parallel_loop3A_353], %parallel_loop3A_401 : memref<128x128xf32, #tpu.memory_space<vmem>>[vector<16xi32>, vector<16xi32>], vector<16xf32>,
        %parallel_loop3A_454 = arith.constant 0 : i32
        %parallel_loop3A_455 = vector.broadcast %parallel_loop3A_454 : i32 to vector<16xi32>
        %parallel_loop3A_456 = arith.addi %get3A_296, %parallel_loop3A_455 : vector<16xi32>
        tpu.vector_store_idx %arg14[%parallel_loop3A_456, %parallel_loop3A_353], %parallel_loop3A_405 : memref<128x128xf32, #tpu.memory_space<vmem>>[vector<16xi32>, vector<16xi32>], vector<16xf32>,
        %parallel_loop3A_457 = arith.constant 0 : i32
        %parallel_loop3A_458 = vector.broadcast %parallel_loop3A_457 : i32 to vector<16xi32>
        %parallel_loop3A_459 = arith.addi %get3A_300, %parallel_loop3A_458 : vector<16xi32>
        tpu.vector_store_idx %arg14[%parallel_loop3A_459, %parallel_loop3A_353], %parallel_loop3A_409 : memref<128x128xf32, #tpu.memory_space<vmem>>[vector<16xi32>, vector<16xi32>], vector<16xf32>,
        %parallel_loop3A_460 = arith.constant 0 : i32
        %parallel_loop3A_461 = vector.broadcast %parallel_loop3A_460 : i32 to vector<16xi32>
        %parallel_loop3A_462 = arith.addi %get3A_304, %parallel_loop3A_461 : vector<16xi32>
        tpu.vector_store_idx %arg14[%parallel_loop3A_462, %parallel_loop3A_353], %parallel_loop3A_413 : memref<128x128xf32, #tpu.memory_space<vmem>>[vector<16xi32>, vector<16xi32>], vector<16xf32>,
        %parallel_loop3A_463 = arith.constant 0 : i32
        %parallel_loop3A_464 = vector.broadcast %parallel_loop3A_463 : i32 to vector<16xi32>
        %parallel_loop3A_465 = arith.addi %get3A_308, %parallel_loop3A_464 : vector<16xi32>
        tpu.vector_store_idx %arg14[%parallel_loop3A_465, %parallel_loop3A_353], %parallel_loop3A_417 : memref<128x128xf32, #tpu.memory_space<vmem>>[vector<16xi32>, vector<16xi32>], vector<16xf32>,
        %parallel_loop3A_466 = arith.constant 16 : i32
        %parallel_loop3A_467 = vector.broadcast %parallel_loop3A_466 : i32 to vector<16xi32>
        %parallel_loop3A_468 = arith.addi %get3A_248, %parallel_loop3A_467 : vector<16xi32>
        %parallel_loop3A_469 = tpu.vector_load_idx %arg12[%parallel_loop3A_353, %parallel_loop3A_468] : memref<128x128xf32, #tpu.memory_space<vmem>>[vector<16xi32>, vector<16xi32>], vector<16xf32>,
        %parallel_loop3A_470 = arith.constant 16 : i32
        %parallel_loop3A_471 = vector.broadcast %parallel_loop3A_470 : i32 to vector<16xi32>
        %parallel_loop3A_472 = arith.addi %get3A_252, %parallel_loop3A_471 : vector<16xi32>
        %parallel_loop3A_473 = tpu.vector_load_idx %arg12[%parallel_loop3A_353, %parallel_loop3A_472] : memref<128x128xf32, #tpu.memory_space<vmem>>[vector<16xi32>, vector<16xi32>], vector<16xf32>,
        %parallel_loop3A_474 = arith.constant 16 : i32
        %parallel_loop3A_475 = vector.broadcast %parallel_loop3A_474 : i32 to vector<16xi32>
        %parallel_loop3A_476 = arith.addi %get3A_256, %parallel_loop3A_475 : vector<16xi32>
        %parallel_loop3A_477 = tpu.vector_load_idx %arg12[%parallel_loop3A_353, %parallel_loop3A_476] : memref<128x128xf32, #tpu.memory_space<vmem>>[vector<16xi32>, vector<16xi32>], vector<16xf32>,
        %parallel_loop3A_478 = arith.constant 16 : i32
        %parallel_loop3A_479 = vector.broadcast %parallel_loop3A_478 : i32 to vector<16xi32>
        %parallel_loop3A_480 = arith.addi %get3A_260, %parallel_loop3A_479 : vector<16xi32>
        %parallel_loop3A_481 = tpu.vector_load_idx %arg12[%parallel_loop3A_353, %parallel_loop3A_480] : memref<128x128xf32, #tpu.memory_space<vmem>>[vector<16xi32>, vector<16xi32>], vector<16xf32>,
        %parallel_loop3A_482 = arith.constant 16 : i32
        %parallel_loop3A_483 = vector.broadcast %parallel_loop3A_482 : i32 to vector<16xi32>
        %parallel_loop3A_484 = arith.addi %get3A_264, %parallel_loop3A_483 : vector<16xi32>
        %parallel_loop3A_485 = tpu.vector_load_idx %arg12[%parallel_loop3A_353, %parallel_loop3A_484] : memref<128x128xf32, #tpu.memory_space<vmem>>[vector<16xi32>, vector<16xi32>], vector<16xf32>,
        %parallel_loop3A_486 = arith.constant 16 : i32
        %parallel_loop3A_487 = vector.broadcast %parallel_loop3A_486 : i32 to vector<16xi32>
        %parallel_loop3A_488 = arith.addi %get3A_268, %parallel_loop3A_487 : vector<16xi32>
        %parallel_loop3A_489 = tpu.vector_load_idx %arg12[%parallel_loop3A_353, %parallel_loop3A_488] : memref<128x128xf32, #tpu.memory_space<vmem>>[vector<16xi32>, vector<16xi32>], vector<16xf32>,
        %parallel_loop3A_490 = arith.constant 16 : i32
        %parallel_loop3A_491 = vector.broadcast %parallel_loop3A_490 : i32 to vector<16xi32>
        %parallel_loop3A_492 = arith.addi %get3A_272, %parallel_loop3A_491 : vector<16xi32>
        %parallel_loop3A_493 = tpu.vector_load_idx %arg12[%parallel_loop3A_353, %parallel_loop3A_492] : memref<128x128xf32, #tpu.memory_space<vmem>>[vector<16xi32>, vector<16xi32>], vector<16xf32>,
        %parallel_loop3A_494 = arith.constant 16 : i32
        %parallel_loop3A_495 = vector.broadcast %parallel_loop3A_494 : i32 to vector<16xi32>
        %parallel_loop3A_496 = arith.addi %get3A_276, %parallel_loop3A_495 : vector<16xi32>
        %parallel_loop3A_497 = tpu.vector_load_idx %arg12[%parallel_loop3A_353, %parallel_loop3A_496] : memref<128x128xf32, #tpu.memory_space<vmem>>[vector<16xi32>, vector<16xi32>], vector<16xf32>,
        %parallel_loop3A_498 = arith.constant 16 : i32
        %parallel_loop3A_499 = vector.broadcast %parallel_loop3A_498 : i32 to vector<16xi32>
        %parallel_loop3A_500 = arith.addi %get3A_280, %parallel_loop3A_499 : vector<16xi32>
        %parallel_loop3A_501 = tpu.vector_load_idx %arg12[%parallel_loop3A_353, %parallel_loop3A_500] : memref<128x128xf32, #tpu.memory_space<vmem>>[vector<16xi32>, vector<16xi32>], vector<16xf32>,
        %parallel_loop3A_502 = arith.constant 16 : i32
        %parallel_loop3A_503 = vector.broadcast %parallel_loop3A_502 : i32 to vector<16xi32>
        %parallel_loop3A_504 = arith.addi %get3A_284, %parallel_loop3A_503 : vector<16xi32>
        %parallel_loop3A_505 = tpu.vector_load_idx %arg12[%parallel_loop3A_353, %parallel_loop3A_504] : memref<128x128xf32, #tpu.memory_space<vmem>>[vector<16xi32>, vector<16xi32>], vector<16xf32>,
        %parallel_loop3A_506 = arith.constant 16 : i32
        %parallel_loop3A_507 = vector.broadcast %parallel_loop3A_506 : i32 to vector<16xi32>
        %parallel_loop3A_508 = arith.addi %get3A_288, %parallel_loop3A_507 : vector<16xi32>
        %parallel_loop3A_509 = tpu.vector_load_idx %arg12[%parallel_loop3A_353, %parallel_loop3A_508] : memref<128x128xf32, #tpu.memory_space<vmem>>[vector<16xi32>, vector<16xi32>], vector<16xf32>,
        %parallel_loop3A_510 = arith.constant 16 : i32
        %parallel_loop3A_511 = vector.broadcast %parallel_loop3A_510 : i32 to vector<16xi32>
        %parallel_loop3A_512 = arith.addi %get3A_292, %parallel_loop3A_511 : vector<16xi32>
        %parallel_loop3A_513 = tpu.vector_load_idx %arg12[%parallel_loop3A_353, %parallel_loop3A_512] : memref<128x128xf32, #tpu.memory_space<vmem>>[vector<16xi32>, vector<16xi32>], vector<16xf32>,
        %parallel_loop3A_514 = arith.constant 16 : i32
        %parallel_loop3A_515 = vector.broadcast %parallel_loop3A_514 : i32 to vector<16xi32>
        %parallel_loop3A_516 = arith.addi %get3A_296, %parallel_loop3A_515 : vector<16xi32>
        %parallel_loop3A_517 = tpu.vector_load_idx %arg12[%parallel_loop3A_353, %parallel_loop3A_516] : memref<128x128xf32, #tpu.memory_space<vmem>>[vector<16xi32>, vector<16xi32>], vector<16xf32>,
        %parallel_loop3A_518 = arith.constant 16 : i32
        %parallel_loop3A_519 = vector.broadcast %parallel_loop3A_518 : i32 to vector<16xi32>
        %parallel_loop3A_520 = arith.addi %get3A_300, %parallel_loop3A_519 : vector<16xi32>
        %parallel_loop3A_521 = tpu.vector_load_idx %arg12[%parallel_loop3A_353, %parallel_loop3A_520] : memref<128x128xf32, #tpu.memory_space<vmem>>[vector<16xi32>, vector<16xi32>], vector<16xf32>,
        %parallel_loop3A_522 = arith.constant 16 : i32
        %parallel_loop3A_523 = vector.broadcast %parallel_loop3A_522 : i32 to vector<16xi32>
        %parallel_loop3A_524 = arith.addi %get3A_304, %parallel_loop3A_523 : vector<16xi32>
        %parallel_loop3A_525 = tpu.vector_load_idx %arg12[%parallel_loop3A_353, %parallel_loop3A_524] : memref<128x128xf32, #tpu.memory_space<vmem>>[vector<16xi32>, vector<16xi32>], vector<16xf32>,
        %parallel_loop3A_526 = arith.constant 16 : i32
        %parallel_loop3A_527 = vector.broadcast %parallel_loop3A_526 : i32 to vector<16xi32>
        %parallel_loop3A_528 = arith.addi %get3A_308, %parallel_loop3A_527 : vector<16xi32>
        %parallel_loop3A_529 = tpu.vector_load_idx %arg12[%parallel_loop3A_353, %parallel_loop3A_528] : memref<128x128xf32, #tpu.memory_space<vmem>>[vector<16xi32>, vector<16xi32>], vector<16xf32>,
        %parallel_loop3A_530 = arith.constant 16 : i32
        %parallel_loop3A_531 = vector.broadcast %parallel_loop3A_530 : i32 to vector<16xi32>
        %parallel_loop3A_532 = arith.addi %get3A_248, %parallel_loop3A_531 : vector<16xi32>
        tpu.vector_store_idx %arg14[%parallel_loop3A_532, %parallel_loop3A_353], %parallel_loop3A_469 : memref<128x128xf32, #tpu.memory_space<vmem>>[vector<16xi32>, vector<16xi32>], vector<16xf32>,
        %parallel_loop3A_533 = arith.constant 16 : i32
        %parallel_loop3A_534 = vector.broadcast %parallel_loop3A_533 : i32 to vector<16xi32>
        %parallel_loop3A_535 = arith.addi %get3A_252, %parallel_loop3A_534 : vector<16xi32>
        tpu.vector_store_idx %arg14[%parallel_loop3A_535, %parallel_loop3A_353], %parallel_loop3A_473 : memref<128x128xf32, #tpu.memory_space<vmem>>[vector<16xi32>, vector<16xi32>], vector<16xf32>,
        %parallel_loop3A_536 = arith.constant 16 : i32
        %parallel_loop3A_537 = vector.broadcast %parallel_loop3A_536 : i32 to vector<16xi32>
        %parallel_loop3A_538 = arith.addi %get3A_256, %parallel_loop3A_537 : vector<16xi32>
        tpu.vector_store_idx %arg14[%parallel_loop3A_538, %parallel_loop3A_353], %parallel_loop3A_477 : memref<128x128xf32, #tpu.memory_space<vmem>>[vector<16xi32>, vector<16xi32>], vector<16xf32>,
        %parallel_loop3A_539 = arith.constant 16 : i32
        %parallel_loop3A_540 = vector.broadcast %parallel_loop3A_539 : i32 to vector<16xi32>
        %parallel_loop3A_541 = arith.addi %get3A_260, %parallel_loop3A_540 : vector<16xi32>
        tpu.vector_store_idx %arg14[%parallel_loop3A_541, %parallel_loop3A_353], %parallel_loop3A_481 : memref<128x128xf32, #tpu.memory_space<vmem>>[vector<16xi32>, vector<16xi32>], vector<16xf32>,
        %parallel_loop3A_542 = arith.constant 16 : i32
        %parallel_loop3A_543 = vector.broadcast %parallel_loop3A_542 : i32 to vector<16xi32>
        %parallel_loop3A_544 = arith.addi %get3A_264, %parallel_loop3A_543 : vector<16xi32>
        tpu.vector_store_idx %arg14[%parallel_loop3A_544, %parallel_loop3A_353], %parallel_loop3A_485 : memref<128x128xf32, #tpu.memory_space<vmem>>[vector<16xi32>, vector<16xi32>], vector<16xf32>,
        %parallel_loop3A_545 = arith.constant 16 : i32
        %parallel_loop3A_546 = vector.broadcast %parallel_loop3A_545 : i32 to vector<16xi32>
        %parallel_loop3A_547 = arith.addi %get3A_268, %parallel_loop3A_546 : vector<16xi32>
        tpu.vector_store_idx %arg14[%parallel_loop3A_547, %parallel_loop3A_353], %parallel_loop3A_489 : memref<128x128xf32, #tpu.memory_space<vmem>>[vector<16xi32>, vector<16xi32>], vector<16xf32>,
        %parallel_loop3A_548 = arith.constant 16 : i32
        %parallel_loop3A_549 = vector.broadcast %parallel_loop3A_548 : i32 to vector<16xi32>
        %parallel_loop3A_550 = arith.addi %get3A_272, %parallel_loop3A_549 : vector<16xi32>
        tpu.vector_store_idx %arg14[%parallel_loop3A_550, %parallel_loop3A_353], %parallel_loop3A_493 : memref<128x128xf32, #tpu.memory_space<vmem>>[vector<16xi32>, vector<16xi32>], vector<16xf32>,
        %parallel_loop3A_551 = arith.constant 16 : i32
        %parallel_loop3A_552 = vector.broadcast %parallel_loop3A_551 : i32 to vector<16xi32>
        %parallel_loop3A_553 = arith.addi %get3A_276, %parallel_loop3A_552 : vector<16xi32>
        tpu.vector_store_idx %arg14[%parallel_loop3A_553, %parallel_loop3A_353], %parallel_loop3A_497 : memref<128x128xf32, #tpu.memory_space<vmem>>[vector<16xi32>, vector<16xi32>], vector<16xf32>,
        %parallel_loop3A_554 = arith.constant 16 : i32
        %parallel_loop3A_555 = vector.broadcast %parallel_loop3A_554 : i32 to vector<16xi32>
        %parallel_loop3A_556 = arith.addi %get3A_280, %parallel_loop3A_555 : vector<16xi32>
        tpu.vector_store_idx %arg14[%parallel_loop3A_556, %parallel_loop3A_353], %parallel_loop3A_501 : memref<128x128xf32, #tpu.memory_space<vmem>>[vector<16xi32>, vector<16xi32>], vector<16xf32>,
        %parallel_loop3A_557 = arith.constant 16 : i32
        %parallel_loop3A_558 = vector.broadcast %parallel_loop3A_557 : i32 to vector<16xi32>
        %parallel_loop3A_559 = arith.addi %get3A_284, %parallel_loop3A_558 : vector<16xi32>
        tpu.vector_store_idx %arg14[%parallel_loop3A_559, %parallel_loop3A_353], %parallel_loop3A_505 : memref<128x128xf32, #tpu.memory_space<vmem>>[vector<16xi32>, vector<16xi32>], vector<16xf32>,
        %parallel_loop3A_560 = arith.constant 16 : i32
        %parallel_loop3A_561 = vector.broadcast %parallel_loop3A_560 : i32 to vector<16xi32>
        %parallel_loop3A_562 = arith.addi %get3A_288, %parallel_loop3A_561 : vector<16xi32>
        tpu.vector_store_idx %arg14[%parallel_loop3A_562, %parallel_loop3A_353], %parallel_loop3A_509 : memref<128x128xf32, #tpu.memory_space<vmem>>[vector<16xi32>, vector<16xi32>], vector<16xf32>,
        %parallel_loop3A_563 = arith.constant 16 : i32
        %parallel_loop3A_564 = vector.broadcast %parallel_loop3A_563 : i32 to vector<16xi32>
        %parallel_loop3A_565 = arith.addi %get3A_292, %parallel_loop3A_564 : vector<16xi32>
        tpu.vector_store_idx %arg14[%parallel_loop3A_565, %parallel_loop3A_353], %parallel_loop3A_513 : memref<128x128xf32, #tpu.memory_space<vmem>>[vector<16xi32>, vector<16xi32>], vector<16xf32>,
        %parallel_loop3A_566 = arith.constant 16 : i32
        %parallel_loop3A_567 = vector.broadcast %parallel_loop3A_566 : i32 to vector<16xi32>
        %parallel_loop3A_568 = arith.addi %get3A_296, %parallel_loop3A_567 : vector<16xi32>
        tpu.vector_store_idx %arg14[%parallel_loop3A_568, %parallel_loop3A_353], %parallel_loop3A_517 : memref<128x128xf32, #tpu.memory_space<vmem>>[vector<16xi32>, vector<16xi32>], vector<16xf32>,
        %parallel_loop3A_569 = arith.constant 16 : i32
        %parallel_loop3A_570 = vector.broadcast %parallel_loop3A_569 : i32 to vector<16xi32>
        %parallel_loop3A_571 = arith.addi %get3A_300, %parallel_loop3A_570 : vector<16xi32>
        tpu.vector_store_idx %arg14[%parallel_loop3A_571, %parallel_loop3A_353], %parallel_loop3A_521 : memref<128x128xf32, #tpu.memory_space<vmem>>[vector<16xi32>, vector<16xi32>], vector<16xf32>,
        %parallel_loop3A_572 = arith.constant 16 : i32
        %parallel_loop3A_573 = vector.broadcast %parallel_loop3A_572 : i32 to vector<16xi32>
        %parallel_loop3A_574 = arith.addi %get3A_304, %parallel_loop3A_573 : vector<16xi32>
        tpu.vector_store_idx %arg14[%parallel_loop3A_574, %parallel_loop3A_353], %parallel_loop3A_525 : memref<128x128xf32, #tpu.memory_space<vmem>>[vector<16xi32>, vector<16xi32>], vector<16xf32>,
        %parallel_loop3A_575 = arith.constant 16 : i32
        %parallel_loop3A_576 = vector.broadcast %parallel_loop3A_575 : i32 to vector<16xi32>
        %parallel_loop3A_577 = arith.addi %get3A_308, %parallel_loop3A_576 : vector<16xi32>
        tpu.vector_store_idx %arg14[%parallel_loop3A_577, %parallel_loop3A_353], %parallel_loop3A_529 : memref<128x128xf32, #tpu.memory_space<vmem>>[vector<16xi32>, vector<16xi32>], vector<16xf32>,
        %parallel_loop3A_578 = arith.constant 32 : i32
        %parallel_loop3A_579 = vector.broadcast %parallel_loop3A_578 : i32 to vector<16xi32>
        %parallel_loop3A_580 = arith.addi %get3A_248, %parallel_loop3A_579 : vector<16xi32>
        %parallel_loop3A_581 = tpu.vector_load_idx %arg12[%parallel_loop3A_353, %parallel_loop3A_580] : memref<128x128xf32, #tpu.memory_space<vmem>>[vector<16xi32>, vector<16xi32>], vector<16xf32>,
        %parallel_loop3A_582 = arith.constant 32 : i32
        %parallel_loop3A_583 = vector.broadcast %parallel_loop3A_582 : i32 to vector<16xi32>
        %parallel_loop3A_584 = arith.addi %get3A_252, %parallel_loop3A_583 : vector<16xi32>
        %parallel_loop3A_585 = tpu.vector_load_idx %arg12[%parallel_loop3A_353, %parallel_loop3A_584] : memref<128x128xf32, #tpu.memory_space<vmem>>[vector<16xi32>, vector<16xi32>], vector<16xf32>,
        %parallel_loop3A_586 = arith.constant 32 : i32
        %parallel_loop3A_587 = vector.broadcast %parallel_loop3A_586 : i32 to vector<16xi32>
        %parallel_loop3A_588 = arith.addi %get3A_256, %parallel_loop3A_587 : vector<16xi32>
        %parallel_loop3A_589 = tpu.vector_load_idx %arg12[%parallel_loop3A_353, %parallel_loop3A_588] : memref<128x128xf32, #tpu.memory_space<vmem>>[vector<16xi32>, vector<16xi32>], vector<16xf32>,
        %parallel_loop3A_590 = arith.constant 32 : i32
        %parallel_loop3A_591 = vector.broadcast %parallel_loop3A_590 : i32 to vector<16xi32>
        %parallel_loop3A_592 = arith.addi %get3A_260, %parallel_loop3A_591 : vector<16xi32>
        %parallel_loop3A_593 = tpu.vector_load_idx %arg12[%parallel_loop3A_353, %parallel_loop3A_592] : memref<128x128xf32, #tpu.memory_space<vmem>>[vector<16xi32>, vector<16xi32>], vector<16xf32>,
        %parallel_loop3A_594 = arith.constant 32 : i32
        %parallel_loop3A_595 = vector.broadcast %parallel_loop3A_594 : i32 to vector<16xi32>
        %parallel_loop3A_596 = arith.addi %get3A_264, %parallel_loop3A_595 : vector<16xi32>
        %parallel_loop3A_597 = tpu.vector_load_idx %arg12[%parallel_loop3A_353, %parallel_loop3A_596] : memref<128x128xf32, #tpu.memory_space<vmem>>[vector<16xi32>, vector<16xi32>], vector<16xf32>,
        %parallel_loop3A_598 = arith.constant 32 : i32
        %parallel_loop3A_599 = vector.broadcast %parallel_loop3A_598 : i32 to vector<16xi32>
        %parallel_loop3A_600 = arith.addi %get3A_268, %parallel_loop3A_599 : vector<16xi32>
        %parallel_loop3A_601 = tpu.vector_load_idx %arg12[%parallel_loop3A_353, %parallel_loop3A_600] : memref<128x128xf32, #tpu.memory_space<vmem>>[vector<16xi32>, vector<16xi32>], vector<16xf32>,
        %parallel_loop3A_602 = arith.constant 32 : i32
        %parallel_loop3A_603 = vector.broadcast %parallel_loop3A_602 : i32 to vector<16xi32>
        %parallel_loop3A_604 = arith.addi %get3A_272, %parallel_loop3A_603 : vector<16xi32>
        %parallel_loop3A_605 = tpu.vector_load_idx %arg12[%parallel_loop3A_353, %parallel_loop3A_604] : memref<128x128xf32, #tpu.memory_space<vmem>>[vector<16xi32>, vector<16xi32>], vector<16xf32>,
        %parallel_loop3A_606 = arith.constant 32 : i32
        %parallel_loop3A_607 = vector.broadcast %parallel_loop3A_606 : i32 to vector<16xi32>
        %parallel_loop3A_608 = arith.addi %get3A_276, %parallel_loop3A_607 : vector<16xi32>
        %parallel_loop3A_609 = tpu.vector_load_idx %arg12[%parallel_loop3A_353, %parallel_loop3A_608] : memref<128x128xf32, #tpu.memory_space<vmem>>[vector<16xi32>, vector<16xi32>], vector<16xf32>,
        %parallel_loop3A_610 = arith.constant 32 : i32
        %parallel_loop3A_611 = vector.broadcast %parallel_loop3A_610 : i32 to vector<16xi32>
        %parallel_loop3A_612 = arith.addi %get3A_280, %parallel_loop3A_611 : vector<16xi32>
        %parallel_loop3A_613 = tpu.vector_load_idx %arg12[%parallel_loop3A_353, %parallel_loop3A_612] : memref<128x128xf32, #tpu.memory_space<vmem>>[vector<16xi32>, vector<16xi32>], vector<16xf32>,
        %parallel_loop3A_614 = arith.constant 32 : i32
        %parallel_loop3A_615 = vector.broadcast %parallel_loop3A_614 : i32 to vector<16xi32>
        %parallel_loop3A_616 = arith.addi %get3A_284, %parallel_loop3A_615 : vector<16xi32>
        %parallel_loop3A_617 = tpu.vector_load_idx %arg12[%parallel_loop3A_353, %parallel_loop3A_616] : memref<128x128xf32, #tpu.memory_space<vmem>>[vector<16xi32>, vector<16xi32>], vector<16xf32>,
        %parallel_loop3A_618 = arith.constant 32 : i32
        %parallel_loop3A_619 = vector.broadcast %parallel_loop3A_618 : i32 to vector<16xi32>
        %parallel_loop3A_620 = arith.addi %get3A_288, %parallel_loop3A_619 : vector<16xi32>
        %parallel_loop3A_621 = tpu.vector_load_idx %arg12[%parallel_loop3A_353, %parallel_loop3A_620] : memref<128x128xf32, #tpu.memory_space<vmem>>[vector<16xi32>, vector<16xi32>], vector<16xf32>,
        %parallel_loop3A_622 = arith.constant 32 : i32
        %parallel_loop3A_623 = vector.broadcast %parallel_loop3A_622 : i32 to vector<16xi32>
        %parallel_loop3A_624 = arith.addi %get3A_292, %parallel_loop3A_623 : vector<16xi32>
        %parallel_loop3A_625 = tpu.vector_load_idx %arg12[%parallel_loop3A_353, %parallel_loop3A_624] : memref<128x128xf32, #tpu.memory_space<vmem>>[vector<16xi32>, vector<16xi32>], vector<16xf32>,
        %parallel_loop3A_626 = arith.constant 32 : i32
        %parallel_loop3A_627 = vector.broadcast %parallel_loop3A_626 : i32 to vector<16xi32>
        %parallel_loop3A_628 = arith.addi %get3A_296, %parallel_loop3A_627 : vector<16xi32>
        %parallel_loop3A_629 = tpu.vector_load_idx %arg12[%parallel_loop3A_353, %parallel_loop3A_628] : memref<128x128xf32, #tpu.memory_space<vmem>>[vector<16xi32>, vector<16xi32>], vector<16xf32>,
        %parallel_loop3A_630 = arith.constant 32 : i32
        %parallel_loop3A_631 = vector.broadcast %parallel_loop3A_630 : i32 to vector<16xi32>
        %parallel_loop3A_632 = arith.addi %get3A_300, %parallel_loop3A_631 : vector<16xi32>
        %parallel_loop3A_633 = tpu.vector_load_idx %arg12[%parallel_loop3A_353, %parallel_loop3A_632] : memref<128x128xf32, #tpu.memory_space<vmem>>[vector<16xi32>, vector<16xi32>], vector<16xf32>,
        %parallel_loop3A_634 = arith.constant 32 : i32
        %parallel_loop3A_635 = vector.broadcast %parallel_loop3A_634 : i32 to vector<16xi32>
        %parallel_loop3A_636 = arith.addi %get3A_304, %parallel_loop3A_635 : vector<16xi32>
        %parallel_loop3A_637 = tpu.vector_load_idx %arg12[%parallel_loop3A_353, %parallel_loop3A_636] : memref<128x128xf32, #tpu.memory_space<vmem>>[vector<16xi32>, vector<16xi32>], vector<16xf32>,
        %parallel_loop3A_638 = arith.constant 32 : i32
        %parallel_loop3A_639 = vector.broadcast %parallel_loop3A_638 : i32 to vector<16xi32>
        %parallel_loop3A_640 = arith.addi %get3A_308, %parallel_loop3A_639 : vector<16xi32>
        %parallel_loop3A_641 = tpu.vector_load_idx %arg12[%parallel_loop3A_353, %parallel_loop3A_640] : memref<128x128xf32, #tpu.memory_space<vmem>>[vector<16xi32>, vector<16xi32>], vector<16xf32>,
        %parallel_loop3A_642 = arith.constant 32 : i32
        %parallel_loop3A_643 = vector.broadcast %parallel_loop3A_642 : i32 to vector<16xi32>
        %parallel_loop3A_644 = arith.addi %get3A_248, %parallel_loop3A_643 : vector<16xi32>
        tpu.vector_store_idx %arg14[%parallel_loop3A_644, %parallel_loop3A_353], %parallel_loop3A_581 : memref<128x128xf32, #tpu.memory_space<vmem>>[vector<16xi32>, vector<16xi32>], vector<16xf32>,
        %parallel_loop3A_645 = arith.constant 32 : i32
        %parallel_loop3A_646 = vector.broadcast %parallel_loop3A_645 : i32 to vector<16xi32>
        %parallel_loop3A_647 = arith.addi %get3A_252, %parallel_loop3A_646 : vector<16xi32>
        tpu.vector_store_idx %arg14[%parallel_loop3A_647, %parallel_loop3A_353], %parallel_loop3A_585 : memref<128x128xf32, #tpu.memory_space<vmem>>[vector<16xi32>, vector<16xi32>], vector<16xf32>,
        %parallel_loop3A_648 = arith.constant 32 : i32
        %parallel_loop3A_649 = vector.broadcast %parallel_loop3A_648 : i32 to vector<16xi32>
        %parallel_loop3A_650 = arith.addi %get3A_256, %parallel_loop3A_649 : vector<16xi32>
        tpu.vector_store_idx %arg14[%parallel_loop3A_650, %parallel_loop3A_353], %parallel_loop3A_589 : memref<128x128xf32, #tpu.memory_space<vmem>>[vector<16xi32>, vector<16xi32>], vector<16xf32>,
        %parallel_loop3A_651 = arith.constant 32 : i32
        %parallel_loop3A_652 = vector.broadcast %parallel_loop3A_651 : i32 to vector<16xi32>
        %parallel_loop3A_653 = arith.addi %get3A_260, %parallel_loop3A_652 : vector<16xi32>
        tpu.vector_store_idx %arg14[%parallel_loop3A_653, %parallel_loop3A_353], %parallel_loop3A_593 : memref<128x128xf32, #tpu.memory_space<vmem>>[vector<16xi32>, vector<16xi32>], vector<16xf32>,
        %parallel_loop3A_654 = arith.constant 32 : i32
        %parallel_loop3A_655 = vector.broadcast %parallel_loop3A_654 : i32 to vector<16xi32>
        %parallel_loop3A_656 = arith.addi %get3A_264, %parallel_loop3A_655 : vector<16xi32>
        tpu.vector_store_idx %arg14[%parallel_loop3A_656, %parallel_loop3A_353], %parallel_loop3A_597 : memref<128x128xf32, #tpu.memory_space<vmem>>[vector<16xi32>, vector<16xi32>], vector<16xf32>,
        %parallel_loop3A_657 = arith.constant 32 : i32
        %parallel_loop3A_658 = vector.broadcast %parallel_loop3A_657 : i32 to vector<16xi32>
        %parallel_loop3A_659 = arith.addi %get3A_268, %parallel_loop3A_658 : vector<16xi32>
        tpu.vector_store_idx %arg14[%parallel_loop3A_659, %parallel_loop3A_353], %parallel_loop3A_601 : memref<128x128xf32, #tpu.memory_space<vmem>>[vector<16xi32>, vector<16xi32>], vector<16xf32>,
        %parallel_loop3A_660 = arith.constant 32 : i32
        %parallel_loop3A_661 = vector.broadcast %parallel_loop3A_660 : i32 to vector<16xi32>
        %parallel_loop3A_662 = arith.addi %get3A_272, %parallel_loop3A_661 : vector<16xi32>
        tpu.vector_store_idx %arg14[%parallel_loop3A_662, %parallel_loop3A_353], %parallel_loop3A_605 : memref<128x128xf32, #tpu.memory_space<vmem>>[vector<16xi32>, vector<16xi32>], vector<16xf32>,
        %parallel_loop3A_663 = arith.constant 32 : i32
        %parallel_loop3A_664 = vector.broadcast %parallel_loop3A_663 : i32 to vector<16xi32>
        %parallel_loop3A_665 = arith.addi %get3A_276, %parallel_loop3A_664 : vector<16xi32>
        tpu.vector_store_idx %arg14[%parallel_loop3A_665, %parallel_loop3A_353], %parallel_loop3A_609 : memref<128x128xf32, #tpu.memory_space<vmem>>[vector<16xi32>, vector<16xi32>], vector<16xf32>,
        %parallel_loop3A_666 = arith.constant 32 : i32
        %parallel_loop3A_667 = vector.broadcast %parallel_loop3A_666 : i32 to vector<16xi32>
        %parallel_loop3A_668 = arith.addi %get3A_280, %parallel_loop3A_667 : vector<16xi32>
        tpu.vector_store_idx %arg14[%parallel_loop3A_668, %parallel_loop3A_353], %parallel_loop3A_613 : memref<128x128xf32, #tpu.memory_space<vmem>>[vector<16xi32>, vector<16xi32>], vector<16xf32>,
        %parallel_loop3A_669 = arith.constant 32 : i32
        %parallel_loop3A_670 = vector.broadcast %parallel_loop3A_669 : i32 to vector<16xi32>
        %parallel_loop3A_671 = arith.addi %get3A_284, %parallel_loop3A_670 : vector<16xi32>
        tpu.vector_store_idx %arg14[%parallel_loop3A_671, %parallel_loop3A_353], %parallel_loop3A_617 : memref<128x128xf32, #tpu.memory_space<vmem>>[vector<16xi32>, vector<16xi32>], vector<16xf32>,
        %parallel_loop3A_672 = arith.constant 32 : i32
        %parallel_loop3A_673 = vector.broadcast %parallel_loop3A_672 : i32 to vector<16xi32>
        %parallel_loop3A_674 = arith.addi %get3A_288, %parallel_loop3A_673 : vector<16xi32>
        tpu.vector_store_idx %arg14[%parallel_loop3A_674, %parallel_loop3A_353], %parallel_loop3A_621 : memref<128x128xf32, #tpu.memory_space<vmem>>[vector<16xi32>, vector<16xi32>], vector<16xf32>,
        %parallel_loop3A_675 = arith.constant 32 : i32
        %parallel_loop3A_676 = vector.broadcast %parallel_loop3A_675 : i32 to vector<16xi32>
        %parallel_loop3A_677 = arith.addi %get3A_292, %parallel_loop3A_676 : vector<16xi32>
        tpu.vector_store_idx %arg14[%parallel_loop3A_677, %parallel_loop3A_353], %parallel_loop3A_625 : memref<128x128xf32, #tpu.memory_space<vmem>>[vector<16xi32>, vector<16xi32>], vector<16xf32>,
        %parallel_loop3A_678 = arith.constant 32 : i32
        %parallel_loop3A_679 = vector.broadcast %parallel_loop3A_678 : i32 to vector<16xi32>
        %parallel_loop3A_680 = arith.addi %get3A_296, %parallel_loop3A_679 : vector<16xi32>
        tpu.vector_store_idx %arg14[%parallel_loop3A_680, %parallel_loop3A_353], %parallel_loop3A_629 : memref<128x128xf32, #tpu.memory_space<vmem>>[vector<16xi32>, vector<16xi32>], vector<16xf32>,
        %parallel_loop3A_681 = arith.constant 32 : i32
        %parallel_loop3A_682 = vector.broadcast %parallel_loop3A_681 : i32 to vector<16xi32>
        %parallel_loop3A_683 = arith.addi %get3A_300, %parallel_loop3A_682 : vector<16xi32>
        tpu.vector_store_idx %arg14[%parallel_loop3A_683, %parallel_loop3A_353], %parallel_loop3A_633 : memref<128x128xf32, #tpu.memory_space<vmem>>[vector<16xi32>, vector<16xi32>], vector<16xf32>,
        %parallel_loop3A_684 = arith.constant 32 : i32
        %parallel_loop3A_685 = vector.broadcast %parallel_loop3A_684 : i32 to vector<16xi32>
        %parallel_loop3A_686 = arith.addi %get3A_304, %parallel_loop3A_685 : vector<16xi32>
        tpu.vector_store_idx %arg14[%parallel_loop3A_686, %parallel_loop3A_353], %parallel_loop3A_637 : memref<128x128xf32, #tpu.memory_space<vmem>>[vector<16xi32>, vector<16xi32>], vector<16xf32>,
        %parallel_loop3A_687 = arith.constant 32 : i32
        %parallel_loop3A_688 = vector.broadcast %parallel_loop3A_687 : i32 to vector<16xi32>
        %parallel_loop3A_689 = arith.addi %get3A_308, %parallel_loop3A_688 : vector<16xi32>
        tpu.vector_store_idx %arg14[%parallel_loop3A_689, %parallel_loop3A_353], %parallel_loop3A_641 : memref<128x128xf32, #tpu.memory_space<vmem>>[vector<16xi32>, vector<16xi32>], vector<16xf32>,
        %parallel_loop3A_690 = arith.constant 48 : i32
        %parallel_loop3A_691 = vector.broadcast %parallel_loop3A_690 : i32 to vector<16xi32>
        %parallel_loop3A_692 = arith.addi %get3A_248, %parallel_loop3A_691 : vector<16xi32>
        %parallel_loop3A_693 = tpu.vector_load_idx %arg12[%parallel_loop3A_353, %parallel_loop3A_692] : memref<128x128xf32, #tpu.memory_space<vmem>>[vector<16xi32>, vector<16xi32>], vector<16xf32>,
        %parallel_loop3A_694 = arith.constant 48 : i32
        %parallel_loop3A_695 = vector.broadcast %parallel_loop3A_694 : i32 to vector<16xi32>
        %parallel_loop3A_696 = arith.addi %get3A_252, %parallel_loop3A_695 : vector<16xi32>
        %parallel_loop3A_697 = tpu.vector_load_idx %arg12[%parallel_loop3A_353, %parallel_loop3A_696] : memref<128x128xf32, #tpu.memory_space<vmem>>[vector<16xi32>, vector<16xi32>], vector<16xf32>,
        %parallel_loop3A_698 = arith.constant 48 : i32
        %parallel_loop3A_699 = vector.broadcast %parallel_loop3A_698 : i32 to vector<16xi32>
        %parallel_loop3A_700 = arith.addi %get3A_256, %parallel_loop3A_699 : vector<16xi32>
        %parallel_loop3A_701 = tpu.vector_load_idx %arg12[%parallel_loop3A_353, %parallel_loop3A_700] : memref<128x128xf32, #tpu.memory_space<vmem>>[vector<16xi32>, vector<16xi32>], vector<16xf32>,
        %parallel_loop3A_702 = arith.constant 48 : i32
        %parallel_loop3A_703 = vector.broadcast %parallel_loop3A_702 : i32 to vector<16xi32>
        %parallel_loop3A_704 = arith.addi %get3A_260, %parallel_loop3A_703 : vector<16xi32>
        %parallel_loop3A_705 = tpu.vector_load_idx %arg12[%parallel_loop3A_353, %parallel_loop3A_704] : memref<128x128xf32, #tpu.memory_space<vmem>>[vector<16xi32>, vector<16xi32>], vector<16xf32>,
        %parallel_loop3A_706 = arith.constant 48 : i32
        %parallel_loop3A_707 = vector.broadcast %parallel_loop3A_706 : i32 to vector<16xi32>
        %parallel_loop3A_708 = arith.addi %get3A_264, %parallel_loop3A_707 : vector<16xi32>
        %parallel_loop3A_709 = tpu.vector_load_idx %arg12[%parallel_loop3A_353, %parallel_loop3A_708] : memref<128x128xf32, #tpu.memory_space<vmem>>[vector<16xi32>, vector<16xi32>], vector<16xf32>,
        %parallel_loop3A_710 = arith.constant 48 : i32
        %parallel_loop3A_711 = vector.broadcast %parallel_loop3A_710 : i32 to vector<16xi32>
        %parallel_loop3A_712 = arith.addi %get3A_268, %parallel_loop3A_711 : vector<16xi32>
        %parallel_loop3A_713 = tpu.vector_load_idx %arg12[%parallel_loop3A_353, %parallel_loop3A_712] : memref<128x128xf32, #tpu.memory_space<vmem>>[vector<16xi32>, vector<16xi32>], vector<16xf32>,
        %parallel_loop3A_714 = arith.constant 48 : i32
        %parallel_loop3A_715 = vector.broadcast %parallel_loop3A_714 : i32 to vector<16xi32>
        %parallel_loop3A_716 = arith.addi %get3A_272, %parallel_loop3A_715 : vector<16xi32>
        %parallel_loop3A_717 = tpu.vector_load_idx %arg12[%parallel_loop3A_353, %parallel_loop3A_716] : memref<128x128xf32, #tpu.memory_space<vmem>>[vector<16xi32>, vector<16xi32>], vector<16xf32>,
        %parallel_loop3A_718 = arith.constant 48 : i32
        %parallel_loop3A_719 = vector.broadcast %parallel_loop3A_718 : i32 to vector<16xi32>
        %parallel_loop3A_720 = arith.addi %get3A_276, %parallel_loop3A_719 : vector<16xi32>
        %parallel_loop3A_721 = tpu.vector_load_idx %arg12[%parallel_loop3A_353, %parallel_loop3A_720] : memref<128x128xf32, #tpu.memory_space<vmem>>[vector<16xi32>, vector<16xi32>], vector<16xf32>,
        %parallel_loop3A_722 = arith.constant 48 : i32
        %parallel_loop3A_723 = vector.broadcast %parallel_loop3A_722 : i32 to vector<16xi32>
        %parallel_loop3A_724 = arith.addi %get3A_280, %parallel_loop3A_723 : vector<16xi32>
        %parallel_loop3A_725 = tpu.vector_load_idx %arg12[%parallel_loop3A_353, %parallel_loop3A_724] : memref<128x128xf32, #tpu.memory_space<vmem>>[vector<16xi32>, vector<16xi32>], vector<16xf32>,
        %parallel_loop3A_726 = arith.constant 48 : i32
        %parallel_loop3A_727 = vector.broadcast %parallel_loop3A_726 : i32 to vector<16xi32>
        %parallel_loop3A_728 = arith.addi %get3A_284, %parallel_loop3A_727 : vector<16xi32>
        %parallel_loop3A_729 = tpu.vector_load_idx %arg12[%parallel_loop3A_353, %parallel_loop3A_728] : memref<128x128xf32, #tpu.memory_space<vmem>>[vector<16xi32>, vector<16xi32>], vector<16xf32>,
        %parallel_loop3A_730 = arith.constant 48 : i32
        %parallel_loop3A_731 = vector.broadcast %parallel_loop3A_730 : i32 to vector<16xi32>
        %parallel_loop3A_732 = arith.addi %get3A_288, %parallel_loop3A_731 : vector<16xi32>
        %parallel_loop3A_733 = tpu.vector_load_idx %arg12[%parallel_loop3A_353, %parallel_loop3A_732] : memref<128x128xf32, #tpu.memory_space<vmem>>[vector<16xi32>, vector<16xi32>], vector<16xf32>,
        %parallel_loop3A_734 = arith.constant 48 : i32
        %parallel_loop3A_735 = vector.broadcast %parallel_loop3A_734 : i32 to vector<16xi32>
        %parallel_loop3A_736 = arith.addi %get3A_292, %parallel_loop3A_735 : vector<16xi32>
        %parallel_loop3A_737 = tpu.vector_load_idx %arg12[%parallel_loop3A_353, %parallel_loop3A_736] : memref<128x128xf32, #tpu.memory_space<vmem>>[vector<16xi32>, vector<16xi32>], vector<16xf32>,
        %parallel_loop3A_738 = arith.constant 48 : i32
        %parallel_loop3A_739 = vector.broadcast %parallel_loop3A_738 : i32 to vector<16xi32>
        %parallel_loop3A_740 = arith.addi %get3A_296, %parallel_loop3A_739 : vector<16xi32>
        %parallel_loop3A_741 = tpu.vector_load_idx %arg12[%parallel_loop3A_353, %parallel_loop3A_740] : memref<128x128xf32, #tpu.memory_space<vmem>>[vector<16xi32>, vector<16xi32>], vector<16xf32>,
        %parallel_loop3A_742 = arith.constant 48 : i32
        %parallel_loop3A_743 = vector.broadcast %parallel_loop3A_742 : i32 to vector<16xi32>
        %parallel_loop3A_744 = arith.addi %get3A_300, %parallel_loop3A_743 : vector<16xi32>
        %parallel_loop3A_745 = tpu.vector_load_idx %arg12[%parallel_loop3A_353, %parallel_loop3A_744] : memref<128x128xf32, #tpu.memory_space<vmem>>[vector<16xi32>, vector<16xi32>], vector<16xf32>,
        %parallel_loop3A_746 = arith.constant 48 : i32
        %parallel_loop3A_747 = vector.broadcast %parallel_loop3A_746 : i32 to vector<16xi32>
        %parallel_loop3A_748 = arith.addi %get3A_304, %parallel_loop3A_747 : vector<16xi32>
        %parallel_loop3A_749 = tpu.vector_load_idx %arg12[%parallel_loop3A_353, %parallel_loop3A_748] : memref<128x128xf32, #tpu.memory_space<vmem>>[vector<16xi32>, vector<16xi32>], vector<16xf32>,
        %parallel_loop3A_750 = arith.constant 48 : i32
        %parallel_loop3A_751 = vector.broadcast %parallel_loop3A_750 : i32 to vector<16xi32>
        %parallel_loop3A_752 = arith.addi %get3A_308, %parallel_loop3A_751 : vector<16xi32>
        %parallel_loop3A_753 = tpu.vector_load_idx %arg12[%parallel_loop3A_353, %parallel_loop3A_752] : memref<128x128xf32, #tpu.memory_space<vmem>>[vector<16xi32>, vector<16xi32>], vector<16xf32>,
        %parallel_loop3A_754 = arith.constant 48 : i32
        %parallel_loop3A_755 = vector.broadcast %parallel_loop3A_754 : i32 to vector<16xi32>
        %parallel_loop3A_756 = arith.addi %get3A_248, %parallel_loop3A_755 : vector<16xi32>
        tpu.vector_store_idx %arg14[%parallel_loop3A_756, %parallel_loop3A_353], %parallel_loop3A_693 : memref<128x128xf32, #tpu.memory_space<vmem>>[vector<16xi32>, vector<16xi32>], vector<16xf32>,
        %parallel_loop3A_757 = arith.constant 48 : i32
        %parallel_loop3A_758 = vector.broadcast %parallel_loop3A_757 : i32 to vector<16xi32>
        %parallel_loop3A_759 = arith.addi %get3A_252, %parallel_loop3A_758 : vector<16xi32>
        tpu.vector_store_idx %arg14[%parallel_loop3A_759, %parallel_loop3A_353], %parallel_loop3A_697 : memref<128x128xf32, #tpu.memory_space<vmem>>[vector<16xi32>, vector<16xi32>], vector<16xf32>,
        %parallel_loop3A_760 = arith.constant 48 : i32
        %parallel_loop3A_761 = vector.broadcast %parallel_loop3A_760 : i32 to vector<16xi32>
        %parallel_loop3A_762 = arith.addi %get3A_256, %parallel_loop3A_761 : vector<16xi32>
        tpu.vector_store_idx %arg14[%parallel_loop3A_762, %parallel_loop3A_353], %parallel_loop3A_701 : memref<128x128xf32, #tpu.memory_space<vmem>>[vector<16xi32>, vector<16xi32>], vector<16xf32>,
        %parallel_loop3A_763 = arith.constant 48 : i32
        %parallel_loop3A_764 = vector.broadcast %parallel_loop3A_763 : i32 to vector<16xi32>
        %parallel_loop3A_765 = arith.addi %get3A_260, %parallel_loop3A_764 : vector<16xi32>
        tpu.vector_store_idx %arg14[%parallel_loop3A_765, %parallel_loop3A_353], %parallel_loop3A_705 : memref<128x128xf32, #tpu.memory_space<vmem>>[vector<16xi32>, vector<16xi32>], vector<16xf32>,
        %parallel_loop3A_766 = arith.constant 48 : i32
        %parallel_loop3A_767 = vector.broadcast %parallel_loop3A_766 : i32 to vector<16xi32>
        %parallel_loop3A_768 = arith.addi %get3A_264, %parallel_loop3A_767 : vector<16xi32>
        tpu.vector_store_idx %arg14[%parallel_loop3A_768, %parallel_loop3A_353], %parallel_loop3A_709 : memref<128x128xf32, #tpu.memory_space<vmem>>[vector<16xi32>, vector<16xi32>], vector<16xf32>,
        %parallel_loop3A_769 = arith.constant 48 : i32
        %parallel_loop3A_770 = vector.broadcast %parallel_loop3A_769 : i32 to vector<16xi32>
        %parallel_loop3A_771 = arith.addi %get3A_268, %parallel_loop3A_770 : vector<16xi32>
        tpu.vector_store_idx %arg14[%parallel_loop3A_771, %parallel_loop3A_353], %parallel_loop3A_713 : memref<128x128xf32, #tpu.memory_space<vmem>>[vector<16xi32>, vector<16xi32>], vector<16xf32>,
        %parallel_loop3A_772 = arith.constant 48 : i32
        %parallel_loop3A_773 = vector.broadcast %parallel_loop3A_772 : i32 to vector<16xi32>
        %parallel_loop3A_774 = arith.addi %get3A_272, %parallel_loop3A_773 : vector<16xi32>
        tpu.vector_store_idx %arg14[%parallel_loop3A_774, %parallel_loop3A_353], %parallel_loop3A_717 : memref<128x128xf32, #tpu.memory_space<vmem>>[vector<16xi32>, vector<16xi32>], vector<16xf32>,
        %parallel_loop3A_775 = arith.constant 48 : i32
        %parallel_loop3A_776 = vector.broadcast %parallel_loop3A_775 : i32 to vector<16xi32>
        %parallel_loop3A_777 = arith.addi %get3A_276, %parallel_loop3A_776 : vector<16xi32>
        tpu.vector_store_idx %arg14[%parallel_loop3A_777, %parallel_loop3A_353], %parallel_loop3A_721 : memref<128x128xf32, #tpu.memory_space<vmem>>[vector<16xi32>, vector<16xi32>], vector<16xf32>,
        %parallel_loop3A_778 = arith.constant 48 : i32
        %parallel_loop3A_779 = vector.broadcast %parallel_loop3A_778 : i32 to vector<16xi32>
        %parallel_loop3A_780 = arith.addi %get3A_280, %parallel_loop3A_779 : vector<16xi32>
        tpu.vector_store_idx %arg14[%parallel_loop3A_780, %parallel_loop3A_353], %parallel_loop3A_725 : memref<128x128xf32, #tpu.memory_space<vmem>>[vector<16xi32>, vector<16xi32>], vector<16xf32>,
        %parallel_loop3A_781 = arith.constant 48 : i32
        %parallel_loop3A_782 = vector.broadcast %parallel_loop3A_781 : i32 to vector<16xi32>
        %parallel_loop3A_783 = arith.addi %get3A_284, %parallel_loop3A_782 : vector<16xi32>
        tpu.vector_store_idx %arg14[%parallel_loop3A_783, %parallel_loop3A_353], %parallel_loop3A_729 : memref<128x128xf32, #tpu.memory_space<vmem>>[vector<16xi32>, vector<16xi32>], vector<16xf32>,
        %parallel_loop3A_784 = arith.constant 48 : i32
        %parallel_loop3A_785 = vector.broadcast %parallel_loop3A_784 : i32 to vector<16xi32>
        %parallel_loop3A_786 = arith.addi %get3A_288, %parallel_loop3A_785 : vector<16xi32>
        tpu.vector_store_idx %arg14[%parallel_loop3A_786, %parallel_loop3A_353], %parallel_loop3A_733 : memref<128x128xf32, #tpu.memory_space<vmem>>[vector<16xi32>, vector<16xi32>], vector<16xf32>,
        %parallel_loop3A_787 = arith.constant 48 : i32
        %parallel_loop3A_788 = vector.broadcast %parallel_loop3A_787 : i32 to vector<16xi32>
        %parallel_loop3A_789 = arith.addi %get3A_292, %parallel_loop3A_788 : vector<16xi32>
        tpu.vector_store_idx %arg14[%parallel_loop3A_789, %parallel_loop3A_353], %parallel_loop3A_737 : memref<128x128xf32, #tpu.memory_space<vmem>>[vector<16xi32>, vector<16xi32>], vector<16xf32>,
        %parallel_loop3A_790 = arith.constant 48 : i32
        %parallel_loop3A_791 = vector.broadcast %parallel_loop3A_790 : i32 to vector<16xi32>
        %parallel_loop3A_792 = arith.addi %get3A_296, %parallel_loop3A_791 : vector<16xi32>
        tpu.vector_store_idx %arg14[%parallel_loop3A_792, %parallel_loop3A_353], %parallel_loop3A_741 : memref<128x128xf32, #tpu.memory_space<vmem>>[vector<16xi32>, vector<16xi32>], vector<16xf32>,
        %parallel_loop3A_793 = arith.constant 48 : i32
        %parallel_loop3A_794 = vector.broadcast %parallel_loop3A_793 : i32 to vector<16xi32>
        %parallel_loop3A_795 = arith.addi %get3A_300, %parallel_loop3A_794 : vector<16xi32>
        tpu.vector_store_idx %arg14[%parallel_loop3A_795, %parallel_loop3A_353], %parallel_loop3A_745 : memref<128x128xf32, #tpu.memory_space<vmem>>[vector<16xi32>, vector<16xi32>], vector<16xf32>,
        %parallel_loop3A_796 = arith.constant 48 : i32
        %parallel_loop3A_797 = vector.broadcast %parallel_loop3A_796 : i32 to vector<16xi32>
        %parallel_loop3A_798 = arith.addi %get3A_304, %parallel_loop3A_797 : vector<16xi32>
        tpu.vector_store_idx %arg14[%parallel_loop3A_798, %parallel_loop3A_353], %parallel_loop3A_749 : memref<128x128xf32, #tpu.memory_space<vmem>>[vector<16xi32>, vector<16xi32>], vector<16xf32>,
        %parallel_loop3A_799 = arith.constant 48 : i32
        %parallel_loop3A_800 = vector.broadcast %parallel_loop3A_799 : i32 to vector<16xi32>
        %parallel_loop3A_801 = arith.addi %get3A_308, %parallel_loop3A_800 : vector<16xi32>
        tpu.vector_store_idx %arg14[%parallel_loop3A_801, %parallel_loop3A_353], %parallel_loop3A_753 : memref<128x128xf32, #tpu.memory_space<vmem>>[vector<16xi32>, vector<16xi32>], vector<16xf32>,
        %parallel_loop3A_802 = arith.constant 64 : i32
        %parallel_loop3A_803 = vector.broadcast %parallel_loop3A_802 : i32 to vector<16xi32>
        %parallel_loop3A_804 = arith.addi %get3A_248, %parallel_loop3A_803 : vector<16xi32>
        %parallel_loop3A_805 = tpu.vector_load_idx %arg12[%parallel_loop3A_353, %parallel_loop3A_804] : memref<128x128xf32, #tpu.memory_space<vmem>>[vector<16xi32>, vector<16xi32>], vector<16xf32>,
        %parallel_loop3A_806 = arith.constant 64 : i32
        %parallel_loop3A_807 = vector.broadcast %parallel_loop3A_806 : i32 to vector<16xi32>
        %parallel_loop3A_808 = arith.addi %get3A_252, %parallel_loop3A_807 : vector<16xi32>
        %parallel_loop3A_809 = tpu.vector_load_idx %arg12[%parallel_loop3A_353, %parallel_loop3A_808] : memref<128x128xf32, #tpu.memory_space<vmem>>[vector<16xi32>, vector<16xi32>], vector<16xf32>,
        %parallel_loop3A_810 = arith.constant 64 : i32
        %parallel_loop3A_811 = vector.broadcast %parallel_loop3A_810 : i32 to vector<16xi32>
        %parallel_loop3A_812 = arith.addi %get3A_256, %parallel_loop3A_811 : vector<16xi32>
        %parallel_loop3A_813 = tpu.vector_load_idx %arg12[%parallel_loop3A_353, %parallel_loop3A_812] : memref<128x128xf32, #tpu.memory_space<vmem>>[vector<16xi32>, vector<16xi32>], vector<16xf32>,
        %parallel_loop3A_814 = arith.constant 64 : i32
        %parallel_loop3A_815 = vector.broadcast %parallel_loop3A_814 : i32 to vector<16xi32>
        %parallel_loop3A_816 = arith.addi %get3A_260, %parallel_loop3A_815 : vector<16xi32>
        %parallel_loop3A_817 = tpu.vector_load_idx %arg12[%parallel_loop3A_353, %parallel_loop3A_816] : memref<128x128xf32, #tpu.memory_space<vmem>>[vector<16xi32>, vector<16xi32>], vector<16xf32>,
        %parallel_loop3A_818 = arith.constant 64 : i32
        %parallel_loop3A_819 = vector.broadcast %parallel_loop3A_818 : i32 to vector<16xi32>
        %parallel_loop3A_820 = arith.addi %get3A_264, %parallel_loop3A_819 : vector<16xi32>
        %parallel_loop3A_821 = tpu.vector_load_idx %arg12[%parallel_loop3A_353, %parallel_loop3A_820] : memref<128x128xf32, #tpu.memory_space<vmem>>[vector<16xi32>, vector<16xi32>], vector<16xf32>,
        %parallel_loop3A_822 = arith.constant 64 : i32
        %parallel_loop3A_823 = vector.broadcast %parallel_loop3A_822 : i32 to vector<16xi32>
        %parallel_loop3A_824 = arith.addi %get3A_268, %parallel_loop3A_823 : vector<16xi32>
        %parallel_loop3A_825 = tpu.vector_load_idx %arg12[%parallel_loop3A_353, %parallel_loop3A_824] : memref<128x128xf32, #tpu.memory_space<vmem>>[vector<16xi32>, vector<16xi32>], vector<16xf32>,
        %parallel_loop3A_826 = arith.constant 64 : i32
        %parallel_loop3A_827 = vector.broadcast %parallel_loop3A_826 : i32 to vector<16xi32>
        %parallel_loop3A_828 = arith.addi %get3A_272, %parallel_loop3A_827 : vector<16xi32>
        %parallel_loop3A_829 = tpu.vector_load_idx %arg12[%parallel_loop3A_353, %parallel_loop3A_828] : memref<128x128xf32, #tpu.memory_space<vmem>>[vector<16xi32>, vector<16xi32>], vector<16xf32>,
        %parallel_loop3A_830 = arith.constant 64 : i32
        %parallel_loop3A_831 = vector.broadcast %parallel_loop3A_830 : i32 to vector<16xi32>
        %parallel_loop3A_832 = arith.addi %get3A_276, %parallel_loop3A_831 : vector<16xi32>
        %parallel_loop3A_833 = tpu.vector_load_idx %arg12[%parallel_loop3A_353, %parallel_loop3A_832] : memref<128x128xf32, #tpu.memory_space<vmem>>[vector<16xi32>, vector<16xi32>], vector<16xf32>,
        %parallel_loop3A_834 = arith.constant 64 : i32
        %parallel_loop3A_835 = vector.broadcast %parallel_loop3A_834 : i32 to vector<16xi32>
        %parallel_loop3A_836 = arith.addi %get3A_280, %parallel_loop3A_835 : vector<16xi32>
        %parallel_loop3A_837 = tpu.vector_load_idx %arg12[%parallel_loop3A_353, %parallel_loop3A_836] : memref<128x128xf32, #tpu.memory_space<vmem>>[vector<16xi32>, vector<16xi32>], vector<16xf32>,
        %parallel_loop3A_838 = arith.constant 64 : i32
        %parallel_loop3A_839 = vector.broadcast %parallel_loop3A_838 : i32 to vector<16xi32>
        %parallel_loop3A_840 = arith.addi %get3A_284, %parallel_loop3A_839 : vector<16xi32>
        %parallel_loop3A_841 = tpu.vector_load_idx %arg12[%parallel_loop3A_353, %parallel_loop3A_840] : memref<128x128xf32, #tpu.memory_space<vmem>>[vector<16xi32>, vector<16xi32>], vector<16xf32>,
        %parallel_loop3A_842 = arith.constant 64 : i32
        %parallel_loop3A_843 = vector.broadcast %parallel_loop3A_842 : i32 to vector<16xi32>
        %parallel_loop3A_844 = arith.addi %get3A_288, %parallel_loop3A_843 : vector<16xi32>
        %parallel_loop3A_845 = tpu.vector_load_idx %arg12[%parallel_loop3A_353, %parallel_loop3A_844] : memref<128x128xf32, #tpu.memory_space<vmem>>[vector<16xi32>, vector<16xi32>], vector<16xf32>,
        %parallel_loop3A_846 = arith.constant 64 : i32
        %parallel_loop3A_847 = vector.broadcast %parallel_loop3A_846 : i32 to vector<16xi32>
        %parallel_loop3A_848 = arith.addi %get3A_292, %parallel_loop3A_847 : vector<16xi32>
        %parallel_loop3A_849 = tpu.vector_load_idx %arg12[%parallel_loop3A_353, %parallel_loop3A_848] : memref<128x128xf32, #tpu.memory_space<vmem>>[vector<16xi32>, vector<16xi32>], vector<16xf32>,
        %parallel_loop3A_850 = arith.constant 64 : i32
        %parallel_loop3A_851 = vector.broadcast %parallel_loop3A_850 : i32 to vector<16xi32>
        %parallel_loop3A_852 = arith.addi %get3A_296, %parallel_loop3A_851 : vector<16xi32>
        %parallel_loop3A_853 = tpu.vector_load_idx %arg12[%parallel_loop3A_353, %parallel_loop3A_852] : memref<128x128xf32, #tpu.memory_space<vmem>>[vector<16xi32>, vector<16xi32>], vector<16xf32>,
        %parallel_loop3A_854 = arith.constant 64 : i32
        %parallel_loop3A_855 = vector.broadcast %parallel_loop3A_854 : i32 to vector<16xi32>
        %parallel_loop3A_856 = arith.addi %get3A_300, %parallel_loop3A_855 : vector<16xi32>
        %parallel_loop3A_857 = tpu.vector_load_idx %arg12[%parallel_loop3A_353, %parallel_loop3A_856] : memref<128x128xf32, #tpu.memory_space<vmem>>[vector<16xi32>, vector<16xi32>], vector<16xf32>,
        %parallel_loop3A_858 = arith.constant 64 : i32
        %parallel_loop3A_859 = vector.broadcast %parallel_loop3A_858 : i32 to vector<16xi32>
        %parallel_loop3A_860 = arith.addi %get3A_304, %parallel_loop3A_859 : vector<16xi32>
        %parallel_loop3A_861 = tpu.vector_load_idx %arg12[%parallel_loop3A_353, %parallel_loop3A_860] : memref<128x128xf32, #tpu.memory_space<vmem>>[vector<16xi32>, vector<16xi32>], vector<16xf32>,
        %parallel_loop3A_862 = arith.constant 64 : i32
        %parallel_loop3A_863 = vector.broadcast %parallel_loop3A_862 : i32 to vector<16xi32>
        %parallel_loop3A_864 = arith.addi %get3A_308, %parallel_loop3A_863 : vector<16xi32>
        %parallel_loop3A_865 = tpu.vector_load_idx %arg12[%parallel_loop3A_353, %parallel_loop3A_864] : memref<128x128xf32, #tpu.memory_space<vmem>>[vector<16xi32>, vector<16xi32>], vector<16xf32>,
        %parallel_loop3A_866 = arith.constant 64 : i32
        %parallel_loop3A_867 = vector.broadcast %parallel_loop3A_866 : i32 to vector<16xi32>
        %parallel_loop3A_868 = arith.addi %get3A_248, %parallel_loop3A_867 : vector<16xi32>
        tpu.vector_store_idx %arg14[%parallel_loop3A_868, %parallel_loop3A_353], %parallel_loop3A_805 : memref<128x128xf32, #tpu.memory_space<vmem>>[vector<16xi32>, vector<16xi32>], vector<16xf32>,
        %parallel_loop3A_869 = arith.constant 64 : i32
        %parallel_loop3A_870 = vector.broadcast %parallel_loop3A_869 : i32 to vector<16xi32>
        %parallel_loop3A_871 = arith.addi %get3A_252, %parallel_loop3A_870 : vector<16xi32>
        tpu.vector_store_idx %arg14[%parallel_loop3A_871, %parallel_loop3A_353], %parallel_loop3A_809 : memref<128x128xf32, #tpu.memory_space<vmem>>[vector<16xi32>, vector<16xi32>], vector<16xf32>,
        %parallel_loop3A_872 = arith.constant 64 : i32
        %parallel_loop3A_873 = vector.broadcast %parallel_loop3A_872 : i32 to vector<16xi32>
        %parallel_loop3A_874 = arith.addi %get3A_256, %parallel_loop3A_873 : vector<16xi32>
        tpu.vector_store_idx %arg14[%parallel_loop3A_874, %parallel_loop3A_353], %parallel_loop3A_813 : memref<128x128xf32, #tpu.memory_space<vmem>>[vector<16xi32>, vector<16xi32>], vector<16xf32>,
        %parallel_loop3A_875 = arith.constant 64 : i32
        %parallel_loop3A_876 = vector.broadcast %parallel_loop3A_875 : i32 to vector<16xi32>
        %parallel_loop3A_877 = arith.addi %get3A_260, %parallel_loop3A_876 : vector<16xi32>
        tpu.vector_store_idx %arg14[%parallel_loop3A_877, %parallel_loop3A_353], %parallel_loop3A_817 : memref<128x128xf32, #tpu.memory_space<vmem>>[vector<16xi32>, vector<16xi32>], vector<16xf32>,
        %parallel_loop3A_878 = arith.constant 64 : i32
        %parallel_loop3A_879 = vector.broadcast %parallel_loop3A_878 : i32 to vector<16xi32>
        %parallel_loop3A_880 = arith.addi %get3A_264, %parallel_loop3A_879 : vector<16xi32>
        tpu.vector_store_idx %arg14[%parallel_loop3A_880, %parallel_loop3A_353], %parallel_loop3A_821 : memref<128x128xf32, #tpu.memory_space<vmem>>[vector<16xi32>, vector<16xi32>], vector<16xf32>,
        %parallel_loop3A_881 = arith.constant 64 : i32
        %parallel_loop3A_882 = vector.broadcast %parallel_loop3A_881 : i32 to vector<16xi32>
        %parallel_loop3A_883 = arith.addi %get3A_268, %parallel_loop3A_882 : vector<16xi32>
        tpu.vector_store_idx %arg14[%parallel_loop3A_883, %parallel_loop3A_353], %parallel_loop3A_825 : memref<128x128xf32, #tpu.memory_space<vmem>>[vector<16xi32>, vector<16xi32>], vector<16xf32>,
        %parallel_loop3A_884 = arith.constant 64 : i32
        %parallel_loop3A_885 = vector.broadcast %parallel_loop3A_884 : i32 to vector<16xi32>
        %parallel_loop3A_886 = arith.addi %get3A_272, %parallel_loop3A_885 : vector<16xi32>
        tpu.vector_store_idx %arg14[%parallel_loop3A_886, %parallel_loop3A_353], %parallel_loop3A_829 : memref<128x128xf32, #tpu.memory_space<vmem>>[vector<16xi32>, vector<16xi32>], vector<16xf32>,
        %parallel_loop3A_887 = arith.constant 64 : i32
        %parallel_loop3A_888 = vector.broadcast %parallel_loop3A_887 : i32 to vector<16xi32>
        %parallel_loop3A_889 = arith.addi %get3A_276, %parallel_loop3A_888 : vector<16xi32>
        tpu.vector_store_idx %arg14[%parallel_loop3A_889, %parallel_loop3A_353], %parallel_loop3A_833 : memref<128x128xf32, #tpu.memory_space<vmem>>[vector<16xi32>, vector<16xi32>], vector<16xf32>,
        %parallel_loop3A_890 = arith.constant 64 : i32
        %parallel_loop3A_891 = vector.broadcast %parallel_loop3A_890 : i32 to vector<16xi32>
        %parallel_loop3A_892 = arith.addi %get3A_280, %parallel_loop3A_891 : vector<16xi32>
        tpu.vector_store_idx %arg14[%parallel_loop3A_892, %parallel_loop3A_353], %parallel_loop3A_837 : memref<128x128xf32, #tpu.memory_space<vmem>>[vector<16xi32>, vector<16xi32>], vector<16xf32>,
        %parallel_loop3A_893 = arith.constant 64 : i32
        %parallel_loop3A_894 = vector.broadcast %parallel_loop3A_893 : i32 to vector<16xi32>
        %parallel_loop3A_895 = arith.addi %get3A_284, %parallel_loop3A_894 : vector<16xi32>
        tpu.vector_store_idx %arg14[%parallel_loop3A_895, %parallel_loop3A_353], %parallel_loop3A_841 : memref<128x128xf32, #tpu.memory_space<vmem>>[vector<16xi32>, vector<16xi32>], vector<16xf32>,
        %parallel_loop3A_896 = arith.constant 64 : i32
        %parallel_loop3A_897 = vector.broadcast %parallel_loop3A_896 : i32 to vector<16xi32>
        %parallel_loop3A_898 = arith.addi %get3A_288, %parallel_loop3A_897 : vector<16xi32>
        tpu.vector_store_idx %arg14[%parallel_loop3A_898, %parallel_loop3A_353], %parallel_loop3A_845 : memref<128x128xf32, #tpu.memory_space<vmem>>[vector<16xi32>, vector<16xi32>], vector<16xf32>,
        %parallel_loop3A_899 = arith.constant 64 : i32
        %parallel_loop3A_900 = vector.broadcast %parallel_loop3A_899 : i32 to vector<16xi32>
        %parallel_loop3A_901 = arith.addi %get3A_292, %parallel_loop3A_900 : vector<16xi32>
        tpu.vector_store_idx %arg14[%parallel_loop3A_901, %parallel_loop3A_353], %parallel_loop3A_849 : memref<128x128xf32, #tpu.memory_space<vmem>>[vector<16xi32>, vector<16xi32>], vector<16xf32>,
        %parallel_loop3A_902 = arith.constant 64 : i32
        %parallel_loop3A_903 = vector.broadcast %parallel_loop3A_902 : i32 to vector<16xi32>
        %parallel_loop3A_904 = arith.addi %get3A_296, %parallel_loop3A_903 : vector<16xi32>
        tpu.vector_store_idx %arg14[%parallel_loop3A_904, %parallel_loop3A_353], %parallel_loop3A_853 : memref<128x128xf32, #tpu.memory_space<vmem>>[vector<16xi32>, vector<16xi32>], vector<16xf32>,
        %parallel_loop3A_905 = arith.constant 64 : i32
        %parallel_loop3A_906 = vector.broadcast %parallel_loop3A_905 : i32 to vector<16xi32>
        %parallel_loop3A_907 = arith.addi %get3A_300, %parallel_loop3A_906 : vector<16xi32>
        tpu.vector_store_idx %arg14[%parallel_loop3A_907, %parallel_loop3A_353], %parallel_loop3A_857 : memref<128x128xf32, #tpu.memory_space<vmem>>[vector<16xi32>, vector<16xi32>], vector<16xf32>,
        %parallel_loop3A_908 = arith.constant 64 : i32
        %parallel_loop3A_909 = vector.broadcast %parallel_loop3A_908 : i32 to vector<16xi32>
        %parallel_loop3A_910 = arith.addi %get3A_304, %parallel_loop3A_909 : vector<16xi32>
        tpu.vector_store_idx %arg14[%parallel_loop3A_910, %parallel_loop3A_353], %parallel_loop3A_861 : memref<128x128xf32, #tpu.memory_space<vmem>>[vector<16xi32>, vector<16xi32>], vector<16xf32>,
        %parallel_loop3A_911 = arith.constant 64 : i32
        %parallel_loop3A_912 = vector.broadcast %parallel_loop3A_911 : i32 to vector<16xi32>
        %parallel_loop3A_913 = arith.addi %get3A_308, %parallel_loop3A_912 : vector<16xi32>
        tpu.vector_store_idx %arg14[%parallel_loop3A_913, %parallel_loop3A_353], %parallel_loop3A_865 : memref<128x128xf32, #tpu.memory_space<vmem>>[vector<16xi32>, vector<16xi32>], vector<16xf32>,
        %parallel_loop3A_914 = arith.constant 80 : i32
        %parallel_loop3A_915 = vector.broadcast %parallel_loop3A_914 : i32 to vector<16xi32>
        %parallel_loop3A_916 = arith.addi %get3A_248, %parallel_loop3A_915 : vector<16xi32>
        %parallel_loop3A_917 = tpu.vector_load_idx %arg12[%parallel_loop3A_353, %parallel_loop3A_916] : memref<128x128xf32, #tpu.memory_space<vmem>>[vector<16xi32>, vector<16xi32>], vector<16xf32>,
        %parallel_loop3A_918 = arith.constant 80 : i32
        %parallel_loop3A_919 = vector.broadcast %parallel_loop3A_918 : i32 to vector<16xi32>
        %parallel_loop3A_920 = arith.addi %get3A_252, %parallel_loop3A_919 : vector<16xi32>
        %parallel_loop3A_921 = tpu.vector_load_idx %arg12[%parallel_loop3A_353, %parallel_loop3A_920] : memref<128x128xf32, #tpu.memory_space<vmem>>[vector<16xi32>, vector<16xi32>], vector<16xf32>,
        %parallel_loop3A_922 = arith.constant 80 : i32
        %parallel_loop3A_923 = vector.broadcast %parallel_loop3A_922 : i32 to vector<16xi32>
        %parallel_loop3A_924 = arith.addi %get3A_256, %parallel_loop3A_923 : vector<16xi32>
        %parallel_loop3A_925 = tpu.vector_load_idx %arg12[%parallel_loop3A_353, %parallel_loop3A_924] : memref<128x128xf32, #tpu.memory_space<vmem>>[vector<16xi32>, vector<16xi32>], vector<16xf32>,
        %parallel_loop3A_926 = arith.constant 80 : i32
        %parallel_loop3A_927 = vector.broadcast %parallel_loop3A_926 : i32 to vector<16xi32>
        %parallel_loop3A_928 = arith.addi %get3A_260, %parallel_loop3A_927 : vector<16xi32>
        %parallel_loop3A_929 = tpu.vector_load_idx %arg12[%parallel_loop3A_353, %parallel_loop3A_928] : memref<128x128xf32, #tpu.memory_space<vmem>>[vector<16xi32>, vector<16xi32>], vector<16xf32>,
        %parallel_loop3A_930 = arith.constant 80 : i32
        %parallel_loop3A_931 = vector.broadcast %parallel_loop3A_930 : i32 to vector<16xi32>
        %parallel_loop3A_932 = arith.addi %get3A_264, %parallel_loop3A_931 : vector<16xi32>
        %parallel_loop3A_933 = tpu.vector_load_idx %arg12[%parallel_loop3A_353, %parallel_loop3A_932] : memref<128x128xf32, #tpu.memory_space<vmem>>[vector<16xi32>, vector<16xi32>], vector<16xf32>,
        %parallel_loop3A_934 = arith.constant 80 : i32
        %parallel_loop3A_935 = vector.broadcast %parallel_loop3A_934 : i32 to vector<16xi32>
        %parallel_loop3A_936 = arith.addi %get3A_268, %parallel_loop3A_935 : vector<16xi32>
        %parallel_loop3A_937 = tpu.vector_load_idx %arg12[%parallel_loop3A_353, %parallel_loop3A_936] : memref<128x128xf32, #tpu.memory_space<vmem>>[vector<16xi32>, vector<16xi32>], vector<16xf32>,
        %parallel_loop3A_938 = arith.constant 80 : i32
        %parallel_loop3A_939 = vector.broadcast %parallel_loop3A_938 : i32 to vector<16xi32>
        %parallel_loop3A_940 = arith.addi %get3A_272, %parallel_loop3A_939 : vector<16xi32>
        %parallel_loop3A_941 = tpu.vector_load_idx %arg12[%parallel_loop3A_353, %parallel_loop3A_940] : memref<128x128xf32, #tpu.memory_space<vmem>>[vector<16xi32>, vector<16xi32>], vector<16xf32>,
        %parallel_loop3A_942 = arith.constant 80 : i32
        %parallel_loop3A_943 = vector.broadcast %parallel_loop3A_942 : i32 to vector<16xi32>
        %parallel_loop3A_944 = arith.addi %get3A_276, %parallel_loop3A_943 : vector<16xi32>
        %parallel_loop3A_945 = tpu.vector_load_idx %arg12[%parallel_loop3A_353, %parallel_loop3A_944] : memref<128x128xf32, #tpu.memory_space<vmem>>[vector<16xi32>, vector<16xi32>], vector<16xf32>,
        %parallel_loop3A_946 = arith.constant 80 : i32
        %parallel_loop3A_947 = vector.broadcast %parallel_loop3A_946 : i32 to vector<16xi32>
        %parallel_loop3A_948 = arith.addi %get3A_280, %parallel_loop3A_947 : vector<16xi32>
        %parallel_loop3A_949 = tpu.vector_load_idx %arg12[%parallel_loop3A_353, %parallel_loop3A_948] : memref<128x128xf32, #tpu.memory_space<vmem>>[vector<16xi32>, vector<16xi32>], vector<16xf32>,
        %parallel_loop3A_950 = arith.constant 80 : i32
        %parallel_loop3A_951 = vector.broadcast %parallel_loop3A_950 : i32 to vector<16xi32>
        %parallel_loop3A_952 = arith.addi %get3A_284, %parallel_loop3A_951 : vector<16xi32>
        %parallel_loop3A_953 = tpu.vector_load_idx %arg12[%parallel_loop3A_353, %parallel_loop3A_952] : memref<128x128xf32, #tpu.memory_space<vmem>>[vector<16xi32>, vector<16xi32>], vector<16xf32>,
        %parallel_loop3A_954 = arith.constant 80 : i32
        %parallel_loop3A_955 = vector.broadcast %parallel_loop3A_954 : i32 to vector<16xi32>
        %parallel_loop3A_956 = arith.addi %get3A_288, %parallel_loop3A_955 : vector<16xi32>
        %parallel_loop3A_957 = tpu.vector_load_idx %arg12[%parallel_loop3A_353, %parallel_loop3A_956] : memref<128x128xf32, #tpu.memory_space<vmem>>[vector<16xi32>, vector<16xi32>], vector<16xf32>,
        %parallel_loop3A_958 = arith.constant 80 : i32
        %parallel_loop3A_959 = vector.broadcast %parallel_loop3A_958 : i32 to vector<16xi32>
        %parallel_loop3A_960 = arith.addi %get3A_292, %parallel_loop3A_959 : vector<16xi32>
        %parallel_loop3A_961 = tpu.vector_load_idx %arg12[%parallel_loop3A_353, %parallel_loop3A_960] : memref<128x128xf32, #tpu.memory_space<vmem>>[vector<16xi32>, vector<16xi32>], vector<16xf32>,
        %parallel_loop3A_962 = arith.constant 80 : i32
        %parallel_loop3A_963 = vector.broadcast %parallel_loop3A_962 : i32 to vector<16xi32>
        %parallel_loop3A_964 = arith.addi %get3A_296, %parallel_loop3A_963 : vector<16xi32>
        %parallel_loop3A_965 = tpu.vector_load_idx %arg12[%parallel_loop3A_353, %parallel_loop3A_964] : memref<128x128xf32, #tpu.memory_space<vmem>>[vector<16xi32>, vector<16xi32>], vector<16xf32>,
        %parallel_loop3A_966 = arith.constant 80 : i32
        %parallel_loop3A_967 = vector.broadcast %parallel_loop3A_966 : i32 to vector<16xi32>
        %parallel_loop3A_968 = arith.addi %get3A_300, %parallel_loop3A_967 : vector<16xi32>
        %parallel_loop3A_969 = tpu.vector_load_idx %arg12[%parallel_loop3A_353, %parallel_loop3A_968] : memref<128x128xf32, #tpu.memory_space<vmem>>[vector<16xi32>, vector<16xi32>], vector<16xf32>,
        %parallel_loop3A_970 = arith.constant 80 : i32
        %parallel_loop3A_971 = vector.broadcast %parallel_loop3A_970 : i32 to vector<16xi32>
        %parallel_loop3A_972 = arith.addi %get3A_304, %parallel_loop3A_971 : vector<16xi32>
        %parallel_loop3A_973 = tpu.vector_load_idx %arg12[%parallel_loop3A_353, %parallel_loop3A_972] : memref<128x128xf32, #tpu.memory_space<vmem>>[vector<16xi32>, vector<16xi32>], vector<16xf32>,
        %parallel_loop3A_974 = arith.constant 80 : i32
        %parallel_loop3A_975 = vector.broadcast %parallel_loop3A_974 : i32 to vector<16xi32>
        %parallel_loop3A_976 = arith.addi %get3A_308, %parallel_loop3A_975 : vector<16xi32>
        %parallel_loop3A_977 = tpu.vector_load_idx %arg12[%parallel_loop3A_353, %parallel_loop3A_976] : memref<128x128xf32, #tpu.memory_space<vmem>>[vector<16xi32>, vector<16xi32>], vector<16xf32>,
        %parallel_loop3A_978 = arith.constant 80 : i32
        %parallel_loop3A_979 = vector.broadcast %parallel_loop3A_978 : i32 to vector<16xi32>
        %parallel_loop3A_980 = arith.addi %get3A_248, %parallel_loop3A_979 : vector<16xi32>
        tpu.vector_store_idx %arg14[%parallel_loop3A_980, %parallel_loop3A_353], %parallel_loop3A_917 : memref<128x128xf32, #tpu.memory_space<vmem>>[vector<16xi32>, vector<16xi32>], vector<16xf32>,
        %parallel_loop3A_981 = arith.constant 80 : i32
        %parallel_loop3A_982 = vector.broadcast %parallel_loop3A_981 : i32 to vector<16xi32>
        %parallel_loop3A_983 = arith.addi %get3A_252, %parallel_loop3A_982 : vector<16xi32>
        tpu.vector_store_idx %arg14[%parallel_loop3A_983, %parallel_loop3A_353], %parallel_loop3A_921 : memref<128x128xf32, #tpu.memory_space<vmem>>[vector<16xi32>, vector<16xi32>], vector<16xf32>,
        %parallel_loop3A_984 = arith.constant 80 : i32
        %parallel_loop3A_985 = vector.broadcast %parallel_loop3A_984 : i32 to vector<16xi32>
        %parallel_loop3A_986 = arith.addi %get3A_256, %parallel_loop3A_985 : vector<16xi32>
        tpu.vector_store_idx %arg14[%parallel_loop3A_986, %parallel_loop3A_353], %parallel_loop3A_925 : memref<128x128xf32, #tpu.memory_space<vmem>>[vector<16xi32>, vector<16xi32>], vector<16xf32>,
        %parallel_loop3A_987 = arith.constant 80 : i32
        %parallel_loop3A_988 = vector.broadcast %parallel_loop3A_987 : i32 to vector<16xi32>
        %parallel_loop3A_989 = arith.addi %get3A_260, %parallel_loop3A_988 : vector<16xi32>
        tpu.vector_store_idx %arg14[%parallel_loop3A_989, %parallel_loop3A_353], %parallel_loop3A_929 : memref<128x128xf32, #tpu.memory_space<vmem>>[vector<16xi32>, vector<16xi32>], vector<16xf32>,
        %parallel_loop3A_990 = arith.constant 80 : i32
        %parallel_loop3A_991 = vector.broadcast %parallel_loop3A_990 : i32 to vector<16xi32>
        %parallel_loop3A_992 = arith.addi %get3A_264, %parallel_loop3A_991 : vector<16xi32>
        tpu.vector_store_idx %arg14[%parallel_loop3A_992, %parallel_loop3A_353], %parallel_loop3A_933 : memref<128x128xf32, #tpu.memory_space<vmem>>[vector<16xi32>, vector<16xi32>], vector<16xf32>,
        %parallel_loop3A_993 = arith.constant 80 : i32
        %parallel_loop3A_994 = vector.broadcast %parallel_loop3A_993 : i32 to vector<16xi32>
        %parallel_loop3A_995 = arith.addi %get3A_268, %parallel_loop3A_994 : vector<16xi32>
        tpu.vector_store_idx %arg14[%parallel_loop3A_995, %parallel_loop3A_353], %parallel_loop3A_937 : memref<128x128xf32, #tpu.memory_space<vmem>>[vector<16xi32>, vector<16xi32>], vector<16xf32>,
        %parallel_loop3A_996 = arith.constant 80 : i32
        %parallel_loop3A_997 = vector.broadcast %parallel_loop3A_996 : i32 to vector<16xi32>
        %parallel_loop3A_998 = arith.addi %get3A_272, %parallel_loop3A_997 : vector<16xi32>
        tpu.vector_store_idx %arg14[%parallel_loop3A_998, %parallel_loop3A_353], %parallel_loop3A_941 : memref<128x128xf32, #tpu.memory_space<vmem>>[vector<16xi32>, vector<16xi32>], vector<16xf32>,
        %parallel_loop3A_999 = arith.constant 80 : i32
        %parallel_loop3A_1000 = vector.broadcast %parallel_loop3A_999 : i32 to vector<16xi32>
        %parallel_loop3A_1001 = arith.addi %get3A_276, %parallel_loop3A_1000 : vector<16xi32>
        tpu.vector_store_idx %arg14[%parallel_loop3A_1001, %parallel_loop3A_353], %parallel_loop3A_945 : memref<128x128xf32, #tpu.memory_space<vmem>>[vector<16xi32>, vector<16xi32>], vector<16xf32>,
        %parallel_loop3A_1002 = arith.constant 80 : i32
        %parallel_loop3A_1003 = vector.broadcast %parallel_loop3A_1002 : i32 to vector<16xi32>
        %parallel_loop3A_1004 = arith.addi %get3A_280, %parallel_loop3A_1003 : vector<16xi32>
        tpu.vector_store_idx %arg14[%parallel_loop3A_1004, %parallel_loop3A_353], %parallel_loop3A_949 : memref<128x128xf32, #tpu.memory_space<vmem>>[vector<16xi32>, vector<16xi32>], vector<16xf32>,
        %parallel_loop3A_1005 = arith.constant 80 : i32
        %parallel_loop3A_1006 = vector.broadcast %parallel_loop3A_1005 : i32 to vector<16xi32>
        %parallel_loop3A_1007 = arith.addi %get3A_284, %parallel_loop3A_1006 : vector<16xi32>
        tpu.vector_store_idx %arg14[%parallel_loop3A_1007, %parallel_loop3A_353], %parallel_loop3A_953 : memref<128x128xf32, #tpu.memory_space<vmem>>[vector<16xi32>, vector<16xi32>], vector<16xf32>,
        %parallel_loop3A_1008 = arith.constant 80 : i32
        %parallel_loop3A_1009 = vector.broadcast %parallel_loop3A_1008 : i32 to vector<16xi32>
        %parallel_loop3A_1010 = arith.addi %get3A_288, %parallel_loop3A_1009 : vector<16xi32>
        tpu.vector_store_idx %arg14[%parallel_loop3A_1010, %parallel_loop3A_353], %parallel_loop3A_957 : memref<128x128xf32, #tpu.memory_space<vmem>>[vector<16xi32>, vector<16xi32>], vector<16xf32>,
        %parallel_loop3A_1011 = arith.constant 80 : i32
        %parallel_loop3A_1012 = vector.broadcast %parallel_loop3A_1011 : i32 to vector<16xi32>
        %parallel_loop3A_1013 = arith.addi %get3A_292, %parallel_loop3A_1012 : vector<16xi32>
        tpu.vector_store_idx %arg14[%parallel_loop3A_1013, %parallel_loop3A_353], %parallel_loop3A_961 : memref<128x128xf32, #tpu.memory_space<vmem>>[vector<16xi32>, vector<16xi32>], vector<16xf32>,
        %parallel_loop3A_1014 = arith.constant 80 : i32
        %parallel_loop3A_1015 = vector.broadcast %parallel_loop3A_1014 : i32 to vector<16xi32>
        %parallel_loop3A_1016 = arith.addi %get3A_296, %parallel_loop3A_1015 : vector<16xi32>
        tpu.vector_store_idx %arg14[%parallel_loop3A_1016, %parallel_loop3A_353], %parallel_loop3A_965 : memref<128x128xf32, #tpu.memory_space<vmem>>[vector<16xi32>, vector<16xi32>], vector<16xf32>,
        %parallel_loop3A_1017 = arith.constant 80 : i32
        %parallel_loop3A_1018 = vector.broadcast %parallel_loop3A_1017 : i32 to vector<16xi32>
        %parallel_loop3A_1019 = arith.addi %get3A_300, %parallel_loop3A_1018 : vector<16xi32>
        tpu.vector_store_idx %arg14[%parallel_loop3A_1019, %parallel_loop3A_353], %parallel_loop3A_969 : memref<128x128xf32, #tpu.memory_space<vmem>>[vector<16xi32>, vector<16xi32>], vector<16xf32>,
        %parallel_loop3A_1020 = arith.constant 80 : i32
        %parallel_loop3A_1021 = vector.broadcast %parallel_loop3A_1020 : i32 to vector<16xi32>
        %parallel_loop3A_1022 = arith.addi %get3A_304, %parallel_loop3A_1021 : vector<16xi32>
        tpu.vector_store_idx %arg14[%parallel_loop3A_1022, %parallel_loop3A_353], %parallel_loop3A_973 : memref<128x128xf32, #tpu.memory_space<vmem>>[vector<16xi32>, vector<16xi32>], vector<16xf32>,
        %parallel_loop3A_1023 = arith.constant 80 : i32
        %parallel_loop3A_1024 = vector.broadcast %parallel_loop3A_1023 : i32 to vector<16xi32>
        %parallel_loop3A_1025 = arith.addi %get3A_308, %parallel_loop3A_1024 : vector<16xi32>
        tpu.vector_store_idx %arg14[%parallel_loop3A_1025, %parallel_loop3A_353], %parallel_loop3A_977 : memref<128x128xf32, #tpu.memory_space<vmem>>[vector<16xi32>, vector<16xi32>], vector<16xf32>,
        %parallel_loop3A_1026 = arith.constant 96 : i32
        %parallel_loop3A_1027 = vector.broadcast %parallel_loop3A_1026 : i32 to vector<16xi32>
        %parallel_loop3A_1028 = arith.addi %get3A_248, %parallel_loop3A_1027 : vector<16xi32>
        %parallel_loop3A_1029 = tpu.vector_load_idx %arg12[%parallel_loop3A_353, %parallel_loop3A_1028] : memref<128x128xf32, #tpu.memory_space<vmem>>[vector<16xi32>, vector<16xi32>], vector<16xf32>,
        %parallel_loop3A_1030 = arith.constant 96 : i32
        %parallel_loop3A_1031 = vector.broadcast %parallel_loop3A_1030 : i32 to vector<16xi32>
        %parallel_loop3A_1032 = arith.addi %get3A_252, %parallel_loop3A_1031 : vector<16xi32>
        %parallel_loop3A_1033 = tpu.vector_load_idx %arg12[%parallel_loop3A_353, %parallel_loop3A_1032] : memref<128x128xf32, #tpu.memory_space<vmem>>[vector<16xi32>, vector<16xi32>], vector<16xf32>,
        %parallel_loop3A_1034 = arith.constant 96 : i32
        %parallel_loop3A_1035 = vector.broadcast %parallel_loop3A_1034 : i32 to vector<16xi32>
        %parallel_loop3A_1036 = arith.addi %get3A_256, %parallel_loop3A_1035 : vector<16xi32>
        %parallel_loop3A_1037 = tpu.vector_load_idx %arg12[%parallel_loop3A_353, %parallel_loop3A_1036] : memref<128x128xf32, #tpu.memory_space<vmem>>[vector<16xi32>, vector<16xi32>], vector<16xf32>,
        %parallel_loop3A_1038 = arith.constant 96 : i32
        %parallel_loop3A_1039 = vector.broadcast %parallel_loop3A_1038 : i32 to vector<16xi32>
        %parallel_loop3A_1040 = arith.addi %get3A_260, %parallel_loop3A_1039 : vector<16xi32>
        %parallel_loop3A_1041 = tpu.vector_load_idx %arg12[%parallel_loop3A_353, %parallel_loop3A_1040] : memref<128x128xf32, #tpu.memory_space<vmem>>[vector<16xi32>, vector<16xi32>], vector<16xf32>,
        %parallel_loop3A_1042 = arith.constant 96 : i32
        %parallel_loop3A_1043 = vector.broadcast %parallel_loop3A_1042 : i32 to vector<16xi32>
        %parallel_loop3A_1044 = arith.addi %get3A_264, %parallel_loop3A_1043 : vector<16xi32>
        %parallel_loop3A_1045 = tpu.vector_load_idx %arg12[%parallel_loop3A_353, %parallel_loop3A_1044] : memref<128x128xf32, #tpu.memory_space<vmem>>[vector<16xi32>, vector<16xi32>], vector<16xf32>,
        %parallel_loop3A_1046 = arith.constant 96 : i32
        %parallel_loop3A_1047 = vector.broadcast %parallel_loop3A_1046 : i32 to vector<16xi32>
        %parallel_loop3A_1048 = arith.addi %get3A_268, %parallel_loop3A_1047 : vector<16xi32>
        %parallel_loop3A_1049 = tpu.vector_load_idx %arg12[%parallel_loop3A_353, %parallel_loop3A_1048] : memref<128x128xf32, #tpu.memory_space<vmem>>[vector<16xi32>, vector<16xi32>], vector<16xf32>,
        %parallel_loop3A_1050 = arith.constant 96 : i32
        %parallel_loop3A_1051 = vector.broadcast %parallel_loop3A_1050 : i32 to vector<16xi32>
        %parallel_loop3A_1052 = arith.addi %get3A_272, %parallel_loop3A_1051 : vector<16xi32>
        %parallel_loop3A_1053 = tpu.vector_load_idx %arg12[%parallel_loop3A_353, %parallel_loop3A_1052] : memref<128x128xf32, #tpu.memory_space<vmem>>[vector<16xi32>, vector<16xi32>], vector<16xf32>,
        %parallel_loop3A_1054 = arith.constant 96 : i32
        %parallel_loop3A_1055 = vector.broadcast %parallel_loop3A_1054 : i32 to vector<16xi32>
        %parallel_loop3A_1056 = arith.addi %get3A_276, %parallel_loop3A_1055 : vector<16xi32>
        %parallel_loop3A_1057 = tpu.vector_load_idx %arg12[%parallel_loop3A_353, %parallel_loop3A_1056] : memref<128x128xf32, #tpu.memory_space<vmem>>[vector<16xi32>, vector<16xi32>], vector<16xf32>,
        %parallel_loop3A_1058 = arith.constant 96 : i32
        %parallel_loop3A_1059 = vector.broadcast %parallel_loop3A_1058 : i32 to vector<16xi32>
        %parallel_loop3A_1060 = arith.addi %get3A_280, %parallel_loop3A_1059 : vector<16xi32>
        %parallel_loop3A_1061 = tpu.vector_load_idx %arg12[%parallel_loop3A_353, %parallel_loop3A_1060] : memref<128x128xf32, #tpu.memory_space<vmem>>[vector<16xi32>, vector<16xi32>], vector<16xf32>,
        %parallel_loop3A_1062 = arith.constant 96 : i32
        %parallel_loop3A_1063 = vector.broadcast %parallel_loop3A_1062 : i32 to vector<16xi32>
        %parallel_loop3A_1064 = arith.addi %get3A_284, %parallel_loop3A_1063 : vector<16xi32>
        %parallel_loop3A_1065 = tpu.vector_load_idx %arg12[%parallel_loop3A_353, %parallel_loop3A_1064] : memref<128x128xf32, #tpu.memory_space<vmem>>[vector<16xi32>, vector<16xi32>], vector<16xf32>,
        %parallel_loop3A_1066 = arith.constant 96 : i32
        %parallel_loop3A_1067 = vector.broadcast %parallel_loop3A_1066 : i32 to vector<16xi32>
        %parallel_loop3A_1068 = arith.addi %get3A_288, %parallel_loop3A_1067 : vector<16xi32>
        %parallel_loop3A_1069 = tpu.vector_load_idx %arg12[%parallel_loop3A_353, %parallel_loop3A_1068] : memref<128x128xf32, #tpu.memory_space<vmem>>[vector<16xi32>, vector<16xi32>], vector<16xf32>,
        %parallel_loop3A_1070 = arith.constant 96 : i32
        %parallel_loop3A_1071 = vector.broadcast %parallel_loop3A_1070 : i32 to vector<16xi32>
        %parallel_loop3A_1072 = arith.addi %get3A_292, %parallel_loop3A_1071 : vector<16xi32>
        %parallel_loop3A_1073 = tpu.vector_load_idx %arg12[%parallel_loop3A_353, %parallel_loop3A_1072] : memref<128x128xf32, #tpu.memory_space<vmem>>[vector<16xi32>, vector<16xi32>], vector<16xf32>,
        %parallel_loop3A_1074 = arith.constant 96 : i32
        %parallel_loop3A_1075 = vector.broadcast %parallel_loop3A_1074 : i32 to vector<16xi32>
        %parallel_loop3A_1076 = arith.addi %get3A_296, %parallel_loop3A_1075 : vector<16xi32>
        %parallel_loop3A_1077 = tpu.vector_load_idx %arg12[%parallel_loop3A_353, %parallel_loop3A_1076] : memref<128x128xf32, #tpu.memory_space<vmem>>[vector<16xi32>, vector<16xi32>], vector<16xf32>,
        %parallel_loop3A_1078 = arith.constant 96 : i32
        %parallel_loop3A_1079 = vector.broadcast %parallel_loop3A_1078 : i32 to vector<16xi32>
        %parallel_loop3A_1080 = arith.addi %get3A_300, %parallel_loop3A_1079 : vector<16xi32>
        %parallel_loop3A_1081 = tpu.vector_load_idx %arg12[%parallel_loop3A_353, %parallel_loop3A_1080] : memref<128x128xf32, #tpu.memory_space<vmem>>[vector<16xi32>, vector<16xi32>], vector<16xf32>,
        %parallel_loop3A_1082 = arith.constant 96 : i32
        %parallel_loop3A_1083 = vector.broadcast %parallel_loop3A_1082 : i32 to vector<16xi32>
        %parallel_loop3A_1084 = arith.addi %get3A_304, %parallel_loop3A_1083 : vector<16xi32>
        %parallel_loop3A_1085 = tpu.vector_load_idx %arg12[%parallel_loop3A_353, %parallel_loop3A_1084] : memref<128x128xf32, #tpu.memory_space<vmem>>[vector<16xi32>, vector<16xi32>], vector<16xf32>,
        %parallel_loop3A_1086 = arith.constant 96 : i32
        %parallel_loop3A_1087 = vector.broadcast %parallel_loop3A_1086 : i32 to vector<16xi32>
        %parallel_loop3A_1088 = arith.addi %get3A_308, %parallel_loop3A_1087 : vector<16xi32>
        %parallel_loop3A_1089 = tpu.vector_load_idx %arg12[%parallel_loop3A_353, %parallel_loop3A_1088] : memref<128x128xf32, #tpu.memory_space<vmem>>[vector<16xi32>, vector<16xi32>], vector<16xf32>,
        %parallel_loop3A_1090 = arith.constant 96 : i32
        %parallel_loop3A_1091 = vector.broadcast %parallel_loop3A_1090 : i32 to vector<16xi32>
        %parallel_loop3A_1092 = arith.addi %get3A_248, %parallel_loop3A_1091 : vector<16xi32>
        tpu.vector_store_idx %arg14[%parallel_loop3A_1092, %parallel_loop3A_353], %parallel_loop3A_1029 : memref<128x128xf32, #tpu.memory_space<vmem>>[vector<16xi32>, vector<16xi32>], vector<16xf32>,
        %parallel_loop3A_1093 = arith.constant 96 : i32
        %parallel_loop3A_1094 = vector.broadcast %parallel_loop3A_1093 : i32 to vector<16xi32>
        %parallel_loop3A_1095 = arith.addi %get3A_252, %parallel_loop3A_1094 : vector<16xi32>
        tpu.vector_store_idx %arg14[%parallel_loop3A_1095, %parallel_loop3A_353], %parallel_loop3A_1033 : memref<128x128xf32, #tpu.memory_space<vmem>>[vector<16xi32>, vector<16xi32>], vector<16xf32>,
        %parallel_loop3A_1096 = arith.constant 96 : i32
        %parallel_loop3A_1097 = vector.broadcast %parallel_loop3A_1096 : i32 to vector<16xi32>
        %parallel_loop3A_1098 = arith.addi %get3A_256, %parallel_loop3A_1097 : vector<16xi32>
        tpu.vector_store_idx %arg14[%parallel_loop3A_1098, %parallel_loop3A_353], %parallel_loop3A_1037 : memref<128x128xf32, #tpu.memory_space<vmem>>[vector<16xi32>, vector<16xi32>], vector<16xf32>,
        %parallel_loop3A_1099 = arith.constant 96 : i32
        %parallel_loop3A_1100 = vector.broadcast %parallel_loop3A_1099 : i32 to vector<16xi32>
        %parallel_loop3A_1101 = arith.addi %get3A_260, %parallel_loop3A_1100 : vector<16xi32>
        tpu.vector_store_idx %arg14[%parallel_loop3A_1101, %parallel_loop3A_353], %parallel_loop3A_1041 : memref<128x128xf32, #tpu.memory_space<vmem>>[vector<16xi32>, vector<16xi32>], vector<16xf32>,
        %parallel_loop3A_1102 = arith.constant 96 : i32
        %parallel_loop3A_1103 = vector.broadcast %parallel_loop3A_1102 : i32 to vector<16xi32>
        %parallel_loop3A_1104 = arith.addi %get3A_264, %parallel_loop3A_1103 : vector<16xi32>
        tpu.vector_store_idx %arg14[%parallel_loop3A_1104, %parallel_loop3A_353], %parallel_loop3A_1045 : memref<128x128xf32, #tpu.memory_space<vmem>>[vector<16xi32>, vector<16xi32>], vector<16xf32>,
        %parallel_loop3A_1105 = arith.constant 96 : i32
        %parallel_loop3A_1106 = vector.broadcast %parallel_loop3A_1105 : i32 to vector<16xi32>
        %parallel_loop3A_1107 = arith.addi %get3A_268, %parallel_loop3A_1106 : vector<16xi32>
        tpu.vector_store_idx %arg14[%parallel_loop3A_1107, %parallel_loop3A_353], %parallel_loop3A_1049 : memref<128x128xf32, #tpu.memory_space<vmem>>[vector<16xi32>, vector<16xi32>], vector<16xf32>,
        %parallel_loop3A_1108 = arith.constant 96 : i32
        %parallel_loop3A_1109 = vector.broadcast %parallel_loop3A_1108 : i32 to vector<16xi32>
        %parallel_loop3A_1110 = arith.addi %get3A_272, %parallel_loop3A_1109 : vector<16xi32>
        tpu.vector_store_idx %arg14[%parallel_loop3A_1110, %parallel_loop3A_353], %parallel_loop3A_1053 : memref<128x128xf32, #tpu.memory_space<vmem>>[vector<16xi32>, vector<16xi32>], vector<16xf32>,
        %parallel_loop3A_1111 = arith.constant 96 : i32
        %parallel_loop3A_1112 = vector.broadcast %parallel_loop3A_1111 : i32 to vector<16xi32>
        %parallel_loop3A_1113 = arith.addi %get3A_276, %parallel_loop3A_1112 : vector<16xi32>
        tpu.vector_store_idx %arg14[%parallel_loop3A_1113, %parallel_loop3A_353], %parallel_loop3A_1057 : memref<128x128xf32, #tpu.memory_space<vmem>>[vector<16xi32>, vector<16xi32>], vector<16xf32>,
        %parallel_loop3A_1114 = arith.constant 96 : i32
        %parallel_loop3A_1115 = vector.broadcast %parallel_loop3A_1114 : i32 to vector<16xi32>
        %parallel_loop3A_1116 = arith.addi %get3A_280, %parallel_loop3A_1115 : vector<16xi32>
        tpu.vector_store_idx %arg14[%parallel_loop3A_1116, %parallel_loop3A_353], %parallel_loop3A_1061 : memref<128x128xf32, #tpu.memory_space<vmem>>[vector<16xi32>, vector<16xi32>], vector<16xf32>,
        %parallel_loop3A_1117 = arith.constant 96 : i32
        %parallel_loop3A_1118 = vector.broadcast %parallel_loop3A_1117 : i32 to vector<16xi32>
        %parallel_loop3A_1119 = arith.addi %get3A_284, %parallel_loop3A_1118 : vector<16xi32>
        tpu.vector_store_idx %arg14[%parallel_loop3A_1119, %parallel_loop3A_353], %parallel_loop3A_1065 : memref<128x128xf32, #tpu.memory_space<vmem>>[vector<16xi32>, vector<16xi32>], vector<16xf32>,
        %parallel_loop3A_1120 = arith.constant 96 : i32
        %parallel_loop3A_1121 = vector.broadcast %parallel_loop3A_1120 : i32 to vector<16xi32>
        %parallel_loop3A_1122 = arith.addi %get3A_288, %parallel_loop3A_1121 : vector<16xi32>
        tpu.vector_store_idx %arg14[%parallel_loop3A_1122, %parallel_loop3A_353], %parallel_loop3A_1069 : memref<128x128xf32, #tpu.memory_space<vmem>>[vector<16xi32>, vector<16xi32>], vector<16xf32>,
        %parallel_loop3A_1123 = arith.constant 96 : i32
        %parallel_loop3A_1124 = vector.broadcast %parallel_loop3A_1123 : i32 to vector<16xi32>
        %parallel_loop3A_1125 = arith.addi %get3A_292, %parallel_loop3A_1124 : vector<16xi32>
        tpu.vector_store_idx %arg14[%parallel_loop3A_1125, %parallel_loop3A_353], %parallel_loop3A_1073 : memref<128x128xf32, #tpu.memory_space<vmem>>[vector<16xi32>, vector<16xi32>], vector<16xf32>,
        %parallel_loop3A_1126 = arith.constant 96 : i32
        %parallel_loop3A_1127 = vector.broadcast %parallel_loop3A_1126 : i32 to vector<16xi32>
        %parallel_loop3A_1128 = arith.addi %get3A_296, %parallel_loop3A_1127 : vector<16xi32>
        tpu.vector_store_idx %arg14[%parallel_loop3A_1128, %parallel_loop3A_353], %parallel_loop3A_1077 : memref<128x128xf32, #tpu.memory_space<vmem>>[vector<16xi32>, vector<16xi32>], vector<16xf32>,
        %parallel_loop3A_1129 = arith.constant 96 : i32
        %parallel_loop3A_1130 = vector.broadcast %parallel_loop3A_1129 : i32 to vector<16xi32>
        %parallel_loop3A_1131 = arith.addi %get3A_300, %parallel_loop3A_1130 : vector<16xi32>
        tpu.vector_store_idx %arg14[%parallel_loop3A_1131, %parallel_loop3A_353], %parallel_loop3A_1081 : memref<128x128xf32, #tpu.memory_space<vmem>>[vector<16xi32>, vector<16xi32>], vector<16xf32>,
        %parallel_loop3A_1132 = arith.constant 96 : i32
        %parallel_loop3A_1133 = vector.broadcast %parallel_loop3A_1132 : i32 to vector<16xi32>
        %parallel_loop3A_1134 = arith.addi %get3A_304, %parallel_loop3A_1133 : vector<16xi32>
        tpu.vector_store_idx %arg14[%parallel_loop3A_1134, %parallel_loop3A_353], %parallel_loop3A_1085 : memref<128x128xf32, #tpu.memory_space<vmem>>[vector<16xi32>, vector<16xi32>], vector<16xf32>,
        %parallel_loop3A_1135 = arith.constant 96 : i32
        %parallel_loop3A_1136 = vector.broadcast %parallel_loop3A_1135 : i32 to vector<16xi32>
        %parallel_loop3A_1137 = arith.addi %get3A_308, %parallel_loop3A_1136 : vector<16xi32>
        tpu.vector_store_idx %arg14[%parallel_loop3A_1137, %parallel_loop3A_353], %parallel_loop3A_1089 : memref<128x128xf32, #tpu.memory_space<vmem>>[vector<16xi32>, vector<16xi32>], vector<16xf32>,
        %parallel_loop3A_1138 = arith.constant 112 : i32
        %parallel_loop3A_1139 = vector.broadcast %parallel_loop3A_1138 : i32 to vector<16xi32>
        %parallel_loop3A_1140 = arith.addi %get3A_248, %parallel_loop3A_1139 : vector<16xi32>
        %parallel_loop3A_1141 = tpu.vector_load_idx %arg12[%parallel_loop3A_353, %parallel_loop3A_1140] : memref<128x128xf32, #tpu.memory_space<vmem>>[vector<16xi32>, vector<16xi32>], vector<16xf32>,
        %parallel_loop3A_1142 = arith.constant 112 : i32
        %parallel_loop3A_1143 = vector.broadcast %parallel_loop3A_1142 : i32 to vector<16xi32>
        %parallel_loop3A_1144 = arith.addi %get3A_252, %parallel_loop3A_1143 : vector<16xi32>
        %parallel_loop3A_1145 = tpu.vector_load_idx %arg12[%parallel_loop3A_353, %parallel_loop3A_1144] : memref<128x128xf32, #tpu.memory_space<vmem>>[vector<16xi32>, vector<16xi32>], vector<16xf32>,
        %parallel_loop3A_1146 = arith.constant 112 : i32
        %parallel_loop3A_1147 = vector.broadcast %parallel_loop3A_1146 : i32 to vector<16xi32>
        %parallel_loop3A_1148 = arith.addi %get3A_256, %parallel_loop3A_1147 : vector<16xi32>
        %parallel_loop3A_1149 = tpu.vector_load_idx %arg12[%parallel_loop3A_353, %parallel_loop3A_1148] : memref<128x128xf32, #tpu.memory_space<vmem>>[vector<16xi32>, vector<16xi32>], vector<16xf32>,
        %parallel_loop3A_1150 = arith.constant 112 : i32
        %parallel_loop3A_1151 = vector.broadcast %parallel_loop3A_1150 : i32 to vector<16xi32>
        %parallel_loop3A_1152 = arith.addi %get3A_260, %parallel_loop3A_1151 : vector<16xi32>
        %parallel_loop3A_1153 = tpu.vector_load_idx %arg12[%parallel_loop3A_353, %parallel_loop3A_1152] : memref<128x128xf32, #tpu.memory_space<vmem>>[vector<16xi32>, vector<16xi32>], vector<16xf32>,
        %parallel_loop3A_1154 = arith.constant 112 : i32
        %parallel_loop3A_1155 = vector.broadcast %parallel_loop3A_1154 : i32 to vector<16xi32>
        %parallel_loop3A_1156 = arith.addi %get3A_264, %parallel_loop3A_1155 : vector<16xi32>
        %parallel_loop3A_1157 = tpu.vector_load_idx %arg12[%parallel_loop3A_353, %parallel_loop3A_1156] : memref<128x128xf32, #tpu.memory_space<vmem>>[vector<16xi32>, vector<16xi32>], vector<16xf32>,
        %parallel_loop3A_1158 = arith.constant 112 : i32
        %parallel_loop3A_1159 = vector.broadcast %parallel_loop3A_1158 : i32 to vector<16xi32>
        %parallel_loop3A_1160 = arith.addi %get3A_268, %parallel_loop3A_1159 : vector<16xi32>
        %parallel_loop3A_1161 = tpu.vector_load_idx %arg12[%parallel_loop3A_353, %parallel_loop3A_1160] : memref<128x128xf32, #tpu.memory_space<vmem>>[vector<16xi32>, vector<16xi32>], vector<16xf32>,
        %parallel_loop3A_1162 = arith.constant 112 : i32
        %parallel_loop3A_1163 = vector.broadcast %parallel_loop3A_1162 : i32 to vector<16xi32>
        %parallel_loop3A_1164 = arith.addi %get3A_272, %parallel_loop3A_1163 : vector<16xi32>
        %parallel_loop3A_1165 = tpu.vector_load_idx %arg12[%parallel_loop3A_353, %parallel_loop3A_1164] : memref<128x128xf32, #tpu.memory_space<vmem>>[vector<16xi32>, vector<16xi32>], vector<16xf32>,
        %parallel_loop3A_1166 = arith.constant 112 : i32
        %parallel_loop3A_1167 = vector.broadcast %parallel_loop3A_1166 : i32 to vector<16xi32>
        %parallel_loop3A_1168 = arith.addi %get3A_276, %parallel_loop3A_1167 : vector<16xi32>
        %parallel_loop3A_1169 = tpu.vector_load_idx %arg12[%parallel_loop3A_353, %parallel_loop3A_1168] : memref<128x128xf32, #tpu.memory_space<vmem>>[vector<16xi32>, vector<16xi32>], vector<16xf32>,
        %parallel_loop3A_1170 = arith.constant 112 : i32
        %parallel_loop3A_1171 = vector.broadcast %parallel_loop3A_1170 : i32 to vector<16xi32>
        %parallel_loop3A_1172 = arith.addi %get3A_280, %parallel_loop3A_1171 : vector<16xi32>
        %parallel_loop3A_1173 = tpu.vector_load_idx %arg12[%parallel_loop3A_353, %parallel_loop3A_1172] : memref<128x128xf32, #tpu.memory_space<vmem>>[vector<16xi32>, vector<16xi32>], vector<16xf32>,
        %parallel_loop3A_1174 = arith.constant 112 : i32
        %parallel_loop3A_1175 = vector.broadcast %parallel_loop3A_1174 : i32 to vector<16xi32>
        %parallel_loop3A_1176 = arith.addi %get3A_284, %parallel_loop3A_1175 : vector<16xi32>
        %parallel_loop3A_1177 = tpu.vector_load_idx %arg12[%parallel_loop3A_353, %parallel_loop3A_1176] : memref<128x128xf32, #tpu.memory_space<vmem>>[vector<16xi32>, vector<16xi32>], vector<16xf32>,
        %parallel_loop3A_1178 = arith.constant 112 : i32
        %parallel_loop3A_1179 = vector.broadcast %parallel_loop3A_1178 : i32 to vector<16xi32>
        %parallel_loop3A_1180 = arith.addi %get3A_288, %parallel_loop3A_1179 : vector<16xi32>
        %parallel_loop3A_1181 = tpu.vector_load_idx %arg12[%parallel_loop3A_353, %parallel_loop3A_1180] : memref<128x128xf32, #tpu.memory_space<vmem>>[vector<16xi32>, vector<16xi32>], vector<16xf32>,
        %parallel_loop3A_1182 = arith.constant 112 : i32
        %parallel_loop3A_1183 = vector.broadcast %parallel_loop3A_1182 : i32 to vector<16xi32>
        %parallel_loop3A_1184 = arith.addi %get3A_292, %parallel_loop3A_1183 : vector<16xi32>
        %parallel_loop3A_1185 = tpu.vector_load_idx %arg12[%parallel_loop3A_353, %parallel_loop3A_1184] : memref<128x128xf32, #tpu.memory_space<vmem>>[vector<16xi32>, vector<16xi32>], vector<16xf32>,
        %parallel_loop3A_1186 = arith.constant 112 : i32
        %parallel_loop3A_1187 = vector.broadcast %parallel_loop3A_1186 : i32 to vector<16xi32>
        %parallel_loop3A_1188 = arith.addi %get3A_296, %parallel_loop3A_1187 : vector<16xi32>
        %parallel_loop3A_1189 = tpu.vector_load_idx %arg12[%parallel_loop3A_353, %parallel_loop3A_1188] : memref<128x128xf32, #tpu.memory_space<vmem>>[vector<16xi32>, vector<16xi32>], vector<16xf32>,
        %parallel_loop3A_1190 = arith.constant 112 : i32
        %parallel_loop3A_1191 = vector.broadcast %parallel_loop3A_1190 : i32 to vector<16xi32>
        %parallel_loop3A_1192 = arith.addi %get3A_300, %parallel_loop3A_1191 : vector<16xi32>
        %parallel_loop3A_1193 = tpu.vector_load_idx %arg12[%parallel_loop3A_353, %parallel_loop3A_1192] : memref<128x128xf32, #tpu.memory_space<vmem>>[vector<16xi32>, vector<16xi32>], vector<16xf32>,
        %parallel_loop3A_1194 = arith.constant 112 : i32
        %parallel_loop3A_1195 = vector.broadcast %parallel_loop3A_1194 : i32 to vector<16xi32>
        %parallel_loop3A_1196 = arith.addi %get3A_304, %parallel_loop3A_1195 : vector<16xi32>
        %parallel_loop3A_1197 = tpu.vector_load_idx %arg12[%parallel_loop3A_353, %parallel_loop3A_1196] : memref<128x128xf32, #tpu.memory_space<vmem>>[vector<16xi32>, vector<16xi32>], vector<16xf32>,
        %parallel_loop3A_1198 = arith.constant 112 : i32
        %parallel_loop3A_1199 = vector.broadcast %parallel_loop3A_1198 : i32 to vector<16xi32>
        %parallel_loop3A_1200 = arith.addi %get3A_308, %parallel_loop3A_1199 : vector<16xi32>
        %parallel_loop3A_1201 = tpu.vector_load_idx %arg12[%parallel_loop3A_353, %parallel_loop3A_1200] : memref<128x128xf32, #tpu.memory_space<vmem>>[vector<16xi32>, vector<16xi32>], vector<16xf32>,
        %parallel_loop3A_1202 = arith.constant 112 : i32
        %parallel_loop3A_1203 = vector.broadcast %parallel_loop3A_1202 : i32 to vector<16xi32>
        %parallel_loop3A_1204 = arith.addi %get3A_248, %parallel_loop3A_1203 : vector<16xi32>
        tpu.vector_store_idx %arg14[%parallel_loop3A_1204, %parallel_loop3A_353], %parallel_loop3A_1141 : memref<128x128xf32, #tpu.memory_space<vmem>>[vector<16xi32>, vector<16xi32>], vector<16xf32>,
        %parallel_loop3A_1205 = arith.constant 112 : i32
        %parallel_loop3A_1206 = vector.broadcast %parallel_loop3A_1205 : i32 to vector<16xi32>
        %parallel_loop3A_1207 = arith.addi %get3A_252, %parallel_loop3A_1206 : vector<16xi32>
        tpu.vector_store_idx %arg14[%parallel_loop3A_1207, %parallel_loop3A_353], %parallel_loop3A_1145 : memref<128x128xf32, #tpu.memory_space<vmem>>[vector<16xi32>, vector<16xi32>], vector<16xf32>,
        %parallel_loop3A_1208 = arith.constant 112 : i32
        %parallel_loop3A_1209 = vector.broadcast %parallel_loop3A_1208 : i32 to vector<16xi32>
        %parallel_loop3A_1210 = arith.addi %get3A_256, %parallel_loop3A_1209 : vector<16xi32>
        tpu.vector_store_idx %arg14[%parallel_loop3A_1210, %parallel_loop3A_353], %parallel_loop3A_1149 : memref<128x128xf32, #tpu.memory_space<vmem>>[vector<16xi32>, vector<16xi32>], vector<16xf32>,
        %parallel_loop3A_1211 = arith.constant 112 : i32
        %parallel_loop3A_1212 = vector.broadcast %parallel_loop3A_1211 : i32 to vector<16xi32>
        %parallel_loop3A_1213 = arith.addi %get3A_260, %parallel_loop3A_1212 : vector<16xi32>
        tpu.vector_store_idx %arg14[%parallel_loop3A_1213, %parallel_loop3A_353], %parallel_loop3A_1153 : memref<128x128xf32, #tpu.memory_space<vmem>>[vector<16xi32>, vector<16xi32>], vector<16xf32>,
        %parallel_loop3A_1214 = arith.constant 112 : i32
        %parallel_loop3A_1215 = vector.broadcast %parallel_loop3A_1214 : i32 to vector<16xi32>
        %parallel_loop3A_1216 = arith.addi %get3A_264, %parallel_loop3A_1215 : vector<16xi32>
        tpu.vector_store_idx %arg14[%parallel_loop3A_1216, %parallel_loop3A_353], %parallel_loop3A_1157 : memref<128x128xf32, #tpu.memory_space<vmem>>[vector<16xi32>, vector<16xi32>], vector<16xf32>,
        %parallel_loop3A_1217 = arith.constant 112 : i32
        %parallel_loop3A_1218 = vector.broadcast %parallel_loop3A_1217 : i32 to vector<16xi32>
        %parallel_loop3A_1219 = arith.addi %get3A_268, %parallel_loop3A_1218 : vector<16xi32>
        tpu.vector_store_idx %arg14[%parallel_loop3A_1219, %parallel_loop3A_353], %parallel_loop3A_1161 : memref<128x128xf32, #tpu.memory_space<vmem>>[vector<16xi32>, vector<16xi32>], vector<16xf32>,
        %parallel_loop3A_1220 = arith.constant 112 : i32
        %parallel_loop3A_1221 = vector.broadcast %parallel_loop3A_1220 : i32 to vector<16xi32>
        %parallel_loop3A_1222 = arith.addi %get3A_272, %parallel_loop3A_1221 : vector<16xi32>
        tpu.vector_store_idx %arg14[%parallel_loop3A_1222, %parallel_loop3A_353], %parallel_loop3A_1165 : memref<128x128xf32, #tpu.memory_space<vmem>>[vector<16xi32>, vector<16xi32>], vector<16xf32>,
        %parallel_loop3A_1223 = arith.constant 112 : i32
        %parallel_loop3A_1224 = vector.broadcast %parallel_loop3A_1223 : i32 to vector<16xi32>
        %parallel_loop3A_1225 = arith.addi %get3A_276, %parallel_loop3A_1224 : vector<16xi32>
        tpu.vector_store_idx %arg14[%parallel_loop3A_1225, %parallel_loop3A_353], %parallel_loop3A_1169 : memref<128x128xf32, #tpu.memory_space<vmem>>[vector<16xi32>, vector<16xi32>], vector<16xf32>,
        %parallel_loop3A_1226 = arith.constant 112 : i32
        %parallel_loop3A_1227 = vector.broadcast %parallel_loop3A_1226 : i32 to vector<16xi32>
        %parallel_loop3A_1228 = arith.addi %get3A_280, %parallel_loop3A_1227 : vector<16xi32>
        tpu.vector_store_idx %arg14[%parallel_loop3A_1228, %parallel_loop3A_353], %parallel_loop3A_1173 : memref<128x128xf32, #tpu.memory_space<vmem>>[vector<16xi32>, vector<16xi32>], vector<16xf32>,
        %parallel_loop3A_1229 = arith.constant 112 : i32
        %parallel_loop3A_1230 = vector.broadcast %parallel_loop3A_1229 : i32 to vector<16xi32>
        %parallel_loop3A_1231 = arith.addi %get3A_284, %parallel_loop3A_1230 : vector<16xi32>
        tpu.vector_store_idx %arg14[%parallel_loop3A_1231, %parallel_loop3A_353], %parallel_loop3A_1177 : memref<128x128xf32, #tpu.memory_space<vmem>>[vector<16xi32>, vector<16xi32>], vector<16xf32>,
        %parallel_loop3A_1232 = arith.constant 112 : i32
        %parallel_loop3A_1233 = vector.broadcast %parallel_loop3A_1232 : i32 to vector<16xi32>
        %parallel_loop3A_1234 = arith.addi %get3A_288, %parallel_loop3A_1233 : vector<16xi32>
        tpu.vector_store_idx %arg14[%parallel_loop3A_1234, %parallel_loop3A_353], %parallel_loop3A_1181 : memref<128x128xf32, #tpu.memory_space<vmem>>[vector<16xi32>, vector<16xi32>], vector<16xf32>,
        %parallel_loop3A_1235 = arith.constant 112 : i32
        %parallel_loop3A_1236 = vector.broadcast %parallel_loop3A_1235 : i32 to vector<16xi32>
        %parallel_loop3A_1237 = arith.addi %get3A_292, %parallel_loop3A_1236 : vector<16xi32>
        tpu.vector_store_idx %arg14[%parallel_loop3A_1237, %parallel_loop3A_353], %parallel_loop3A_1185 : memref<128x128xf32, #tpu.memory_space<vmem>>[vector<16xi32>, vector<16xi32>], vector<16xf32>,
        %parallel_loop3A_1238 = arith.constant 112 : i32
        %parallel_loop3A_1239 = vector.broadcast %parallel_loop3A_1238 : i32 to vector<16xi32>
        %parallel_loop3A_1240 = arith.addi %get3A_296, %parallel_loop3A_1239 : vector<16xi32>
        tpu.vector_store_idx %arg14[%parallel_loop3A_1240, %parallel_loop3A_353], %parallel_loop3A_1189 : memref<128x128xf32, #tpu.memory_space<vmem>>[vector<16xi32>, vector<16xi32>], vector<16xf32>,
        %parallel_loop3A_1241 = arith.constant 112 : i32
        %parallel_loop3A_1242 = vector.broadcast %parallel_loop3A_1241 : i32 to vector<16xi32>
        %parallel_loop3A_1243 = arith.addi %get3A_300, %parallel_loop3A_1242 : vector<16xi32>
        tpu.vector_store_idx %arg14[%parallel_loop3A_1243, %parallel_loop3A_353], %parallel_loop3A_1193 : memref<128x128xf32, #tpu.memory_space<vmem>>[vector<16xi32>, vector<16xi32>], vector<16xf32>,
        %parallel_loop3A_1244 = arith.constant 112 : i32
        %parallel_loop3A_1245 = vector.broadcast %parallel_loop3A_1244 : i32 to vector<16xi32>
        %parallel_loop3A_1246 = arith.addi %get3A_304, %parallel_loop3A_1245 : vector<16xi32>
        tpu.vector_store_idx %arg14[%parallel_loop3A_1246, %parallel_loop3A_353], %parallel_loop3A_1197 : memref<128x128xf32, #tpu.memory_space<vmem>>[vector<16xi32>, vector<16xi32>], vector<16xf32>,
        %parallel_loop3A_1247 = arith.constant 112 : i32
        %parallel_loop3A_1248 = vector.broadcast %parallel_loop3A_1247 : i32 to vector<16xi32>
        %parallel_loop3A_1249 = arith.addi %get3A_308, %parallel_loop3A_1248 : vector<16xi32>
        tpu.vector_store_idx %arg14[%parallel_loop3A_1249, %parallel_loop3A_353], %parallel_loop3A_1201 : memref<128x128xf32, #tpu.memory_space<vmem>>[vector<16xi32>, vector<16xi32>], vector<16xf32>,
      } {sc.loop_unroll_factor = 2 : i64, sc.parallel_access}
      %jit3A_312 = arith.constant 16 : i32
      %div3A_313 = arith.divsi %add3A_199, %jit3A_312 : i32
      %sign3A_314 = arith.constant 0 : i32
      %sign3A_315 = arith.cmpi sgt, %add3A_199, %sign3A_314 : i32
      %sign3A_316 = arith.extui %sign3A_315 : i1 to i32
      %sign3A_317 = arith.constant 0 : i32
      %sign3A_318 = arith.cmpi slt, %add3A_199, %sign3A_317 : i32
      %sign3A_319 = arith.extui %sign3A_318 : i1 to i32
      %sign3A_320 = arith.subi %sign3A_316, %sign3A_319 : i32
      %sign3A_321 = arith.constant 0 : i32
      %sign3A_322 = arith.cmpi sgt, %jit3A_312, %sign3A_321 : i32
      %sign3A_323 = arith.extui %sign3A_322 : i1 to i32
      %sign3A_324 = arith.constant 0 : i32
      %sign3A_325 = arith.cmpi slt, %jit3A_312, %sign3A_324 : i32
      %sign3A_326 = arith.extui %sign3A_325 : i1 to i32
      %sign3A_327 = arith.subi %sign3A_323, %sign3A_326 : i32
      %ne3A_328 = arith.cmpi ne, %sign3A_320, %sign3A_327 : i32
      %rem3A_329 = arith.remsi %add3A_199, %jit3A_312 : i32
      %ne3A_330 = arith.constant 0 : i32
      %ne3A_331 = arith.cmpi ne, %rem3A_329, %ne3A_330 : i32
      %and3A_332 = arith.andi %ne3A_328, %ne3A_331 : i1
      %sub3A_333 = arith.constant 1 : i32
      %sub3A_334 = arith.subi %div3A_313, %sub3A_333 : i32
      %select_n3A_335 = arith.select %and3A_332, %sub3A_334, %div3A_313 : i32
      %rem3A_336 = arith.constant 16 : i32
      %rem3A_337 = arith.remsi %add3A_199, %rem3A_336 : i32
      %mul3A_338 = arith.constant 128 : i32
      %mul3A_339 = arith.muli %rem3A_337, %mul3A_338 : i32
      %mul3A_340 = arith.constant 128 : i32
      %mul3A_341 = arith.muli %select_n3A_335, %mul3A_340 : i32
      %add3A_342 = arith.addi %mul3A_2, %mul3A_341 : i32
      %dma_start3A_343 = tpu.memref_slice %arg8[%mul3A_339, %add3A_342] : memref<2096x16384xf32, #tpu.memory_space<hbm>> -> memref<128x128xf32, #tpu.memory_space<hbm>>
      %dma_start3A_344 = tpu.memref_slice %arg8[%mul3A_339, %add3A_342] : memref<2096x16384xf32, #tpu.memory_space<hbm>> -> memref<128x128xf32, #tpu.memory_space<hbm>>
      tpu.enqueue_dma source(%arg14 : memref<128x128xf32, #tpu.memory_space<vmem>>) target(%dma_start3A_344 : memref<128x128xf32, #tpu.memory_space<hbm>>) target_semaphore(%arg18 : memref<!tpu.dma_semaphore, #tpu.memory_space<semaphore_mem>>)
    }
    %scan3A_25 = arith.constant 32 : i32
    %rem3A_26 = arith.constant 62 : i32
    %rem3A_27 = arith.constant 16 : i32
    %rem3A_28 = arith.remsi %rem3A_26, %rem3A_27 : i32
    %mul3A_29 = arith.constant 128 : i32
    %mul3A_30 = arith.muli %rem3A_28, %mul3A_29 : i32
    %add3A_31 = arith.constant 384 : i32
    %add3A_32 = arith.addi %mul3A_2, %add3A_31 : i32
    %dma_wait3A = tpu.memref_slice %arg8[%mul3A_30, %add3A_32] : memref<2096x16384xf32, #tpu.memory_space<hbm>> -> memref<128x128xf32, #tpu.memory_space<hbm>>
    %dma_wait3A_33 = tpu.memref_slice %arg8[%mul3A_30, %add3A_32] : memref<2096x16384xf32, #tpu.memory_space<hbm>> -> memref<128x128xf32, #tpu.memory_space<hbm>>
    tpu.wait_dma2 semaphore(%arg17 : memref<!tpu.dma_semaphore, #tpu.memory_space<semaphore_mem>>) src(%arg13 : memref<128x128xf32, #tpu.memory_space<vmem>>) dst(%dma_wait3A_33 : memref<128x128xf32, #tpu.memory_space<hbm>>)
    %rem3A_34 = arith.constant 63 : i32
    %rem3A_35 = arith.constant 16 : i32
    %rem3A_36 = arith.remsi %rem3A_34, %rem3A_35 : i32
    %mul3A_37 = arith.constant 128 : i32
    %mul3A_38 = arith.muli %rem3A_36, %mul3A_37 : i32
    %add3A_39 = arith.constant 384 : i32
    %add3A_40 = arith.addi %mul3A_2, %add3A_39 : i32
    %dma_wait3A_41 = tpu.memref_slice %arg8[%mul3A_38, %add3A_40] : memref<2096x16384xf32, #tpu.memory_space<hbm>> -> memref<128x128xf32, #tpu.memory_space<hbm>>
    %dma_wait3A_42 = tpu.memref_slice %arg8[%mul3A_38, %add3A_40] : memref<2096x16384xf32, #tpu.memory_space<hbm>> -> memref<128x128xf32, #tpu.memory_space<hbm>>
    tpu.wait_dma2 semaphore(%arg18 : memref<!tpu.dma_semaphore, #tpu.memory_space<semaphore_mem>>) src(%arg14 : memref<128x128xf32, #tpu.memory_space<vmem>>) dst(%dma_wait3A_42 : memref<128x128xf32, #tpu.memory_space<hbm>>)
    %dma_wait3A_43 = arith.constant 2048 : i32
    %dma_wait3A_44 = tpu.memref_slice %arg8[%dma_wait3A_43, %mul3A_2] : memref<2096x16384xf32, #tpu.memory_space<hbm>> -> memref<16x512xf32, #tpu.memory_space<hbm>>
    %dma_wait3A_45 = arith.constant 0 : i32
    %dma_wait3A_46 = tpu.memref_slice %arg4[%dma_wait3A_45, %mul3A_2] : memref<16x16384xf32, #tpu.memory_space<hbm>> -> memref<16x512xf32, #tpu.memory_space<hbm>>
    tpu.wait_dma2 semaphore(%arg19 : memref<!tpu.dma_semaphore, #tpu.memory_space<semaphore_mem>>) src(%dma_wait3A_46 : memref<16x512xf32, #tpu.memory_space<hbm>>) dst(%dma_wait3A_44 : memref<16x512xf32, #tpu.memory_space<hbm>>)
    %dma_wait3A_47 = arith.constant 2064 : i32
    %dma_wait3A_48 = tpu.memref_slice %arg8[%dma_wait3A_47, %mul3A_2] : memref<2096x16384xf32, #tpu.memory_space<hbm>> -> memref<16x512xf32, #tpu.memory_space<hbm>>
    %dma_wait3A_49 = arith.constant 0 : i32
    %dma_wait3A_50 = tpu.memref_slice %arg5[%dma_wait3A_49, %mul3A_2] : memref<16x16384xf32, #tpu.memory_space<hbm>> -> memref<16x512xf32, #tpu.memory_space<hbm>>
    tpu.wait_dma2 semaphore(%arg19 : memref<!tpu.dma_semaphore, #tpu.memory_space<semaphore_mem>>) src(%dma_wait3A_50 : memref<16x512xf32, #tpu.memory_space<hbm>>) dst(%dma_wait3A_48 : memref<16x512xf32, #tpu.memory_space<hbm>>)
    %dma_wait3A_51 = arith.constant 2080 : i32
    %dma_wait3A_52 = tpu.memref_slice %arg8[%dma_wait3A_51, %mul3A_2] : memref<2096x16384xf32, #tpu.memory_space<hbm>> -> memref<16x512xf32, #tpu.memory_space<hbm>>
    %dma_wait3A_53 = arith.constant 0 : i32
    %dma_wait3A_54 = tpu.memref_slice %arg6[%dma_wait3A_53, %mul3A_2] : memref<16x16384xf32, #tpu.memory_space<hbm>> -> memref<16x512xf32, #tpu.memory_space<hbm>>
    tpu.wait_dma2 semaphore(%arg19 : memref<!tpu.dma_semaphore, #tpu.memory_space<semaphore_mem>>) src(%dma_wait3A_54 : memref<16x512xf32, #tpu.memory_space<hbm>>) dst(%dma_wait3A_52 : memref<16x512xf32, #tpu.memory_space<hbm>>)
    return
  }
}

</mosaic_0001>

<sc_bundles>
// kernel: kernel.3.cloned.1.call-start
scs
__scs_entry_jumppad:
0x0: {  	(pc) =	sbr.rel $0x88, $3  }
0x1: {  	(tag) =	ssettag $0x0;
	lr =	simm.s32 $0x1  }
0x2: {  	[smem:$0x3F9C] =	sst lr;
	_ =	strace $0xD0000000  }
0x3: {  	_ = 	snop  }
0x4: {  	_ = 	snop  }
0x5: {  	_ = 	snop  }
0x6: {  	_ = 	snop  }
0x7: {  	_ = 	snop  }
__scs_overlays_trampoline_lowered:
0x8: {  	[smem:$0x3FAB] =	sst s0  }
0x9: {  	[smem:$0x3FAC] =	sst s1  }
0xa: {  	[smem:$0x3FAD] =	sst s2  }
0xb: {  	[smem:$0x3FAE] =	sst s3  }
0xc: {  	[smem:$0x3FAF] =	sst s4  }
0xd: {  	[smem:$0x3FB0] =	sst s5  }
0xe: {  	[smem:$0x3FB1] =	sst s6  }
0xf: {  	[smem:$0x3FB2] =	sst s7  }
0x10: {  	[smem:$0x3FB3] =	sst s8  }
0x11: {  	[smem:$0x3FB4] =	sst s9;
	s0 =	simm.s32 @!p0 $0x0  }
0x12: {  	s1 =	sld [smem:$0x3F9A];
	s0 =	simm.s32 @p0 $0x1  }
0x13: {  	[smem:$0x3FB5] =	sst s0;
	s0 =	simm.s32 @!p1 $0x0  }
0x14: {  	s2 =	sld [smem:$0x3F99];
	s0 =	simm.s32 @p1 $0x1  }
0x15: {  	[smem:$0x3FB6] =	sst s0;
	s0 =	simm.s32 @!p2 $0x0  }
0x16: {  	s3 =	sld [smem:$0x3FDB];
	s0 =	simm.s32 @p2 $0x1  }
0x17: {  	s4 =	simm.s32 $0x1BF5;
	[smem:$0x3FB8] =	sst s0  }
0x18: {  	s0 =	sld [smem:$0x3F9B];
	_ =	swait.ge [sflag:s4], $0x0  }
0x19: {  	s7 =	sld [smem:$0x3F9C]  }
0x1a: {  	s8 =	sadd.s32 $0xFFFFE003, lr  }
0x1b: {  	s9 =	sadd.s32 $0xFFFFFEF7, lr;
	s5 =	simm.s32 $0xFFFFFFFF;
	p2 =	slt.u32 s8, $0xFFFFF086  }
0x1c: {  	p1 =	slt.u32 s9, $0xF7A;
	s5 =	simm.s32 @!p2 $0x0  }
0x1d: {  	s5 =	simm.s32 @p1 $0x1;
	p0 =	seq.s32 s7, s2  }
0x1e: {  	s7 =	smul.u32 @!p0 $0xF7A, s2;
	p2 =	seq.s32 @!p0 s5, $0x0  }
0x1f: {  	s9 =	smul.u32 $0xF7A, s1;
	s8 =	simm.s32 @!p0 $0x1BF5;
	p2 =	por !p2, p0  }
0x20: {  	[sflag:s8] =	ssyncset.s32 @!p0 $0xFFFFF086;
	s6 =	sadd.s32 @!p0 s3, s7;
	s7 =	simm.s32 @!p0 $0x108  }
0x21: {  	s3 =	sadd.s32 s3, s9;
	s6 =	sadd.s32 @!p0 $0x88, s6;
	s7 =	simm.s32 @p2 $0x1082  }
0x22: {  	[simem:s7], [sflag:s8] =	dma.local @!p0 [hbm:s6], $0xF7A  }
0x23: {  	s9 =	sor.u32 $0xD0000000, s2;
	s6 =	simm.s32 $0x108;
	_ =	swait.ge @!p0 [sflag:s8], $0x0  }
0x24: {  	s3 =	sadd.s32 $0x88, s3;
	s6 =	simm.s32 @!p1 $0x1082;
	[sflag:s4] =	ssyncset.s32 $0xFFFFF086  }
0x25: {  	[simem:s6], [sflag:s4] =	dma.local [hbm:s3], $0xF7A  }
0x26: {  	[smem:$0x3F9C] =	sst s1;
	(tag) =	ssettag s2;
	_ =	strace s9  }
0x27: {  	s1 =	sld [smem:$0x3FAC]  }
0x28: {  	s2 =	sld [smem:$0x3FAD]  }
0x29: {  	s4 =	sld [smem:$0x3FAF]  }
0x2a: {  	p0 =	seq.s32 s5, $0x0;
	s5 =	sld [smem:$0x3FB0]  }
0x2b: {  	s6 =	sld [smem:$0x3FB1]  }
0x2c: {  	s7 =	sld [smem:$0x3FB2]  }
0x2d: {  	s3 =	simm.s32 $0x108;
	s8 =	sld [smem:$0x3FB3]  }
0x2e: {  	s3 =	simm.s32 @!p0 $0x1082;
	s9 =	sld [smem:$0x3FB4]  }
0x2f: {  	lr =	sadd.s32 s0, s3;
	s0 =	sld [smem:$0x3FAB]  }
0x30: {  	s3 =	sld [smem:$0x3FAE]  }
0x31: {  	[smem:$0x3FB7] =	sst s10  }
0x32: {  	s10 =	sld [smem:$0x3FB5];
	_ =	sdelay $0x3  }
0x33: {  	p0 =	seq.s32 s10, $0x1;
	s10 =	sld [smem:$0x3FB7];
	_ =	sdelay $0x3  }
0x34: {  	[smem:$0x3FB7] =	sst s10  }
0x35: {  	s10 =	sld [smem:$0x3FB6];
	_ =	sdelay $0x3  }
0x36: {  	p1 =	seq.s32 s10, $0x1;
	s10 =	sld [smem:$0x3FB7];
	_ =	sdelay $0x3  }
0x37: {  	[smem:$0x3FB7] =	sst s10  }
0x38: {  	s10 =	sld [smem:$0x3FB8]  }
0x39: {  	_ = 	snop;
	(pc) =	sbr.ind lr, $3  }
0x3a: {  	_ = 	snop  }
0x3b: {  	_ = 	snop  }
0x3c: {  	p2 =	seq.s32 s10, $0x1;
	s10 =	sld [smem:$0x3FB7]  }
0x3d: {  	_ =	shalt  }
0x3e: {  	_ =	shalt  }
0x3f: {  	_ =	shalt  }
0x40: {  	_ =	shalt  }
0x41: {  	_ =	shalt  }
0x42: {  	_ =	shalt  }
0x43: {  	_ =	shalt  }
0x44: {  	_ =	shalt  }
0x45: {  	_ =	shalt  }
0x46: {  	_ =	shalt  }
0x47: {  	_ =	shalt  }
0x48: {  	_ =	shalt  }
0x49: {  	_ =	shalt  }
0x4a: {  	_ =	shalt  }
0x4b: {  	_ =	shalt  }
0x4c: {  	_ =	shalt  }
0x4d: {  	_ =	shalt  }
0x4e: {  	_ =	shalt  }
0x4f: {  	_ =	shalt  }
0x50: {  	_ =	shalt  }
0x51: {  	_ =	shalt  }
0x52: {  	_ =	shalt  }
0x53: {  	_ =	shalt  }
0x54: {  	_ =	shalt  }
0x55: {  	_ =	shalt  }
0x56: {  	_ =	shalt  }
0x57: {  	_ =	shalt  }
0x58: {  	_ =	shalt  }
0x59: {  	_ =	shalt  }
0x5a: {  	_ =	shalt  }
0x5b: {  	_ =	shalt  }
0x5c: {  	_ =	shalt  }
0x5d: {  	_ =	shalt  }
0x5e: {  	_ =	shalt  }
0x5f: {  	_ =	shalt  }
0x60: {  	_ =	shalt  }
0x61: {  	_ =	shalt  }
0x62: {  	_ =	shalt  }
0x63: {  	_ =	shalt  }
0x64: {  	_ =	shalt  }
0x65: {  	_ =	shalt  }
0x66: {  	_ =	shalt  }
0x67: {  	_ =	shalt  }
0x68: {  	_ =	shalt  }
0x69: {  	_ =	shalt  }
0x6a: {  	_ =	shalt  }
0x6b: {  	_ =	shalt  }
0x6c: {  	_ =	shalt  }
0x6d: {  	_ =	shalt  }
0x6e: {  	_ =	shalt  }
0x6f: {  	_ =	shalt  }
0x70: {  	_ =	shalt  }
0x71: {  	_ =	shalt  }
0x72: {  	_ =	shalt  }
0x73: {  	_ =	shalt  }
0x74: {  	_ =	shalt  }
0x75: {  	_ =	shalt  }
0x76: {  	_ =	shalt  }
0x77: {  	_ =	shalt  }
0x78: {  	_ =	shalt  }
0x79: {  	_ =	shalt  }
0x7a: {  	_ =	shalt  }
0x7b: {  	_ =	shalt  }
0x7c: {  	_ =	shalt  }
0x7d: {  	_ =	shalt  }
0x7e: {  	_ =	shalt  }
0x7f: {  	_ =	shalt  }
0x80: {  	_ =	shalt  }
0x81: {  	_ =	shalt  }
0x82: {  	_ =	shalt  }
0x83: {  	_ =	shalt  }
0x84: {  	_ =	shalt  }
0x85: {  	_ =	shalt  }
0x86: {  	_ =	shalt  }
0x87: {  	_ =	shalt  }
.Lfunc_end0:
.L_simem_size_0:
called_computation_lowered:
.L_overlay_start_0:
0x88: {  	s2 =	sld [smem:$0x3FD9]  }
0x89: {  	s3 =	sld [smem:$0x3FFE];
	_ =	sdelay $0x1  }
0x8a: {  	s1 =	srdreg.scid  }
0x8b: {  	s0 =	sand.u32 $0x1, s1  }
0x8c: {  	s17 =	sshll.u32 s0, $0xA;
	s2 =	sadd.s32 s3, s2  }
0x8d: {  	s2 =	sadd.s32 s2, s17  }
0x8e: {  	[smem:$0x3FC3] =	sst s2  }
0x8f: {  	_ = 	snop  }
0x90: {  	s2 =	sld [smem:$0x3FC9]  }
0x91: {  	s18 =	sld [smem:$0x3FC8]  }
0x92: {  	s4 =	sld [smem:$0x3FC7]  }
0x93: {  	s5 =	sld [smem:$0x3FC6]  }
0x94: {  	s6 =	sld [smem:$0x3FC5]  }
0x95: {  	s7 =	sld [smem:$0x3FD0];
	(tm) =	ssettm $0x1  }
0x96: {  	s8 =	sld [smem:$0x3FFB];
	_ =	sdelay $0x3  }
0x97: {  	_ =	strace s8  }
0x98: {  	s8 =	sld [smem:$0x3FFC];
	_ =	sdelay $0x3  }
0x99: {  	_ =	strace s8  }
0x9a: {  	s8 =	sld [smem:$0x3FFD];
	_ =	sdelay $0x3  }
0x9b: {  	_ =	strace s8  }
0x9c: {  	_ =	strace $0x8FFFFFFF  }
0x9d: {  	s19 =	sld [smem:$0x3FDB];
	_ =	sdelay $0x1  }
0x9e: {  	s9 =	simm.s32 $_scs_section_size  }
0x9f: {  	s10 =	simm.s32 $_size__tile_overlayer_lowered;
	s11 =	simm.s32 $_tile_overlayer_lowered  }
0xa0: {  	s22 =	simm.s32 $0x1BFF;
	s21 =	sshll.u32 s11, $0x1;
	s8 =	sadd.s32 s9, s19  }
0xa1: {  	s12 =	simm.s32 $0x0;
	s20 =	sshll.u32 s10, $0x1;
	s10 =	sadd.s32 s21, s8  }
0xa2: {  	[timem:s12], [sflag:s22] =	dma.local [hbm:s10], s20  }
0xa3: {  	_ =	swait.ge [sflag:s22], s20  }
0xa4: {  	s9 =	ssub.s32 $0x0, s20;
	[sflag:s22] =	ssyncset.done $0x0  }
0xa5: {  	[sflag:s22] =	ssyncadd.s32 s9;
	_ =	sdelay $0x1  }
0xa6: {  	s23 =	simm.s32 $0x1B8B  }
0xa7: {  	_ =	swait.ge [sflag:s23], $0x1  }
0xa8: {  	[sflag:s23] =	ssyncset.done $0x0  }
0xa9: {  	s25 =	simm.s32 $0x1B8E;
	s24 =	sld [smem:$0x3FFE];
	[sflag:s23] =	ssyncadd.s32 $0xFFFFFFFF  }
0xaa: {  	s26 =	simm.s32 $execute0_lowered;
	[smem:$0x3FD2] =	sst s25  }
0xab: {  	s10 =	sshll.u32 s26, $0x1;
	_ =	strace $0x80000046;
	[dreg:$0x1] =	wrdreg $0xFFFFFFFF  }
0xac: {  	s28 =	simm.s32 $_size_execute0_lowered;
	s8 =	sadd.s32 s8, s10;
	[dreg:$0x0] =	wrdreg $0x0  }
0xad: {  	s10 =	sshll.u32 s28, $0x1;
	[dreg:$0x2] =	wrdreg s8  }
0xae: {  	[dreg:$0x3] =	wrdreg s10  }
0xaf: {  	[dreg:$0x4] =	wrdreg $0xC0  }
0xb0: {  	_ =	task [dreg:s12], $0x5FFFF  }
0xb1: {  	[dreg:$0x1] =	wrdreg $0xFFFFFFFF  }
0xb2: {  	[dreg:$0x0] =	wrdreg $0x60  }
0xb3: {  	[dreg:$0x2] =	wrdreg s2  }
0xb4: {  	[dreg:$0x3] =	wrdreg s18  }
0xb5: {  	[dreg:$0x4] =	wrdreg s4  }
0xb6: {  	[dreg:$0x5] =	wrdreg s5  }
0xb7: {  	[dreg:$0x6] =	wrdreg s6  }
0xb8: {  	[dreg:$0x7] =	wrdreg s24  }
0xb9: {  	[dreg:$0x8] =	wrdreg s7  }
0xba: {  	[dreg:$0x9] =	wrdreg $0x9  }
0xbb: {  	_ =	task.clear_ibuf [dreg:s12], $0xAFFFF;
	_ =	strace $0x90000046  }
0xbc: {  	s29 =	simm.s32 $0x9;
	_ =	strace $0x80000048  }
0xbd: {  	_ =	swait.ge [sflag:s29], $0x1  }
0xbe: {  	[sflag:s29] =	ssyncadd.s32 $0xFFFFFFFF  }
0xbf: {  	_ =	strace $0x90000048  }
0xc0: {  	_ =	sfence  }
0xc1: {  	s30 =	sld [smem:$0x0];
	_ =	sdelay $0x2  }
0xc2: {  	s31 =	sshll.u32 s1, $0xD;
	s1 =	sshrl.u32 s1, $0x2  }
0xc3: {  	s3 =	sand.u32 $0x4000, s31;
	s1 =	sadd.s32 s1, s30  }
0xc4: {  	s0 =	sor.u32 s3, s0;
	s1 =	sshll.u32 s1, $0x11  }
0xc5: {  	s0 =	sor.u32 s1, s0  }
0xc6: {  	s0 =	sadd.s32 $0x8F2B, s0  }
0xc7: {  	[sflag:s0] =	ssyncadd.remote.s32 $0x1  }
0xc8: {  	_ =	sfence.sel $0xFFFF  }
0xc9: {  	[dreg:$0x0] =	wrdreg $0xFFFFFFFF;
	(pc) =	sbr.abs _section_cstart, $3  }
0xca: {  	[dreg:$0x1] =	wrdreg $0xFFFFFFFF  }
0xcb: {  	_ =	task.clear_ibuf [dreg:s12], $0x2FFFF;
	_ =	strace $0x9FFFFFFF  }
0xcc: {  	(tm) =	ssettm $0x7FFFFFFF  }
0xcd: {  	_ =	shalt  }
tec
execute0_lowered:
.L_overlay_start_1:
0x0: {  	(tag) =	ssettag $0x1  }
0x1: {  	s0 =	rddreg [dreg:$0x0]  }
0x2: {  	s1 =	rddreg [dreg:$0x1]  }
0x3: {  	s2 =	rddreg [dreg:$0x2]  }
0x4: {  	s3 =	rddreg [dreg:$0x3]  }
0x5: {  	s4 =	rddreg [dreg:$0x4]  }
0x6: {  	s5 =	rddreg [dreg:$0x5]  }
0x7: {  	s6 =	rddreg [dreg:$0x6];
	s8 =	simm.s32 $0x0;
	s7 =	srdreg.scid  }
0x8: {  	s11 =	stileid.u32;
	s15 =	simm.s32 $0x20;
	s16 =	simm.s32 $0x4000  }
0x9: {  	s17 =	simm.s32 $0x6;
	s19 =	simm.s32 $0x20000;
	s20 =	simm.s32 $0x400  }
0xa: {  	s21 =	simm.s32 $0x80;
	s22 =	simm.s32 $0x2400;
	s28 =	simm.s32 $0xE400  }
0xb: {  	s29 =	simm.s32 $0x3;
	s30 =	simm.s32 $0x4;
	s31 =	simm.s32 $0x5  }
0xc: {  	[smem:$0x7FF] =	sst s8;
	s7 =	sand.u32 $0x1, s7;
	s9 =	sshll.u32 s11, $0xA  }
0xd: {  	s5 =	sadd.s32 $0x400, s5;
	s25 =	sshll.u32 s11, $0x6;
	s23 =	ssub.s32 $0x2, s7  }
0xe: {  	s7 =	sshll.u32 s7, $0x9;
	_ =	strace $0x80000047;
	[dreg:$0x8] =	wrdreg s5  }
0xf: {  	s8 =	sor.u32 $0x1C05, s25;
	s10 =	sshrl.u32 s23, $0x1;
	s13 =	sor.u32 s7, s9  }
0x10: {  	s25 =	simm.s32 $0xA400;
	s14 =	ssub.s32 s23, s10;
	s5 =	sadd.s32 s6, s13  }
0x11: {  	s2 =	sadd.s32 s2, s13;
	s26 =	sadd.s32 s3, s13;
	s11 =	sadd.s32 s4, s13  }
0x12: {  	s13 =	sadd.s32 s1, s13;
	s23 =	simm.s32 $0x6400;
	[dreg:$0x9] =	wrdreg s2  }
0x13: {  	s1 =	simm.s32 $0x0;
	s24 =	sadd.s32 $0x400000, s5;
	[dreg:$0xb] =	wrdreg s26  }
0x14: {  	s10 =	sadd.s32 $0x408000, s5;
	s12 =	sadd.s32 $0x410000, s5;
	s14 =	smax.u32 s14, $0x1  }
0x15: {  	s26 =	simm.s32 $0x2;
	[dreg:$0xa] =	wrdreg s24;
	s24 =	simm.s32 $0x1  }
.LBB2_1:
0x16: {  	s2 =	rddreg [dreg:$0x9]  }
0x17: {  	s3 =	rddreg [dreg:$0xa]  }
0x18: {  	[hbm:s3@s16], [sflag:s8] =	dma.strided [hbm:s2@s16], $0x400, s15, $0x10   }
0x19: {  	s2 =	rddreg [dreg:$0xb]  }
0x1a: {  	[hbm:s10@s16], [sflag:s8] =	dma.strided [hbm:s2@s16], $0x400, s15, $0x10   }
0x1b: {  	[hbm:s12@s16], [sflag:s8] =	dma.strided [hbm:s11@s16], $0x400, s15, $0x10   }
0x1c: {  	s7 =	simm.s32 $0x0;
	s9 =	rddreg [dreg:$0x8]  }
0x1d: {  	[tilespmem:s7], [sflag:$0x6] =	stream.linear.gather [hbm4b:s9+s7], $0x400, $0x38;
	[tilespmem:$0x12400] =	vst v63  }
0x1e: {  	_ =	swait.ge [sflag:s17], $0x400  }
0x1f: {  	[sflag:s17] =	ssyncset.done $0x0  }
0x20: {  	s18 =	simm.s32 $0x1000;
	[sflag:s17] =	ssyncadd.s32 $0xFFFFFC00  }
0x21: {  	[tilespmem:s20], [sflag:$0x6] =	stream.strided.gather [hbm4b:s13+s18], $0x2000, s19, s18, $0x38;
	[tilespmem:$0x12400] =	vst v63  }
0x22: {  	_ =	swait.ge [sflag:s17], $0x2000  }
0x23: {  	[sflag:s17] =	ssyncset.done $0x0  }
0x24: {  	s2 =	simm.s32 $0x0;
	[sflag:s17] =	ssyncadd.s32 $0xFFFFE000  }
0x25: {  	[tilespmem:s22], [sflag:$0x1] =	stream.indirect.gather [hbm4b:s0+s21], $0x80, s20, s21, $0xb8;
	[tilespmem:$0x12400] =	vst v63  }
.LBB2_2:
0x26: {  	p0 =	seq.s32 s2, $0x0;
	s3 =	sshll.u32 s2, $0x1;
	s6 =	sshll.u32 s2, $0xA  }
0x27: {  	s7 =	sshll.u32 s2, $0x7;
	s4 =	simm.s32 @!p0 $0x3;
	s18 =	sor.u32 $0x1, s3  }
0x28: {  	s6 =	sand.u32 $0x1000, s6;
	s7 =	sand.u32 $0xC00, s7;
	s9 =	sshll.u32 s18, $0x7  }
0x29: {  	s6 =	sor.u32 s7, s6;
	_ =	swait.ge @!p0 [sflag:s4], $0x4000;
	s9 =	sand.u32 $0x380, s9  }
0x2a: {  	[sflag:s4] =	ssyncset.done @!p0 $0x0;
	s6 =	sor.u32 s9, s6  }
0x2b: {  	[sflag:s4] =	ssyncadd.s32 @!p0 $0xFFFFC000;
	s9 =	sadd.s32 $0x400, s6  }
0x2c: {  	[tilespmem:s23], [sflag:$0x2] =	stream.indirect.gather [hbm4b:s0+s21], $0x80, s9, s21, $0xb8;
	[tilespmem:$0x12400] =	vst v63  }
0x2d: {  	_ =	swait.ge [sflag:s24], $0x4000  }
0x2e: {  	[sflag:s24] =	ssyncset.done $0x0  }
0x2f: {  	[sflag:s24] =	ssyncadd.s32 $0xFFFFC000  }
0x30: {  	v0 =	vld [tilespmem:$0x10]  }
0x31: {  	v1 =	vld [tilespmem:$0x20]  }
0x32: {  	v2 =	vld [tilespmem:$0x30]  }
0x33: {  	v3 =	vld [tilespmem:$0x40]  }
0x34: {  	v4 =	vld [tilespmem:$0x50]  }
0x35: {  	v5 =	vld [tilespmem:$0x60];
	[tilespmem:$0x1FD00] =	vst v0  }
0x36: {  	v6 =	vld [tilespmem:$0x70];
	[tilespmem:$0x1FD10] =	vst v1  }
0x37: {  	v7 =	vld [tilespmem:$0x80];
	[tilespmem:$0x1FD20] =	vst v2  }
0x38: {  	v8 =	vld [tilespmem:$0x90];
	[tilespmem:$0x1FD30] =	vst v3  }
0x39: {  	v9 =	vld [tilespmem:$0xA0];
	[tilespmem:$0x1FD40] =	vst v4  }
0x3a: {  	v10 =	vld [tilespmem:$0xB0];
	[tilespmem:$0x1FD50] =	vst v5  }
0x3b: {  	v14 =	vld [tilespmem:$0xC0];
	[tilespmem:$0x1FD60] =	vst v6  }
0x3c: {  	v15 =	vld [tilespmem:$0xD0];
	[tilespmem:$0x1FD70] =	vst v7  }
0x3d: {  	v16 =	vld [tilespmem:$0xE0];
	[tilespmem:$0x1FD80] =	vst v8  }
0x3e: {  	v17 =	vld [tilespmem:$0xF0];
	[tilespmem:$0x1FD90] =	vst v9  }
0x3f: {  	v18 =	vld [tilespmem:$0x100];
	[tilespmem:$0x1FDA0] =	vst v10  }
0x40: {  	[tilespmem:$0x1FDB0] =	vst v14  }
0x41: {  	[tilespmem:$0x1FDC0] =	vst v15  }
0x42: {  	[tilespmem:$0x1FDD0] =	vst v16  }
0x43: {  	[tilespmem:$0x1FDE0] =	vst v17  }
0x44: {  	v11 =	vshll.u32 v0, $0x7;
	[tilespmem:$0x1FDF0] =	vst v18  }
0x45: {  	v48 =	vshll.u32 v1, $0x7;
	[tilespmem:$0x1F000] =	vst v11  }
0x46: {  	v49 =	vshll.u32 v2, $0x7;
	[tilespmem:$0x1F010] =	vst v48  }
0x47: {  	v50 =	vshll.u32 v3, $0x7;
	[tilespmem:$0x1F020] =	vst v49  }
0x48: {  	v51 =	vshll.u32 v4, $0x7;
	[tilespmem:$0x1F030] =	vst v50  }
0x49: {  	v52 =	vshll.u32 v5, $0x7;
	[tilespmem:$0x1F040] =	vst v51  }
0x4a: {  	v53 =	vshll.u32 v6, $0x7;
	[tilespmem:$0x1F050] =	vst v52  }
0x4b: {  	v54 =	vshll.u32 v7, $0x7;
	[tilespmem:$0x1F060] =	vst v53  }
0x4c: {  	v55 =	vshll.u32 v8, $0x7;
	[tilespmem:$0x1F070] =	vst v54  }
0x4d: {  	v56 =	vshll.u32 v9, $0x7;
	[tilespmem:$0x1F080] =	vst v55  }
0x4e: {  	v57 =	vshll.u32 v10, $0x7;
	[tilespmem:$0x1F090] =	vst v56  }
0x4f: {  	v58 =	vshll.u32 v14, $0x7;
	[tilespmem:$0x1F0A0] =	vst v57  }
0x50: {  	v59 =	vshll.u32 v15, $0x7;
	[tilespmem:$0x1F0B0] =	vst v58  }
0x51: {  	v60 =	vshll.u32 v16, $0x7;
	[tilespmem:$0x1F0C0] =	vst v59  }
0x52: {  	v61 =	vshll.u32 v17, $0x7;
	[tilespmem:$0x1F0D0] =	vst v60  }
0x53: {  	v62 =	vshll.u32 v18, $0x7;
	[tilespmem:$0x1F0E0] =	vst v61  }
0x54: {  	v63 =	vadd.s32 $0x10, v0;
	[tilespmem:$0x1F0F0] =	vst v62  }
0x55: {  	v12 =	vadd.s32 $0x10, v1;
	[tilespmem:$0x1F100] =	vst v63  }
0x56: {  	v13 =	vadd.s32 $0x10, v2;
	[tilespmem:$0x1F120] =	vst v12  }
0x57: {  	v19 =	vadd.s32 $0x10, v3;
	[tilespmem:$0x1F140] =	vst v13  }
0x58: {  	v20 =	vadd.s32 $0x10, v4;
	[tilespmem:$0x1F160] =	vst v19  }
0x59: {  	v21 =	vadd.s32 $0x10, v5;
	[tilespmem:$0x1F180] =	vst v20  }
0x5a: {  	v22 =	vadd.s32 $0x10, v6;
	[tilespmem:$0x1F1A0] =	vst v21  }
0x5b: {  	v23 =	vadd.s32 $0x10, v7;
	[tilespmem:$0x1F1C0] =	vst v22  }
0x5c: {  	v24 =	vadd.s32 $0x10, v8;
	[tilespmem:$0x1F1E0] =	vst v23  }
0x5d: {  	v25 =	vadd.s32 $0x10, v9;
	[tilespmem:$0x1F200] =	vst v24  }
0x5e: {  	v26 =	vadd.s32 $0x10, v10;
	[tilespmem:$0x1F220] =	vst v25  }
0x5f: {  	v27 =	vadd.s32 $0x10, v14;
	[tilespmem:$0x1F240] =	vst v26  }
0x60: {  	v28 =	vadd.s32 $0x10, v15;
	[tilespmem:$0x1F260] =	vst v27  }
0x61: {  	v29 =	vadd.s32 $0x10, v16;
	[tilespmem:$0x1F280] =	vst v28  }
0x62: {  	v30 =	vadd.s32 $0x10, v17;
	[tilespmem:$0x1F2A0] =	vst v29  }
0x63: {  	v31 =	vadd.s32 $0x10, v18;
	[tilespmem:$0x1F2C0] =	vst v30  }
0x64: {  	v11 =	vshll.u32 v63, $0x7;
	[tilespmem:$0x1F2E0] =	vst v31  }
0x65: {  	v33 =	vshll.u32 v12, $0x7;
	[tilespmem:$0x1F110] =	vst v11  }
0x66: {  	v34 =	vshll.u32 v13, $0x7;
	[tilespmem:$0x1F130] =	vst v33  }
0x67: {  	v35 =	vshll.u32 v19, $0x7;
	[tilespmem:$0x1F150] =	vst v34  }
0x68: {  	v36 =	vshll.u32 v20, $0x7;
	[tilespmem:$0x1F170] =	vst v35  }
0x69: {  	v37 =	vshll.u32 v21, $0x7;
	[tilespmem:$0x1F190] =	vst v36  }
0x6a: {  	v38 =	vshll.u32 v22, $0x7;
	[tilespmem:$0x1F1B0] =	vst v37  }
0x6b: {  	v39 =	vshll.u32 v23, $0x7;
	[tilespmem:$0x1F1D0] =	vst v38  }
0x6c: {  	v40 =	vshll.u32 v24, $0x7;
	[tilespmem:$0x1F1F0] =	vst v39  }
0x6d: {  	v41 =	vshll.u32 v25, $0x7;
	[tilespmem:$0x1F210] =	vst v40  }
0x6e: {  	v42 =	vshll.u32 v26, $0x7;
	[tilespmem:$0x1F230] =	vst v41  }
0x6f: {  	v43 =	vshll.u32 v27, $0x7;
	[tilespmem:$0x1F250] =	vst v42  }
0x70: {  	v44 =	vshll.u32 v28, $0x7;
	[tilespmem:$0x1F270] =	vst v43  }
0x71: {  	v45 =	vshll.u32 v29, $0x7;
	[tilespmem:$0x1F290] =	vst v44  }
0x72: {  	v46 =	vshll.u32 v30, $0x7;
	[tilespmem:$0x1F2B0] =	vst v45  }
0x73: {  	v47 =	vshll.u32 v31, $0x7;
	[tilespmem:$0x1F2D0] =	vst v46  }
0x74: {  	v48 =	vadd.s32 $0x20, v0;
	[tilespmem:$0x1F2F0] =	vst v47  }
0x75: {  	v49 =	vadd.s32 $0x20, v1;
	[tilespmem:$0x1F300] =	vst v48  }
0x76: {  	v50 =	vadd.s32 $0x20, v2;
	[tilespmem:$0x1F320] =	vst v49  }
0x77: {  	v51 =	vadd.s32 $0x20, v3;
	[tilespmem:$0x1F340] =	vst v50  }
0x78: {  	v52 =	vadd.s32 $0x20, v4;
	[tilespmem:$0x1F360] =	vst v51  }
0x79: {  	v53 =	vadd.s32 $0x20, v5;
	[tilespmem:$0x1F380] =	vst v52  }
0x7a: {  	v54 =	vadd.s32 $0x20, v6;
	[tilespmem:$0x1F3A0] =	vst v53  }
0x7b: {  	v55 =	vadd.s32 $0x20, v7;
	[tilespmem:$0x1F3C0] =	vst v54  }
0x7c: {  	v56 =	vadd.s32 $0x20, v8;
	[tilespmem:$0x1F3E0] =	vst v55  }
0x7d: {  	v57 =	vadd.s32 $0x20, v9;
	[tilespmem:$0x1F400] =	vst v56  }
0x7e: {  	v58 =	vadd.s32 $0x20, v10;
	[tilespmem:$0x1F420] =	vst v57  }
0x7f: {  	v59 =	vadd.s32 $0x20, v14;
	[tilespmem:$0x1F440] =	vst v58  }
0x80: {  	v60 =	vadd.s32 $0x20, v15;
	[tilespmem:$0x1F460] =	vst v59  }
0x81: {  	v61 =	vadd.s32 $0x20, v16;
	[tilespmem:$0x1F480] =	vst v60  }
0x82: {  	v62 =	vadd.s32 $0x20, v17;
	[tilespmem:$0x1F4A0] =	vst v61  }
0x83: {  	v63 =	vadd.s32 $0x20, v18;
	[tilespmem:$0x1F4C0] =	vst v62  }
0x84: {  	v11 =	vshll.u32 v48, $0x7;
	[tilespmem:$0x1F4E0] =	vst v63  }
0x85: {  	v33 =	vshll.u32 v49, $0x7;
	[tilespmem:$0x1F310] =	vst v11  }
0x86: {  	v34 =	vshll.u32 v50, $0x7;
	[tilespmem:$0x1F330] =	vst v33  }
0x87: {  	v35 =	vshll.u32 v51, $0x7;
	[tilespmem:$0x1F350] =	vst v34  }
0x88: {  	v36 =	vshll.u32 v52, $0x7;
	[tilespmem:$0x1F370] =	vst v35  }
0x89: {  	v37 =	vshll.u32 v53, $0x7;
	[tilespmem:$0x1F390] =	vst v36  }
0x8a: {  	v38 =	vshll.u32 v54, $0x7;
	[tilespmem:$0x1F3B0] =	vst v37  }
0x8b: {  	v39 =	vshll.u32 v55, $0x7;
	[tilespmem:$0x1F3D0] =	vst v38  }
0x8c: {  	v40 =	vshll.u32 v56, $0x7;
	[tilespmem:$0x1F3F0] =	vst v39  }
0x8d: {  	v41 =	vshll.u32 v57, $0x7;
	[tilespmem:$0x1F410] =	vst v40  }
0x8e: {  	v42 =	vshll.u32 v58, $0x7;
	[tilespmem:$0x1F430] =	vst v41  }
0x8f: {  	v43 =	vshll.u32 v59, $0x7;
	[tilespmem:$0x1F450] =	vst v42  }
0x90: {  	v44 =	vshll.u32 v60, $0x7;
	[tilespmem:$0x1F470] =	vst v43  }
0x91: {  	v45 =	vshll.u32 v61, $0x7;
	[tilespmem:$0x1F490] =	vst v44  }
0x92: {  	v46 =	vshll.u32 v62, $0x7;
	[tilespmem:$0x1F4B0] =	vst v45  }
0x93: {  	v47 =	vshll.u32 v63, $0x7;
	[tilespmem:$0x1F4D0] =	vst v46  }
0x94: {  	v48 =	vadd.s32 $0x30, v0;
	[tilespmem:$0x1F4F0] =	vst v47  }
0x95: {  	v49 =	vadd.s32 $0x30, v1;
	[tilespmem:$0x1F500] =	vst v48  }
0x96: {  	v50 =	vadd.s32 $0x30, v2;
	[tilespmem:$0x1F520] =	vst v49  }
0x97: {  	v51 =	vadd.s32 $0x30, v3;
	[tilespmem:$0x1F540] =	vst v50  }
0x98: {  	v52 =	vadd.s32 $0x30, v4;
	[tilespmem:$0x1F560] =	vst v51  }
0x99: {  	v53 =	vadd.s32 $0x30, v5;
	[tilespmem:$0x1F580] =	vst v52  }
0x9a: {  	v54 =	vadd.s32 $0x30, v6;
	[tilespmem:$0x1F5A0] =	vst v53  }
0x9b: {  	v55 =	vadd.s32 $0x30, v7;
	[tilespmem:$0x1F5C0] =	vst v54  }
0x9c: {  	v56 =	vadd.s32 $0x30, v8;
	[tilespmem:$0x1F5E0] =	vst v55  }
0x9d: {  	v57 =	vadd.s32 $0x30, v9;
	[tilespmem:$0x1F600] =	vst v56  }
0x9e: {  	v58 =	vadd.s32 $0x30, v10;
	[tilespmem:$0x1F620] =	vst v57  }
0x9f: {  	v59 =	vadd.s32 $0x30, v14;
	[tilespmem:$0x1F640] =	vst v58  }
0xa0: {  	v60 =	vadd.s32 $0x30, v15;
	[tilespmem:$0x1F660] =	vst v59  }
0xa1: {  	v61 =	vadd.s32 $0x30, v16;
	[tilespmem:$0x1F680] =	vst v60  }
0xa2: {  	v62 =	vadd.s32 $0x30, v17;
	[tilespmem:$0x1F6A0] =	vst v61  }
0xa3: {  	v63 =	vadd.s32 $0x30, v18;
	[tilespmem:$0x1F6C0] =	vst v62  }
0xa4: {  	v11 =	vshll.u32 v48, $0x7;
	[tilespmem:$0x1F6E0] =	vst v63  }
0xa5: {  	v33 =	vshll.u32 v49, $0x7;
	[tilespmem:$0x1F510] =	vst v11  }
0xa6: {  	v34 =	vshll.u32 v50, $0x7;
	[tilespmem:$0x1F530] =	vst v33  }
0xa7: {  	v35 =	vshll.u32 v51, $0x7;
	[tilespmem:$0x1F550] =	vst v34  }
0xa8: {  	v36 =	vshll.u32 v52, $0x7;
	[tilespmem:$0x1F570] =	vst v35  }
0xa9: {  	v37 =	vshll.u32 v53, $0x7;
	[tilespmem:$0x1F590] =	vst v36  }
0xaa: {  	v38 =	vshll.u32 v54, $0x7;
	[tilespmem:$0x1F5B0] =	vst v37  }
0xab: {  	v39 =	vshll.u32 v55, $0x7;
	[tilespmem:$0x1F5D0] =	vst v38  }
0xac: {  	v40 =	vshll.u32 v56, $0x7;
	[tilespmem:$0x1F5F0] =	vst v39  }
0xad: {  	v41 =	vshll.u32 v57, $0x7;
	[tilespmem:$0x1F610] =	vst v40  }
0xae: {  	v42 =	vshll.u32 v58, $0x7;
	[tilespmem:$0x1F630] =	vst v41  }
0xaf: {  	v43 =	vshll.u32 v59, $0x7;
	[tilespmem:$0x1F650] =	vst v42  }
0xb0: {  	v44 =	vshll.u32 v60, $0x7;
	[tilespmem:$0x1F670] =	vst v43  }
0xb1: {  	v45 =	vshll.u32 v61, $0x7;
	[tilespmem:$0x1F690] =	vst v44  }
0xb2: {  	v46 =	vshll.u32 v62, $0x7;
	[tilespmem:$0x1F6B0] =	vst v45  }
0xb3: {  	v47 =	vshll.u32 v63, $0x7;
	[tilespmem:$0x1F6D0] =	vst v46  }
0xb4: {  	v48 =	vadd.s32 $0x40, v0;
	[tilespmem:$0x1F6F0] =	vst v47  }
0xb5: {  	v49 =	vadd.s32 $0x40, v1;
	[tilespmem:$0x1F700] =	vst v48  }
0xb6: {  	v50 =	vadd.s32 $0x40, v2;
	[tilespmem:$0x1F720] =	vst v49  }
0xb7: {  	v51 =	vadd.s32 $0x40, v3;
	[tilespmem:$0x1F740] =	vst v50  }
0xb8: {  	v52 =	vadd.s32 $0x40, v4;
	[tilespmem:$0x1F760] =	vst v51  }
0xb9: {  	v53 =	vadd.s32 $0x40, v5;
	[tilespmem:$0x1F780] =	vst v52  }
0xba: {  	v54 =	vadd.s32 $0x40, v6;
	[tilespmem:$0x1F7A0] =	vst v53  }
0xbb: {  	v55 =	vadd.s32 $0x40, v7;
	[tilespmem:$0x1F7C0] =	vst v54  }
0xbc: {  	v56 =	vadd.s32 $0x40, v8;
	[tilespmem:$0x1F7E0] =	vst v55  }
0xbd: {  	v57 =	vadd.s32 $0x40, v9;
	[tilespmem:$0x1F800] =	vst v56  }
0xbe: {  	v58 =	vadd.s32 $0x40, v10;
	[tilespmem:$0x1F820] =	vst v57  }
0xbf: {  	v59 =	vadd.s32 $0x40, v14;
	[tilespmem:$0x1F840] =	vst v58  }
0xc0: {  	v60 =	vadd.s32 $0x40, v15;
	[tilespmem:$0x1F860] =	vst v59  }
0xc1: {  	v61 =	vadd.s32 $0x40, v16;
	[tilespmem:$0x1F880] =	vst v60  }
0xc2: {  	v62 =	vadd.s32 $0x40, v17;
	[tilespmem:$0x1F8A0] =	vst v61  }
0xc3: {  	v63 =	vadd.s32 $0x40, v18;
	[tilespmem:$0x1F8C0] =	vst v62  }
0xc4: {  	v11 =	vshll.u32 v48, $0x7;
	[tilespmem:$0x1F8E0] =	vst v63  }
0xc5: {  	v33 =	vshll.u32 v49, $0x7;
	[tilespmem:$0x1F710] =	vst v11  }
0xc6: {  	v34 =	vshll.u32 v50, $0x7;
	[tilespmem:$0x1F730] =	vst v33  }
0xc7: {  	v35 =	vshll.u32 v51, $0x7;
	[tilespmem:$0x1F750] =	vst v34  }
0xc8: {  	v36 =	vshll.u32 v52, $0x7;
	[tilespmem:$0x1F770] =	vst v35  }
0xc9: {  	v37 =	vshll.u32 v53, $0x7;
	[tilespmem:$0x1F790] =	vst v36  }
0xca: {  	v38 =	vshll.u32 v54, $0x7;
	[tilespmem:$0x1F7B0] =	vst v37  }
0xcb: {  	v39 =	vshll.u32 v55, $0x7;
	[tilespmem:$0x1F7D0] =	vst v38  }
0xcc: {  	v40 =	vshll.u32 v56, $0x7;
	[tilespmem:$0x1F7F0] =	vst v39  }
0xcd: {  	v41 =	vshll.u32 v57, $0x7;
	[tilespmem:$0x1F810] =	vst v40  }
0xce: {  	v42 =	vshll.u32 v58, $0x7;
	[tilespmem:$0x1F830] =	vst v41  }
0xcf: {  	v43 =	vshll.u32 v59, $0x7;
	[tilespmem:$0x1F850] =	vst v42  }
0xd0: {  	v44 =	vshll.u32 v60, $0x7;
	[tilespmem:$0x1F870] =	vst v43  }
0xd1: {  	v45 =	vshll.u32 v61, $0x7;
	[tilespmem:$0x1F890] =	vst v44  }
0xd2: {  	v46 =	vshll.u32 v62, $0x7;
	[tilespmem:$0x1F8B0] =	vst v45  }
0xd3: {  	v47 =	vshll.u32 v63, $0x7;
	[tilespmem:$0x1F8D0] =	vst v46  }
0xd4: {  	v48 =	vadd.s32 $0x50, v0;
	[tilespmem:$0x1F8F0] =	vst v47  }
0xd5: {  	v49 =	vadd.s32 $0x50, v1;
	[tilespmem:$0x1F900] =	vst v48  }
0xd6: {  	v50 =	vadd.s32 $0x50, v2;
	[tilespmem:$0x1F920] =	vst v49  }
0xd7: {  	v51 =	vadd.s32 $0x50, v3;
	[tilespmem:$0x1F940] =	vst v50  }
0xd8: {  	v52 =	vadd.s32 $0x50, v4;
	[tilespmem:$0x1F960] =	vst v51  }
0xd9: {  	v53 =	vadd.s32 $0x50, v5;
	[tilespmem:$0x1F980] =	vst v52  }
0xda: {  	v54 =	vadd.s32 $0x50, v6;
	[tilespmem:$0x1F9A0] =	vst v53  }
0xdb: {  	v55 =	vadd.s32 $0x50, v7;
	[tilespmem:$0x1F9C0] =	vst v54  }
0xdc: {  	v56 =	vadd.s32 $0x50, v8;
	[tilespmem:$0x1F9E0] =	vst v55  }
0xdd: {  	v57 =	vadd.s32 $0x50, v9;
	[tilespmem:$0x1FA00] =	vst v56  }
0xde: {  	v58 =	vadd.s32 $0x50, v10;
	[tilespmem:$0x1FA20] =	vst v57  }
0xdf: {  	v59 =	vadd.s32 $0x50, v14;
	[tilespmem:$0x1FA40] =	vst v58  }
0xe0: {  	v60 =	vadd.s32 $0x50, v15;
	[tilespmem:$0x1FA60] =	vst v59  }
0xe1: {  	v61 =	vadd.s32 $0x50, v16;
	[tilespmem:$0x1FA80] =	vst v60  }
0xe2: {  	v62 =	vadd.s32 $0x50, v17;
	[tilespmem:$0x1FAA0] =	vst v61  }
0xe3: {  	v63 =	vadd.s32 $0x50, v18;
	[tilespmem:$0x1FAC0] =	vst v62  }
0xe4: {  	v11 =	vshll.u32 v48, $0x7;
	[tilespmem:$0x1FAE0] =	vst v63  }
0xe5: {  	v33 =	vshll.u32 v49, $0x7;
	[tilespmem:$0x1F910] =	vst v11  }
0xe6: {  	v34 =	vshll.u32 v50, $0x7;
	[tilespmem:$0x1F930] =	vst v33  }
0xe7: {  	v35 =	vshll.u32 v51, $0x7;
	[tilespmem:$0x1F950] =	vst v34  }
0xe8: {  	v36 =	vshll.u32 v52, $0x7;
	[tilespmem:$0x1F970] =	vst v35  }
0xe9: {  	v37 =	vshll.u32 v53, $0x7;
	[tilespmem:$0x1F990] =	vst v36  }
0xea: {  	v38 =	vshll.u32 v54, $0x7;
	[tilespmem:$0x1F9B0] =	vst v37  }
0xeb: {  	v39 =	vshll.u32 v55, $0x7;
	[tilespmem:$0x1F9D0] =	vst v38  }
0xec: {  	v40 =	vshll.u32 v56, $0x7;
	[tilespmem:$0x1F9F0] =	vst v39  }
0xed: {  	v41 =	vshll.u32 v57, $0x7;
	[tilespmem:$0x1FA10] =	vst v40  }
0xee: {  	v42 =	vshll.u32 v58, $0x7;
	[tilespmem:$0x1FA30] =	vst v41  }
0xef: {  	v43 =	vshll.u32 v59, $0x7;
	[tilespmem:$0x1FA50] =	vst v42  }
0xf0: {  	v44 =	vshll.u32 v60, $0x7;
	[tilespmem:$0x1FA70] =	vst v43  }
0xf1: {  	v45 =	vshll.u32 v61, $0x7;
	[tilespmem:$0x1FA90] =	vst v44  }
0xf2: {  	v46 =	vshll.u32 v62, $0x7;
	[tilespmem:$0x1FAB0] =	vst v45  }
0xf3: {  	v47 =	vshll.u32 v63, $0x7;
	[tilespmem:$0x1FAD0] =	vst v46  }
0xf4: {  	v48 =	vadd.s32 $0x60, v0;
	[tilespmem:$0x1FAF0] =	vst v47  }
0xf5: {  	v49 =	vadd.s32 $0x60, v1;
	[tilespmem:$0x1FB00] =	vst v48  }
0xf6: {  	v50 =	vadd.s32 $0x60, v2;
	[tilespmem:$0x1FB20] =	vst v49  }
0xf7: {  	v51 =	vadd.s32 $0x60, v3;
	[tilespmem:$0x1FB40] =	vst v50  }
0xf8: {  	v52 =	vadd.s32 $0x60, v4;
	[tilespmem:$0x1FB60] =	vst v51  }
0xf9: {  	v53 =	vadd.s32 $0x60, v5;
	[tilespmem:$0x1FB80] =	vst v52  }
0xfa: {  	v54 =	vadd.s32 $0x60, v6;
	[tilespmem:$0x1FBA0] =	vst v53  }
0xfb: {  	v55 =	vadd.s32 $0x60, v7;
	[tilespmem:$0x1FBC0] =	vst v54  }
0xfc: {  	v56 =	vadd.s32 $0x60, v8;
	[tilespmem:$0x1FBE0] =	vst v55  }
0xfd: {  	v57 =	vadd.s32 $0x60, v9;
	[tilespmem:$0x1FC00] =	vst v56  }
0xfe: {  	v58 =	vadd.s32 $0x60, v10;
	[tilespmem:$0x1FC20] =	vst v57  }
0xff: {  	v59 =	vadd.s32 $0x60, v14;
	[tilespmem:$0x1FC40] =	vst v58  }
0x100: {  	v60 =	vadd.s32 $0x60, v15;
	[tilespmem:$0x1FC60] =	vst v59  }
0x101: {  	v61 =	vadd.s32 $0x60, v16;
	[tilespmem:$0x1FC80] =	vst v60  }
0x102: {  	v62 =	vadd.s32 $0x60, v17;
	[tilespmem:$0x1FCA0] =	vst v61  }
0x103: {  	v63 =	vadd.s32 $0x60, v18;
	[tilespmem:$0x1FCC0] =	vst v62  }
0x104: {  	v0 =	vadd.s32 $0x70, v0;
	[tilespmem:$0x1FCE0] =	vst v63  }
0x105: {  	v1 =	vadd.s32 $0x70, v1;
	[tilespmem:$0x1FE00] =	vst v0  }
0x106: {  	v2 =	vadd.s32 $0x70, v2;
	[tilespmem:$0x1FE20] =	vst v1  }
0x107: {  	v3 =	vadd.s32 $0x70, v3;
	[tilespmem:$0x1FE40] =	vst v2  }
0x108: {  	v4 =	vadd.s32 $0x70, v4;
	[tilespmem:$0x1FE60] =	vst v3  }
0x109: {  	v5 =	vadd.s32 $0x70, v5;
	[tilespmem:$0x1FE80] =	vst v4  }
0x10a: {  	v6 =	vadd.s32 $0x70, v6;
	[tilespmem:$0x1FEA0] =	vst v5  }
0x10b: {  	v7 =	vadd.s32 $0x70, v7;
	[tilespmem:$0x1FEC0] =	vst v6  }
0x10c: {  	v8 =	vadd.s32 $0x70, v8;
	[tilespmem:$0x1FEE0] =	vst v7  }
0x10d: {  	v9 =	vadd.s32 $0x70, v9;
	[tilespmem:$0x1FF00] =	vst v8  }
0x10e: {  	v10 =	vadd.s32 $0x70, v10;
	[tilespmem:$0x1FF20] =	vst v9  }
0x10f: {  	v11 =	vshll.u32 v48, $0x7;
	[tilespmem:$0x1FF40] =	vst v10  }
0x110: {  	v12 =	vshll.u32 v49, $0x7;
	[tilespmem:$0x1FB10] =	vst v11  }
0x111: {  	v13 =	vshll.u32 v50, $0x7;
	[tilespmem:$0x1FB30] =	vst v12  }
0x112: {  	v19 =	vshll.u32 v51, $0x7;
	[tilespmem:$0x1FB50] =	vst v13  }
0x113: {  	v32 =	vshll.u32 v52, $0x7;
	[tilespmem:$0x1FB70] =	vst v19  }
0x114: {  	v33 =	vshll.u32 v53, $0x7;
	[tilespmem:$0x1FB90] =	vst v32  }
0x115: {  	v34 =	vshll.u32 v54, $0x7;
	[tilespmem:$0x1FBB0] =	vst v33  }
0x116: {  	v35 =	vshll.u32 v55, $0x7;
	[tilespmem:$0x1FBD0] =	vst v34  }
0x117: {  	v36 =	vshll.u32 v56, $0x7;
	[tilespmem:$0x1FBF0] =	vst v35  }
0x118: {  	v37 =	vshll.u32 v57, $0x7;
	[tilespmem:$0x1FC10] =	vst v36  }
0x119: {  	v38 =	vshll.u32 v58, $0x7;
	[tilespmem:$0x1FC30] =	vst v37  }
0x11a: {  	v39 =	vshll.u32 v59, $0x7;
	[tilespmem:$0x1FC50] =	vst v38  }
0x11b: {  	v40 =	vshll.u32 v60, $0x7;
	[tilespmem:$0x1FC70] =	vst v39  }
0x11c: {  	v41 =	vshll.u32 v61, $0x7;
	[tilespmem:$0x1FC90] =	vst v40  }
0x11d: {  	v42 =	vshll.u32 v62, $0x7;
	[tilespmem:$0x1FCB0] =	vst v41  }
0x11e: {  	v43 =	vshll.u32 v63, $0x7;
	[tilespmem:$0x1FCD0] =	vst v42  }
0x11f: {  	v0 =	vshll.u32 v0, $0x7;
	[tilespmem:$0x1FCF0] =	vst v43  }
0x120: {  	v49 =	vshll.u32 v1, $0x7;
	[tilespmem:$0x1FE10] =	vst v0  }
0x121: {  	v50 =	vshll.u32 v2, $0x7;
	[tilespmem:$0x1FE30] =	vst v49  }
0x122: {  	v51 =	vshll.u32 v3, $0x7;
	[tilespmem:$0x1FE50] =	vst v50  }
0x123: {  	v52 =	vshll.u32 v4, $0x7;
	[tilespmem:$0x1FE70] =	vst v51  }
0x124: {  	v53 =	vshll.u32 v5, $0x7;
	[tilespmem:$0x1FE90] =	vst v52  }
0x125: {  	v54 =	vshll.u32 v6, $0x7;
	[tilespmem:$0x1FEB0] =	vst v53  }
0x126: {  	v55 =	vshll.u32 v7, $0x7;
	[tilespmem:$0x1FED0] =	vst v54  }
0x127: {  	v56 =	vshll.u32 v8, $0x7;
	[tilespmem:$0x1FEF0] =	vst v55  }
0x128: {  	v57 =	vshll.u32 v9, $0x7;
	[tilespmem:$0x1FF10] =	vst v56  }
0x129: {  	v58 =	vshll.u32 v10, $0x7;
	[tilespmem:$0x1FF30] =	vst v57  }
0x12a: {  	v44 =	vadd.s32 $0x70, v14;
	[tilespmem:$0x1FF50] =	vst v58  }
0x12b: {  	v45 =	vadd.s32 $0x70, v15;
	[tilespmem:$0x1FF60] =	vst v44  }
0x12c: {  	v46 =	vadd.s32 $0x70, v16;
	[tilespmem:$0x1FF80] =	vst v45  }
0x12d: {  	v47 =	vadd.s32 $0x70, v17;
	[tilespmem:$0x1FFA0] =	vst v46  }
0x12e: {  	v48 =	vadd.s32 $0x70, v18;
	[tilespmem:$0x1FFC0] =	vst v47  }
0x12f: {  	v59 =	vshll.u32 v44, $0x7;
	[tilespmem:$0x1FFE0] =	vst v48  }
0x130: {  	v60 =	vshll.u32 v45, $0x7;
	[tilespmem:$0x1FF70] =	vst v59  }
0x131: {  	v61 =	vshll.u32 v46, $0x7;
	[tilespmem:$0x1FF90] =	vst v60  }
0x132: {  	v62 =	vshll.u32 v47, $0x7;
	[tilespmem:$0x1FFB0] =	vst v61  }
0x133: {  	v63 =	vshll.u32 v48, $0x7;
	[tilespmem:$0x1FFD0] =	vst v62  }
0x134: {  	s4 =	simm.s32 $0xFFFFFFFE;
	s6 =	simm.s32 $0x10;
	[tilespmem:$0x1FFF0] =	vst v63  }
.LBB2_3:
0x135: {  	v0 =	vld [tilespmem:$0x0]  }
0x136: {  	v9 =	vld [tilespmem:$0x1FD00]  }
0x137: {  	v10 =	vld [tilespmem:$0x1FD10]  }
0x138: {  	v15 =	vld [tilespmem:$0x1FD20]  }
0x139: {  	v16 =	vld [tilespmem:$0x1FD30]  }
0x13a: {  	v18 =	vld [tilespmem:$0x1FD40]  }
0x13b: {  	v20 =	vld [tilespmem:$0x1FD50]  }
0x13c: {  	v22 =	vld [tilespmem:$0x1FD60]  }
0x13d: {  	v28 =	vld [tilespmem:$0x1FD70]  }
0x13e: {  	v30 =	vld [tilespmem:$0x1FD80]  }
0x13f: {  	v31 =	vld [tilespmem:$0x1FD90]  }
0x140: {  	v33 =	vld [tilespmem:$0x1FDA0]  }
0x141: {  	v40 =	vld [tilespmem:$0x1FDB0]  }
0x142: {  	v57 =	vld [tilespmem:$0x1FDC0]  }
0x143: {  	v58 =	vld [tilespmem:$0x1FDD0]  }
0x144: {  	v62 =	vld [tilespmem:$0x1FDE0]  }
0x145: {  	v41 =	vld [tilespmem:$0x1FDF0]  }
0x146: {  	v11 =	vld [tilespmem:$0x1F000]  }
0x147: {  	v55 =	vld [tilespmem:$0x1F010]  }
0x148: {  	v54 =	vld [tilespmem:$0x1F020]  }
0x149: {  	s7 =	sadd.s32 $0xFFFFFFF0, s6;
	v42 =	vld [tilespmem:$0x1F030]  }
0x14a: {  	v56 =	vld [tilespmem:$0x1F040];
	v1 =	vadd.s32 s7, v0  }
0x14b: {  	v43 =	vld [tilespmem:$0x1F050];
	v2 =	vshll.u32 v1, $0x7  }
0x14c: {  	v12 =	vld [tilespmem:$0x1F060];
	v45 =	vadd.s32 v9, v2  }
0x14d: {  	v44 =	vld [tilespmem:$0x1F070];
	v3 =	vadd.s32 v10, v2  }
0x14e: {  	v21 =	vld [tilespmem:$0x1F080];
	v4 =	vadd.s32 v15, v2  }
0x14f: {  	v39 =	vld [tilespmem:$0x1F090];
	v5 =	vadd.s32 v16, v2  }
0x150: {  	v13 =	vld [tilespmem:$0x1F0A0];
	v6 =	vadd.s32 v18, v2  }
0x151: {  	v46 =	vadd.s32 v20, v2;
	v17 =	vld.idx.msk [tilespmem:v45+s22+$0x0], $0xffff  }
0x152: {  	v23 =	vadd.s32 v22, v2;
	v3 =	vld.idx.msk [tilespmem:v3+s22+$0x0], $0xffff  }
0x153: {  	v24 =	vadd.s32 v28, v2;
	v4 =	vld.idx.msk [tilespmem:v4+s22+$0x0], $0xffff  }
0x154: {  	v35 =	vadd.s32 v30, v2;
	v5 =	vld.idx.msk [tilespmem:v5+s22+$0x0], $0xffff  }
0x155: {  	v37 =	vadd.s32 v31, v2;
	v6 =	vld.idx.msk [tilespmem:v6+s22+$0x0], $0xffff  }
0x156: {  	v49 =	vadd.s32 v33, v2;
	v48 =	vld.idx.msk [tilespmem:v46+s22+$0x0], $0xffff  }
0x157: {  	v50 =	vadd.s32 v40, v2;
	v23 =	vld.idx.msk [tilespmem:v23+s22+$0x0], $0xffff  }
0x158: {  	v51 =	vadd.s32 v57, v2;
	v24 =	vld.idx.msk [tilespmem:v24+s22+$0x0], $0xffff  }
0x159: {  	v59 =	vadd.s32 v58, v2;
	v35 =	vld.idx.msk [tilespmem:v35+s22+$0x0], $0xffff  }
0x15a: {  	v0 =	vand.u32 $0xFFFFFF80, v1;
	v61 =	vadd.s32 v62, v2;
	v37 =	vld.idx.msk [tilespmem:v37+s22+$0x0], $0xffff  }
0x15b: {  	v1 =	vand.u32 $0x7F, v1;
	v7 =	vadd.s32 v41, v2;
	v32 =	vadd.s32 v11, v0;
	v49 =	vld.idx.msk [tilespmem:v49+s22+$0x0], $0xffff  }
0x15c: {  	v52 =	vadd.s32 v55, v0;
	v32 =	vor.u32 v1, v32;
	v50 =	vld.idx.msk [tilespmem:v50+s22+$0x0], $0xffff  }
0x15d: {  	v25 =	vadd.s32 v54, v0;
	v52 =	vor.u32 v1, v52;
	v51 =	vld.idx.msk [tilespmem:v51+s22+$0x0], $0xffff  }
0x15e: {  	v8 =	vadd.s32 v42, v0;
	v25 =	vor.u32 v1, v25;
	v59 =	vld.idx.msk [tilespmem:v59+s22+$0x0], $0xffff  }
0x15f: {  	v38 =	vadd.s32 v56, v0;
	v8 =	vor.u32 v1, v8;
	v61 =	vld.idx.msk [tilespmem:v61+s22+$0x0], $0xffff  }
0x160: {  	v53 =	vadd.s32 v43, v0;
	v47 =	vadd.s32 v12, v0;
	v38 =	vor.u32 v1, v38;
	v7 =	vld.idx.msk [tilespmem:v7+s22+$0x0], $0xffff  }
0x161: {  	v60 =	vadd.s32 v44, v0;
	v45 =	vld [tilespmem:$0x1F0B0];
	[tilespmem:v32+s25+$0x0] =	vst.idx.msk $0xffff, v17;
	v17 =	vor.u32 v1, v53  }
0x162: {  	v19 =	vadd.s32 v21, v0;
	v46 =	vld [tilespmem:$0x1F0D0];
	v53 =	vor.u32 v1, v47;
	[tilespmem:v52+s25+$0x0] =	vst.idx.msk $0xffff, v3  }
0x163: {  	v63 =	vor.u32 v1, v60;
	v29 =	vor.u32 v1, v19;
	[tilespmem:v25+s25+$0x0] =	vst.idx.msk $0xffff, v4  }
0x164: {  	v36 =	vld [tilespmem:$0x1F0C0];
	v32 =	vadd.s32 v39, v0;
	v47 =	vadd.s32 v13, v0;
	[tilespmem:v8+s25+$0x0] =	vst.idx.msk $0xffff, v5  }
0x165: {  	v34 =	vor.u32 v1, v32;
	v8 =	vor.u32 v1, v47;
	v47 =	vld [tilespmem:$0x1F0F0];
	[tilespmem:v38+s25+$0x0] =	vst.idx.msk $0xffff, v6  }
0x166: {  	v19 =	vld [tilespmem:$0x1F0E0];
	[tilespmem:v17+s25+$0x0] =	vst.idx.msk $0xffff, v48  }
0x167: {  	v14 =	vadd.s32 v46, v0;
	v52 =	vadd.s32 v45, v0;
	v48 =	vld [tilespmem:$0x1F160];
	[tilespmem:v53+s25+$0x0] =	vst.idx.msk $0xffff, v23  }
0x168: {  	v53 =	vor.u32 v1, v52;
	v23 =	vor.u32 v1, v14;
	v14 =	vld [tilespmem:$0x1F100];
	[tilespmem:v63+s25+$0x0] =	vst.idx.msk $0xffff, v24  }
0x169: {  	v60 =	vadd.s32 v36, v0;
	v52 =	vld [tilespmem:$0x1F1E0];
	[tilespmem:v29+s25+$0x0] =	vst.idx.msk $0xffff, v35  }
0x16a: {  	v63 =	vor.u32 v1, v60;
	v26 =	vadd.s32 v47, v0;
	[tilespmem:v34+s25+$0x0] =	vst.idx.msk $0xffff, v37;
	v34 =	vld [tilespmem:$0x1F120]  }
0x16b: {  	v27 =	vor.u32 v1, v26;
	v26 =	vld [tilespmem:$0x1F240]  }
0x16c: {  	v24 =	vadd.s32 v19, v0;
	[tilespmem:v8+s25+$0x0] =	vst.idx.msk $0xffff, v49;
	v49 =	vld [tilespmem:$0x1F180]  }
0x16d: {  	v25 =	vor.u32 v1, v24;
	[tilespmem:v53+s25+$0x0] =	vst.idx.msk $0xffff, v50;
	v50 =	vld [tilespmem:$0x1F1A0]  }
0x16e: {  	v53 =	vld [tilespmem:$0x1F200]  }
0x16f: {  	v29 =	vadd.s32 v14, v2;
	[tilespmem:v63+s25+$0x0] =	vst.idx.msk $0xffff, v51;
	v63 =	vld [tilespmem:$0x1F140]  }
0x170: {  	v6 =	vadd.s32 v48, v2;
	v51 =	vld [tilespmem:$0x1F1C0]  }
0x171: {  	[tilespmem:v23+s25+$0x0] =	vst.idx.msk $0xffff, v59;
	v59 =	vld [tilespmem:$0x1F220]  }
0x172: {  	v23 =	vadd.s32 v52, v2;
	v52 =	vld [tilespmem:$0x1F2C0];
	[tilespmem:v25+s25+$0x0] =	vst.idx.msk $0xffff, v61  }
0x173: {  	v61 =	vld [tilespmem:$0x1F260];
	[tilespmem:v27+s25+$0x0] =	vst.idx.msk $0xffff, v7  }
0x174: {  	v3 =	vld.idx.msk [tilespmem:v29+s22+$0x0], $0xffff  }
0x175: {  	v6 =	vld.idx.msk [tilespmem:v6+s22+$0x0], $0xffff  }
0x176: {  	v37 =	vadd.s32 v34, v2;
	v8 =	vadd.s32 v50, v2;
	v50 =	vld [tilespmem:$0x1F280]  }
0x177: {  	v60 =	vadd.s32 v26, v2;
	v24 =	vadd.s32 v53, v2;
	v53 =	vld [tilespmem:$0x1F2E0]  }
0x178: {  	v17 =	vadd.s32 v51, v2;
	v51 =	vld [tilespmem:$0x1F2A0]  }
0x179: {  	v7 =	vadd.s32 v49, v2;
	v23 =	vld.idx.msk [tilespmem:v23+s22+$0x0], $0xffff  }
0x17a: {  	v25 =	vadd.s32 v59, v2;
	v59 =	vld [tilespmem:$0x1F110]  }
0x17b: {  	v4 =	vld.idx.msk [tilespmem:v37+s22+$0x0], $0xffff  }
0x17c: {  	v38 =	vadd.s32 v63, v2;
	v32 =	vld.idx.msk [tilespmem:v60+s22+$0x0], $0xffff  }
0x17d: {  	v29 =	vadd.s32 v61, v2;
	v61 =	vld [tilespmem:$0x1F130]  }
0x17e: {  	v7 =	vld.idx.msk [tilespmem:v7+s22+$0x0], $0xffff  }
0x17f: {  	v8 =	vld.idx.msk [tilespmem:v8+s22+$0x0], $0xffff  }
0x180: {  	v24 =	vld.idx.msk [tilespmem:v24+s22+$0x0], $0xffff  }
0x181: {  	v5 =	vld.idx.msk [tilespmem:v38+s22+$0x0], $0xffff  }
0x182: {  	v48 =	vadd.s32 v52, v2;
	v60 =	vadd.s32 v59, v0;
	v59 =	vld [tilespmem:$0x1F150]  }
0x183: {  	v37 =	vadd.s32 v50, v2;
	v35 =	vld.idx.msk [tilespmem:v29+s22+$0x0], $0xffff  }
0x184: {  	v29 =	vadd.s32 v61, v0;
	v61 =	vld [tilespmem:$0x1F170]  }
0x185: {  	v49 =	vadd.s32 v53, v2;
	v17 =	vld.idx.msk [tilespmem:v17+s22+$0x0], $0xffff  }
0x186: {  	v25 =	vld.idx.msk [tilespmem:v25+s22+$0x0], $0xffff  }
0x187: {  	v38 =	vadd.s32 v51, v2;
	v48 =	vld.idx.msk [tilespmem:v48+s22+$0x0], $0xffff  }
0x188: {  	v50 =	vor.u32 v1, v60;
	v37 =	vld.idx.msk [tilespmem:v37+s22+$0x0], $0xffff  }
0x189: {  	v51 =	vor.u32 v1, v29;
	v60 =	vadd.s32 v59, v0;
	v29 =	vadd.s32 v61, v0;
	v61 =	vld [tilespmem:$0x1F1B0]  }
0x18a: {  	v49 =	vld.idx.msk [tilespmem:v49+s22+$0x0], $0xffff;
	v52 =	vor.u32 v1, v60  }
0x18b: {  	v59 =	vld [tilespmem:$0x1F190];
	v53 =	vor.u32 v1, v29  }
0x18c: {  	v38 =	vld.idx.msk [tilespmem:v38+s22+$0x0], $0xffff  }
0x18d: {  	[tilespmem:v50+s25+$0x0] =	vst.idx.msk $0xffff, v3;
	v50 =	vld [tilespmem:$0x1F1D0]  }
0x18e: {  	[tilespmem:v51+s25+$0x0] =	vst.idx.msk $0xffff, v4;
	v29 =	vadd.s32 v61, v0;
	v61 =	vld [tilespmem:$0x1F1F0]  }
0x18f: {  	v51 =	vld [tilespmem:$0x1F210];
	[tilespmem:v52+s25+$0x0] =	vst.idx.msk $0xffff, v5  }
0x190: {  	v60 =	vadd.s32 v59, v0;
	[tilespmem:v53+s25+$0x0] =	vst.idx.msk $0xffff, v6;
	v53 =	vld [tilespmem:$0x1F230]  }
0x191: {  	v59 =	vor.u32 v1, v60  }
0x192: {  	v60 =	vadd.s32 v50, v0;
	v3 =	vor.u32 v1, v29  }
0x193: {  	v4 =	vor.u32 v1, v60;
	v29 =	vadd.s32 v61, v0;
	v61 =	vld [tilespmem:$0x1F250];
	_ =	sdelay $0x1  }
0x194: {  	v52 =	vadd.s32 v51, v0;
	v60 =	vadd.s32 v53, v0;
	v53 =	vld [tilespmem:$0x1F270]  }
0x195: {  	[tilespmem:v59+s25+$0x0] =	vst.idx.msk $0xffff, v7;
	v5 =	vor.u32 v1, v29;
	v7 =	vor.u32 v1, v60;
	v60 =	vld [tilespmem:$0x1F290]  }
0x196: {  	v50 =	vld [tilespmem:$0x1F3C0];
	v6 =	vor.u32 v1, v52;
	[tilespmem:v3+s25+$0x0] =	vst.idx.msk $0xffff, v8  }
0x197: {  	[tilespmem:v4+s25+$0x0] =	vst.idx.msk $0xffff, v17;
	v17 =	vld [tilespmem:$0x1F2B0];
	v29 =	vadd.s32 v61, v0  }
0x198: {  	v27 =	vld [tilespmem:$0x1F2F0];
	v52 =	vor.u32 v1, v29  }
0x199: {  	v51 =	vld [tilespmem:$0x1F3E0];
	v8 =	vadd.s32 v53, v0  }
0x19a: {  	[tilespmem:v5+s25+$0x0] =	vst.idx.msk $0xffff, v23;
	v53 =	vld [tilespmem:$0x1F420];
	v59 =	vor.u32 v1, v8;
	v8 =	vadd.s32 v60, v0  }
0x19b: {  	[tilespmem:v6+s25+$0x0] =	vst.idx.msk $0xffff, v24;
	v24 =	vld [tilespmem:$0x1F2D0];
	v61 =	vor.u32 v1, v8  }
0x19c: {  	v8 =	vadd.s32 v17, v0;
	[tilespmem:v7+s25+$0x0] =	vst.idx.msk $0xffff, v25;
	v17 =	vadd.s32 v50, v2;
	v50 =	vld [tilespmem:$0x1F480]  }
0x19d: {  	[tilespmem:v52+s25+$0x0] =	vst.idx.msk $0xffff, v32;
	v32 =	vld [tilespmem:$0x1F300]  }
0x19e: {  	v52 =	vld [tilespmem:$0x1F400]  }
0x19f: {  	v23 =	vor.u32 v1, v8;
	v25 =	vadd.s32 v53, v2;
	v53 =	vld [tilespmem:$0x1F4E0]  }
0x1a0: {  	[tilespmem:v59+s25+$0x0] =	vst.idx.msk $0xffff, v35;
	v35 =	vld [tilespmem:$0x1F320]  }
0x1a1: {  	v59 =	vld [tilespmem:$0x1F440]  }
0x1a2: {  	v8 =	vadd.s32 v24, v0;
	[tilespmem:v61+s25+$0x0] =	vst.idx.msk $0xffff, v37;
	v37 =	vld [tilespmem:$0x1F340]  }
0x1a3: {  	v26 =	vor.u32 v1, v8;
	v8 =	vadd.s32 v27, v0;
	v61 =	vld [tilespmem:$0x1F460]  }
0x1a4: {  	v29 =	vor.u32 v1, v8;
	[tilespmem:v23+s25+$0x0] =	vst.idx.msk $0xffff, v38;
	v38 =	vld [tilespmem:$0x1F360]  }
0x1a5: {  	v23 =	vadd.s32 v51, v2;
	v51 =	vld [tilespmem:$0x1F4A0]  }
0x1a6: {  	v24 =	vadd.s32 v52, v2;
	v52 =	vld [tilespmem:$0x1F4C0]  }
0x1a7: {  	v60 =	vadd.s32 v59, v2;
	v59 =	vld [tilespmem:$0x1F310]  }
0x1a8: {  	[tilespmem:v26+s25+$0x0] =	vst.idx.msk $0xffff, v48;
	v48 =	vld [tilespmem:$0x1F380]  }
0x1a9: {  	v4 =	vadd.s32 v32, v2;
	[tilespmem:v29+s25+$0x0] =	vst.idx.msk $0xffff, v49;
	v49 =	vld [tilespmem:$0x1F3A0]  }
0x1aa: {  	v29 =	vadd.s32 v61, v2;
	v61 =	vld [tilespmem:$0x1F330]  }
0x1ab: {  	v5 =	vadd.s32 v35, v2;
	v17 =	vld.idx.msk [tilespmem:v17+s22+$0x0], $0xffff  }
0x1ac: {  	v23 =	vld.idx.msk [tilespmem:v23+s22+$0x0], $0xffff  }
0x1ad: {  	v25 =	vld.idx.msk [tilespmem:v25+s22+$0x0], $0xffff  }
0x1ae: {  	v6 =	vadd.s32 v37, v2;
	v4 =	vld.idx.msk [tilespmem:v4+s22+$0x0], $0xffff  }
0x1af: {  	v37 =	vadd.s32 v50, v2;
	v24 =	vld.idx.msk [tilespmem:v24+s22+$0x0], $0xffff  }
0x1b0: {  	v5 =	vld.idx.msk [tilespmem:v5+s22+$0x0], $0xffff  }
0x1b1: {  	v32 =	vld.idx.msk [tilespmem:v60+s22+$0x0], $0xffff  }
0x1b2: {  	v7 =	vadd.s32 v38, v2;
	v60 =	vadd.s32 v59, v0;
	v59 =	vld [tilespmem:$0x1F350]  }
0x1b3: {  	v38 =	vadd.s32 v51, v2;
	v6 =	vld.idx.msk [tilespmem:v6+s22+$0x0], $0xffff  }
0x1b4: {  	v37 =	vld.idx.msk [tilespmem:v37+s22+$0x0], $0xffff  }
0x1b5: {  	v3 =	vadd.s32 v48, v2;
	v35 =	vld.idx.msk [tilespmem:v29+s22+$0x0], $0xffff  }
0x1b6: {  	v29 =	vadd.s32 v61, v0;
	v61 =	vld [tilespmem:$0x1F370]  }
0x1b7: {  	v48 =	vadd.s32 v52, v2;
	v7 =	vld.idx.msk [tilespmem:v7+s22+$0x0], $0xffff  }
0x1b8: {  	v8 =	vadd.s32 v49, v2;
	v38 =	vld.idx.msk [tilespmem:v38+s22+$0x0], $0xffff  }
0x1b9: {  	v50 =	vor.u32 v1, v60;
	v49 =	vadd.s32 v53, v2;
	v60 =	vadd.s32 v59, v0;
	v59 =	vld [tilespmem:$0x1F390]  }
0x1ba: {  	v3 =	vld.idx.msk [tilespmem:v3+s22+$0x0], $0xffff  }
0x1bb: {  	v51 =	vor.u32 v1, v29;
	v29 =	vadd.s32 v61, v0;
	v61 =	vld [tilespmem:$0x1F3B0]  }
0x1bc: {  	v52 =	vor.u32 v1, v60;
	v48 =	vld.idx.msk [tilespmem:v48+s22+$0x0], $0xffff  }
0x1bd: {  	v8 =	vld.idx.msk [tilespmem:v8+s22+$0x0], $0xffff;
	v53 =	vor.u32 v1, v29  }
0x1be: {  	v49 =	vld.idx.msk [tilespmem:v49+s22+$0x0], $0xffff  }
0x1bf: {  	[tilespmem:v50+s25+$0x0] =	vst.idx.msk $0xffff, v4;
	v50 =	vld [tilespmem:$0x1F3D0]  }
0x1c0: {  	[tilespmem:v51+s25+$0x0] =	vst.idx.msk $0xffff, v5;
	v29 =	vadd.s32 v61, v0;
	v61 =	vld [tilespmem:$0x1F3F0]  }
0x1c1: {  	v51 =	vld [tilespmem:$0x1F410];
	[tilespmem:v52+s25+$0x0] =	vst.idx.msk $0xffff, v6  }
0x1c2: {  	v60 =	vadd.s32 v59, v0;
	[tilespmem:v53+s25+$0x0] =	vst.idx.msk $0xffff, v7;
	v53 =	vld [tilespmem:$0x1F430]  }
0x1c3: {  	v59 =	vor.u32 v1, v60  }
0x1c4: {  	v60 =	vadd.s32 v50, v0;
	v4 =	vor.u32 v1, v29  }
0x1c5: {  	v5 =	vor.u32 v1, v60;
	v29 =	vadd.s32 v61, v0;
	v61 =	vld [tilespmem:$0x1F450];
	_ =	sdelay $0x1  }
0x1c6: {  	v52 =	vadd.s32 v51, v0;
	v60 =	vadd.s32 v53, v0;
	v53 =	vld [tilespmem:$0x1F470]  }
0x1c7: {  	[tilespmem:v59+s25+$0x0] =	vst.idx.msk $0xffff, v3;
	v6 =	vor.u32 v1, v29;
	v3 =	vor.u32 v1, v60;
	v60 =	vld [tilespmem:$0x1F490]  }
0x1c8: {  	v50 =	vld [tilespmem:$0x1F5C0];
	v7 =	vor.u32 v1, v52;
	[tilespmem:v4+s25+$0x0] =	vst.idx.msk $0xffff, v8  }
0x1c9: {  	[tilespmem:v5+s25+$0x0] =	vst.idx.msk $0xffff, v17;
	v17 =	vld [tilespmem:$0x1F4B0];
	v29 =	vadd.s32 v61, v0  }
0x1ca: {  	v27 =	vld [tilespmem:$0x1F4F0];
	v52 =	vor.u32 v1, v29  }
0x1cb: {  	v51 =	vld [tilespmem:$0x1F5E0];
	v8 =	vadd.s32 v53, v0  }
0x1cc: {  	[tilespmem:v6+s25+$0x0] =	vst.idx.msk $0xffff, v23;
	v53 =	vld [tilespmem:$0x1F620];
	v59 =	vor.u32 v1, v8;
	v8 =	vadd.s32 v60, v0  }
0x1cd: {  	[tilespmem:v7+s25+$0x0] =	vst.idx.msk $0xffff, v24;
	v24 =	vld [tilespmem:$0x1F4D0];
	v61 =	vor.u32 v1, v8  }
0x1ce: {  	v8 =	vadd.s32 v17, v0;
	[tilespmem:v3+s25+$0x0] =	vst.idx.msk $0xffff, v25;
	v17 =	vadd.s32 v50, v2;
	v50 =	vld [tilespmem:$0x1F680]  }
0x1cf: {  	[tilespmem:v52+s25+$0x0] =	vst.idx.msk $0xffff, v32;
	v32 =	vld [tilespmem:$0x1F500]  }
0x1d0: {  	v52 =	vld [tilespmem:$0x1F600]  }
0x1d1: {  	v23 =	vor.u32 v1, v8;
	v25 =	vadd.s32 v53, v2;
	v53 =	vld [tilespmem:$0x1F6E0]  }
0x1d2: {  	[tilespmem:v59+s25+$0x0] =	vst.idx.msk $0xffff, v35;
	v35 =	vld [tilespmem:$0x1F520]  }
0x1d3: {  	v59 =	vld [tilespmem:$0x1F640]  }
0x1d4: {  	v8 =	vadd.s32 v24, v0;
	[tilespmem:v61+s25+$0x0] =	vst.idx.msk $0xffff, v37;
	v37 =	vld [tilespmem:$0x1F540]  }
0x1d5: {  	v26 =	vor.u32 v1, v8;
	v8 =	vadd.s32 v27, v0;
	v61 =	vld [tilespmem:$0x1F660]  }
0x1d6: {  	v29 =	vor.u32 v1, v8;
	[tilespmem:v23+s25+$0x0] =	vst.idx.msk $0xffff, v38;
	v38 =	vld [tilespmem:$0x1F560]  }
0x1d7: {  	v23 =	vadd.s32 v51, v2;
	v51 =	vld [tilespmem:$0x1F6A0]  }
0x1d8: {  	v24 =	vadd.s32 v52, v2;
	v52 =	vld [tilespmem:$0x1F6C0]  }
0x1d9: {  	v60 =	vadd.s32 v59, v2;
	v59 =	vld [tilespmem:$0x1F510]  }
0x1da: {  	[tilespmem:v26+s25+$0x0] =	vst.idx.msk $0xffff, v48;
	v48 =	vld [tilespmem:$0x1F580]  }
0x1db: {  	v5 =	vadd.s32 v32, v2;
	[tilespmem:v29+s25+$0x0] =	vst.idx.msk $0xffff, v49;
	v49 =	vld [tilespmem:$0x1F5A0]  }
0x1dc: {  	v29 =	vadd.s32 v61, v2;
	v61 =	vld [tilespmem:$0x1F530]  }
0x1dd: {  	v6 =	vadd.s32 v35, v2;
	v17 =	vld.idx.msk [tilespmem:v17+s22+$0x0], $0xffff  }
0x1de: {  	v23 =	vld.idx.msk [tilespmem:v23+s22+$0x0], $0xffff  }
0x1df: {  	v25 =	vld.idx.msk [tilespmem:v25+s22+$0x0], $0xffff  }
0x1e0: {  	v7 =	vadd.s32 v37, v2;
	v5 =	vld.idx.msk [tilespmem:v5+s22+$0x0], $0xffff  }
0x1e1: {  	v37 =	vadd.s32 v50, v2;
	v24 =	vld.idx.msk [tilespmem:v24+s22+$0x0], $0xffff  }
0x1e2: {  	v6 =	vld.idx.msk [tilespmem:v6+s22+$0x0], $0xffff  }
0x1e3: {  	v32 =	vld.idx.msk [tilespmem:v60+s22+$0x0], $0xffff  }
0x1e4: {  	v3 =	vadd.s32 v38, v2;
	v60 =	vadd.s32 v59, v0;
	v59 =	vld [tilespmem:$0x1F550]  }
0x1e5: {  	v38 =	vadd.s32 v51, v2;
	v7 =	vld.idx.msk [tilespmem:v7+s22+$0x0], $0xffff  }
0x1e6: {  	v37 =	vld.idx.msk [tilespmem:v37+s22+$0x0], $0xffff  }
0x1e7: {  	v4 =	vadd.s32 v48, v2;
	v35 =	vld.idx.msk [tilespmem:v29+s22+$0x0], $0xffff  }
0x1e8: {  	v29 =	vadd.s32 v61, v0;
	v61 =	vld [tilespmem:$0x1F570]  }
0x1e9: {  	v48 =	vadd.s32 v52, v2;
	v3 =	vld.idx.msk [tilespmem:v3+s22+$0x0], $0xffff  }
0x1ea: {  	v8 =	vadd.s32 v49, v2;
	v38 =	vld.idx.msk [tilespmem:v38+s22+$0x0], $0xffff  }
0x1eb: {  	v50 =	vor.u32 v1, v60;
	v49 =	vadd.s32 v53, v2;
	v60 =	vadd.s32 v59, v0;
	v59 =	vld [tilespmem:$0x1F590]  }
0x1ec: {  	v4 =	vld.idx.msk [tilespmem:v4+s22+$0x0], $0xffff  }
0x1ed: {  	v51 =	vor.u32 v1, v29;
	v29 =	vadd.s32 v61, v0;
	v61 =	vld [tilespmem:$0x1F5B0]  }
0x1ee: {  	v52 =	vor.u32 v1, v60;
	v48 =	vld.idx.msk [tilespmem:v48+s22+$0x0], $0xffff  }
0x1ef: {  	v8 =	vld.idx.msk [tilespmem:v8+s22+$0x0], $0xffff;
	v53 =	vor.u32 v1, v29  }
0x1f0: {  	v49 =	vld.idx.msk [tilespmem:v49+s22+$0x0], $0xffff  }
0x1f1: {  	[tilespmem:v50+s25+$0x0] =	vst.idx.msk $0xffff, v5;
	v50 =	vld [tilespmem:$0x1F5D0]  }
0x1f2: {  	[tilespmem:v51+s25+$0x0] =	vst.idx.msk $0xffff, v6;
	v29 =	vadd.s32 v61, v0;
	v61 =	vld [tilespmem:$0x1F5F0]  }
0x1f3: {  	v51 =	vld [tilespmem:$0x1F610];
	[tilespmem:v52+s25+$0x0] =	vst.idx.msk $0xffff, v7  }
0x1f4: {  	v60 =	vadd.s32 v59, v0;
	[tilespmem:v53+s25+$0x0] =	vst.idx.msk $0xffff, v3;
	v53 =	vld [tilespmem:$0x1F630]  }
0x1f5: {  	v59 =	vor.u32 v1, v60  }
0x1f6: {  	v60 =	vadd.s32 v50, v0;
	v5 =	vor.u32 v1, v29  }
0x1f7: {  	v6 =	vor.u32 v1, v60;
	v29 =	vadd.s32 v61, v0;
	v61 =	vld [tilespmem:$0x1F650];
	_ =	sdelay $0x1  }
0x1f8: {  	v52 =	vadd.s32 v51, v0;
	v60 =	vadd.s32 v53, v0;
	v53 =	vld [tilespmem:$0x1F670]  }
0x1f9: {  	[tilespmem:v59+s25+$0x0] =	vst.idx.msk $0xffff, v4;
	v7 =	vor.u32 v1, v29;
	v4 =	vor.u32 v1, v60;
	v60 =	vld [tilespmem:$0x1F690]  }
0x1fa: {  	v50 =	vld [tilespmem:$0x1F7C0];
	v3 =	vor.u32 v1, v52;
	[tilespmem:v5+s25+$0x0] =	vst.idx.msk $0xffff, v8  }
0x1fb: {  	[tilespmem:v6+s25+$0x0] =	vst.idx.msk $0xffff, v17;
	v17 =	vld [tilespmem:$0x1F6B0];
	v29 =	vadd.s32 v61, v0  }
0x1fc: {  	v27 =	vld [tilespmem:$0x1F6F0];
	v52 =	vor.u32 v1, v29  }
0x1fd: {  	v51 =	vld [tilespmem:$0x1F7E0];
	v8 =	vadd.s32 v53, v0  }
0x1fe: {  	[tilespmem:v7+s25+$0x0] =	vst.idx.msk $0xffff, v23;
	v53 =	vld [tilespmem:$0x1F820];
	v59 =	vor.u32 v1, v8;
	v8 =	vadd.s32 v60, v0  }
0x1ff: {  	[tilespmem:v3+s25+$0x0] =	vst.idx.msk $0xffff, v24;
	v24 =	vld [tilespmem:$0x1F6D0];
	v61 =	vor.u32 v1, v8  }
0x200: {  	v8 =	vadd.s32 v17, v0;
	[tilespmem:v4+s25+$0x0] =	vst.idx.msk $0xffff, v25;
	v17 =	vadd.s32 v50, v2;
	v50 =	vld [tilespmem:$0x1F880]  }
0x201: {  	[tilespmem:v52+s25+$0x0] =	vst.idx.msk $0xffff, v32;
	v32 =	vld [tilespmem:$0x1F700]  }
0x202: {  	v52 =	vld [tilespmem:$0x1F800]  }
0x203: {  	v23 =	vor.u32 v1, v8;
	v25 =	vadd.s32 v53, v2;
	v53 =	vld [tilespmem:$0x1F8E0]  }
0x204: {  	[tilespmem:v59+s25+$0x0] =	vst.idx.msk $0xffff, v35;
	v35 =	vld [tilespmem:$0x1F720]  }
0x205: {  	v59 =	vld [tilespmem:$0x1F840]  }
0x206: {  	v8 =	vadd.s32 v24, v0;
	[tilespmem:v61+s25+$0x0] =	vst.idx.msk $0xffff, v37;
	v37 =	vld [tilespmem:$0x1F740]  }
0x207: {  	v26 =	vor.u32 v1, v8;
	v8 =	vadd.s32 v27, v0;
	v61 =	vld [tilespmem:$0x1F860]  }
0x208: {  	v29 =	vor.u32 v1, v8;
	[tilespmem:v23+s25+$0x0] =	vst.idx.msk $0xffff, v38;
	v38 =	vld [tilespmem:$0x1F760]  }
0x209: {  	v23 =	vadd.s32 v51, v2;
	v51 =	vld [tilespmem:$0x1F8A0]  }
0x20a: {  	v24 =	vadd.s32 v52, v2;
	v52 =	vld [tilespmem:$0x1F8C0]  }
0x20b: {  	v60 =	vadd.s32 v59, v2;
	v59 =	vld [tilespmem:$0x1F710]  }
0x20c: {  	[tilespmem:v26+s25+$0x0] =	vst.idx.msk $0xffff, v48;
	v48 =	vld [tilespmem:$0x1F780]  }
0x20d: {  	v6 =	vadd.s32 v32, v2;
	[tilespmem:v29+s25+$0x0] =	vst.idx.msk $0xffff, v49;
	v49 =	vld [tilespmem:$0x1F7A0]  }
0x20e: {  	v29 =	vadd.s32 v61, v2;
	v61 =	vld [tilespmem:$0x1F730]  }
0x20f: {  	v7 =	vadd.s32 v35, v2;
	v17 =	vld.idx.msk [tilespmem:v17+s22+$0x0], $0xffff  }
0x210: {  	v23 =	vld.idx.msk [tilespmem:v23+s22+$0x0], $0xffff  }
0x211: {  	v25 =	vld.idx.msk [tilespmem:v25+s22+$0x0], $0xffff  }
0x212: {  	v6 =	vld.idx.msk [tilespmem:v6+s22+$0x0], $0xffff  }
0x213: {  	v24 =	vld.idx.msk [tilespmem:v24+s22+$0x0], $0xffff  }
0x214: {  	v3 =	vadd.s32 v37, v2;
	v7 =	vld.idx.msk [tilespmem:v7+s22+$0x0], $0xffff  }
0x215: {  	v37 =	vadd.s32 v50, v2;
	v32 =	vld.idx.msk [tilespmem:v60+s22+$0x0], $0xffff  }
0x216: {  	v4 =	vadd.s32 v38, v2;
	v60 =	vadd.s32 v59, v0;
	v59 =	vld [tilespmem:$0x1F750]  }
0x217: {  	v38 =	vadd.s32 v51, v2;
	v35 =	vld.idx.msk [tilespmem:v29+s22+$0x0], $0xffff  }
0x218: {  	v29 =	vadd.s32 v61, v0;
	v61 =	vld [tilespmem:$0x1F770]  }
0x219: {  	v3 =	vld.idx.msk [tilespmem:v3+s22+$0x0], $0xffff  }
0x21a: {  	v5 =	vadd.s32 v48, v2;
	v37 =	vld.idx.msk [tilespmem:v37+s22+$0x0], $0xffff  }
0x21b: {  	v48 =	vadd.s32 v52, v2;
	v4 =	vld.idx.msk [tilespmem:v4+s22+$0x0], $0xffff  }
0x21c: {  	v8 =	vadd.s32 v49, v2;
	v38 =	vld.idx.msk [tilespmem:v38+s22+$0x0], $0xffff  }
0x21d: {  	v51 =	vor.u32 v1, v29;
	v29 =	vadd.s32 v61, v0;
	v61 =	vld [tilespmem:$0x1F7B0]  }
0x21e: {  	v50 =	vor.u32 v1, v60;
	v49 =	vadd.s32 v53, v2;
	v60 =	vadd.s32 v59, v0;
	v59 =	vld [tilespmem:$0x1F790]  }
0x21f: {  	v5 =	vld.idx.msk [tilespmem:v5+s22+$0x0], $0xffff  }
0x220: {  	v48 =	vld.idx.msk [tilespmem:v48+s22+$0x0], $0xffff  }
0x221: {  	v52 =	vor.u32 v1, v60;
	v8 =	vld.idx.msk [tilespmem:v8+s22+$0x0], $0xffff  }
0x222: {  	v53 =	vor.u32 v1, v29;
	v29 =	vadd.s32 v61, v0;
	v61 =	vld [tilespmem:$0x1F7F0]  }
0x223: {  	v49 =	vld.idx.msk [tilespmem:v49+s22+$0x0], $0xffff;
	v60 =	vadd.s32 v59, v0  }
0x224: {  	[tilespmem:v50+s25+$0x0] =	vst.idx.msk $0xffff, v6;
	v50 =	vld [tilespmem:$0x1F7D0];
	v59 =	vor.u32 v1, v60  }
0x225: {  	[tilespmem:v51+s25+$0x0] =	vst.idx.msk $0xffff, v7  }
0x226: {  	[tilespmem:v52+s25+$0x0] =	vst.idx.msk $0xffff, v3;
	v52 =	vld [tilespmem:$0x1F810]  }
0x227: {  	v6 =	vor.u32 v1, v29;
	v29 =	vadd.s32 v61, v0;
	v61 =	vld [tilespmem:$0x1F830]  }
0x228: {  	v51 =	vld [tilespmem:$0x1F850];
	[tilespmem:v53+s25+$0x0] =	vst.idx.msk $0xffff, v4  }
0x229: {  	v60 =	vadd.s32 v50, v0;
	[tilespmem:v59+s25+$0x0] =	vst.idx.msk $0xffff, v5;
	v59 =	vld [tilespmem:$0x1F870]  }
0x22a: {  	v7 =	vor.u32 v1, v60  }
0x22b: {  	v26 =	vld [tilespmem:$0x1F8D0];
	v60 =	vadd.s32 v52, v0;
	v3 =	vor.u32 v1, v29  }
0x22c: {  	v50 =	vld [tilespmem:$0x1F920];
	v4 =	vor.u32 v1, v60;
	v27 =	vadd.s32 v61, v0  }
0x22d: {  	v52 =	vadd.s32 v51, v0;
	v51 =	vld [tilespmem:$0x1F940];
	v29 =	vor.u32 v1, v27  }
0x22e: {  	v53 =	vor.u32 v1, v52;
	v52 =	vld [tilespmem:$0x1F960];
	[tilespmem:v6+s25+$0x0] =	vst.idx.msk $0xffff, v8;
	v8 =	vadd.s32 v59, v0  }
0x22f: {  	[tilespmem:v7+s25+$0x0] =	vst.idx.msk $0xffff, v17;
	v60 =	vor.u32 v1, v8;
	v61 =	vld [tilespmem:$0x1F890]  }
0x230: {  	[tilespmem:v3+s25+$0x0] =	vst.idx.msk $0xffff, v23;
	v23 =	vld [tilespmem:$0x1F8B0]  }
0x231: {  	v59 =	vld [tilespmem:$0x1F9A0];
	[tilespmem:v4+s25+$0x0] =	vst.idx.msk $0xffff, v24  }
0x232: {  	[tilespmem:v29+s25+$0x0] =	vst.idx.msk $0xffff, v25;
	v29 =	vld [tilespmem:$0x1F8F0]  }
0x233: {  	v5 =	vadd.s32 v52, v2;
	v52 =	vld [tilespmem:$0x1FAA0];
	[tilespmem:v53+s25+$0x0] =	vst.idx.msk $0xffff, v32  }
0x234: {  	v8 =	vadd.s32 v61, v0;
	[tilespmem:v60+s25+$0x0] =	vst.idx.msk $0xffff, v35;
	v35 =	vld [tilespmem:$0x1F900]  }
0x235: {  	v61 =	vld [tilespmem:$0x1F9E0];
	v17 =	vor.u32 v1, v8;
	v8 =	vadd.s32 v23, v0  }
0x236: {  	v23 =	vld [tilespmem:$0x1FA20];
	v24 =	vor.u32 v1, v8;
	v8 =	vadd.s32 v26, v0  }
0x237: {  	v53 =	vld [tilespmem:$0x1F980];
	v27 =	vor.u32 v1, v8;
	v8 =	vadd.s32 v29, v0  }
0x238: {  	v26 =	vld [tilespmem:$0x1FA60];
	v32 =	vor.u32 v1, v8  }
0x239: {  	v60 =	vld [tilespmem:$0x1F9C0];
	v7 =	vadd.s32 v35, v2  }
0x23a: {  	v3 =	vadd.s32 v50, v2;
	[tilespmem:v17+s25+$0x0] =	vst.idx.msk $0xffff, v37;
	v17 =	vld [tilespmem:$0x1FA00]  }
0x23b: {  	v4 =	vadd.s32 v51, v2;
	[tilespmem:v24+s25+$0x0] =	vst.idx.msk $0xffff, v38;
	v24 =	vld [tilespmem:$0x1FA40]  }
0x23c: {  	v6 =	vadd.s32 v53, v2;
	v53 =	vld [tilespmem:$0x1FAC0];
	[tilespmem:v27+s25+$0x0] =	vst.idx.msk $0xffff, v48  }
0x23d: {  	v27 =	vld [tilespmem:$0x1FA80];
	[tilespmem:v32+s25+$0x0] =	vst.idx.msk $0xffff, v49  }
0x23e: {  	v7 =	vld.idx.msk [tilespmem:v7+s22+$0x0], $0xffff  }
0x23f: {  	v8 =	vld.idx.msk [tilespmem:v3+s22+$0x0], $0xffff  }
0x240: {  	v3 =	vadd.s32 v59, v2;
	v25 =	vld.idx.msk [tilespmem:v4+s22+$0x0], $0xffff  }
0x241: {  	v4 =	vadd.s32 v60, v2;
	v59 =	vld.idx.msk [tilespmem:v6+s22+$0x0], $0xffff  }
0x242: {  	v6 =	vadd.s32 v17, v2;
	v17 =	vadd.s32 v23, v2;
	v23 =	vld [tilespmem:$0x0]  }
0x243: {  	v32 =	vld.idx.msk [tilespmem:v5+s22+$0x0], $0xffff  }
0x244: {  	v29 =	vadd.s32 v27, v2;
	v60 =	vld [tilespmem:$0x1FAE0]  }
0x245: {  	v35 =	vadd.s32 v26, v2;
	v5 =	vadd.s32 v61, v2;
	v61 =	vld.idx.msk [tilespmem:v3+s22+$0x0], $0xffff  }
0x246: {  	v48 =	vadd.s32 v53, v2;
	v51 =	vld.idx.msk [tilespmem:v4+s22+$0x0], $0xffff  }
0x247: {  	v38 =	vadd.s32 v52, v2;
	v3 =	vadd.s32 v24, v2;
	v24 =	vld.idx.msk [tilespmem:v6+s22+$0x0], $0xffff;
	v52 =	vadd.s32 s6, v23  }
0x248: {  	v6 =	vld.idx.msk [tilespmem:v17+s22+$0x0], $0xffff;
	v4 =	vshll.u32 v52, $0x7  }
0x249: {  	v17 =	vld.idx.msk [tilespmem:v29+s22+$0x0], $0xffff;
	v29 =	vadd.s32 v10, v4  }
0x24a: {  	v35 =	vld.idx.msk [tilespmem:v35+s22+$0x0], $0xffff;
	v16 =	vadd.s32 v16, v4  }
0x24b: {  	v49 =	vld.idx.msk [tilespmem:v48+s22+$0x0], $0xffff  }
0x24c: {  	v37 =	vld.idx.msk [tilespmem:v3+s22+$0x0], $0xffff;
	v3 =	vadd.s32 v60, v2;
	v60 =	vadd.s32 v18, v4  }
0x24d: {  	v50 =	vld.idx.msk [tilespmem:v5+s22+$0x0], $0xffff  }
0x24e: {  	v26 =	vld.idx.msk [tilespmem:v29+s22+$0x0], $0xffff  }
0x24f: {  	v29 =	vld.idx.msk [tilespmem:v16+s22+$0x0], $0xffff  }
0x250: {  	v9 =	vadd.s32 v9, v4;
	v16 =	vld [tilespmem:$0x1F910]  }
0x251: {  	v48 =	vadd.s32 v30, v4;
	v30 =	vld.idx.msk [tilespmem:v60+s22+$0x0], $0xffff  }
0x252: {  	v60 =	vld [tilespmem:$0x1F950]  }
0x253: {  	v5 =	vld.idx.msk [tilespmem:v38+s22+$0x0], $0xffff;
	v38 =	vadd.s32 v15, v4  }
0x254: {  	v15 =	vadd.s32 v20, v4;
	v20 =	vld [tilespmem:$0x1F930]  }
0x255: {  	v27 =	vadd.s32 v22, v4;
	v53 =	vld.idx.msk [tilespmem:v9+s22+$0x0], $0xffff  }
0x256: {  	v23 =	vld.idx.msk [tilespmem:v3+s22+$0x0], $0xffff;
	v3 =	vadd.s32 v31, v4;
	v18 =	vadd.s32 v16, v0  }
0x257: {  	v28 =	vadd.s32 v28, v4;
	v31 =	vor.u32 v1, v18;
	v18 =	vadd.s32 v60, v0;
	v60 =	vld [tilespmem:$0x1F970]  }
0x258: {  	v38 =	vld.idx.msk [tilespmem:v38+s22+$0x0], $0xffff  }
0x259: {  	v9 =	vld.idx.msk [tilespmem:v15+s22+$0x0], $0xffff;
	v15 =	vadd.s32 v33, v4;
	v22 =	vadd.s32 v20, v0;
	v33 =	vadd.s32 v40, v4  }
0x25a: {  	v27 =	vld.idx.msk [tilespmem:v27+s22+$0x0], $0xffff;
	v40 =	vadd.s32 v57, v4;
	v57 =	vadd.s32 v58, v4;
	v16 =	vor.u32 v1, v22  }
0x25b: {  	v58 =	vadd.s32 v41, v4;
	v20 =	vld.idx.msk [tilespmem:v3+s22+$0x0], $0xffff;
	v3 =	vand.u32 $0xFFFFFF80, v52;
	v22 =	vor.u32 v1, v18  }
0x25c: {  	v28 =	vld.idx.msk [tilespmem:v28+s22+$0x0], $0xffff;
	v41 =	vadd.s32 v11, v3;
	v55 =	vadd.s32 v55, v3;
	v10 =	vadd.s32 v60, v0  }
0x25d: {  	v60 =	vld.idx.msk [tilespmem:v48+s22+$0x0], $0xffff;
	v48 =	vand.u32 $0x7F, v52;
	v18 =	vor.u32 v1, v10;
	v10 =	vadd.s32 v62, v4  }
0x25e: {  	v15 =	vld.idx.msk [tilespmem:v15+s22+$0x0], $0xffff;
	v11 =	vadd.s32 v43, v3;
	[tilespmem:v31+s25+$0x0] =	vst.idx.msk $0xffff, v7;
	v52 =	vor.u32 v48, v41  }
0x25f: {  	v12 =	vadd.s32 v12, v3;
	v7 =	vld.idx.msk [tilespmem:v40+s22+$0x0], $0xffff;
	v40 =	vadd.s32 v47, v3;
	[tilespmem:v16+s25+$0x0] =	vst.idx.msk $0xffff, v8  }
0x260: {  	v33 =	vld.idx.msk [tilespmem:v33+s22+$0x0], $0xffff;
	v31 =	vor.u32 v48, v55;
	v62 =	vadd.s32 v54, v3;
	v55 =	vadd.s32 v42, v3  }
0x261: {  	v8 =	vld.idx.msk [tilespmem:v57+s22+$0x0], $0xffff;
	[tilespmem:v22+s25+$0x0] =	vst.idx.msk $0xffff, v25;
	v43 =	vor.u32 v48, v12;
	v54 =	vor.u32 v48, v62  }
0x262: {  	v57 =	vor.u32 v48, v55;
	v62 =	vadd.s32 v56, v3;
	v10 =	vld.idx.msk [tilespmem:v10+s22+$0x0], $0xffff;
	[tilespmem:v18+s25+$0x0] =	vst.idx.msk $0xffff, v32  }
0x263: {  	v12 =	vadd.s32 v45, v3;
	v25 =	vor.u32 v48, v62;
	v18 =	vld.idx.msk [tilespmem:v58+s22+$0x0], $0xffff;
	[tilespmem:v52+s25+$0x0] =	vst.idx.msk $0xffff, v53  }
0x264: {  	v32 =	vor.u32 v48, v11;
	v58 =	vadd.s32 v13, v3;
	v13 =	vor.u32 v48, v12;
	v12 =	vld [tilespmem:$0x1F990]  }
0x265: {  	v47 =	vld [tilespmem:$0x1F180];
	v56 =	vadd.s32 v39, v3;
	v52 =	vadd.s32 v44, v3;
	[tilespmem:v31+s25+$0x0] =	vst.idx.msk $0xffff, v26  }
0x266: {  	v45 =	vld [tilespmem:$0x1F160];
	v53 =	vor.u32 v48, v52;
	[tilespmem:v54+s25+$0x0] =	vst.idx.msk $0xffff, v38;
	v54 =	vadd.s32 v21, v3  }
0x267: {  	v62 =	vor.u32 v48, v58;
	v58 =	vld [tilespmem:$0x1F9F0];
	[tilespmem:v57+s25+$0x0] =	vst.idx.msk $0xffff, v29;
	v55 =	vor.u32 v48, v54  }
0x268: {  	v42 =	vadd.s32 v14, v4;
	v57 =	vor.u32 v48, v56;
	v56 =	vld [tilespmem:$0x1F1C0];
	[tilespmem:v25+s25+$0x0] =	vst.idx.msk $0xffff, v30  }
0x269: {  	v14 =	vld [tilespmem:$0x1F9D0];
	[tilespmem:v32+s25+$0x0] =	vst.idx.msk $0xffff, v9;
	v32 =	vadd.s32 v46, v3;
	v46 =	vadd.s32 v12, v0  }
0x26a: {  	[tilespmem:v43+s25+$0x0] =	vst.idx.msk $0xffff, v27;
	v16 =	vor.u32 v1, v46;
	v46 =	vld [tilespmem:$0x1F280]  }
0x26b: {  	[tilespmem:v53+s25+$0x0] =	vst.idx.msk $0xffff, v28;
	v53 =	vld [tilespmem:$0x1F1A0]  }
0x26c: {  	[tilespmem:v55+s25+$0x0] =	vst.idx.msk $0xffff, v60;
	v60 =	vadd.s32 v58, v0;
	v58 =	vld [tilespmem:$0x1FA50]  }
0x26d: {  	v30 =	vadd.s32 v36, v3;
	[tilespmem:v57+s25+$0x0] =	vst.idx.msk $0xffff, v20;
	v57 =	vadd.s32 v56, v4;
	v56 =	vld [tilespmem:$0x1F110]  }
0x26e: {  	v31 =	vor.u32 v48, v30;
	v26 =	vor.u32 v1, v60;
	v60 =	vld [tilespmem:$0x1F130]  }
0x26f: {  	v36 =	vor.u32 v48, v32;
	[tilespmem:v62+s25+$0x0] =	vst.idx.msk $0xffff, v15;
	v62 =	vld [tilespmem:$0x1F1E0]  }
0x270: {  	v38 =	vadd.s32 v19, v3;
	[tilespmem:v13+s25+$0x0] =	vst.idx.msk $0xffff, v33;
	v13 =	vld [tilespmem:$0x1F9B0]  }
0x271: {  	v39 =	vor.u32 v48, v38;
	v33 =	vld [tilespmem:$0x1F200]  }
0x272: {  	v41 =	vor.u32 v48, v40;
	v9 =	vadd.s32 v47, v4;
	v47 =	vadd.s32 v46, v4;
	v46 =	vld [tilespmem:$0x1F190]  }
0x273: {  	[tilespmem:v31+s25+$0x0] =	vst.idx.msk $0xffff, v7;
	v31 =	vld [tilespmem:$0x1FA10]  }
0x274: {  	v43 =	vadd.s32 v34, v4;
	[tilespmem:v36+s25+$0x0] =	vst.idx.msk $0xffff, v8;
	v36 =	vld [tilespmem:$0x1FA30]  }
0x275: {  	v44 =	vadd.s32 v63, v4;
	[tilespmem:v16+s25+$0x0] =	vst.idx.msk $0xffff, v59;
	v59 =	vadd.s32 v58, v0;
	v58 =	vld [tilespmem:$0x1F1D0]  }
0x276: {  	[tilespmem:v39+s25+$0x0] =	vst.idx.msk $0xffff, v10;
	v39 =	vld [tilespmem:$0x1F220]  }
0x277: {  	[tilespmem:v41+s25+$0x0] =	vst.idx.msk $0xffff, v18;
	v63 =	vadd.s32 v62, v4;
	v62 =	vld [tilespmem:$0x1F150]  }
0x278: {  	v54 =	vadd.s32 v53, v4;
	v15 =	vld.idx.msk [tilespmem:v42+s22+$0x0], $0xffff  }
0x279: {  	v7 =	vld.idx.msk [tilespmem:v43+s22+$0x0], $0xffff  }
0x27a: {  	v8 =	vld.idx.msk [tilespmem:v44+s22+$0x0], $0xffff  }
0x27b: {  	v9 =	vld.idx.msk [tilespmem:v9+s22+$0x0], $0xffff  }
0x27c: {  	v44 =	vld [tilespmem:$0x1F260]  }
0x27d: {  	v10 =	vadd.s32 v45, v4;
	v52 =	vadd.s32 v13, v0;
	v20 =	vld.idx.msk [tilespmem:v54+s22+$0x0], $0xffff  }
0x27e: {  	v55 =	vadd.s32 v14, v0;
	v18 =	vor.u32 v1, v52;
	v54 =	vld [tilespmem:$0x1F2E0]  }
0x27f: {  	v22 =	vor.u32 v1, v55;
	v42 =	vld [tilespmem:$0x1F240]  }
0x280: {  	v27 =	vld.idx.msk [tilespmem:v47+s22+$0x0], $0xffff  }
0x281: {  	v52 =	vld [tilespmem:$0x1F2C0]  }
0x282: {  	v10 =	vld.idx.msk [tilespmem:v10+s22+$0x0], $0xffff  }
0x283: {  	v45 =	vadd.s32 v44, v4;
	v44 =	vld [tilespmem:$0x1F170];
	[tilespmem:v18+s25+$0x0] =	vst.idx.msk $0xffff, v61;
	v55 =	vadd.s32 v54, v4  }
0x284: {  	v18 =	vld.idx.msk [tilespmem:v57+s22+$0x0], $0xffff;
	[tilespmem:v22+s25+$0x0] =	vst.idx.msk $0xffff, v51  }
0x285: {  	v34 =	vadd.s32 v33, v4;
	v32 =	vadd.s32 v31, v0;
	[tilespmem:v26+s25+$0x0] =	vst.idx.msk $0xffff, v50;
	v50 =	vld [tilespmem:$0x1F2A0]  }
0x286: {  	v28 =	vor.u32 v1, v32;
	v40 =	vadd.s32 v39, v4;
	v61 =	vadd.s32 v60, v3;
	v22 =	vld.idx.msk [tilespmem:v63+s22+$0x0], $0xffff  }
0x287: {  	v38 =	vadd.s32 v36, v0;
	v32 =	vor.u32 v48, v61;
	v61 =	vld [tilespmem:$0x1F1F0]  }
0x288: {  	v41 =	vor.u32 v1, v38;
	v43 =	vadd.s32 v42, v4;
	v16 =	vld.idx.msk [tilespmem:v55+s22+$0x0], $0xffff  }
0x289: {  	v53 =	vadd.s32 v52, v4;
	v57 =	vadd.s32 v56, v3;
	v55 =	vld [tilespmem:$0x1F1B0]  }
0x28a: {  	v30 =	vor.u32 v48, v57;
	v26 =	vld.idx.msk [tilespmem:v34+s22+$0x0], $0xffff;
	v51 =	vadd.s32 v50, v4  }
0x28b: {  	v63 =	vadd.s32 v62, v3;
	[tilespmem:v28+s25+$0x0] =	vst.idx.msk $0xffff, v24;
	v24 =	vld.idx.msk [tilespmem:v40+s22+$0x0], $0xffff  }
0x28c: {  	v33 =	vor.u32 v48, v63;
	v25 =	vld.idx.msk [tilespmem:v45+s22+$0x0], $0xffff;
	v45 =	vadd.s32 v44, v3  }
0x28d: {  	v47 =	vadd.s32 v46, v3;
	[tilespmem:v41+s25+$0x0] =	vst.idx.msk $0xffff, v6;
	v6 =	vld.idx.msk [tilespmem:v43+s22+$0x0], $0xffff;
	v40 =	vor.u32 v48, v45  }
0x28e: {  	v31 =	vor.u32 v1, v59;
	v28 =	vld.idx.msk [tilespmem:v53+s22+$0x0], $0xffff;
	v50 =	vor.u32 v48, v47;
	v56 =	vadd.s32 v55, v3  }
0x28f: {  	v59 =	vadd.s32 v58, v3;
	v57 =	vor.u32 v48, v56;
	v29 =	vld.idx.msk [tilespmem:v51+s22+$0x0], $0xffff;
	[tilespmem:v30+s25+$0x0] =	vst.idx.msk $0xffff, v15  }
0x290: {  	v19 =	vld [tilespmem:$0x1FA70];
	v60 =	vor.u32 v48, v59;
	v62 =	vadd.s32 v61, v3;
	[tilespmem:v32+s25+$0x0] =	vst.idx.msk $0xffff, v7  }
0x291: {  	v39 =	vld [tilespmem:$0x1F230];
	v63 =	vor.u32 v48, v62;
	[tilespmem:v33+s25+$0x0] =	vst.idx.msk $0xffff, v8  }
0x292: {  	v54 =	vld [tilespmem:$0x1FA90];
	[tilespmem:v40+s25+$0x0] =	vst.idx.msk $0xffff, v10  }
0x293: {  	v42 =	vld [tilespmem:$0x1F250];
	[tilespmem:v50+s25+$0x0] =	vst.idx.msk $0xffff, v9  }
0x294: {  	v45 =	vld [tilespmem:$0x1F270];
	[tilespmem:v57+s25+$0x0] =	vst.idx.msk $0xffff, v20  }
0x295: {  	v33 =	vld [tilespmem:$0x1F210];
	[tilespmem:v60+s25+$0x0] =	vst.idx.msk $0xffff, v18  }
0x296: {  	v50 =	vld [tilespmem:$0x1F290];
	[tilespmem:v63+s25+$0x0] =	vst.idx.msk $0xffff, v22  }
0x297: {  	v51 =	vadd.s32 v54, v0;
	v54 =	vld [tilespmem:$0x1F2B0]  }
0x298: {  	v57 =	vld [tilespmem:$0x1F2D0]  }
0x299: {  	v60 =	vld [tilespmem:$0x1F2F0]  }
0x29a: {  	v22 =	vld [tilespmem:$0x1FAB0]  }
0x29b: {  	v30 =	vld [tilespmem:$0x1FAD0]  }
0x29c: {  	v21 =	vadd.s32 v19, v0;
	v40 =	vadd.s32 v39, v3;
	v34 =	vadd.s32 v33, v3;
	v33 =	vld [tilespmem:$0x1F340]  }
0x29d: {  	v38 =	vor.u32 v1, v21;
	v41 =	vor.u32 v48, v40;
	v40 =	vld [tilespmem:$0x1F380]  }
0x29e: {  	v43 =	vadd.s32 v42, v3;
	v46 =	vadd.s32 v45, v3;
	v42 =	vld [tilespmem:$0x1F3A0]  }
0x29f: {  	v47 =	vor.u32 v48, v46;
	v46 =	vld [tilespmem:$0x1F3E0]  }
0x2a0: {  	v62 =	vor.u32 v1, v51;
	v51 =	vld [tilespmem:$0x1F420]  }
0x2a1: {  	[tilespmem:v31+s25+$0x0] =	vst.idx.msk $0xffff, v37;
	v37 =	vld [tilespmem:$0x1FBC0]  }
0x2a2: {  	[tilespmem:v38+s25+$0x0] =	vst.idx.msk $0xffff, v35;
	v38 =	vld [tilespmem:$0x1F4A0]  }
0x2a3: {  	v19 =	vld [tilespmem:$0x1FC80]  }
0x2a4: {  	v21 =	vld [tilespmem:$0x1F370]  }
0x2a5: {  	v36 =	vor.u32 v48, v34;
	v34 =	vld [tilespmem:$0x1F360]  }
0x2a6: {  	[tilespmem:v62+s25+$0x0] =	vst.idx.msk $0xffff, v17;
	v62 =	vld [tilespmem:$0x1F480]  }
0x2a7: {  	v52 =	vadd.s32 v50, v3;
	v50 =	vld [tilespmem:$0x1F400]  }
0x2a8: {  	v55 =	vadd.s32 v54, v3;
	v54 =	vld [tilespmem:$0x1F440]  }
0x2a9: {  	v58 =	vadd.s32 v57, v3;
	v57 =	vld [tilespmem:$0x1FB40]  }
0x2aa: {  	v61 =	vadd.s32 v60, v3;
	v60 =	vld [tilespmem:$0x1FB60]  }
0x2ab: {  	v44 =	vor.u32 v48, v43;
	v43 =	vadd.s32 v42, v4;
	v42 =	vld [tilespmem:$0x1FC20]  }
0x2ac: {  	[tilespmem:v36+s25+$0x0] =	vst.idx.msk $0xffff, v26;
	v26 =	vld [tilespmem:$0x1F300]  }
0x2ad: {  	v36 =	vld [tilespmem:$0x1FAF0]  }
0x2ae: {  	v59 =	vor.u32 v48, v58;
	v58 =	vld [tilespmem:$0x1F460]  }
0x2af: {  	v53 =	vor.u32 v48, v52;
	v63 =	vor.u32 v48, v61;
	v61 =	vld [tilespmem:$0x1FB80]  }
0x2b0: {  	v9 =	vadd.s32 v34, v4;
	v34 =	vadd.s32 v21, v3;
	v21 =	vld [tilespmem:$0x1F4D0];
	[tilespmem:v41+s25+$0x0] =	vst.idx.msk $0xffff, v24  }
0x2b1: {  	[tilespmem:v44+s25+$0x0] =	vst.idx.msk $0xffff, v6;
	v44 =	vld [tilespmem:$0x1F3C0]  }
0x2b2: {  	v56 =	vor.u32 v48, v55;
	v6 =	vadd.s32 v40, v4;
	v40 =	vld [tilespmem:$0x1FC00]  }
0x2b3: {  	[tilespmem:v47+s25+$0x0] =	vst.idx.msk $0xffff, v25;
	v47 =	vadd.s32 v46, v4;
	v46 =	vld [tilespmem:$0x1FC40]  }
0x2b4: {  	[tilespmem:v53+s25+$0x0] =	vst.idx.msk $0xffff, v27;
	v27 =	vld [tilespmem:$0x1F320]  }
0x2b5: {  	v53 =	vld [tilespmem:$0x1FB00]  }
0x2b6: {  	v32 =	vadd.s32 v30, v0;
	v30 =	vadd.s32 v37, v2;
	v37 =	vadd.s32 v42, v2;
	v42 =	vld [tilespmem:$0x1FCC0]  }
0x2b7: {  	v10 =	vadd.s32 v33, v4;
	v24 =	vadd.s32 v22, v0;
	[tilespmem:v56+s25+$0x0] =	vst.idx.msk $0xffff, v29;
	v56 =	vld [tilespmem:$0x1FB20]  }
0x2b8: {  	v15 =	vor.u32 v1, v24;
	v39 =	vadd.s32 v36, v0;
	v36 =	vld [tilespmem:$0x1FBA0]  }
0x2b9: {  	v41 =	vor.u32 v1, v39;
	v39 =	vld [tilespmem:$0x1FBE0]  }
0x2ba: {  	v18 =	vor.u32 v1, v32;
	[tilespmem:v59+s25+$0x0] =	vst.idx.msk $0xffff, v28;
	v45 =	vadd.s32 v44, v4;
	v44 =	vld [tilespmem:$0x1F310]  }
0x2bb: {  	[tilespmem:v63+s25+$0x0] =	vst.idx.msk $0xffff, v16;
	v63 =	vadd.s32 v62, v4;
	v62 =	vld [tilespmem:$0x1F350]  }
0x2bc: {  	v52 =	vadd.s32 v51, v4;
	v10 =	vld.idx.msk [tilespmem:v10+s22+$0x0], $0xffff  }
0x2bd: {  	[tilespmem:v15+s25+$0x0] =	vst.idx.msk $0xffff, v5;
	v5 =	vld.idx.msk [tilespmem:v9+s22+$0x0], $0xffff  }
0x2be: {  	v31 =	vadd.s32 v38, v4;
	v6 =	vld.idx.msk [tilespmem:v6+s22+$0x0], $0xffff  }
0x2bf: {  	[tilespmem:v18+s25+$0x0] =	vst.idx.msk $0xffff, v49;
	v18 =	vld.idx.msk [tilespmem:v43+s22+$0x0], $0xffff  }
0x2c0: {  	v55 =	vadd.s32 v54, v4;
	v17 =	vld.idx.msk [tilespmem:v47+s22+$0x0], $0xffff  }
0x2c1: {  	v15 =	vld.idx.msk [tilespmem:v52+s22+$0x0], $0xffff  }
0x2c2: {  	v43 =	vld [tilespmem:$0x1F4E0]  }
0x2c3: {  	v7 =	vadd.s32 v26, v4;
	v31 =	vld.idx.msk [tilespmem:v31+s22+$0x0], $0xffff  }
0x2c4: {  	v49 =	vadd.s32 v46, v2;
	v46 =	vld [tilespmem:$0x1F3D0]  }
0x2c5: {  	v20 =	vld.idx.msk [tilespmem:v55+s22+$0x0], $0xffff  }
0x2c6: {  	v59 =	vadd.s32 v58, v4;
	v8 =	vadd.s32 v27, v4;
	v27 =	vadd.s32 v61, v2;
	v61 =	vld [tilespmem:$0x1FC60]  }
0x2c7: {  	v55 =	vld [tilespmem:$0x1F3F0]  }
0x2c8: {  	v7 =	vld.idx.msk [tilespmem:v7+s22+$0x0], $0xffff  }
0x2c9: {  	v29 =	vadd.s32 v36, v2;
	v36 =	vld [tilespmem:$0x1FCA0]  }
0x2ca: {  	[tilespmem:v41+s25+$0x0] =	vst.idx.msk $0xffff, v23;
	v41 =	vld [tilespmem:$0x1F4C0]  }
0x2cb: {  	v52 =	vld.idx.msk [tilespmem:v59+s22+$0x0], $0xffff  }
0x2cc: {  	v26 =	vadd.s32 v60, v2;
	v59 =	vld [tilespmem:$0x1F330]  }
0x2cd: {  	v9 =	vadd.s32 v50, v4;
	v32 =	vadd.s32 v39, v2;
	v39 =	vld [tilespmem:$0x1F390]  }
0x2ce: {  	v23 =	vadd.s32 v57, v2;
	v57 =	vadd.s32 v19, v2;
	v19 =	vld [tilespmem:$0x1FB70]  }
0x2cf: {  	v25 =	vld.idx.msk [tilespmem:v45+s22+$0x0], $0xffff  }
0x2d0: {  	v16 =	vadd.s32 v53, v2;
	v28 =	vld.idx.msk [tilespmem:v63+s22+$0x0], $0xffff  }
0x2d1: {  	v22 =	vadd.s32 v56, v2;
	v26 =	vld.idx.msk [tilespmem:v26+s22+$0x0], $0xffff  }
0x2d2: {  	v9 =	vld.idx.msk [tilespmem:v9+s22+$0x0], $0xffff  }
0x2d3: {  	v38 =	vadd.s32 v43, v4;
	v43 =	vld [tilespmem:$0x1F3B0]  }
0x2d4: {  	v8 =	vld.idx.msk [tilespmem:v8+s22+$0x0], $0xffff  }
0x2d5: {  	v16 =	vld.idx.msk [tilespmem:v16+s22+$0x0], $0xffff  }
0x2d6: {  	v45 =	vadd.s32 v44, v3;
	v22 =	vld.idx.msk [tilespmem:v22+s22+$0x0], $0xffff  }
0x2d7: {  	v47 =	vor.u32 v48, v45;
	v24 =	vld.idx.msk [tilespmem:v29+s22+$0x0], $0xffff  }
0x2d8: {  	v53 =	vadd.s32 v61, v2;
	v56 =	vadd.s32 v55, v3;
	v35 =	vadd.s32 v41, v4;
	v61 =	vld.idx.msk [tilespmem:v32+s22+$0x0], $0xffff  }
0x2d9: {  	v60 =	vadd.s32 v59, v3;
	v41 =	vadd.s32 v39, v3;
	v59 =	vor.u32 v48, v56;
	v56 =	vld [tilespmem:$0x1F4B0]  }
0x2da: {  	v33 =	vadd.s32 v40, v2;
	v40 =	vor.u32 v48, v60;
	v51 =	vor.u32 v48, v41;
	v41 =	vld [tilespmem:$0x1F430]  }
0x2db: {  	v63 =	vadd.s32 v62, v3;
	v38 =	vld.idx.msk [tilespmem:v38+s22+$0x0], $0xffff  }
0x2dc: {  	v50 =	vor.u32 v48, v63;
	v44 =	vadd.s32 v43, v3;
	v43 =	vld [tilespmem:$0x1F450]  }
0x2dd: {  	v60 =	vld.idx.msk [tilespmem:v35+s22+$0x0], $0xffff  }
0x2de: {  	v35 =	vor.u32 v48, v34;
	[tilespmem:v47+s25+$0x0] =	vst.idx.msk $0xffff, v7;
	v34 =	vld [tilespmem:$0x1F410]  }
0x2df: {  	v58 =	vadd.s32 v36, v2;
	[tilespmem:v40+s25+$0x0] =	vst.idx.msk $0xffff, v8;
	v40 =	vld.idx.msk [tilespmem:v23+s22+$0x0], $0xffff  }
0x2e0: {  	v62 =	vadd.s32 v42, v2;
	v42 =	vadd.s32 v41, v3;
	v41 =	vld [tilespmem:$0x1F520]  }
0x2e1: {  	[tilespmem:v50+s25+$0x0] =	vst.idx.msk $0xffff, v10;
	v50 =	vld.idx.msk [tilespmem:v27+s22+$0x0], $0xffff  }
0x2e2: {  	v27 =	vld [tilespmem:$0x1FCE0]  }
0x2e3: {  	v23 =	vor.u32 v48, v42;
	v42 =	vld [tilespmem:$0x1F540]  }
0x2e4: {  	[tilespmem:v35+s25+$0x0] =	vst.idx.msk $0xffff, v5;
	v35 =	vld.idx.msk [tilespmem:v58+s22+$0x0], $0xffff  }
0x2e5: {  	v5 =	vld.idx.msk [tilespmem:v62+s22+$0x0], $0xffff  }
0x2e6: {  	v58 =	vld [tilespmem:$0x1F620]  }
0x2e7: {  	v45 =	vor.u32 v48, v44;
	v47 =	vadd.s32 v46, v3;
	v62 =	vld [tilespmem:$0x1F640]  }
0x2e8: {  	v54 =	vor.u32 v48, v47;
	v36 =	vadd.s32 v34, v3;
	v34 =	vld [tilespmem:$0x1F6C0]  }
0x2e9: {  	[tilespmem:v51+s25+$0x0] =	vst.idx.msk $0xffff, v6;
	v51 =	vld [tilespmem:$0x1F490]  }
0x2ea: {  	v39 =	vor.u32 v48, v36;
	v36 =	vld [tilespmem:$0x1FB10]  }
0x2eb: {  	v10 =	vadd.s32 v41, v4;
	v41 =	vld [tilespmem:$0x1FB30]  }
0x2ec: {  	v6 =	vadd.s32 v43, v3;
	[tilespmem:v45+s25+$0x0] =	vst.idx.msk $0xffff, v18;
	v45 =	vld [tilespmem:$0x1F470]  }
0x2ed: {  	v44 =	vor.u32 v48, v6;
	v6 =	vld.idx.msk [tilespmem:v30+s22+$0x0], $0xffff;
	[tilespmem:v54+s25+$0x0] =	vst.idx.msk $0xffff, v25  }
0x2ee: {  	[tilespmem:v59+s25+$0x0] =	vst.idx.msk $0xffff, v17;
	v59 =	vadd.s32 v56, v3;
	v56 =	vld [tilespmem:$0x1F600]  }
0x2ef: {  	v63 =	vor.u32 v48, v59;
	v59 =	vld.idx.msk [tilespmem:v37+s22+$0x0], $0xffff  }
0x2f0: {  	v29 =	vadd.s32 v27, v2;
	v37 =	vld.idx.msk [tilespmem:v57+s22+$0x0], $0xffff  }
0x2f1: {  	v54 =	vadd.s32 v51, v3;
	v51 =	vld.idx.msk [tilespmem:v33+s22+$0x0], $0xffff  }
0x2f2: {  	[tilespmem:v39+s25+$0x0] =	vst.idx.msk $0xffff, v9;
	v39 =	vld [tilespmem:$0x1F500]  }
0x2f3: {  	v9 =	vadd.s32 v21, v3;
	v21 =	vadd.s32 v19, v0;
	v19 =	vld [tilespmem:$0x1F5D0]  }
0x2f4: {  	[tilespmem:v23+s25+$0x0] =	vst.idx.msk $0xffff, v15;
	v23 =	vld [tilespmem:$0x1F4F0]  }
0x2f5: {  	v17 =	vld.idx.msk [tilespmem:v29+s22+$0x0], $0xffff  }
0x2f6: {  	v46 =	vadd.s32 v45, v3;
	v45 =	vld [tilespmem:$0x1F580]  }
0x2f7: {  	v43 =	vadd.s32 v42, v4;
	v42 =	vadd.s32 v41, v0;
	v55 =	vor.u32 v48, v54;
	v54 =	vld [tilespmem:$0x1F5E0]  }
0x2f8: {  	v32 =	vor.u32 v1, v42;
	v42 =	vld [tilespmem:$0x1F530]  }
0x2f9: {  	[tilespmem:v44+s25+$0x0] =	vst.idx.msk $0xffff, v20;
	v44 =	vld [tilespmem:$0x1F560]  }
0x2fa: {  	v47 =	vor.u32 v48, v46;
	v46 =	vld [tilespmem:$0x1F5A0]  }
0x2fb: {  	v57 =	vadd.s32 v56, v4;
	v56 =	vld [tilespmem:$0x1F590]  }
0x2fc: {  	v8 =	vadd.s32 v39, v4;
	v39 =	vld [tilespmem:$0x1F660]  }
0x2fd: {  	v9 =	vor.u32 v48, v9;
	v25 =	vadd.s32 v23, v3;
	v23 =	vld.idx.msk [tilespmem:v49+s22+$0x0], $0xffff  }
0x2fe: {  	v49 =	vld.idx.msk [tilespmem:v53+s22+$0x0], $0xffff  }
0x2ff: {  	v30 =	vor.u32 v48, v25;
	[tilespmem:v47+s25+$0x0] =	vst.idx.msk $0xffff, v52;
	v52 =	vld [tilespmem:$0x1F5C0]  }
0x300: {  	v47 =	vadd.s32 v46, v4;
	v46 =	vld [tilespmem:$0x1F6A0];
	[tilespmem:v55+s25+$0x0] =	vst.idx.msk $0xffff, v28  }
0x301: {  	v55 =	vadd.s32 v54, v4;
	v54 =	vld [tilespmem:$0x1F570];
	[tilespmem:v63+s25+$0x0] =	vst.idx.msk $0xffff, v31  }
0x302: {  	[tilespmem:v9+s25+$0x0] =	vst.idx.msk $0xffff, v60;
	v9 =	vadd.s32 v44, v4;
	v44 =	vld [tilespmem:$0x1FB50]  }
0x303: {  	v31 =	vadd.s32 v39, v4;
	v39 =	vld [tilespmem:$0x1F510]  }
0x304: {  	v7 =	vadd.s32 v45, v4;
	[tilespmem:v30+s25+$0x0] =	vst.idx.msk $0xffff, v38;
	v38 =	vadd.s32 v36, v0;
	v36 =	vld [tilespmem:$0x1F6E0]  }
0x305: {  	v53 =	vadd.s32 v52, v4;
	v52 =	vld [tilespmem:$0x1F650]  }
0x306: {  	v8 =	vld.idx.msk [tilespmem:v8+s22+$0x0], $0xffff  }
0x307: {  	v10 =	vld.idx.msk [tilespmem:v10+s22+$0x0], $0xffff  }
0x308: {  	v15 =	vld.idx.msk [tilespmem:v43+s22+$0x0], $0xffff  }
0x309: {  	v63 =	vadd.s32 v62, v4;
	v7 =	vld.idx.msk [tilespmem:v7+s22+$0x0], $0xffff  }
0x30a: {  	v18 =	vld.idx.msk [tilespmem:v47+s22+$0x0], $0xffff  }
0x30b: {  	v60 =	vadd.s32 v58, v4;
	v25 =	vld.idx.msk [tilespmem:v55+s22+$0x0], $0xffff  }
0x30c: {  	v43 =	vld [tilespmem:$0x1F680]  }
0x30d: {  	v27 =	vld.idx.msk [tilespmem:v57+s22+$0x0], $0xffff  }
0x30e: {  	v29 =	vld.idx.msk [tilespmem:v63+s22+$0x0], $0xffff  }
0x30f: {  	v9 =	vld.idx.msk [tilespmem:v9+s22+$0x0], $0xffff  }
0x310: {  	v28 =	vld.idx.msk [tilespmem:v60+s22+$0x0], $0xffff  }
0x311: {  	v30 =	vor.u32 v1, v38;
	v45 =	vadd.s32 v44, v0;
	v31 =	vld.idx.msk [tilespmem:v31+s22+$0x0], $0xffff  }
0x312: {  	v47 =	vadd.s32 v46, v4;
	v38 =	vor.u32 v1, v45;
	v45 =	vld [tilespmem:$0x1F550]  }
0x313: {  	v20 =	vld.idx.msk [tilespmem:v53+s22+$0x0], $0xffff  }
0x314: {  	v57 =	vadd.s32 v34, v4;
	v58 =	vadd.s32 v36, v4;
	v36 =	vld [tilespmem:$0x1F5F0]  }
0x315: {  	v53 =	vor.u32 v1, v21;
	v21 =	vadd.s32 v19, v3;
	v19 =	vld [tilespmem:$0x1FC10]  }
0x316: {  	v33 =	vadd.s32 v43, v4;
	v43 =	vadd.s32 v42, v3;
	[tilespmem:v30+s25+$0x0] =	vst.idx.msk $0xffff, v16;
	v42 =	vld [tilespmem:$0x1F610]  }
0x317: {  	[tilespmem:v32+s25+$0x0] =	vst.idx.msk $0xffff, v22;
	v22 =	vld.idx.msk [tilespmem:v47+s22+$0x0], $0xffff  }
0x318: {  	v32 =	vld [tilespmem:$0x1F6F0]  }
0x319: {  	[tilespmem:v38+s25+$0x0] =	vst.idx.msk $0xffff, v40;
	v38 =	vld.idx.msk [tilespmem:v57+s22+$0x0], $0xffff  }
0x31a: {  	v46 =	vadd.s32 v45, v3;
	v45 =	vld [tilespmem:$0x1F630]  }
0x31b: {  	[tilespmem:v53+s25+$0x0] =	vst.idx.msk $0xffff, v26;
	v26 =	vld.idx.msk [tilespmem:v58+s22+$0x0], $0xffff  }
0x31c: {  	v41 =	vadd.s32 v39, v3;
	v58 =	vld [tilespmem:$0x1F5B0]  }
0x31d: {  	v60 =	vor.u32 v48, v41;
	v39 =	vadd.s32 v36, v3;
	v36 =	vld [tilespmem:$0x1F700]  }
0x31e: {  	v44 =	vor.u32 v48, v43;
	v53 =	vadd.s32 v52, v3;
	v52 =	vld [tilespmem:$0x1F7A0]  }
0x31f: {  	v55 =	vadd.s32 v54, v3;
	v16 =	vld.idx.msk [tilespmem:v33+s22+$0x0], $0xffff  }
0x320: {  	v33 =	vor.u32 v48, v55;
	v55 =	vld [tilespmem:$0x1F670]  }
0x321: {  	v47 =	vor.u32 v48, v46;
	v41 =	vor.u32 v48, v39;
	v39 =	vld [tilespmem:$0x1F720]  }
0x322: {  	[tilespmem:v60+s25+$0x0] =	vst.idx.msk $0xffff, v8;
	v43 =	vadd.s32 v42, v3;
	v42 =	vld [tilespmem:$0x1F760]  }
0x323: {  	[tilespmem:v44+s25+$0x0] =	vst.idx.msk $0xffff, v10;
	v44 =	vor.u32 v48, v43;
	v43 =	vld [tilespmem:$0x1FB90]  }
0x324: {  	v57 =	vadd.s32 v56, v3;
	v46 =	vadd.s32 v45, v3;
	v45 =	vld [tilespmem:$0x1F780]  }
0x325: {  	v40 =	vor.u32 v48, v57;
	v62 =	vadd.s32 v58, v3;
	v58 =	vld [tilespmem:$0x1F690]  }
0x326: {  	[tilespmem:v47+s25+$0x0] =	vst.idx.msk $0xffff, v15;
	v47 =	vor.u32 v48, v46;
	v46 =	vld [tilespmem:$0x1FBB0];
	v63 =	vor.u32 v48, v62  }
0x327: {  	v34 =	vor.u32 v48, v21;
	v54 =	vor.u32 v48, v53;
	v53 =	vadd.s32 v52, v4;
	v52 =	vld [tilespmem:$0x1F8C0]  }
0x328: {  	[tilespmem:v33+s25+$0x0] =	vst.idx.msk $0xffff, v9;
	v56 =	vadd.s32 v55, v3;
	v33 =	vadd.s32 v32, v3;
	v32 =	vld [tilespmem:$0x1F800]  }
0x329: {  	v57 =	vor.u32 v48, v56;
	v56 =	vld [tilespmem:$0x1F7C0]  }
0x32a: {  	[tilespmem:v40+s25+$0x0] =	vst.idx.msk $0xffff, v7;
	v8 =	vadd.s32 v45, v4;
	v45 =	vld [tilespmem:$0x1F880]  }
0x32b: {  	v60 =	vadd.s32 v58, v3;
	v58 =	vld [tilespmem:$0x1FBF0];
	[tilespmem:v63+s25+$0x0] =	vst.idx.msk $0xffff, v18  }
0x32c: {  	v63 =	vld [tilespmem:$0x1F6B0];
	[tilespmem:v34+s25+$0x0] =	vst.idx.msk $0xffff, v20  }
0x32d: {  	[tilespmem:v41+s25+$0x0] =	vst.idx.msk $0xffff, v25;
	v25 =	vld [tilespmem:$0x1F6D0]  }
0x32e: {  	v62 =	vor.u32 v48, v60;
	v41 =	vld [tilespmem:$0x1F740]  }
0x32f: {  	[tilespmem:v44+s25+$0x0] =	vst.idx.msk $0xffff, v27;
	v44 =	vadd.s32 v43, v0;
	v43 =	vld [tilespmem:$0x1F860]  }
0x330: {  	[tilespmem:v47+s25+$0x0] =	vst.idx.msk $0xffff, v28;
	v60 =	vadd.s32 v58, v0;
	v58 =	vld [tilespmem:$0x1FC50]  }
0x331: {  	v47 =	vadd.s32 v46, v0;
	v11 =	vadd.s32 v63, v3;
	[tilespmem:v54+s25+$0x0] =	vst.idx.msk $0xffff, v29;
	v54 =	vld [tilespmem:$0x1FBD0]  }
0x332: {  	v18 =	vor.u32 v1, v47;
	v47 =	vld [tilespmem:$0x1F8A0];
	v21 =	vor.u32 v48, v11;
	[tilespmem:v57+s25+$0x0] =	vst.idx.msk $0xffff, v31  }
0x333: {  	v27 =	vadd.s32 v25, v3;
	[tilespmem:v62+s25+$0x0] =	vst.idx.msk $0xffff, v16;
	v62 =	vld [tilespmem:$0x1F7E0]  }
0x334: {  	v57 =	vadd.s32 v56, v4;
	v56 =	vld [tilespmem:$0x1F710];
	v30 =	vor.u32 v48, v27  }
0x335: {  	v34 =	vor.u32 v48, v33;
	v9 =	vadd.s32 v41, v4;
	v41 =	vld [tilespmem:$0x1F840]  }
0x336: {  	v55 =	vadd.s32 v54, v0;
	v54 =	vld [tilespmem:$0x1F8E0]  }
0x337: {  	v10 =	vadd.s32 v36, v4;
	[tilespmem:v21+s25+$0x0] =	vst.idx.msk $0xffff, v22;
	v21 =	vadd.s32 v19, v0;
	v19 =	vld [tilespmem:$0x1FC70]  }
0x338: {  	v40 =	vadd.s32 v39, v4;
	v63 =	vadd.s32 v62, v4;
	v62 =	vld [tilespmem:$0x1F750]  }
0x339: {  	[tilespmem:v30+s25+$0x0] =	vst.idx.msk $0xffff, v38;
	v38 =	vld [tilespmem:$0x1F820]  }
0x33a: {  	v7 =	vadd.s32 v42, v4;
	[tilespmem:v34+s25+$0x0] =	vst.idx.msk $0xffff, v26;
	v34 =	vld [tilespmem:$0x1FC30]  }
0x33b: {  	v26 =	vor.u32 v1, v60;
	v60 =	vld [tilespmem:$0x1F730]  }
0x33c: {  	v16 =	vor.u32 v1, v44;
	v10 =	vld.idx.msk [tilespmem:v10+s22+$0x0], $0xffff  }
0x33d: {  	v15 =	vld.idx.msk [tilespmem:v40+s22+$0x0], $0xffff  }
0x33e: {  	v33 =	vadd.s32 v32, v4;
	v9 =	vld.idx.msk [tilespmem:v9+s22+$0x0], $0xffff  }
0x33f: {  	v44 =	vadd.s32 v43, v4;
	v7 =	vld.idx.msk [tilespmem:v7+s22+$0x0], $0xffff  }
0x340: {  	v8 =	vld.idx.msk [tilespmem:v8+s22+$0x0], $0xffff  }
0x341: {  	[tilespmem:v16+s25+$0x0] =	vst.idx.msk $0xffff, v50;
	v20 =	vld.idx.msk [tilespmem:v53+s22+$0x0], $0xffff  }
0x342: {  	v46 =	vadd.s32 v45, v4;
	v22 =	vor.u32 v1, v55;
	[tilespmem:v18+s25+$0x0] =	vst.idx.msk $0xffff, v24;
	v18 =	vld.idx.msk [tilespmem:v57+s22+$0x0], $0xffff  }
0x343: {  	v25 =	vld.idx.msk [tilespmem:v33+s22+$0x0], $0xffff  }
0x344: {  	v24 =	vld.idx.msk [tilespmem:v44+s22+$0x0], $0xffff  }
0x345: {  	v44 =	vld [tilespmem:$0x1F770]  }
0x346: {  	v42 =	vadd.s32 v41, v4;
	v55 =	vadd.s32 v54, v4;
	v54 =	vld [tilespmem:$0x1FC90]  }
0x347: {  	[tilespmem:v22+s25+$0x0] =	vst.idx.msk $0xffff, v6;
	v22 =	vld.idx.msk [tilespmem:v46+s22+$0x0], $0xffff  }
0x348: {  	v46 =	vld [tilespmem:$0x1F790]  }
0x349: {  	v28 =	vor.u32 v1, v21;
	v50 =	vadd.s32 v47, v4;
	v21 =	vadd.s32 v19, v0;
	v19 =	vld [tilespmem:$0x1FE00]  }
0x34a: {  	v53 =	vadd.s32 v52, v4;
	v6 =	vld.idx.msk [tilespmem:v63+s22+$0x0], $0xffff  }
0x34b: {  	v16 =	vld.idx.msk [tilespmem:v42+s22+$0x0], $0xffff  }
0x34c: {  	v42 =	vld [tilespmem:$0x1F850]  }
0x34d: {  	v39 =	vadd.s32 v38, v4;
	v38 =	vor.u32 v1, v21;
	v21 =	vld [tilespmem:$0x1FE20]  }
0x34e: {  	[tilespmem:v26+s25+$0x0] =	vst.idx.msk $0xffff, v61;
	v26 =	vld.idx.msk [tilespmem:v50+s22+$0x0], $0xffff  }
0x34f: {  	[tilespmem:v28+s25+$0x0] =	vst.idx.msk $0xffff, v51;
	v28 =	vld.idx.msk [tilespmem:v53+s22+$0x0], $0xffff  }
0x350: {  	v29 =	vld.idx.msk [tilespmem:v55+s22+$0x0], $0xffff  }
0x351: {  	v36 =	vadd.s32 v34, v0;
	v61 =	vadd.s32 v60, v3;
	v55 =	vld [tilespmem:$0x1F7B0]  }
0x352: {  	v57 =	vadd.s32 v56, v3;
	v40 =	vor.u32 v1, v36;
	v32 =	vor.u32 v48, v61;
	v61 =	vld [tilespmem:$0x1F7F0]  }
0x353: {  	v30 =	vor.u32 v48, v57;
	v51 =	vadd.s32 v54, v0;
	v54 =	vld [tilespmem:$0x1F8B0]  }
0x354: {  	v63 =	vadd.s32 v62, v3;
	v27 =	vld.idx.msk [tilespmem:v39+s22+$0x0], $0xffff  }
0x355: {  	v33 =	vor.u32 v48, v63;
	v43 =	vadd.s32 v42, v3;
	v39 =	vld [tilespmem:$0x1F830]  }
0x356: {  	v45 =	vadd.s32 v44, v3;
	v44 =	vor.u32 v48, v43;
	v43 =	vld [tilespmem:$0x1F9C0]  }
0x357: {  	[tilespmem:v40+s25+$0x0] =	vst.idx.msk $0xffff, v59;
	v59 =	vadd.s32 v58, v0;
	v58 =	vld [tilespmem:$0x1F7D0]  }
0x358: {  	[tilespmem:v30+s25+$0x0] =	vst.idx.msk $0xffff, v10;
	v40 =	vor.u32 v48, v45;
	v45 =	vld [tilespmem:$0x1F870]  }
0x359: {  	[tilespmem:v32+s25+$0x0] =	vst.idx.msk $0xffff, v15;
	v32 =	vld [tilespmem:$0x1F920]  }
0x35a: {  	v47 =	vadd.s32 v46, v3;
	v56 =	vadd.s32 v55, v3;
	[tilespmem:v33+s25+$0x0] =	vst.idx.msk $0xffff, v9;
	v33 =	vld [tilespmem:$0x1F810]  }
0x35b: {  	v50 =	vor.u32 v48, v47;
	v62 =	vadd.s32 v61, v3;
	v57 =	vor.u32 v48, v56;
	v56 =	vld [tilespmem:$0x1F8D0]  }
0x35c: {  	v63 =	vor.u32 v48, v62;
	v62 =	vld [tilespmem:$0x1FCF0]  }
0x35d: {  	v9 =	vadd.s32 v54, v3;
	v54 =	vld [tilespmem:$0x1FF20]  }
0x35e: {  	v31 =	vor.u32 v1, v59;
	v59 =	vadd.s32 v58, v3;
	v58 =	vld [tilespmem:$0x1F8F0]  }
0x35f: {  	[tilespmem:v40+s25+$0x0] =	vst.idx.msk $0xffff, v7;
	v46 =	vadd.s32 v45, v3;
	v45 =	vld [tilespmem:$0x1F9E0]  }
0x360: {  	v40 =	vadd.s32 v39, v3;
	[tilespmem:v50+s25+$0x0] =	vst.idx.msk $0xffff, v8;
	v50 =	vld [tilespmem:$0x1F890]  }
0x361: {  	v55 =	vor.u32 v48, v9;
	v41 =	vor.u32 v48, v40;
	v40 =	vld [tilespmem:$0x1F980]  }
0x362: {  	v60 =	vor.u32 v48, v59;
	v34 =	vadd.s32 v33, v3;
	v9 =	vadd.s32 v56, v3;
	v56 =	vld [tilespmem:$0x1FF60]  }
0x363: {  	v59 =	vor.u32 v1, v51;
	[tilespmem:v31+s25+$0x0] =	vst.idx.msk $0xffff, v23;
	v36 =	vor.u32 v48, v34;
	v34 =	vld [tilespmem:$0x1F940]  }
0x364: {  	v39 =	vadd.s32 v62, v0;
	[tilespmem:v38+s25+$0x0] =	vst.idx.msk $0xffff, v49;
	v49 =	vld [tilespmem:$0x1FA20]  }
0x365: {  	[tilespmem:v57+s25+$0x0] =	vst.idx.msk $0xffff, v20;
	v20 =	vor.u32 v1, v39;
	v39 =	vld [tilespmem:$0x1FE80]  }
0x366: {  	v47 =	vor.u32 v48, v46;
	v46 =	vadd.s32 v45, v4;
	v45 =	vld [tilespmem:$0x1F930]  }
0x367: {  	v52 =	vadd.s32 v50, v3;
	v50 =	vld [tilespmem:$0x1FA40]  }
0x368: {  	[tilespmem:v59+s25+$0x0] =	vst.idx.msk $0xffff, v37;
	v59 =	vld [tilespmem:$0x1FA80]  }
0x369: {  	[tilespmem:v60+s25+$0x0] =	vst.idx.msk $0xffff, v18;
	v60 =	vld [tilespmem:$0x1FAA0]  }
0x36a: {  	v37 =	vld [tilespmem:$0x1FAE0]  }
0x36b: {  	[tilespmem:v63+s25+$0x0] =	vst.idx.msk $0xffff, v6;
	v63 =	vld [tilespmem:$0x1FCD0]  }
0x36c: {  	v7 =	vadd.s32 v34, v4;
	v34 =	vld [tilespmem:$0x1FE40]  }
0x36d: {  	[tilespmem:v36+s25+$0x0] =	vst.idx.msk $0xffff, v25;
	v25 =	vld [tilespmem:$0x1FCB0]  }
0x36e: {  	v53 =	vor.u32 v48, v52;
	v36 =	vld [tilespmem:$0x1F960]  }
0x36f: {  	[tilespmem:v41+s25+$0x0] =	vst.idx.msk $0xffff, v27;
	v27 =	vld [tilespmem:$0x1F900]  }
0x370: {  	v57 =	vor.u32 v48, v9;
	v41 =	vld [tilespmem:$0x1F9A0]  }
0x371: {  	[tilespmem:v44+s25+$0x0] =	vst.idx.msk $0xffff, v16;
	v44 =	vadd.s32 v43, v4;
	v43 =	vld [tilespmem:$0x1FEE0]  }
0x372: {  	v9 =	vadd.s32 v58, v3;
	[tilespmem:v47+s25+$0x0] =	vst.idx.msk $0xffff, v24;
	v47 =	vld [tilespmem:$0x1FA00]  }
0x373: {  	v9 =	vor.u32 v48, v9;
	[tilespmem:v53+s25+$0x0] =	vst.idx.msk $0xffff, v22;
	v8 =	vadd.s32 v36, v4;
	v36 =	vld [tilespmem:$0x1FE60]  }
0x374: {  	v6 =	vadd.s32 v32, v4;
	[tilespmem:v55+s25+$0x0] =	vst.idx.msk $0xffff, v26;
	v55 =	vld [tilespmem:$0x1FF40]  }
0x375: {  	[tilespmem:v57+s25+$0x0] =	vst.idx.msk $0xffff, v28;
	v57 =	vld [tilespmem:$0x1FA60]  }
0x376: {  	v42 =	vadd.s32 v41, v4;
	v41 =	vld [tilespmem:$0x1FEA0]  }
0x377: {  	v28 =	vadd.s32 v59, v4;
	v59 =	vld [tilespmem:$0x1F950]  }
0x378: {  	v61 =	vadd.s32 v60, v4;
	[tilespmem:v9+s25+$0x0] =	vst.idx.msk $0xffff, v29;
	v9 =	vadd.s32 v40, v4;
	v40 =	vld [tilespmem:$0x1F910]  }
0x379: {  	v6 =	vld.idx.msk [tilespmem:v6+s22+$0x0], $0xffff  }
0x37a: {  	v7 =	vld.idx.msk [tilespmem:v7+s22+$0x0], $0xffff  }
0x37b: {  	v23 =	vld.idx.msk [tilespmem:v44+s22+$0x0], $0xffff  }
0x37c: {  	v10 =	vadd.s32 v25, v0;
	v30 =	vadd.s32 v27, v4;
	v18 =	vld.idx.msk [tilespmem:v46+s22+$0x0], $0xffff  }
0x37d: {  	v10 =	vor.u32 v1, v10;
	v31 =	vld.idx.msk [tilespmem:v61+s22+$0x0], $0xffff  }
0x37e: {  	v61 =	vld [tilespmem:$0x1F970]  }
0x37f: {  	v33 =	vadd.s32 v63, v0;
	v46 =	vadd.s32 v45, v3;
	v45 =	vld [tilespmem:$0x1FFA0]  }
0x380: {  	v16 =	vor.u32 v1, v33;
	v8 =	vld.idx.msk [tilespmem:v8+s22+$0x0], $0xffff  }
0x381: {  	v15 =	vld.idx.msk [tilespmem:v30+s22+$0x0], $0xffff  }
0x382: {  	[tilespmem:v10+s25+$0x0] =	vst.idx.msk $0xffff, v35;
	v10 =	vadd.s32 v47, v4;
	v47 =	vld [tilespmem:$0x1FF00]  }
0x383: {  	v35 =	vld [tilespmem:$0x1FAC0]  }
0x384: {  	v51 =	vadd.s32 v50, v4;
	v28 =	vld.idx.msk [tilespmem:v28+s22+$0x0], $0xffff  }
0x385: {  	[tilespmem:v16+s25+$0x0] =	vst.idx.msk $0xffff, v5;
	v5 =	vld.idx.msk [tilespmem:v9+s22+$0x0], $0xffff  }
0x386: {  	v37 =	vadd.s32 v37, v4;
	v9 =	vadd.s32 v49, v4;
	v49 =	vor.u32 v48, v46;
	v46 =	vld [tilespmem:$0x1FFC0]  }
0x387: {  	[tilespmem:v20+s25+$0x0] =	vst.idx.msk $0xffff, v17;
	v17 =	vld.idx.msk [tilespmem:v42+s22+$0x0], $0xffff  }
0x388: {  	v22 =	vadd.s32 v21, v2;
	v42 =	vld [tilespmem:$0x1FEC0]  }
0x389: {  	v24 =	vadd.s32 v34, v2;
	v44 =	vadd.s32 v40, v3;
	v20 =	vld.idx.msk [tilespmem:v51+s22+$0x0], $0xffff  }
0x38a: {  	v40 =	vor.u32 v48, v44;
	v44 =	vld [tilespmem:$0x1FF80]  }
0x38b: {  	v12 =	vadd.s32 v12, v3;
	v27 =	vadd.s32 v39, v2;
	v11 =	vadd.s32 v61, v3;
	v61 =	vld.idx.msk [tilespmem:v37+s22+$0x0], $0xffff  }
0x38c: {  	v26 =	vadd.s32 v36, v2;
	v37 =	vor.u32 v48, v12;
	v12 =	vadd.s32 v14, v3;
	v14 =	vld [tilespmem:$0x1FA10]  }
0x38d: {  	v22 =	vld.idx.msk [tilespmem:v22+s22+$0x0], $0xffff  }
0x38e: {  	v58 =	vadd.s32 v57, v4;
	v57 =	vld.idx.msk [tilespmem:v24+s22+$0x0], $0xffff  }
0x38f: {  	v24 =	vld [tilespmem:$0x1FA30];
	v35 =	vadd.s32 v35, v4  }
0x390: {  	v27 =	vld.idx.msk [tilespmem:v27+s22+$0x0], $0xffff  }
0x391: {  	v26 =	vld.idx.msk [tilespmem:v26+s22+$0x0], $0xffff  }
0x392: {  	v60 =	vadd.s32 v59, v3;
	v16 =	vadd.s32 v19, v2;
	v10 =	vld.idx.msk [tilespmem:v10+s22+$0x0], $0xffff  }
0x393: {  	v50 =	vor.u32 v48, v60;
	v25 =	vld.idx.msk [tilespmem:v58+s22+$0x0], $0xffff  }
0x394: {  	v59 =	vld.idx.msk [tilespmem:v35+s22+$0x0], $0xffff  }
0x395: {  	v35 =	vor.u32 v48, v11;
	v11 =	vadd.s32 v13, v3;
	v13 =	vld [tilespmem:$0x1F9F0]  }
0x396: {  	v9 =	vld.idx.msk [tilespmem:v9+s22+$0x0], $0xffff;
	[tilespmem:v40+s25+$0x0] =	vst.idx.msk $0xffff, v15  }
0x397: {  	v16 =	vld.idx.msk [tilespmem:v16+s22+$0x0], $0xffff;
	v30 =	vadd.s32 v42, v2;
	[tilespmem:v49+s25+$0x0] =	vst.idx.msk $0xffff, v6  }
0x398: {  	v38 =	vadd.s32 v54, v2;
	[tilespmem:v50+s25+$0x0] =	vst.idx.msk $0xffff, v7;
	v50 =	vld [tilespmem:$0x1FA70]  }
0x399: {  	v15 =	vor.u32 v48, v11;
	v11 =	vld [tilespmem:$0x1FE50]  }
0x39a: {  	v29 =	vadd.s32 v41, v2;
	v6 =	vadd.s32 v13, v3;
	[tilespmem:v35+s25+$0x0] =	vst.idx.msk $0xffff, v8;
	v13 =	vld [tilespmem:$0x1FA90]  }
0x39b: {  	v7 =	vor.u32 v48, v6;
	v6 =	vadd.s32 v14, v3;
	[tilespmem:v37+s25+$0x0] =	vst.idx.msk $0xffff, v5;
	v37 =	vld [tilespmem:$0x1FA50]  }
0x39c: {  	v8 =	vor.u32 v48, v6;
	v6 =	vadd.s32 v24, v3;
	v24 =	vld.idx.msk [tilespmem:v30+s22+$0x0], $0xffff  }
0x39d: {  	v40 =	vor.u32 v48, v12;
	v12 =	vadd.s32 v50, v3;
	v50 =	vld.idx.msk [tilespmem:v38+s22+$0x0], $0xffff  }
0x39e: {  	v32 =	vadd.s32 v43, v2;
	v38 =	vld [tilespmem:$0x1FB00]  }
0x39f: {  	v35 =	vor.u32 v48, v6;
	v6 =	vld.idx.msk [tilespmem:v29+s22+$0x0], $0xffff  }
0x3a0: {  	v29 =	vld [tilespmem:$0x1FAD0]  }
0x3a1: {  	[tilespmem:v15+s25+$0x0] =	vst.idx.msk $0xffff, v17;
	v17 =	vor.u32 v48, v12;
	v12 =	vld [tilespmem:$0x1FE70]  }
0x3a2: {  	v33 =	vadd.s32 v47, v2;
	v14 =	vadd.s32 v13, v3;
	v13 =	vld [tilespmem:$0x1FE90]  }
0x3a3: {  	[tilespmem:v40+s25+$0x0] =	vst.idx.msk $0xffff, v23;
	v49 =	vadd.s32 v37, v3;
	v37 =	vld.idx.msk [tilespmem:v32+s22+$0x0], $0xffff  }
0x3a4: {  	[tilespmem:v7+s25+$0x0] =	vst.idx.msk $0xffff, v18;
	v18 =	vld [tilespmem:$0x1FAB0]  }
0x3a5: {  	v60 =	vadd.s32 v46, v2;
	v7 =	vor.u32 v48, v14;
	v14 =	vld [tilespmem:$0x1FFE0]  }
0x3a6: {  	v32 =	vld [tilespmem:$0x1FB80]  }
0x3a7: {  	v15 =	vor.u32 v48, v49;
	v49 =	vld.idx.msk [tilespmem:v33+s22+$0x0], $0xffff  }
0x3a8: {  	v53 =	vadd.s32 v44, v2;
	[tilespmem:v8+s25+$0x0] =	vst.idx.msk $0xffff, v10;
	v40 =	vadd.s32 v38, v4;
	v38 =	vld [tilespmem:$0x1FBA0]  }
0x3a9: {  	v52 =	vadd.s32 v56, v2;
	[tilespmem:v35+s25+$0x0] =	vst.idx.msk $0xffff, v9;
	v35 =	vld [tilespmem:$0x1FAF0]  }
0x3aa: {  	v10 =	vadd.s32 v29, v3;
	v29 =	vld.idx.msk [tilespmem:v60+s22+$0x0], $0xffff  }
0x3ab: {  	v58 =	vadd.s32 v45, v2;
	v60 =	vld [tilespmem:$0x1FC00]  }
0x3ac: {  	v23 =	vadd.s32 v18, v3;
	v33 =	vadd.s32 v32, v4;
	v32 =	vld [tilespmem:$0x1FC20]  }
0x3ad: {  	v8 =	vor.u32 v48, v23;
	v23 =	vld.idx.msk [tilespmem:v53+s22+$0x0], $0xffff  }
0x3ae: {  	v5 =	vadd.s32 v35, v3;
	v35 =	vld.idx.msk [tilespmem:v52+s22+$0x0], $0xffff  }
0x3af: {  	v51 =	vadd.s32 v55, v2;
	v2 =	vadd.s32 v14, v2;
	[tilespmem:v15+s25+$0x0] =	vst.idx.msk $0xffff, v20;
	v52 =	vld [tilespmem:$0x1FB20]  }
0x3b0: {  	v30 =	vor.u32 v48, v10;
	[tilespmem:v17+s25+$0x0] =	vst.idx.msk $0xffff, v25;
	v17 =	vld.idx.msk [tilespmem:v58+s22+$0x0], $0xffff  }
0x3b1: {  	v25 =	vld [tilespmem:$0x1FB40]  }
0x3b2: {  	v58 =	vld [tilespmem:$0x1FBE0]  }
0x3b3: {  	v10 =	vor.u32 v48, v5;
	[tilespmem:v7+s25+$0x0] =	vst.idx.msk $0xffff, v28;
	v5 =	vld [tilespmem:$0x1FE30]  }
0x3b4: {  	v2 =	vld.idx.msk [tilespmem:v2+s22+$0x0], $0xffff;
	[tilespmem:v8+s25+$0x0] =	vst.idx.msk $0xffff, v31  }
0x3b5: {  	[tilespmem:v30+s25+$0x0] =	vst.idx.msk $0xffff, v59;
	v30 =	vld [tilespmem:$0x1FB60]  }
0x3b6: {  	v53 =	vadd.s32 v52, v4;
	v52 =	vld [tilespmem:$0x1FBC0]  }
0x3b7: {  	v59 =	vadd.s32 v58, v4;
	v58 =	vld [tilespmem:$0x1FC80]  }
0x3b8: {  	[tilespmem:v10+s25+$0x0] =	vst.idx.msk $0xffff, v61;
	v61 =	vadd.s32 v60, v4;
	v60 =	vld [tilespmem:$0x1FCA0]  }
0x3b9: {  	v28 =	vadd.s32 v25, v4;
	v15 =	vld.idx.msk [tilespmem:v40+s22+$0x0], $0xffff  }
0x3ba: {  	v10 =	vld.idx.msk [tilespmem:v33+s22+$0x0], $0xffff  }
0x3bb: {  	v40 =	vadd.s32 v38, v4;
	v38 =	vld [tilespmem:$0x1FC40]  }
0x3bc: {  	[tilespmem:$0x1EFF0] =	vst v2;
	v2 =	vld [tilespmem:$0x1FE10]  }
0x3bd: {  	v7 =	vld.idx.msk [tilespmem:v53+s22+$0x0], $0xffff  }
0x3be: {  	v31 =	vadd.s32 v30, v4;
	v8 =	vld.idx.msk [tilespmem:v28+s22+$0x0], $0xffff  }
0x3bf: {  	v53 =	vadd.s32 v52, v4;
	v52 =	vld [tilespmem:$0x1FC60]  }
0x3c0: {  	[tilespmem:$0x1EFE0] =	vst v29;
	v28 =	vld.idx.msk [tilespmem:v61+s22+$0x0], $0xffff  }
0x3c1: {  	v29 =	vadd.s32 v32, v4;
	v61 =	vadd.s32 v13, v0;
	v18 =	vld.idx.msk [tilespmem:v40+s22+$0x0], $0xffff;
	v40 =	vadd.s32 v5, v0  }
0x3c2: {  	v32 =	vor.u32 v1, v40;
	v40 =	vadd.s32 v58, v4;
	v58 =	vor.u32 v1, v61;
	v61 =	vld [tilespmem:$0x1FB10]  }
0x3c3: {  	v33 =	vadd.s32 v2, v0;
	v9 =	vld.idx.msk [tilespmem:v31+s22+$0x0], $0xffff  }
0x3c4: {  	v30 =	vor.u32 v1, v33;
	v20 =	vld.idx.msk [tilespmem:v53+s22+$0x0], $0xffff;
	v53 =	vadd.s32 v11, v0  }
0x3c5: {  	v31 =	vadd.s32 v38, v4;
	v38 =	vor.u32 v1, v53;
	v53 =	vadd.s32 v60, v4;
	v60 =	vld [tilespmem:$0x1FCC0]  }
0x3c6: {  	v51 =	vld.idx.msk [tilespmem:v51+s22+$0x0], $0xffff  }
0x3c7: {  	v29 =	vld.idx.msk [tilespmem:v29+s22+$0x0], $0xffff;
	v33 =	vadd.s32 v52, v4  }
0x3c8: {  	v25 =	vld.idx.msk [tilespmem:v59+s22+$0x0], $0xffff;
	v61 =	vadd.s32 v61, v3  }
0x3c9: {  	v59 =	vadd.s32 v12, v0;
	[tilespmem:v30+s25+$0x0] =	vst.idx.msk $0xffff, v16;
	v30 =	vor.u32 v48, v61;
	v61 =	vld [tilespmem:$0x1FB30]  }
0x3ca: {  	v52 =	vor.u32 v1, v59;
	v59 =	vadd.s32 v60, v4;
	v60 =	vld [tilespmem:$0x1FCE0]  }
0x3cb: {  	v31 =	vld.idx.msk [tilespmem:v31+s22+$0x0], $0xffff  }
0x3cc: {  	v16 =	vld.idx.msk [tilespmem:v33+s22+$0x0], $0xffff  }
0x3cd: {  	[tilespmem:v32+s25+$0x0] =	vst.idx.msk $0xffff, v22;
	v22 =	vld.idx.msk [tilespmem:v40+s22+$0x0], $0xffff  }
0x3ce: {  	v40 =	vld [tilespmem:$0x1FB50]  }
0x3cf: {  	[tilespmem:v38+s25+$0x0] =	vst.idx.msk $0xffff, v57;
	v38 =	vld.idx.msk [tilespmem:v53+s22+$0x0], $0xffff;
	v60 =	vadd.s32 v60, v4  }
0x3d0: {  	v53 =	vld [tilespmem:$0x1FB70];
	v33 =	vadd.s32 v61, v3  }
0x3d1: {  	v57 =	vld [tilespmem:$0x1FB90];
	v61 =	vor.u32 v48, v33  }
0x3d2: {  	[tilespmem:v52+s25+$0x0] =	vst.idx.msk $0xffff, v26;
	v26 =	vld.idx.msk [tilespmem:v59+s22+$0x0], $0xffff  }
0x3d3: {  	v59 =	vld [tilespmem:$0x1FBB0]  }
0x3d4: {  	[tilespmem:v58+s25+$0x0] =	vst.idx.msk $0xffff, v27;
	v27 =	vld.idx.msk [tilespmem:v60+s22+$0x0], $0xffff  }
0x3d5: {  	[tilespmem:v30+s25+$0x0] =	vst.idx.msk $0xffff, v15;
	v60 =	vld [tilespmem:$0x1FBD0]  }
0x3d6: {  	v33 =	vadd.s32 v40, v3;
	[tilespmem:v61+s25+$0x0] =	vst.idx.msk $0xffff, v7;
	v61 =	vld [tilespmem:$0x1FBF0]  }
0x3d7: {  	v33 =	vor.u32 v48, v33;
	v40 =	vadd.s32 v53, v3;
	v52 =	vadd.s32 v57, v3;
	v57 =	vld [tilespmem:$0x1FC10]  }
0x3d8: {  	v40 =	vor.u32 v48, v40  }
0x3d9: {  	v52 =	vor.u32 v48, v52;
	v53 =	vadd.s32 v59, v3;
	v59 =	vld [tilespmem:$0x1FC30]  }
0x3da: {  	v15 =	vor.u32 v48, v53;
	v30 =	vadd.s32 v60, v3;
	v60 =	vld [tilespmem:$0x1FC50]  }
0x3db: {  	v7 =	vor.u32 v48, v30;
	v30 =	vadd.s32 v61, v3  }
0x3dc: {  	[tilespmem:v33+s25+$0x0] =	vst.idx.msk $0xffff, v8;
	v53 =	vor.u32 v48, v30;
	v30 =	vadd.s32 v57, v3  }
0x3dd: {  	v33 =	vld [tilespmem:$0x1FEB0];
	[tilespmem:v40+s25+$0x0] =	vst.idx.msk $0xffff, v9;
	v58 =	vor.u32 v48, v30  }
0x3de: {  	[tilespmem:v52+s25+$0x0] =	vst.idx.msk $0xffff, v10;
	v10 =	vadd.s32 v59, v3;
	v30 =	vld [tilespmem:$0x1FC70]  }
0x3df: {  	v40 =	vld [tilespmem:$0x1FED0];
	[tilespmem:v15+s25+$0x0] =	vst.idx.msk $0xffff, v18;
	v10 =	vor.u32 v48, v10;
	v15 =	vadd.s32 v60, v3  }
0x3e0: {  	v52 =	vld [tilespmem:$0x1FEF0];
	[tilespmem:v7+s25+$0x0] =	vst.idx.msk $0xffff, v20;
	v61 =	vor.u32 v48, v15  }
0x3e1: {  	[tilespmem:v53+s25+$0x0] =	vst.idx.msk $0xffff, v25;
	v53 =	vld [tilespmem:$0x1FC90]  }
0x3e2: {  	v25 =	vadd.s32 v33, v0;
	[tilespmem:v58+s25+$0x0] =	vst.idx.msk $0xffff, v28;
	v58 =	vld [tilespmem:$0x1FCB0]  }
0x3e3: {  	v8 =	vor.u32 v1, v25;
	v9 =	vadd.s32 v30, v3  }
0x3e4: {  	v32 =	vadd.s32 v40, v0;
	v9 =	vor.u32 v48, v9;
	[tilespmem:v10+s25+$0x0] =	vst.idx.msk $0xffff, v29  }
0x3e5: {  	v15 =	vor.u32 v1, v32;
	[tilespmem:v61+s25+$0x0] =	vst.idx.msk $0xffff, v31;
	v61 =	vadd.s32 v52, v0  }
0x3e6: {  	v30 =	vadd.s32 v21, v4;
	v21 =	vld [tilespmem:$0x1FF50];
	v18 =	vadd.s32 v53, v3;
	v20 =	vor.u32 v1, v61  }
0x3e7: {  	v29 =	vadd.s32 v19, v4;
	v19 =	vld [tilespmem:$0x1FF30];
	v57 =	vor.u32 v48, v18;
	v18 =	vadd.s32 v58, v3  }
0x3e8: {  	v60 =	vadd.s32 v63, v3;
	v53 =	vld [tilespmem:$0x1FF10];
	[tilespmem:v8+s25+$0x0] =	vst.idx.msk $0xffff, v6;
	v59 =	vor.u32 v48, v18  }
0x3e9: {  	v63 =	vadd.s32 v62, v3;
	v18 =	vor.u32 v48, v60;
	[tilespmem:v9+s25+$0x0] =	vst.idx.msk $0xffff, v16  }
0x3ea: {  	v25 =	vor.u32 v48, v63;
	[tilespmem:v15+s25+$0x0] =	vst.idx.msk $0xffff, v24  }
0x3eb: {  	v41 =	vadd.s32 v41, v4;
	v32 =	vadd.s32 v34, v4;
	[tilespmem:v20+s25+$0x0] =	vst.idx.msk $0xffff, v37  }
0x3ec: {  	v34 =	vadd.s32 v36, v4;
	v36 =	vadd.s32 v21, v0;
	[tilespmem:v57+s25+$0x0] =	vst.idx.msk $0xffff, v22  }
0x3ed: {  	v31 =	vadd.s32 v19, v0;
	v28 =	vadd.s32 v53, v0;
	v37 =	vld [tilespmem:$0x1FFB0];
	[tilespmem:v59+s25+$0x0] =	vst.idx.msk $0xffff, v38  }
0x3ee: {  	v9 =	vor.u32 v1, v28;
	v22 =	vor.u32 v1, v31;
	v31 =	vld [tilespmem:$0x1EFE0];
	[tilespmem:v18+s25+$0x0] =	vst.idx.msk $0xffff, v26  }
0x3ef: {  	v38 =	vadd.s32 v39, v4;
	v39 =	vor.u32 v1, v36;
	v36 =	vld [tilespmem:$0x1FF90];
	[tilespmem:v25+s25+$0x0] =	vst.idx.msk $0xffff, v27  }
0x3f0: {  	v8 =	vld.idx.msk [tilespmem:v29+s22+$0x0], $0xffff  }
0x3f1: {  	v42 =	vadd.s32 v42, v4;
	v10 =	vld.idx.msk [tilespmem:v30+s22+$0x0], $0xffff  }
0x3f2: {  	v43 =	vadd.s32 v43, v4;
	v7 =	vld.idx.msk [tilespmem:v32+s22+$0x0], $0xffff  }
0x3f3: {  	v16 =	vld.idx.msk [tilespmem:v41+s22+$0x0], $0xffff  }
0x3f4: {  	[tilespmem:v9+s25+$0x0] =	vst.idx.msk $0xffff, v49;
	v9 =	vld.idx.msk [tilespmem:v34+s22+$0x0], $0xffff  }
0x3f5: {  	v34 =	vld [tilespmem:$0x1FF70]  }
0x3f6: {  	v47 =	vadd.s32 v47, v4;
	v15 =	vld.idx.msk [tilespmem:v42+s22+$0x0], $0xffff  }
0x3f7: {  	v60 =	vadd.s32 v46, v4;
	v20 =	vld.idx.msk [tilespmem:v43+s22+$0x0], $0xffff  }
0x3f8: {  	v57 =	vadd.s32 v44, v4;
	v59 =	vadd.s32 v45, v4;
	[tilespmem:v22+s25+$0x0] =	vst.idx.msk $0xffff, v50;
	v22 =	vld.idx.msk [tilespmem:v38+s22+$0x0], $0xffff  }
0x3f9: {  	v49 =	vadd.s32 v54, v4;
	v38 =	vld [tilespmem:$0x1FFD0];
	[tilespmem:v39+s25+$0x0] =	vst.idx.msk $0xffff, v51;
	v51 =	vadd.s32 v55, v4  }
0x3fa: {  	v55 =	vadd.s32 v56, v4;
	v39 =	vld [tilespmem:$0x1FFF0];
	v4 =	vadd.s32 v14, v4;
	v50 =	vadd.s32 v34, v0  }
0x3fb: {  	v18 =	vld.idx.msk [tilespmem:v47+s22+$0x0], $0xffff;
	v54 =	vadd.s32 v36, v0;
	v6 =	vor.u32 v1, v50  }
0x3fc: {  	v32 =	vld.idx.msk [tilespmem:v60+s22+$0x0], $0xffff;
	v26 =	vor.u32 v1, v54;
	v56 =	vadd.s32 v37, v0  }
0x3fd: {  	v61 =	vadd.s32 v2, v3;
	v41 =	vld [tilespmem:$0x1EFF0];
	v28 =	vor.u32 v1, v56  }
0x3fe: {  	v25 =	vor.u32 v48, v61;
	v24 =	vld.idx.msk [tilespmem:v49+s22+$0x0], $0xffff;
	v58 =	vadd.s32 v38, v0  }
0x3ff: {  	v62 =	vadd.s32 v5, v3;
	v30 =	vor.u32 v1, v58;
	v0 =	vadd.s32 v39, v0;
	v42 =	vld.idx.msk [tilespmem:v4+s22+$0x0], $0xffff  }
0x400: {  	v63 =	vor.u32 v48, v62;
	v0 =	vor.u32 v1, v0;
	v1 =	vld.idx.msk [tilespmem:v51+s22+$0x0], $0xffff;
	[tilespmem:v6+s25+$0x0] =	vst.idx.msk $0xffff, v35  }
0x401: {  	v11 =	vadd.s32 v11, v3;
	v6 =	vld.idx.msk [tilespmem:v55+s22+$0x0], $0xffff;
	[tilespmem:v26+s25+$0x0] =	vst.idx.msk $0xffff, v23  }
0x402: {  	v27 =	vor.u32 v48, v11;
	v14 =	vadd.s32 v12, v3;
	v23 =	vld.idx.msk [tilespmem:v57+s22+$0x0], $0xffff;
	[tilespmem:v28+s25+$0x0] =	vst.idx.msk $0xffff, v17  }
0x403: {  	v35 =	vadd.s32 v13, v3;
	v17 =	vld.idx.msk [tilespmem:v59+s22+$0x0], $0xffff;
	v28 =	vor.u32 v48, v14;
	[tilespmem:v25+s25+$0x0] =	vst.idx.msk $0xffff, v8  }
0x404: {  	v44 =	vadd.s32 v33, v3;
	v43 =	vor.u32 v48, v35;
	[tilespmem:v30+s25+$0x0] =	vst.idx.msk $0xffff, v31  }
0x405: {  	v45 =	vadd.s32 v40, v3;
	v4 =	vor.u32 v48, v44;
	[tilespmem:v63+s25+$0x0] =	vst.idx.msk $0xffff, v10  }
0x406: {  	v46 =	vadd.s32 v52, v3;
	v8 =	vor.u32 v48, v45;
	[tilespmem:v0+s25+$0x0] =	vst.idx.msk $0xffff, v41  }
0x407: {  	v47 =	vor.u32 v48, v46;
	v49 =	vadd.s32 v53, v3;
	[tilespmem:v27+s25+$0x0] =	vst.idx.msk $0xffff, v7  }
0x408: {  	v50 =	vor.u32 v48, v49;
	v51 =	vadd.s32 v19, v3;
	[tilespmem:v28+s25+$0x0] =	vst.idx.msk $0xffff, v9  }
0x409: {  	v53 =	vadd.s32 v21, v3;
	v52 =	vor.u32 v48, v51;
	[tilespmem:v43+s25+$0x0] =	vst.idx.msk $0xffff, v22  }
0x40a: {  	v54 =	vor.u32 v48, v53;
	v55 =	vadd.s32 v34, v3;
	[tilespmem:v4+s25+$0x0] =	vst.idx.msk $0xffff, v16  }
0x40b: {  	v56 =	vor.u32 v48, v55;
	v57 =	vadd.s32 v36, v3;
	[tilespmem:v8+s25+$0x0] =	vst.idx.msk $0xffff, v15  }
0x40c: {  	v58 =	vor.u32 v48, v57;
	v59 =	vadd.s32 v37, v3;
	[tilespmem:v47+s25+$0x0] =	vst.idx.msk $0xffff, v20  }
0x40d: {  	v61 =	vadd.s32 v38, v3;
	v60 =	vor.u32 v48, v59;
	[tilespmem:v50+s25+$0x0] =	vst.idx.msk $0xffff, v18  }
0x40e: {  	s4 =	sadd.s32 $0x2, s4;
	v62 =	vor.u32 v48, v61;
	v3 =	vadd.s32 v39, v3;
	[tilespmem:v52+s25+$0x0] =	vst.idx.msk $0xffff, v24  }
0x40f: {  	p1 =	slt.u32 s4, $0x6;
	v63 =	vor.u32 v48, v3;
	[tilespmem:v54+s25+$0x0] =	vst.idx.msk $0xffff, v1  }
.Ltmp0:
0x410: {  	[tilespmem:v56+s25+$0x0] =	vst.idx.msk $0xffff, v6;
	(pc) =	sbr.rel @p1 .LBB2_3-.Ltmp0, $4  }
0x411: {  	[tilespmem:v58+s25+$0x0] =	vst.idx.msk $0xffff, v23  }
0x412: {  	[tilespmem:v60+s25+$0x0] =	vst.idx.msk $0xffff, v17  }
0x413: {  	[tilespmem:v62+s25+$0x0] =	vst.idx.msk $0xffff, v32  }
0x414: {  	s6 =	sadd.s32 $0x20, s6;
	[tilespmem:v63+s25+$0x0] =	vst.idx.msk $0xffff, v42  }
0x415: {  	s4 =	sshll.u32 s2, $0x13;
	s6 =	sshll.u32 s2, $0x4  }
0x416: {  	s7 =	sand.u32 $0x380000, s4;
	s4 =	sand.u32 $0x180, s6  }
0x417: {  	s6 =	sor.u32 s7, s4  }
0x418: {  	s6 =	sadd.s32 s6, s5  }
0x419: {  	[hbm4b:s6+s20] =	stream.strided.scatter [tilespmem:s25], [sflag:$0x3], $0x4000, s19, s20, $0x38;
	[tilespmem:$0x12400] =	vst v63  }
0x41a: {  	p1 =	seq.s32 @!p0 s2, $0x1F;
	s6 =	simm.s32 @!p0 $0x4  }
0x41b: {  	p1 =	por p0, !p1;
	_ =	swait.ge @!p0 [sflag:s6], $0x4000  }
0x41c: {  	s3 =	sadd.s32 @p1 $0x2, s3;
	[sflag:s6] =	ssyncset.done @!p0 $0x0  }
0x41d: {  	s7 =	sshll.u32 @p1 s3, $0x6;
	[sflag:s6] =	ssyncadd.s32 @!p0 $0xFFFFC000;
	s6 =	sshll.u32 @p1 s3, $0x9  }
0x41e: {  	s7 =	sand.u32 @p1 $0x1C00, s7;
	s3 =	sshll.u32 @p1 s3, $0x7;
	s6 =	sand.u32 @p1 $0x1000, s6  }
0x41f: {  	s3 =	sand.u32 @p1 $0x300, s3;
	s6 =	sadd.s32 @p1 s7, s6  }
0x420: {  	s3 =	sor.u32 @p1 s3, s6  }
0x421: {  	s3 =	sadd.s32 @p1 $0x400, s3  }
0x422: {  	[tilespmem:s22], [sflag:$0x1] =	stream.indirect.gather @p1 [hbm4b:s0+s21], $0x80, s3, s21, $0xb8;
	[tilespmem:$0x12400] =	vst v63  }
0x423: {  	_ =	swait.ge [sflag:s26], $0x4000  }
0x424: {  	[sflag:s26] =	ssyncset.done $0x0  }
0x425: {  	[sflag:s26] =	ssyncadd.s32 $0xFFFFC000  }
0x426: {  	v0 =	vld [tilespmem:$0x10]  }
0x427: {  	v1 =	vld [tilespmem:$0x20]  }
0x428: {  	v2 =	vld [tilespmem:$0x30]  }
0x429: {  	v3 =	vld [tilespmem:$0x40]  }
0x42a: {  	v4 =	vld [tilespmem:$0x50]  }
0x42b: {  	v5 =	vld [tilespmem:$0x60];
	[tilespmem:$0x1ECE0] =	vst v0  }
0x42c: {  	v6 =	vld [tilespmem:$0x70];
	[tilespmem:$0x1ECF0] =	vst v1  }
0x42d: {  	v7 =	vld [tilespmem:$0x80];
	[tilespmem:$0x1ED00] =	vst v2  }
0x42e: {  	v8 =	vld [tilespmem:$0x90];
	[tilespmem:$0x1ED10] =	vst v3  }
0x42f: {  	v9 =	vld [tilespmem:$0xA0];
	[tilespmem:$0x1ED20] =	vst v4  }
0x430: {  	v10 =	vld [tilespmem:$0xB0];
	[tilespmem:$0x1ED30] =	vst v5  }
0x431: {  	v14 =	vld [tilespmem:$0xC0];
	[tilespmem:$0x1ED40] =	vst v6  }
0x432: {  	v15 =	vld [tilespmem:$0xD0];
	[tilespmem:$0x1ED50] =	vst v7  }
0x433: {  	v16 =	vld [tilespmem:$0xE0];
	[tilespmem:$0x1ED60] =	vst v8  }
0x434: {  	v17 =	vld [tilespmem:$0xF0];
	[tilespmem:$0x1ED70] =	vst v9  }
0x435: {  	v18 =	vld [tilespmem:$0x100];
	[tilespmem:$0x1ED80] =	vst v10  }
0x436: {  	[tilespmem:$0x1ED90] =	vst v14  }
0x437: {  	[tilespmem:$0x1EDA0] =	vst v15  }
0x438: {  	[tilespmem:$0x1EDB0] =	vst v16  }
0x439: {  	[tilespmem:$0x1EDC0] =	vst v17  }
0x43a: {  	v11 =	vshll.u32 v0, $0x7;
	[tilespmem:$0x1EDD0] =	vst v18  }
0x43b: {  	v48 =	vshll.u32 v1, $0x7;
	[tilespmem:$0x1DFE0] =	vst v11  }
0x43c: {  	v49 =	vshll.u32 v2, $0x7;
	[tilespmem:$0x1DFF0] =	vst v48  }
0x43d: {  	v50 =	vshll.u32 v3, $0x7;
	[tilespmem:$0x1E000] =	vst v49  }
0x43e: {  	v51 =	vshll.u32 v4, $0x7;
	[tilespmem:$0x1E010] =	vst v50  }
0x43f: {  	v52 =	vshll.u32 v5, $0x7;
	[tilespmem:$0x1E020] =	vst v51  }
0x440: {  	v53 =	vshll.u32 v6, $0x7;
	[tilespmem:$0x1E030] =	vst v52  }
0x441: {  	v54 =	vshll.u32 v7, $0x7;
	[tilespmem:$0x1E040] =	vst v53  }
0x442: {  	v55 =	vshll.u32 v8, $0x7;
	[tilespmem:$0x1E050] =	vst v54  }
0x443: {  	v56 =	vshll.u32 v9, $0x7;
	[tilespmem:$0x1E060] =	vst v55  }
0x444: {  	v57 =	vshll.u32 v10, $0x7;
	[tilespmem:$0x1E070] =	vst v56  }
0x445: {  	v58 =	vshll.u32 v14, $0x7;
	[tilespmem:$0x1E080] =	vst v57  }
0x446: {  	v59 =	vshll.u32 v15, $0x7;
	[tilespmem:$0x1E090] =	vst v58  }
0x447: {  	v60 =	vshll.u32 v16, $0x7;
	[tilespmem:$0x1E0A0] =	vst v59  }
0x448: {  	v61 =	vshll.u32 v17, $0x7;
	[tilespmem:$0x1E0B0] =	vst v60  }
0x449: {  	v62 =	vshll.u32 v18, $0x7;
	[tilespmem:$0x1E0C0] =	vst v61  }
0x44a: {  	v63 =	vadd.s32 $0x10, v0;
	[tilespmem:$0x1E0D0] =	vst v62  }
0x44b: {  	v12 =	vadd.s32 $0x10, v1;
	[tilespmem:$0x1E0E0] =	vst v63  }
0x44c: {  	v13 =	vadd.s32 $0x10, v2;
	[tilespmem:$0x1E100] =	vst v12  }
0x44d: {  	v19 =	vadd.s32 $0x10, v3;
	[tilespmem:$0x1E120] =	vst v13  }
0x44e: {  	v20 =	vadd.s32 $0x10, v4;
	[tilespmem:$0x1E140] =	vst v19  }
0x44f: {  	v21 =	vadd.s32 $0x10, v5;
	[tilespmem:$0x1E160] =	vst v20  }
0x450: {  	v22 =	vadd.s32 $0x10, v6;
	[tilespmem:$0x1E180] =	vst v21  }
0x451: {  	v23 =	vadd.s32 $0x10, v7;
	[tilespmem:$0x1E1A0] =	vst v22  }
0x452: {  	v24 =	vadd.s32 $0x10, v8;
	[tilespmem:$0x1E1C0] =	vst v23  }
0x453: {  	v25 =	vadd.s32 $0x10, v9;
	[tilespmem:$0x1E1E0] =	vst v24  }
0x454: {  	v26 =	vadd.s32 $0x10, v10;
	[tilespmem:$0x1E200] =	vst v25  }
0x455: {  	v27 =	vadd.s32 $0x10, v14;
	[tilespmem:$0x1E220] =	vst v26  }
0x456: {  	v28 =	vadd.s32 $0x10, v15;
	[tilespmem:$0x1E240] =	vst v27  }
0x457: {  	v29 =	vadd.s32 $0x10, v16;
	[tilespmem:$0x1E260] =	vst v28  }
0x458: {  	v30 =	vadd.s32 $0x10, v17;
	[tilespmem:$0x1E280] =	vst v29  }
0x459: {  	v31 =	vadd.s32 $0x10, v18;
	[tilespmem:$0x1E2A0] =	vst v30  }
0x45a: {  	v11 =	vshll.u32 v63, $0x7;
	[tilespmem:$0x1E2C0] =	vst v31  }
0x45b: {  	v33 =	vshll.u32 v12, $0x7;
	[tilespmem:$0x1E0F0] =	vst v11  }
0x45c: {  	v34 =	vshll.u32 v13, $0x7;
	[tilespmem:$0x1E110] =	vst v33  }
0x45d: {  	v35 =	vshll.u32 v19, $0x7;
	[tilespmem:$0x1E130] =	vst v34  }
0x45e: {  	v36 =	vshll.u32 v20, $0x7;
	[tilespmem:$0x1E150] =	vst v35  }
0x45f: {  	v37 =	vshll.u32 v21, $0x7;
	[tilespmem:$0x1E170] =	vst v36  }
0x460: {  	v38 =	vshll.u32 v22, $0x7;
	[tilespmem:$0x1E190] =	vst v37  }
0x461: {  	v39 =	vshll.u32 v23, $0x7;
	[tilespmem:$0x1E1B0] =	vst v38  }
0x462: {  	v40 =	vshll.u32 v24, $0x7;
	[tilespmem:$0x1E1D0] =	vst v39  }
0x463: {  	v41 =	vshll.u32 v25, $0x7;
	[tilespmem:$0x1E1F0] =	vst v40  }
0x464: {  	v42 =	vshll.u32 v26, $0x7;
	[tilespmem:$0x1E210] =	vst v41  }
0x465: {  	v43 =	vshll.u32 v27, $0x7;
	[tilespmem:$0x1E230] =	vst v42  }
0x466: {  	v44 =	vshll.u32 v28, $0x7;
	[tilespmem:$0x1E250] =	vst v43  }
0x467: {  	v45 =	vshll.u32 v29, $0x7;
	[tilespmem:$0x1E270] =	vst v44  }
0x468: {  	v46 =	vshll.u32 v30, $0x7;
	[tilespmem:$0x1E290] =	vst v45  }
0x469: {  	v47 =	vshll.u32 v31, $0x7;
	[tilespmem:$0x1E2B0] =	vst v46  }
0x46a: {  	v48 =	vadd.s32 $0x20, v0;
	[tilespmem:$0x1E2D0] =	vst v47  }
0x46b: {  	v49 =	vadd.s32 $0x20, v1;
	[tilespmem:$0x1E2E0] =	vst v48  }
0x46c: {  	v50 =	vadd.s32 $0x20, v2;
	[tilespmem:$0x1E300] =	vst v49  }
0x46d: {  	v51 =	vadd.s32 $0x20, v3;
	[tilespmem:$0x1E320] =	vst v50  }
0x46e: {  	v52 =	vadd.s32 $0x20, v4;
	[tilespmem:$0x1E340] =	vst v51  }
0x46f: {  	v53 =	vadd.s32 $0x20, v5;
	[tilespmem:$0x1E360] =	vst v52  }
0x470: {  	v54 =	vadd.s32 $0x20, v6;
	[tilespmem:$0x1E380] =	vst v53  }
0x471: {  	v55 =	vadd.s32 $0x20, v7;
	[tilespmem:$0x1E3A0] =	vst v54  }
0x472: {  	v56 =	vadd.s32 $0x20, v8;
	[tilespmem:$0x1E3C0] =	vst v55  }
0x473: {  	v57 =	vadd.s32 $0x20, v9;
	[tilespmem:$0x1E3E0] =	vst v56  }
0x474: {  	v58 =	vadd.s32 $0x20, v10;
	[tilespmem:$0x1E400] =	vst v57  }
0x475: {  	v59 =	vadd.s32 $0x20, v14;
	[tilespmem:$0x1E420] =	vst v58  }
0x476: {  	v60 =	vadd.s32 $0x20, v15;
	[tilespmem:$0x1E440] =	vst v59  }
0x477: {  	v61 =	vadd.s32 $0x20, v16;
	[tilespmem:$0x1E460] =	vst v60  }
0x478: {  	v62 =	vadd.s32 $0x20, v17;
	[tilespmem:$0x1E480] =	vst v61  }
0x479: {  	v63 =	vadd.s32 $0x20, v18;
	[tilespmem:$0x1E4A0] =	vst v62  }
0x47a: {  	v11 =	vshll.u32 v48, $0x7;
	[tilespmem:$0x1E4C0] =	vst v63  }
0x47b: {  	v33 =	vshll.u32 v49, $0x7;
	[tilespmem:$0x1E2F0] =	vst v11  }
0x47c: {  	v34 =	vshll.u32 v50, $0x7;
	[tilespmem:$0x1E310] =	vst v33  }
0x47d: {  	v35 =	vshll.u32 v51, $0x7;
	[tilespmem:$0x1E330] =	vst v34  }
0x47e: {  	v36 =	vshll.u32 v52, $0x7;
	[tilespmem:$0x1E350] =	vst v35  }
0x47f: {  	v37 =	vshll.u32 v53, $0x7;
	[tilespmem:$0x1E370] =	vst v36  }
0x480: {  	v38 =	vshll.u32 v54, $0x7;
	[tilespmem:$0x1E390] =	vst v37  }
0x481: {  	v39 =	vshll.u32 v55, $0x7;
	[tilespmem:$0x1E3B0] =	vst v38  }
0x482: {  	v40 =	vshll.u32 v56, $0x7;
	[tilespmem:$0x1E3D0] =	vst v39  }
0x483: {  	v41 =	vshll.u32 v57, $0x7;
	[tilespmem:$0x1E3F0] =	vst v40  }
0x484: {  	v42 =	vshll.u32 v58, $0x7;
	[tilespmem:$0x1E410] =	vst v41  }
0x485: {  	v43 =	vshll.u32 v59, $0x7;
	[tilespmem:$0x1E430] =	vst v42  }
0x486: {  	v44 =	vshll.u32 v60, $0x7;
	[tilespmem:$0x1E450] =	vst v43  }
0x487: {  	v45 =	vshll.u32 v61, $0x7;
	[tilespmem:$0x1E470] =	vst v44  }
0x488: {  	v46 =	vshll.u32 v62, $0x7;
	[tilespmem:$0x1E490] =	vst v45  }
0x489: {  	v47 =	vshll.u32 v63, $0x7;
	[tilespmem:$0x1E4B0] =	vst v46  }
0x48a: {  	v48 =	vadd.s32 $0x30, v0;
	[tilespmem:$0x1E4D0] =	vst v47  }
0x48b: {  	v49 =	vadd.s32 $0x30, v1;
	[tilespmem:$0x1E4E0] =	vst v48  }
0x48c: {  	v50 =	vadd.s32 $0x30, v2;
	[tilespmem:$0x1E500] =	vst v49  }
0x48d: {  	v51 =	vadd.s32 $0x30, v3;
	[tilespmem:$0x1E520] =	vst v50  }
0x48e: {  	v52 =	vadd.s32 $0x30, v4;
	[tilespmem:$0x1E540] =	vst v51  }
0x48f: {  	v53 =	vadd.s32 $0x30, v5;
	[tilespmem:$0x1E560] =	vst v52  }
0x490: {  	v54 =	vadd.s32 $0x30, v6;
	[tilespmem:$0x1E580] =	vst v53  }
0x491: {  	v55 =	vadd.s32 $0x30, v7;
	[tilespmem:$0x1E5A0] =	vst v54  }
0x492: {  	v56 =	vadd.s32 $0x30, v8;
	[tilespmem:$0x1E5C0] =	vst v55  }
0x493: {  	v57 =	vadd.s32 $0x30, v9;
	[tilespmem:$0x1E5E0] =	vst v56  }
0x494: {  	v58 =	vadd.s32 $0x30, v10;
	[tilespmem:$0x1E600] =	vst v57  }
0x495: {  	v59 =	vadd.s32 $0x30, v14;
	[tilespmem:$0x1E620] =	vst v58  }
0x496: {  	v60 =	vadd.s32 $0x30, v15;
	[tilespmem:$0x1E640] =	vst v59  }
0x497: {  	v61 =	vadd.s32 $0x30, v16;
	[tilespmem:$0x1E660] =	vst v60  }
0x498: {  	v62 =	vadd.s32 $0x30, v17;
	[tilespmem:$0x1E680] =	vst v61  }
0x499: {  	v63 =	vadd.s32 $0x30, v18;
	[tilespmem:$0x1E6A0] =	vst v62  }
0x49a: {  	v11 =	vshll.u32 v48, $0x7;
	[tilespmem:$0x1E6C0] =	vst v63  }
0x49b: {  	v33 =	vshll.u32 v49, $0x7;
	[tilespmem:$0x1E4F0] =	vst v11  }
0x49c: {  	v34 =	vshll.u32 v50, $0x7;
	[tilespmem:$0x1E510] =	vst v33  }
0x49d: {  	v35 =	vshll.u32 v51, $0x7;
	[tilespmem:$0x1E530] =	vst v34  }
0x49e: {  	v36 =	vshll.u32 v52, $0x7;
	[tilespmem:$0x1E550] =	vst v35  }
0x49f: {  	v37 =	vshll.u32 v53, $0x7;
	[tilespmem:$0x1E570] =	vst v36  }
0x4a0: {  	v38 =	vshll.u32 v54, $0x7;
	[tilespmem:$0x1E590] =	vst v37  }
0x4a1: {  	v39 =	vshll.u32 v55, $0x7;
	[tilespmem:$0x1E5B0] =	vst v38  }
0x4a2: {  	v40 =	vshll.u32 v56, $0x7;
	[tilespmem:$0x1E5D0] =	vst v39  }
0x4a3: {  	v41 =	vshll.u32 v57, $0x7;
	[tilespmem:$0x1E5F0] =	vst v40  }
0x4a4: {  	v42 =	vshll.u32 v58, $0x7;
	[tilespmem:$0x1E610] =	vst v41  }
0x4a5: {  	v43 =	vshll.u32 v59, $0x7;
	[tilespmem:$0x1E630] =	vst v42  }
0x4a6: {  	v44 =	vshll.u32 v60, $0x7;
	[tilespmem:$0x1E650] =	vst v43  }
0x4a7: {  	v45 =	vshll.u32 v61, $0x7;
	[tilespmem:$0x1E670] =	vst v44  }
0x4a8: {  	v46 =	vshll.u32 v62, $0x7;
	[tilespmem:$0x1E690] =	vst v45  }
0x4a9: {  	v47 =	vshll.u32 v63, $0x7;
	[tilespmem:$0x1E6B0] =	vst v46  }
0x4aa: {  	v48 =	vadd.s32 $0x40, v0;
	[tilespmem:$0x1E6D0] =	vst v47  }
0x4ab: {  	v49 =	vadd.s32 $0x40, v1;
	[tilespmem:$0x1E6E0] =	vst v48  }
0x4ac: {  	v50 =	vadd.s32 $0x40, v2;
	[tilespmem:$0x1E700] =	vst v49  }
0x4ad: {  	v51 =	vadd.s32 $0x40, v3;
	[tilespmem:$0x1E720] =	vst v50  }
0x4ae: {  	v52 =	vadd.s32 $0x40, v4;
	[tilespmem:$0x1E740] =	vst v51  }
0x4af: {  	v53 =	vadd.s32 $0x40, v5;
	[tilespmem:$0x1E760] =	vst v52  }
0x4b0: {  	v54 =	vadd.s32 $0x40, v6;
	[tilespmem:$0x1E780] =	vst v53  }
0x4b1: {  	v55 =	vadd.s32 $0x40, v7;
	[tilespmem:$0x1E7A0] =	vst v54  }
0x4b2: {  	v56 =	vadd.s32 $0x40, v8;
	[tilespmem:$0x1E7C0] =	vst v55  }
0x4b3: {  	v57 =	vadd.s32 $0x40, v9;
	[tilespmem:$0x1E7E0] =	vst v56  }
0x4b4: {  	v58 =	vadd.s32 $0x40, v10;
	[tilespmem:$0x1E800] =	vst v57  }
0x4b5: {  	v59 =	vadd.s32 $0x40, v14;
	[tilespmem:$0x1E820] =	vst v58  }
0x4b6: {  	v60 =	vadd.s32 $0x40, v15;
	[tilespmem:$0x1E840] =	vst v59  }
0x4b7: {  	v61 =	vadd.s32 $0x40, v16;
	[tilespmem:$0x1E860] =	vst v60  }
0x4b8: {  	v62 =	vadd.s32 $0x40, v17;
	[tilespmem:$0x1E880] =	vst v61  }
0x4b9: {  	v63 =	vadd.s32 $0x40, v18;
	[tilespmem:$0x1E8A0] =	vst v62  }
0x4ba: {  	v11 =	vshll.u32 v48, $0x7;
	[tilespmem:$0x1E8C0] =	vst v63  }
0x4bb: {  	v33 =	vshll.u32 v49, $0x7;
	[tilespmem:$0x1E6F0] =	vst v11  }
0x4bc: {  	v34 =	vshll.u32 v50, $0x7;
	[tilespmem:$0x1E710] =	vst v33  }
0x4bd: {  	v35 =	vshll.u32 v51, $0x7;
	[tilespmem:$0x1E730] =	vst v34  }
0x4be: {  	v36 =	vshll.u32 v52, $0x7;
	[tilespmem:$0x1E750] =	vst v35  }
0x4bf: {  	v37 =	vshll.u32 v53, $0x7;
	[tilespmem:$0x1E770] =	vst v36  }
0x4c0: {  	v38 =	vshll.u32 v54, $0x7;
	[tilespmem:$0x1E790] =	vst v37  }
0x4c1: {  	v39 =	vshll.u32 v55, $0x7;
	[tilespmem:$0x1E7B0] =	vst v38  }
0x4c2: {  	v40 =	vshll.u32 v56, $0x7;
	[tilespmem:$0x1E7D0] =	vst v39  }
0x4c3: {  	v41 =	vshll.u32 v57, $0x7;
	[tilespmem:$0x1E7F0] =	vst v40  }
0x4c4: {  	v42 =	vshll.u32 v58, $0x7;
	[tilespmem:$0x1E810] =	vst v41  }
0x4c5: {  	v43 =	vshll.u32 v59, $0x7;
	[tilespmem:$0x1E830] =	vst v42  }
0x4c6: {  	v44 =	vshll.u32 v60, $0x7;
	[tilespmem:$0x1E850] =	vst v43  }
0x4c7: {  	v45 =	vshll.u32 v61, $0x7;
	[tilespmem:$0x1E870] =	vst v44  }
0x4c8: {  	v46 =	vshll.u32 v62, $0x7;
	[tilespmem:$0x1E890] =	vst v45  }
0x4c9: {  	v47 =	vshll.u32 v63, $0x7;
	[tilespmem:$0x1E8B0] =	vst v46  }
0x4ca: {  	v48 =	vadd.s32 $0x50, v0;
	[tilespmem:$0x1E8D0] =	vst v47  }
0x4cb: {  	v49 =	vadd.s32 $0x50, v1;
	[tilespmem:$0x1E8E0] =	vst v48  }
0x4cc: {  	v50 =	vadd.s32 $0x50, v2;
	[tilespmem:$0x1E900] =	vst v49  }
0x4cd: {  	v51 =	vadd.s32 $0x50, v3;
	[tilespmem:$0x1E920] =	vst v50  }
0x4ce: {  	v52 =	vadd.s32 $0x50, v4;
	[tilespmem:$0x1E940] =	vst v51  }
0x4cf: {  	v53 =	vadd.s32 $0x50, v5;
	[tilespmem:$0x1E960] =	vst v52  }
0x4d0: {  	v54 =	vadd.s32 $0x50, v6;
	[tilespmem:$0x1E980] =	vst v53  }
0x4d1: {  	v55 =	vadd.s32 $0x50, v7;
	[tilespmem:$0x1E9A0] =	vst v54  }
0x4d2: {  	v56 =	vadd.s32 $0x50, v8;
	[tilespmem:$0x1E9C0] =	vst v55  }
0x4d3: {  	v57 =	vadd.s32 $0x50, v9;
	[tilespmem:$0x1E9E0] =	vst v56  }
0x4d4: {  	v58 =	vadd.s32 $0x50, v10;
	[tilespmem:$0x1EA00] =	vst v57  }
0x4d5: {  	v59 =	vadd.s32 $0x50, v14;
	[tilespmem:$0x1EA20] =	vst v58  }
0x4d6: {  	v60 =	vadd.s32 $0x50, v15;
	[tilespmem:$0x1EA40] =	vst v59  }
0x4d7: {  	v61 =	vadd.s32 $0x50, v16;
	[tilespmem:$0x1EA60] =	vst v60  }
0x4d8: {  	v62 =	vadd.s32 $0x50, v17;
	[tilespmem:$0x1EA80] =	vst v61  }
0x4d9: {  	v63 =	vadd.s32 $0x50, v18;
	[tilespmem:$0x1EAA0] =	vst v62  }
0x4da: {  	v11 =	vshll.u32 v48, $0x7;
	[tilespmem:$0x1EAC0] =	vst v63  }
0x4db: {  	v33 =	vshll.u32 v49, $0x7;
	[tilespmem:$0x1E8F0] =	vst v11  }
0x4dc: {  	v34 =	vshll.u32 v50, $0x7;
	[tilespmem:$0x1E910] =	vst v33  }
0x4dd: {  	v35 =	vshll.u32 v51, $0x7;
	[tilespmem:$0x1E930] =	vst v34  }
0x4de: {  	v36 =	vshll.u32 v52, $0x7;
	[tilespmem:$0x1E950] =	vst v35  }
0x4df: {  	v37 =	vshll.u32 v53, $0x7;
	[tilespmem:$0x1E970] =	vst v36  }
0x4e0: {  	v38 =	vshll.u32 v54, $0x7;
	[tilespmem:$0x1E990] =	vst v37  }
0x4e1: {  	v39 =	vshll.u32 v55, $0x7;
	[tilespmem:$0x1E9B0] =	vst v38  }
0x4e2: {  	v40 =	vshll.u32 v56, $0x7;
	[tilespmem:$0x1E9D0] =	vst v39  }
0x4e3: {  	v41 =	vshll.u32 v57, $0x7;
	[tilespmem:$0x1E9F0] =	vst v40  }
0x4e4: {  	v42 =	vshll.u32 v58, $0x7;
	[tilespmem:$0x1EA10] =	vst v41  }
0x4e5: {  	v43 =	vshll.u32 v59, $0x7;
	[tilespmem:$0x1EA30] =	vst v42  }
0x4e6: {  	v44 =	vshll.u32 v60, $0x7;
	[tilespmem:$0x1EA50] =	vst v43  }
0x4e7: {  	v45 =	vshll.u32 v61, $0x7;
	[tilespmem:$0x1EA70] =	vst v44  }
0x4e8: {  	v46 =	vshll.u32 v62, $0x7;
	[tilespmem:$0x1EA90] =	vst v45  }
0x4e9: {  	v47 =	vshll.u32 v63, $0x7;
	[tilespmem:$0x1EAB0] =	vst v46  }
0x4ea: {  	v48 =	vadd.s32 $0x60, v0;
	[tilespmem:$0x1EAD0] =	vst v47  }
0x4eb: {  	v49 =	vadd.s32 $0x60, v1;
	[tilespmem:$0x1EAE0] =	vst v48  }
0x4ec: {  	v50 =	vadd.s32 $0x60, v2;
	[tilespmem:$0x1EB00] =	vst v49  }
0x4ed: {  	v51 =	vadd.s32 $0x60, v3;
	[tilespmem:$0x1EB20] =	vst v50  }
0x4ee: {  	v52 =	vadd.s32 $0x60, v4;
	[tilespmem:$0x1EB40] =	vst v51  }
0x4ef: {  	v53 =	vadd.s32 $0x60, v5;
	[tilespmem:$0x1EB60] =	vst v52  }
0x4f0: {  	v54 =	vadd.s32 $0x60, v6;
	[tilespmem:$0x1EB80] =	vst v53  }
0x4f1: {  	v55 =	vadd.s32 $0x60, v7;
	[tilespmem:$0x1EBA0] =	vst v54  }
0x4f2: {  	v56 =	vadd.s32 $0x60, v8;
	[tilespmem:$0x1EBC0] =	vst v55  }
0x4f3: {  	v57 =	vadd.s32 $0x60, v9;
	[tilespmem:$0x1EBE0] =	vst v56  }
0x4f4: {  	v58 =	vadd.s32 $0x60, v10;
	[tilespmem:$0x1EC00] =	vst v57  }
0x4f5: {  	v59 =	vadd.s32 $0x60, v14;
	[tilespmem:$0x1EC20] =	vst v58  }
0x4f6: {  	v60 =	vadd.s32 $0x60, v15;
	[tilespmem:$0x1EC40] =	vst v59  }
0x4f7: {  	v61 =	vadd.s32 $0x60, v16;
	[tilespmem:$0x1EC60] =	vst v60  }
0x4f8: {  	v62 =	vadd.s32 $0x60, v17;
	[tilespmem:$0x1EC80] =	vst v61  }
0x4f9: {  	v63 =	vadd.s32 $0x60, v18;
	[tilespmem:$0x1ECA0] =	vst v62  }
0x4fa: {  	v0 =	vadd.s32 $0x70, v0;
	[tilespmem:$0x1ECC0] =	vst v63  }
0x4fb: {  	v1 =	vadd.s32 $0x70, v1;
	[tilespmem:$0x1EDE0] =	vst v0  }
0x4fc: {  	v2 =	vadd.s32 $0x70, v2;
	[tilespmem:$0x1EE00] =	vst v1  }
0x4fd: {  	v3 =	vadd.s32 $0x70, v3;
	[tilespmem:$0x1EE20] =	vst v2  }
0x4fe: {  	v4 =	vadd.s32 $0x70, v4;
	[tilespmem:$0x1EE40] =	vst v3  }
0x4ff: {  	v5 =	vadd.s32 $0x70, v5;
	[tilespmem:$0x1EE60] =	vst v4  }
0x500: {  	v6 =	vadd.s32 $0x70, v6;
	[tilespmem:$0x1EE80] =	vst v5  }
0x501: {  	v7 =	vadd.s32 $0x70, v7;
	[tilespmem:$0x1EEA0] =	vst v6  }
0x502: {  	v8 =	vadd.s32 $0x70, v8;
	[tilespmem:$0x1EEC0] =	vst v7  }
0x503: {  	v9 =	vadd.s32 $0x70, v9;
	[tilespmem:$0x1EEE0] =	vst v8  }
0x504: {  	v10 =	vadd.s32 $0x70, v10;
	[tilespmem:$0x1EF00] =	vst v9  }
0x505: {  	v11 =	vshll.u32 v48, $0x7;
	[tilespmem:$0x1EF20] =	vst v10  }
0x506: {  	v12 =	vshll.u32 v49, $0x7;
	[tilespmem:$0x1EAF0] =	vst v11  }
0x507: {  	v13 =	vshll.u32 v50, $0x7;
	[tilespmem:$0x1EB10] =	vst v12  }
0x508: {  	v19 =	vshll.u32 v51, $0x7;
	[tilespmem:$0x1EB30] =	vst v13  }
0x509: {  	v32 =	vshll.u32 v52, $0x7;
	[tilespmem:$0x1EB50] =	vst v19  }
0x50a: {  	v33 =	vshll.u32 v53, $0x7;
	[tilespmem:$0x1EB70] =	vst v32  }
0x50b: {  	v34 =	vshll.u32 v54, $0x7;
	[tilespmem:$0x1EB90] =	vst v33  }
0x50c: {  	v35 =	vshll.u32 v55, $0x7;
	[tilespmem:$0x1EBB0] =	vst v34  }
0x50d: {  	v36 =	vshll.u32 v56, $0x7;
	[tilespmem:$0x1EBD0] =	vst v35  }
0x50e: {  	v37 =	vshll.u32 v57, $0x7;
	[tilespmem:$0x1EBF0] =	vst v36  }
0x50f: {  	v38 =	vshll.u32 v58, $0x7;
	[tilespmem:$0x1EC10] =	vst v37  }
0x510: {  	v39 =	vshll.u32 v59, $0x7;
	[tilespmem:$0x1EC30] =	vst v38  }
0x511: {  	v40 =	vshll.u32 v60, $0x7;
	[tilespmem:$0x1EC50] =	vst v39  }
0x512: {  	v41 =	vshll.u32 v61, $0x7;
	[tilespmem:$0x1EC70] =	vst v40  }
0x513: {  	v42 =	vshll.u32 v62, $0x7;
	[tilespmem:$0x1EC90] =	vst v41  }
0x514: {  	v43 =	vshll.u32 v63, $0x7;
	[tilespmem:$0x1ECB0] =	vst v42  }
0x515: {  	v0 =	vshll.u32 v0, $0x7;
	[tilespmem:$0x1ECD0] =	vst v43  }
0x516: {  	v49 =	vshll.u32 v1, $0x7;
	[tilespmem:$0x1EDF0] =	vst v0  }
0x517: {  	v50 =	vshll.u32 v2, $0x7;
	[tilespmem:$0x1EE10] =	vst v49  }
0x518: {  	v51 =	vshll.u32 v3, $0x7;
	[tilespmem:$0x1EE30] =	vst v50  }
0x519: {  	v52 =	vshll.u32 v4, $0x7;
	[tilespmem:$0x1EE50] =	vst v51  }
0x51a: {  	v53 =	vshll.u32 v5, $0x7;
	[tilespmem:$0x1EE70] =	vst v52  }
0x51b: {  	v54 =	vshll.u32 v6, $0x7;
	[tilespmem:$0x1EE90] =	vst v53  }
0x51c: {  	v55 =	vshll.u32 v7, $0x7;
	[tilespmem:$0x1EEB0] =	vst v54  }
0x51d: {  	v56 =	vshll.u32 v8, $0x7;
	[tilespmem:$0x1EED0] =	vst v55  }
0x51e: {  	v57 =	vshll.u32 v9, $0x7;
	[tilespmem:$0x1EEF0] =	vst v56  }
0x51f: {  	v58 =	vshll.u32 v10, $0x7;
	[tilespmem:$0x1EF10] =	vst v57  }
0x520: {  	v44 =	vadd.s32 $0x70, v14;
	[tilespmem:$0x1EF30] =	vst v58  }
0x521: {  	v45 =	vadd.s32 $0x70, v15;
	[tilespmem:$0x1EF40] =	vst v44  }
0x522: {  	v46 =	vadd.s32 $0x70, v16;
	[tilespmem:$0x1EF60] =	vst v45  }
0x523: {  	v47 =	vadd.s32 $0x70, v17;
	[tilespmem:$0x1EF80] =	vst v46  }
0x524: {  	v48 =	vadd.s32 $0x70, v18;
	[tilespmem:$0x1EFA0] =	vst v47  }
0x525: {  	v59 =	vshll.u32 v44, $0x7;
	[tilespmem:$0x1EFC0] =	vst v48  }
0x526: {  	v60 =	vshll.u32 v45, $0x7;
	[tilespmem:$0x1EF50] =	vst v59  }
0x527: {  	v61 =	vshll.u32 v46, $0x7;
	[tilespmem:$0x1EF70] =	vst v60  }
0x528: {  	v62 =	vshll.u32 v47, $0x7;
	[tilespmem:$0x1EF90] =	vst v61  }
0x529: {  	v63 =	vshll.u32 v48, $0x7;
	[tilespmem:$0x1EFB0] =	vst v62  }
0x52a: {  	s6 =	simm.s32 $0x10;
	s3 =	simm.s32 $0xFFFFFFFE;
	[tilespmem:$0x1EFD0] =	vst v63  }
.LBB2_5:
0x52b: {  	v0 =	vld [tilespmem:$0x0]  }
0x52c: {  	v9 =	vld [tilespmem:$0x1ECE0]  }
0x52d: {  	v10 =	vld [tilespmem:$0x1ECF0]  }
0x52e: {  	v15 =	vld [tilespmem:$0x1ED00]  }
0x52f: {  	v16 =	vld [tilespmem:$0x1ED10]  }
0x530: {  	v18 =	vld [tilespmem:$0x1ED20]  }
0x531: {  	v20 =	vld [tilespmem:$0x1ED30]  }
0x532: {  	v22 =	vld [tilespmem:$0x1ED40]  }
0x533: {  	v28 =	vld [tilespmem:$0x1ED50]  }
0x534: {  	v30 =	vld [tilespmem:$0x1ED60]  }
0x535: {  	v31 =	vld [tilespmem:$0x1ED70]  }
0x536: {  	v33 =	vld [tilespmem:$0x1ED80]  }
0x537: {  	v40 =	vld [tilespmem:$0x1ED90]  }
0x538: {  	v57 =	vld [tilespmem:$0x1EDA0]  }
0x539: {  	v58 =	vld [tilespmem:$0x1EDB0]  }
0x53a: {  	v62 =	vld [tilespmem:$0x1EDC0]  }
0x53b: {  	v41 =	vld [tilespmem:$0x1EDD0]  }
0x53c: {  	v11 =	vld [tilespmem:$0x1DFE0]  }
0x53d: {  	v55 =	vld [tilespmem:$0x1DFF0]  }
0x53e: {  	v54 =	vld [tilespmem:$0x1E000]  }
0x53f: {  	s7 =	sadd.s32 $0xFFFFFFF0, s6;
	v42 =	vld [tilespmem:$0x1E010]  }
0x540: {  	v56 =	vld [tilespmem:$0x1E020];
	v1 =	vadd.s32 s7, v0  }
0x541: {  	v43 =	vld [tilespmem:$0x1E030];
	v2 =	vshll.u32 v1, $0x7  }
0x542: {  	v12 =	vld [tilespmem:$0x1E040];
	v45 =	vadd.s32 v9, v2  }
0x543: {  	v44 =	vld [tilespmem:$0x1E050];
	v3 =	vadd.s32 v10, v2  }
0x544: {  	v21 =	vld [tilespmem:$0x1E060];
	v4 =	vadd.s32 v15, v2  }
0x545: {  	v39 =	vld [tilespmem:$0x1E070];
	v5 =	vadd.s32 v16, v2  }
0x546: {  	v13 =	vld [tilespmem:$0x1E080];
	v6 =	vadd.s32 v18, v2  }
0x547: {  	v46 =	vadd.s32 v20, v2;
	v17 =	vld.idx.msk [tilespmem:v45+s23+$0x0], $0xffff  }
0x548: {  	v23 =	vadd.s32 v22, v2;
	v3 =	vld.idx.msk [tilespmem:v3+s23+$0x0], $0xffff  }
0x549: {  	v24 =	vadd.s32 v28, v2;
	v4 =	vld.idx.msk [tilespmem:v4+s23+$0x0], $0xffff  }
0x54a: {  	v35 =	vadd.s32 v30, v2;
	v5 =	vld.idx.msk [tilespmem:v5+s23+$0x0], $0xffff  }
0x54b: {  	v37 =	vadd.s32 v31, v2;
	v6 =	vld.idx.msk [tilespmem:v6+s23+$0x0], $0xffff  }
0x54c: {  	v49 =	vadd.s32 v33, v2;
	v48 =	vld.idx.msk [tilespmem:v46+s23+$0x0], $0xffff  }
0x54d: {  	v50 =	vadd.s32 v40, v2;
	v23 =	vld.idx.msk [tilespmem:v23+s23+$0x0], $0xffff  }
0x54e: {  	v51 =	vadd.s32 v57, v2;
	v24 =	vld.idx.msk [tilespmem:v24+s23+$0x0], $0xffff  }
0x54f: {  	v59 =	vadd.s32 v58, v2;
	v35 =	vld.idx.msk [tilespmem:v35+s23+$0x0], $0xffff  }
0x550: {  	v0 =	vand.u32 $0xFFFFFF80, v1;
	v61 =	vadd.s32 v62, v2;
	v37 =	vld.idx.msk [tilespmem:v37+s23+$0x0], $0xffff  }
0x551: {  	v1 =	vand.u32 $0x7F, v1;
	v7 =	vadd.s32 v41, v2;
	v32 =	vadd.s32 v11, v0;
	v49 =	vld.idx.msk [tilespmem:v49+s23+$0x0], $0xffff  }
0x552: {  	v52 =	vadd.s32 v55, v0;
	v32 =	vor.u32 v1, v32;
	v50 =	vld.idx.msk [tilespmem:v50+s23+$0x0], $0xffff  }
0x553: {  	v25 =	vadd.s32 v54, v0;
	v52 =	vor.u32 v1, v52;
	v51 =	vld.idx.msk [tilespmem:v51+s23+$0x0], $0xffff  }
0x554: {  	v8 =	vadd.s32 v42, v0;
	v25 =	vor.u32 v1, v25;
	v59 =	vld.idx.msk [tilespmem:v59+s23+$0x0], $0xffff  }
0x555: {  	v38 =	vadd.s32 v56, v0;
	v8 =	vor.u32 v1, v8;
	v61 =	vld.idx.msk [tilespmem:v61+s23+$0x0], $0xffff  }
0x556: {  	v53 =	vadd.s32 v43, v0;
	v47 =	vadd.s32 v12, v0;
	v38 =	vor.u32 v1, v38;
	v7 =	vld.idx.msk [tilespmem:v7+s23+$0x0], $0xffff  }
0x557: {  	v60 =	vadd.s32 v44, v0;
	v45 =	vld [tilespmem:$0x1E090];
	[tilespmem:v32+s28+$0x0] =	vst.idx.msk $0xffff, v17;
	v17 =	vor.u32 v1, v53  }
0x558: {  	v19 =	vadd.s32 v21, v0;
	v46 =	vld [tilespmem:$0x1E0B0];
	v53 =	vor.u32 v1, v47;
	[tilespmem:v52+s28+$0x0] =	vst.idx.msk $0xffff, v3  }
0x559: {  	v63 =	vor.u32 v1, v60;
	v29 =	vor.u32 v1, v19;
	[tilespmem:v25+s28+$0x0] =	vst.idx.msk $0xffff, v4  }
0x55a: {  	v36 =	vld [tilespmem:$0x1E0A0];
	v32 =	vadd.s32 v39, v0;
	v47 =	vadd.s32 v13, v0;
	[tilespmem:v8+s28+$0x0] =	vst.idx.msk $0xffff, v5  }
0x55b: {  	v34 =	vor.u32 v1, v32;
	v8 =	vor.u32 v1, v47;
	v47 =	vld [tilespmem:$0x1E0D0];
	[tilespmem:v38+s28+$0x0] =	vst.idx.msk $0xffff, v6  }
0x55c: {  	v19 =	vld [tilespmem:$0x1E0C0];
	[tilespmem:v17+s28+$0x0] =	vst.idx.msk $0xffff, v48  }
0x55d: {  	v14 =	vadd.s32 v46, v0;
	v52 =	vadd.s32 v45, v0;
	v48 =	vld [tilespmem:$0x1E140];
	[tilespmem:v53+s28+$0x0] =	vst.idx.msk $0xffff, v23  }
0x55e: {  	v53 =	vor.u32 v1, v52;
	v23 =	vor.u32 v1, v14;
	v14 =	vld [tilespmem:$0x1E0E0];
	[tilespmem:v63+s28+$0x0] =	vst.idx.msk $0xffff, v24  }
0x55f: {  	v60 =	vadd.s32 v36, v0;
	v52 =	vld [tilespmem:$0x1E1C0];
	[tilespmem:v29+s28+$0x0] =	vst.idx.msk $0xffff, v35  }
0x560: {  	v63 =	vor.u32 v1, v60;
	v26 =	vadd.s32 v47, v0;
	[tilespmem:v34+s28+$0x0] =	vst.idx.msk $0xffff, v37;
	v34 =	vld [tilespmem:$0x1E100]  }
0x561: {  	v27 =	vor.u32 v1, v26;
	v26 =	vld [tilespmem:$0x1E220]  }
0x562: {  	v24 =	vadd.s32 v19, v0;
	[tilespmem:v8+s28+$0x0] =	vst.idx.msk $0xffff, v49;
	v49 =	vld [tilespmem:$0x1E160]  }
0x563: {  	v25 =	vor.u32 v1, v24;
	[tilespmem:v53+s28+$0x0] =	vst.idx.msk $0xffff, v50;
	v50 =	vld [tilespmem:$0x1E180]  }
0x564: {  	v53 =	vld [tilespmem:$0x1E1E0]  }
0x565: {  	v29 =	vadd.s32 v14, v2;
	[tilespmem:v63+s28+$0x0] =	vst.idx.msk $0xffff, v51;
	v63 =	vld [tilespmem:$0x1E120]  }
0x566: {  	v6 =	vadd.s32 v48, v2;
	v51 =	vld [tilespmem:$0x1E1A0]  }
0x567: {  	[tilespmem:v23+s28+$0x0] =	vst.idx.msk $0xffff, v59;
	v59 =	vld [tilespmem:$0x1E200]  }
0x568: {  	v23 =	vadd.s32 v52, v2;
	v52 =	vld [tilespmem:$0x1E2A0];
	[tilespmem:v25+s28+$0x0] =	vst.idx.msk $0xffff, v61  }
0x569: {  	v61 =	vld [tilespmem:$0x1E240];
	[tilespmem:v27+s28+$0x0] =	vst.idx.msk $0xffff, v7  }
0x56a: {  	v3 =	vld.idx.msk [tilespmem:v29+s23+$0x0], $0xffff  }
0x56b: {  	v6 =	vld.idx.msk [tilespmem:v6+s23+$0x0], $0xffff  }
0x56c: {  	v37 =	vadd.s32 v34, v2;
	v8 =	vadd.s32 v50, v2;
	v50 =	vld [tilespmem:$0x1E260]  }
0x56d: {  	v60 =	vadd.s32 v26, v2;
	v24 =	vadd.s32 v53, v2;
	v53 =	vld [tilespmem:$0x1E2C0]  }
0x56e: {  	v17 =	vadd.s32 v51, v2;
	v51 =	vld [tilespmem:$0x1E280]  }
0x56f: {  	v7 =	vadd.s32 v49, v2;
	v23 =	vld.idx.msk [tilespmem:v23+s23+$0x0], $0xffff  }
0x570: {  	v25 =	vadd.s32 v59, v2;
	v59 =	vld [tilespmem:$0x1E0F0]  }
0x571: {  	v4 =	vld.idx.msk [tilespmem:v37+s23+$0x0], $0xffff  }
0x572: {  	v38 =	vadd.s32 v63, v2;
	v32 =	vld.idx.msk [tilespmem:v60+s23+$0x0], $0xffff  }
0x573: {  	v29 =	vadd.s32 v61, v2;
	v61 =	vld [tilespmem:$0x1E110]  }
0x574: {  	v7 =	vld.idx.msk [tilespmem:v7+s23+$0x0], $0xffff  }
0x575: {  	v8 =	vld.idx.msk [tilespmem:v8+s23+$0x0], $0xffff  }
0x576: {  	v24 =	vld.idx.msk [tilespmem:v24+s23+$0x0], $0xffff  }
0x577: {  	v5 =	vld.idx.msk [tilespmem:v38+s23+$0x0], $0xffff  }
0x578: {  	v48 =	vadd.s32 v52, v2;
	v60 =	vadd.s32 v59, v0;
	v59 =	vld [tilespmem:$0x1E130]  }
0x579: {  	v37 =	vadd.s32 v50, v2;
	v35 =	vld.idx.msk [tilespmem:v29+s23+$0x0], $0xffff  }
0x57a: {  	v29 =	vadd.s32 v61, v0;
	v61 =	vld [tilespmem:$0x1E150]  }
0x57b: {  	v49 =	vadd.s32 v53, v2;
	v17 =	vld.idx.msk [tilespmem:v17+s23+$0x0], $0xffff  }
0x57c: {  	v25 =	vld.idx.msk [tilespmem:v25+s23+$0x0], $0xffff  }
0x57d: {  	v38 =	vadd.s32 v51, v2;
	v48 =	vld.idx.msk [tilespmem:v48+s23+$0x0], $0xffff  }
0x57e: {  	v50 =	vor.u32 v1, v60;
	v37 =	vld.idx.msk [tilespmem:v37+s23+$0x0], $0xffff  }
0x57f: {  	v51 =	vor.u32 v1, v29;
	v60 =	vadd.s32 v59, v0;
	v29 =	vadd.s32 v61, v0;
	v61 =	vld [tilespmem:$0x1E190]  }
0x580: {  	v49 =	vld.idx.msk [tilespmem:v49+s23+$0x0], $0xffff;
	v52 =	vor.u32 v1, v60  }
0x581: {  	v59 =	vld [tilespmem:$0x1E170];
	v53 =	vor.u32 v1, v29  }
0x582: {  	v38 =	vld.idx.msk [tilespmem:v38+s23+$0x0], $0xffff  }
0x583: {  	[tilespmem:v50+s28+$0x0] =	vst.idx.msk $0xffff, v3;
	v50 =	vld [tilespmem:$0x1E1B0]  }
0x584: {  	[tilespmem:v51+s28+$0x0] =	vst.idx.msk $0xffff, v4;
	v29 =	vadd.s32 v61, v0;
	v61 =	vld [tilespmem:$0x1E1D0]  }
0x585: {  	v51 =	vld [tilespmem:$0x1E1F0];
	[tilespmem:v52+s28+$0x0] =	vst.idx.msk $0xffff, v5  }
0x586: {  	v60 =	vadd.s32 v59, v0;
	[tilespmem:v53+s28+$0x0] =	vst.idx.msk $0xffff, v6;
	v53 =	vld [tilespmem:$0x1E210]  }
0x587: {  	v59 =	vor.u32 v1, v60  }
0x588: {  	v60 =	vadd.s32 v50, v0;
	v3 =	vor.u32 v1, v29  }
0x589: {  	v4 =	vor.u32 v1, v60;
	v29 =	vadd.s32 v61, v0;
	v61 =	vld [tilespmem:$0x1E230];
	_ =	sdelay $0x1  }
0x58a: {  	v52 =	vadd.s32 v51, v0;
	v60 =	vadd.s32 v53, v0;
	v53 =	vld [tilespmem:$0x1E250]  }
0x58b: {  	[tilespmem:v59+s28+$0x0] =	vst.idx.msk $0xffff, v7;
	v5 =	vor.u32 v1, v29;
	v7 =	vor.u32 v1, v60;
	v60 =	vld [tilespmem:$0x1E270]  }
0x58c: {  	v50 =	vld [tilespmem:$0x1E3A0];
	v6 =	vor.u32 v1, v52;
	[tilespmem:v3+s28+$0x0] =	vst.idx.msk $0xffff, v8  }
0x58d: {  	[tilespmem:v4+s28+$0x0] =	vst.idx.msk $0xffff, v17;
	v17 =	vld [tilespmem:$0x1E290];
	v29 =	vadd.s32 v61, v0  }
0x58e: {  	v27 =	vld [tilespmem:$0x1E2D0];
	v52 =	vor.u32 v1, v29  }
0x58f: {  	v51 =	vld [tilespmem:$0x1E3C0];
	v8 =	vadd.s32 v53, v0  }
0x590: {  	[tilespmem:v5+s28+$0x0] =	vst.idx.msk $0xffff, v23;
	v53 =	vld [tilespmem:$0x1E400];
	v59 =	vor.u32 v1, v8;
	v8 =	vadd.s32 v60, v0  }
0x591: {  	[tilespmem:v6+s28+$0x0] =	vst.idx.msk $0xffff, v24;
	v24 =	vld [tilespmem:$0x1E2B0];
	v61 =	vor.u32 v1, v8  }
0x592: {  	v8 =	vadd.s32 v17, v0;
	[tilespmem:v7+s28+$0x0] =	vst.idx.msk $0xffff, v25;
	v17 =	vadd.s32 v50, v2;
	v50 =	vld [tilespmem:$0x1E460]  }
0x593: {  	[tilespmem:v52+s28+$0x0] =	vst.idx.msk $0xffff, v32;
	v32 =	vld [tilespmem:$0x1E2E0]  }
0x594: {  	v52 =	vld [tilespmem:$0x1E3E0]  }
0x595: {  	v23 =	vor.u32 v1, v8;
	v25 =	vadd.s32 v53, v2;
	v53 =	vld [tilespmem:$0x1E4C0]  }
0x596: {  	[tilespmem:v59+s28+$0x0] =	vst.idx.msk $0xffff, v35;
	v35 =	vld [tilespmem:$0x1E300]  }
0x597: {  	v59 =	vld [tilespmem:$0x1E420]  }
0x598: {  	v8 =	vadd.s32 v24, v0;
	[tilespmem:v61+s28+$0x0] =	vst.idx.msk $0xffff, v37;
	v37 =	vld [tilespmem:$0x1E320]  }
0x599: {  	v26 =	vor.u32 v1, v8;
	v8 =	vadd.s32 v27, v0;
	v61 =	vld [tilespmem:$0x1E440]  }
0x59a: {  	v29 =	vor.u32 v1, v8;
	[tilespmem:v23+s28+$0x0] =	vst.idx.msk $0xffff, v38;
	v38 =	vld [tilespmem:$0x1E340]  }
0x59b: {  	v23 =	vadd.s32 v51, v2;
	v51 =	vld [tilespmem:$0x1E480]  }
0x59c: {  	v24 =	vadd.s32 v52, v2;
	v52 =	vld [tilespmem:$0x1E4A0]  }
0x59d: {  	v60 =	vadd.s32 v59, v2;
	v59 =	vld [tilespmem:$0x1E2F0]  }
0x59e: {  	[tilespmem:v26+s28+$0x0] =	vst.idx.msk $0xffff, v48;
	v48 =	vld [tilespmem:$0x1E360]  }
0x59f: {  	v4 =	vadd.s32 v32, v2;
	[tilespmem:v29+s28+$0x0] =	vst.idx.msk $0xffff, v49;
	v49 =	vld [tilespmem:$0x1E380]  }
0x5a0: {  	v29 =	vadd.s32 v61, v2;
	v61 =	vld [tilespmem:$0x1E310]  }
0x5a1: {  	v5 =	vadd.s32 v35, v2;
	v17 =	vld.idx.msk [tilespmem:v17+s23+$0x0], $0xffff  }
0x5a2: {  	v23 =	vld.idx.msk [tilespmem:v23+s23+$0x0], $0xffff  }
0x5a3: {  	v25 =	vld.idx.msk [tilespmem:v25+s23+$0x0], $0xffff  }
0x5a4: {  	v6 =	vadd.s32 v37, v2;
	v4 =	vld.idx.msk [tilespmem:v4+s23+$0x0], $0xffff  }
0x5a5: {  	v37 =	vadd.s32 v50, v2;
	v24 =	vld.idx.msk [tilespmem:v24+s23+$0x0], $0xffff  }
0x5a6: {  	v5 =	vld.idx.msk [tilespmem:v5+s23+$0x0], $0xffff  }
0x5a7: {  	v32 =	vld.idx.msk [tilespmem:v60+s23+$0x0], $0xffff  }
0x5a8: {  	v7 =	vadd.s32 v38, v2;
	v60 =	vadd.s32 v59, v0;
	v59 =	vld [tilespmem:$0x1E330]  }
0x5a9: {  	v38 =	vadd.s32 v51, v2;
	v6 =	vld.idx.msk [tilespmem:v6+s23+$0x0], $0xffff  }
0x5aa: {  	v37 =	vld.idx.msk [tilespmem:v37+s23+$0x0], $0xffff  }
0x5ab: {  	v3 =	vadd.s32 v48, v2;
	v35 =	vld.idx.msk [tilespmem:v29+s23+$0x0], $0xffff  }
0x5ac: {  	v29 =	vadd.s32 v61, v0;
	v61 =	vld [tilespmem:$0x1E350]  }
0x5ad: {  	v48 =	vadd.s32 v52, v2;
	v7 =	vld.idx.msk [tilespmem:v7+s23+$0x0], $0xffff  }
0x5ae: {  	v8 =	vadd.s32 v49, v2;
	v38 =	vld.idx.msk [tilespmem:v38+s23+$0x0], $0xffff  }
0x5af: {  	v50 =	vor.u32 v1, v60;
	v49 =	vadd.s32 v53, v2;
	v60 =	vadd.s32 v59, v0;
	v59 =	vld [tilespmem:$0x1E370]  }
0x5b0: {  	v3 =	vld.idx.msk [tilespmem:v3+s23+$0x0], $0xffff  }
0x5b1: {  	v51 =	vor.u32 v1, v29;
	v29 =	vadd.s32 v61, v0;
	v61 =	vld [tilespmem:$0x1E390]  }
0x5b2: {  	v52 =	vor.u32 v1, v60;
	v48 =	vld.idx.msk [tilespmem:v48+s23+$0x0], $0xffff  }
0x5b3: {  	v8 =	vld.idx.msk [tilespmem:v8+s23+$0x0], $0xffff;
	v53 =	vor.u32 v1, v29  }
0x5b4: {  	v49 =	vld.idx.msk [tilespmem:v49+s23+$0x0], $0xffff  }
0x5b5: {  	[tilespmem:v50+s28+$0x0] =	vst.idx.msk $0xffff, v4;
	v50 =	vld [tilespmem:$0x1E3B0]  }
0x5b6: {  	[tilespmem:v51+s28+$0x0] =	vst.idx.msk $0xffff, v5;
	v29 =	vadd.s32 v61, v0;
	v61 =	vld [tilespmem:$0x1E3D0]  }
0x5b7: {  	v51 =	vld [tilespmem:$0x1E3F0];
	[tilespmem:v52+s28+$0x0] =	vst.idx.msk $0xffff, v6  }
0x5b8: {  	v60 =	vadd.s32 v59, v0;
	[tilespmem:v53+s28+$0x0] =	vst.idx.msk $0xffff, v7;
	v53 =	vld [tilespmem:$0x1E410]  }
0x5b9: {  	v59 =	vor.u32 v1, v60  }
0x5ba: {  	v60 =	vadd.s32 v50, v0;
	v4 =	vor.u32 v1, v29  }
0x5bb: {  	v5 =	vor.u32 v1, v60;
	v29 =	vadd.s32 v61, v0;
	v61 =	vld [tilespmem:$0x1E430];
	_ =	sdelay $0x1  }
0x5bc: {  	v52 =	vadd.s32 v51, v0;
	v60 =	vadd.s32 v53, v0;
	v53 =	vld [tilespmem:$0x1E450]  }
0x5bd: {  	[tilespmem:v59+s28+$0x0] =	vst.idx.msk $0xffff, v3;
	v6 =	vor.u32 v1, v29;
	v3 =	vor.u32 v1, v60;
	v60 =	vld [tilespmem:$0x1E470]  }
0x5be: {  	v50 =	vld [tilespmem:$0x1E5A0];
	v7 =	vor.u32 v1, v52;
	[tilespmem:v4+s28+$0x0] =	vst.idx.msk $0xffff, v8  }
0x5bf: {  	[tilespmem:v5+s28+$0x0] =	vst.idx.msk $0xffff, v17;
	v17 =	vld [tilespmem:$0x1E490];
	v29 =	vadd.s32 v61, v0  }
0x5c0: {  	v27 =	vld [tilespmem:$0x1E4D0];
	v52 =	vor.u32 v1, v29  }
0x5c1: {  	v51 =	vld [tilespmem:$0x1E5C0];
	v8 =	vadd.s32 v53, v0  }
0x5c2: {  	[tilespmem:v6+s28+$0x0] =	vst.idx.msk $0xffff, v23;
	v53 =	vld [tilespmem:$0x1E600];
	v59 =	vor.u32 v1, v8;
	v8 =	vadd.s32 v60, v0  }
0x5c3: {  	[tilespmem:v7+s28+$0x0] =	vst.idx.msk $0xffff, v24;
	v24 =	vld [tilespmem:$0x1E4B0];
	v61 =	vor.u32 v1, v8  }
0x5c4: {  	v8 =	vadd.s32 v17, v0;
	[tilespmem:v3+s28+$0x0] =	vst.idx.msk $0xffff, v25;
	v17 =	vadd.s32 v50, v2;
	v50 =	vld [tilespmem:$0x1E660]  }
0x5c5: {  	[tilespmem:v52+s28+$0x0] =	vst.idx.msk $0xffff, v32;
	v32 =	vld [tilespmem:$0x1E4E0]  }
0x5c6: {  	v52 =	vld [tilespmem:$0x1E5E0]  }
0x5c7: {  	v23 =	vor.u32 v1, v8;
	v25 =	vadd.s32 v53, v2;
	v53 =	vld [tilespmem:$0x1E6C0]  }
0x5c8: {  	[tilespmem:v59+s28+$0x0] =	vst.idx.msk $0xffff, v35;
	v35 =	vld [tilespmem:$0x1E500]  }
0x5c9: {  	v59 =	vld [tilespmem:$0x1E620]  }
0x5ca: {  	v8 =	vadd.s32 v24, v0;
	[tilespmem:v61+s28+$0x0] =	vst.idx.msk $0xffff, v37;
	v37 =	vld [tilespmem:$0x1E520]  }
0x5cb: {  	v26 =	vor.u32 v1, v8;
	v8 =	vadd.s32 v27, v0;
	v61 =	vld [tilespmem:$0x1E640]  }
0x5cc: {  	v29 =	vor.u32 v1, v8;
	[tilespmem:v23+s28+$0x0] =	vst.idx.msk $0xffff, v38;
	v38 =	vld [tilespmem:$0x1E540]  }
0x5cd: {  	v23 =	vadd.s32 v51, v2;
	v51 =	vld [tilespmem:$0x1E680]  }
0x5ce: {  	v24 =	vadd.s32 v52, v2;
	v52 =	vld [tilespmem:$0x1E6A0]  }
0x5cf: {  	v60 =	vadd.s32 v59, v2;
	v59 =	vld [tilespmem:$0x1E4F0]  }
0x5d0: {  	[tilespmem:v26+s28+$0x0] =	vst.idx.msk $0xffff, v48;
	v48 =	vld [tilespmem:$0x1E560]  }
0x5d1: {  	v5 =	vadd.s32 v32, v2;
	[tilespmem:v29+s28+$0x0] =	vst.idx.msk $0xffff, v49;
	v49 =	vld [tilespmem:$0x1E580]  }
0x5d2: {  	v29 =	vadd.s32 v61, v2;
	v61 =	vld [tilespmem:$0x1E510]  }
0x5d3: {  	v6 =	vadd.s32 v35, v2;
	v17 =	vld.idx.msk [tilespmem:v17+s23+$0x0], $0xffff  }
0x5d4: {  	v23 =	vld.idx.msk [tilespmem:v23+s23+$0x0], $0xffff  }
0x5d5: {  	v25 =	vld.idx.msk [tilespmem:v25+s23+$0x0], $0xffff  }
0x5d6: {  	v7 =	vadd.s32 v37, v2;
	v5 =	vld.idx.msk [tilespmem:v5+s23+$0x0], $0xffff  }
0x5d7: {  	v37 =	vadd.s32 v50, v2;
	v24 =	vld.idx.msk [tilespmem:v24+s23+$0x0], $0xffff  }
0x5d8: {  	v6 =	vld.idx.msk [tilespmem:v6+s23+$0x0], $0xffff  }
0x5d9: {  	v32 =	vld.idx.msk [tilespmem:v60+s23+$0x0], $0xffff  }
0x5da: {  	v3 =	vadd.s32 v38, v2;
	v60 =	vadd.s32 v59, v0;
	v59 =	vld [tilespmem:$0x1E530]  }
0x5db: {  	v38 =	vadd.s32 v51, v2;
	v7 =	vld.idx.msk [tilespmem:v7+s23+$0x0], $0xffff  }
0x5dc: {  	v37 =	vld.idx.msk [tilespmem:v37+s23+$0x0], $0xffff  }
0x5dd: {  	v4 =	vadd.s32 v48, v2;
	v35 =	vld.idx.msk [tilespmem:v29+s23+$0x0], $0xffff  }
0x5de: {  	v29 =	vadd.s32 v61, v0;
	v61 =	vld [tilespmem:$0x1E550]  }
0x5df: {  	v48 =	vadd.s32 v52, v2;
	v3 =	vld.idx.msk [tilespmem:v3+s23+$0x0], $0xffff  }
0x5e0: {  	v8 =	vadd.s32 v49, v2;
	v38 =	vld.idx.msk [tilespmem:v38+s23+$0x0], $0xffff  }
0x5e1: {  	v50 =	vor.u32 v1, v60;
	v49 =	vadd.s32 v53, v2;
	v60 =	vadd.s32 v59, v0;
	v59 =	vld [tilespmem:$0x1E570]  }
0x5e2: {  	v4 =	vld.idx.msk [tilespmem:v4+s23+$0x0], $0xffff  }
0x5e3: {  	v51 =	vor.u32 v1, v29;
	v29 =	vadd.s32 v61, v0;
	v61 =	vld [tilespmem:$0x1E590]  }
0x5e4: {  	v52 =	vor.u32 v1, v60;
	v48 =	vld.idx.msk [tilespmem:v48+s23+$0x0], $0xffff  }
0x5e5: {  	v8 =	vld.idx.msk [tilespmem:v8+s23+$0x0], $0xffff;
	v53 =	vor.u32 v1, v29  }
0x5e6: {  	v49 =	vld.idx.msk [tilespmem:v49+s23+$0x0], $0xffff  }
0x5e7: {  	[tilespmem:v50+s28+$0x0] =	vst.idx.msk $0xffff, v5;
	v50 =	vld [tilespmem:$0x1E5B0]  }
0x5e8: {  	[tilespmem:v51+s28+$0x0] =	vst.idx.msk $0xffff, v6;
	v29 =	vadd.s32 v61, v0;
	v61 =	vld [tilespmem:$0x1E5D0]  }
0x5e9: {  	v51 =	vld [tilespmem:$0x1E5F0];
	[tilespmem:v52+s28+$0x0] =	vst.idx.msk $0xffff, v7  }
0x5ea: {  	v60 =	vadd.s32 v59, v0;
	[tilespmem:v53+s28+$0x0] =	vst.idx.msk $0xffff, v3;
	v53 =	vld [tilespmem:$0x1E610]  }
0x5eb: {  	v59 =	vor.u32 v1, v60  }
0x5ec: {  	v60 =	vadd.s32 v50, v0;
	v5 =	vor.u32 v1, v29  }
0x5ed: {  	v6 =	vor.u32 v1, v60;
	v29 =	vadd.s32 v61, v0;
	v61 =	vld [tilespmem:$0x1E630];
	_ =	sdelay $0x1  }
0x5ee: {  	v52 =	vadd.s32 v51, v0;
	v60 =	vadd.s32 v53, v0;
	v53 =	vld [tilespmem:$0x1E650]  }
0x5ef: {  	[tilespmem:v59+s28+$0x0] =	vst.idx.msk $0xffff, v4;
	v7 =	vor.u32 v1, v29;
	v4 =	vor.u32 v1, v60;
	v60 =	vld [tilespmem:$0x1E670]  }
0x5f0: {  	v50 =	vld [tilespmem:$0x1E7A0];
	v3 =	vor.u32 v1, v52;
	[tilespmem:v5+s28+$0x0] =	vst.idx.msk $0xffff, v8  }
0x5f1: {  	[tilespmem:v6+s28+$0x0] =	vst.idx.msk $0xffff, v17;
	v17 =	vld [tilespmem:$0x1E690];
	v29 =	vadd.s32 v61, v0  }
0x5f2: {  	v27 =	vld [tilespmem:$0x1E6D0];
	v52 =	vor.u32 v1, v29  }
0x5f3: {  	v51 =	vld [tilespmem:$0x1E7C0];
	v8 =	vadd.s32 v53, v0  }
0x5f4: {  	[tilespmem:v7+s28+$0x0] =	vst.idx.msk $0xffff, v23;
	v53 =	vld [tilespmem:$0x1E800];
	v59 =	vor.u32 v1, v8;
	v8 =	vadd.s32 v60, v0  }
0x5f5: {  	[tilespmem:v3+s28+$0x0] =	vst.idx.msk $0xffff, v24;
	v24 =	vld [tilespmem:$0x1E6B0];
	v61 =	vor.u32 v1, v8  }
0x5f6: {  	v8 =	vadd.s32 v17, v0;
	[tilespmem:v4+s28+$0x0] =	vst.idx.msk $0xffff, v25;
	v17 =	vadd.s32 v50, v2;
	v50 =	vld [tilespmem:$0x1E860]  }
0x5f7: {  	[tilespmem:v52+s28+$0x0] =	vst.idx.msk $0xffff, v32;
	v32 =	vld [tilespmem:$0x1E6E0]  }
0x5f8: {  	v52 =	vld [tilespmem:$0x1E7E0]  }
0x5f9: {  	v23 =	vor.u32 v1, v8;
	v25 =	vadd.s32 v53, v2;
	v53 =	vld [tilespmem:$0x1E8C0]  }
0x5fa: {  	[tilespmem:v59+s28+$0x0] =	vst.idx.msk $0xffff, v35;
	v35 =	vld [tilespmem:$0x1E700]  }
0x5fb: {  	v59 =	vld [tilespmem:$0x1E820]  }
0x5fc: {  	v8 =	vadd.s32 v24, v0;
	[tilespmem:v61+s28+$0x0] =	vst.idx.msk $0xffff, v37;
	v37 =	vld [tilespmem:$0x1E720]  }
0x5fd: {  	v26 =	vor.u32 v1, v8;
	v8 =	vadd.s32 v27, v0;
	v61 =	vld [tilespmem:$0x1E840]  }
0x5fe: {  	v29 =	vor.u32 v1, v8;
	[tilespmem:v23+s28+$0x0] =	vst.idx.msk $0xffff, v38;
	v38 =	vld [tilespmem:$0x1E740]  }
0x5ff: {  	v23 =	vadd.s32 v51, v2;
	v51 =	vld [tilespmem:$0x1E880]  }
0x600: {  	v24 =	vadd.s32 v52, v2;
	v52 =	vld [tilespmem:$0x1E8A0]  }
0x601: {  	v60 =	vadd.s32 v59, v2;
	v59 =	vld [tilespmem:$0x1E6F0]  }
0x602: {  	[tilespmem:v26+s28+$0x0] =	vst.idx.msk $0xffff, v48;
	v48 =	vld [tilespmem:$0x1E760]  }
0x603: {  	v6 =	vadd.s32 v32, v2;
	[tilespmem:v29+s28+$0x0] =	vst.idx.msk $0xffff, v49;
	v49 =	vld [tilespmem:$0x1E780]  }
0x604: {  	v29 =	vadd.s32 v61, v2;
	v61 =	vld [tilespmem:$0x1E710]  }
0x605: {  	v7 =	vadd.s32 v35, v2;
	v17 =	vld.idx.msk [tilespmem:v17+s23+$0x0], $0xffff  }
0x606: {  	v23 =	vld.idx.msk [tilespmem:v23+s23+$0x0], $0xffff  }
0x607: {  	v25 =	vld.idx.msk [tilespmem:v25+s23+$0x0], $0xffff  }
0x608: {  	v6 =	vld.idx.msk [tilespmem:v6+s23+$0x0], $0xffff  }
0x609: {  	v24 =	vld.idx.msk [tilespmem:v24+s23+$0x0], $0xffff  }
0x60a: {  	v3 =	vadd.s32 v37, v2;
	v7 =	vld.idx.msk [tilespmem:v7+s23+$0x0], $0xffff  }
0x60b: {  	v37 =	vadd.s32 v50, v2;
	v32 =	vld.idx.msk [tilespmem:v60+s23+$0x0], $0xffff  }
0x60c: {  	v4 =	vadd.s32 v38, v2;
	v60 =	vadd.s32 v59, v0;
	v59 =	vld [tilespmem:$0x1E730]  }
0x60d: {  	v38 =	vadd.s32 v51, v2;
	v35 =	vld.idx.msk [tilespmem:v29+s23+$0x0], $0xffff  }
0x60e: {  	v29 =	vadd.s32 v61, v0;
	v61 =	vld [tilespmem:$0x1E750]  }
0x60f: {  	v3 =	vld.idx.msk [tilespmem:v3+s23+$0x0], $0xffff  }
0x610: {  	v5 =	vadd.s32 v48, v2;
	v37 =	vld.idx.msk [tilespmem:v37+s23+$0x0], $0xffff  }
0x611: {  	v48 =	vadd.s32 v52, v2;
	v4 =	vld.idx.msk [tilespmem:v4+s23+$0x0], $0xffff  }
0x612: {  	v8 =	vadd.s32 v49, v2;
	v38 =	vld.idx.msk [tilespmem:v38+s23+$0x0], $0xffff  }
0x613: {  	v51 =	vor.u32 v1, v29;
	v29 =	vadd.s32 v61, v0;
	v61 =	vld [tilespmem:$0x1E790]  }
0x614: {  	v50 =	vor.u32 v1, v60;
	v49 =	vadd.s32 v53, v2;
	v60 =	vadd.s32 v59, v0;
	v59 =	vld [tilespmem:$0x1E770]  }
0x615: {  	v5 =	vld.idx.msk [tilespmem:v5+s23+$0x0], $0xffff  }
0x616: {  	v48 =	vld.idx.msk [tilespmem:v48+s23+$0x0], $0xffff  }
0x617: {  	v52 =	vor.u32 v1, v60;
	v8 =	vld.idx.msk [tilespmem:v8+s23+$0x0], $0xffff  }
0x618: {  	v53 =	vor.u32 v1, v29;
	v29 =	vadd.s32 v61, v0;
	v61 =	vld [tilespmem:$0x1E7D0]  }
0x619: {  	v49 =	vld.idx.msk [tilespmem:v49+s23+$0x0], $0xffff;
	v60 =	vadd.s32 v59, v0  }
0x61a: {  	[tilespmem:v50+s28+$0x0] =	vst.idx.msk $0xffff, v6;
	v50 =	vld [tilespmem:$0x1E7B0];
	v59 =	vor.u32 v1, v60  }
0x61b: {  	[tilespmem:v51+s28+$0x0] =	vst.idx.msk $0xffff, v7  }
0x61c: {  	[tilespmem:v52+s28+$0x0] =	vst.idx.msk $0xffff, v3;
	v52 =	vld [tilespmem:$0x1E7F0]  }
0x61d: {  	v6 =	vor.u32 v1, v29;
	v29 =	vadd.s32 v61, v0;
	v61 =	vld [tilespmem:$0x1E810]  }
0x61e: {  	v51 =	vld [tilespmem:$0x1E830];
	[tilespmem:v53+s28+$0x0] =	vst.idx.msk $0xffff, v4  }
0x61f: {  	v60 =	vadd.s32 v50, v0;
	[tilespmem:v59+s28+$0x0] =	vst.idx.msk $0xffff, v5;
	v59 =	vld [tilespmem:$0x1E850]  }
0x620: {  	v7 =	vor.u32 v1, v60  }
0x621: {  	v26 =	vld [tilespmem:$0x1E8B0];
	v60 =	vadd.s32 v52, v0;
	v3 =	vor.u32 v1, v29  }
0x622: {  	v50 =	vld [tilespmem:$0x1E900];
	v4 =	vor.u32 v1, v60;
	v27 =	vadd.s32 v61, v0  }
0x623: {  	v52 =	vadd.s32 v51, v0;
	v51 =	vld [tilespmem:$0x1E920];
	v29 =	vor.u32 v1, v27  }
0x624: {  	v53 =	vor.u32 v1, v52;
	v52 =	vld [tilespmem:$0x1E940];
	[tilespmem:v6+s28+$0x0] =	vst.idx.msk $0xffff, v8;
	v8 =	vadd.s32 v59, v0  }
0x625: {  	[tilespmem:v7+s28+$0x0] =	vst.idx.msk $0xffff, v17;
	v60 =	vor.u32 v1, v8;
	v61 =	vld [tilespmem:$0x1E870]  }
0x626: {  	[tilespmem:v3+s28+$0x0] =	vst.idx.msk $0xffff, v23;
	v23 =	vld [tilespmem:$0x1E890]  }
0x627: {  	v59 =	vld [tilespmem:$0x1E980];
	[tilespmem:v4+s28+$0x0] =	vst.idx.msk $0xffff, v24  }
0x628: {  	[tilespmem:v29+s28+$0x0] =	vst.idx.msk $0xffff, v25;
	v29 =	vld [tilespmem:$0x1E8D0]  }
0x629: {  	v5 =	vadd.s32 v52, v2;
	v52 =	vld [tilespmem:$0x1EA80];
	[tilespmem:v53+s28+$0x0] =	vst.idx.msk $0xffff, v32  }
0x62a: {  	v8 =	vadd.s32 v61, v0;
	[tilespmem:v60+s28+$0x0] =	vst.idx.msk $0xffff, v35;
	v35 =	vld [tilespmem:$0x1E8E0]  }
0x62b: {  	v61 =	vld [tilespmem:$0x1E9C0];
	v17 =	vor.u32 v1, v8;
	v8 =	vadd.s32 v23, v0  }
0x62c: {  	v23 =	vld [tilespmem:$0x1EA00];
	v24 =	vor.u32 v1, v8;
	v8 =	vadd.s32 v26, v0  }
0x62d: {  	v53 =	vld [tilespmem:$0x1E960];
	v27 =	vor.u32 v1, v8;
	v8 =	vadd.s32 v29, v0  }
0x62e: {  	v26 =	vld [tilespmem:$0x1EA40];
	v32 =	vor.u32 v1, v8  }
0x62f: {  	v60 =	vld [tilespmem:$0x1E9A0];
	v7 =	vadd.s32 v35, v2  }
0x630: {  	v3 =	vadd.s32 v50, v2;
	[tilespmem:v17+s28+$0x0] =	vst.idx.msk $0xffff, v37;
	v17 =	vld [tilespmem:$0x1E9E0]  }
0x631: {  	v4 =	vadd.s32 v51, v2;
	[tilespmem:v24+s28+$0x0] =	vst.idx.msk $0xffff, v38;
	v24 =	vld [tilespmem:$0x1EA20]  }
0x632: {  	v6 =	vadd.s32 v53, v2;
	v53 =	vld [tilespmem:$0x1EAA0];
	[tilespmem:v27+s28+$0x0] =	vst.idx.msk $0xffff, v48  }
0x633: {  	v27 =	vld [tilespmem:$0x1EA60];
	[tilespmem:v32+s28+$0x0] =	vst.idx.msk $0xffff, v49  }
0x634: {  	v7 =	vld.idx.msk [tilespmem:v7+s23+$0x0], $0xffff  }
0x635: {  	v8 =	vld.idx.msk [tilespmem:v3+s23+$0x0], $0xffff  }
0x636: {  	v3 =	vadd.s32 v59, v2;
	v25 =	vld.idx.msk [tilespmem:v4+s23+$0x0], $0xffff  }
0x637: {  	v4 =	vadd.s32 v60, v2;
	v59 =	vld.idx.msk [tilespmem:v6+s23+$0x0], $0xffff  }
0x638: {  	v6 =	vadd.s32 v17, v2;
	v17 =	vadd.s32 v23, v2;
	v23 =	vld [tilespmem:$0x0]  }
0x639: {  	v32 =	vld.idx.msk [tilespmem:v5+s23+$0x0], $0xffff  }
0x63a: {  	v29 =	vadd.s32 v27, v2;
	v60 =	vld [tilespmem:$0x1EAC0]  }
0x63b: {  	v35 =	vadd.s32 v26, v2;
	v5 =	vadd.s32 v61, v2;
	v61 =	vld.idx.msk [tilespmem:v3+s23+$0x0], $0xffff  }
0x63c: {  	v48 =	vadd.s32 v53, v2;
	v51 =	vld.idx.msk [tilespmem:v4+s23+$0x0], $0xffff  }
0x63d: {  	v38 =	vadd.s32 v52, v2;
	v3 =	vadd.s32 v24, v2;
	v24 =	vld.idx.msk [tilespmem:v6+s23+$0x0], $0xffff;
	v52 =	vadd.s32 s6, v23  }
0x63e: {  	v6 =	vld.idx.msk [tilespmem:v17+s23+$0x0], $0xffff;
	v4 =	vshll.u32 v52, $0x7  }
0x63f: {  	v17 =	vld.idx.msk [tilespmem:v29+s23+$0x0], $0xffff;
	v29 =	vadd.s32 v10, v4  }
0x640: {  	v35 =	vld.idx.msk [tilespmem:v35+s23+$0x0], $0xffff;
	v16 =	vadd.s32 v16, v4  }
0x641: {  	v49 =	vld.idx.msk [tilespmem:v48+s23+$0x0], $0xffff  }
0x642: {  	v37 =	vld.idx.msk [tilespmem:v3+s23+$0x0], $0xffff;
	v3 =	vadd.s32 v60, v2;
	v60 =	vadd.s32 v18, v4  }
0x643: {  	v50 =	vld.idx.msk [tilespmem:v5+s23+$0x0], $0xffff  }
0x644: {  	v26 =	vld.idx.msk [tilespmem:v29+s23+$0x0], $0xffff  }
0x645: {  	v29 =	vld.idx.msk [tilespmem:v16+s23+$0x0], $0xffff  }
0x646: {  	v9 =	vadd.s32 v9, v4;
	v16 =	vld [tilespmem:$0x1E8F0]  }
0x647: {  	v48 =	vadd.s32 v30, v4;
	v30 =	vld.idx.msk [tilespmem:v60+s23+$0x0], $0xffff  }
0x648: {  	v60 =	vld [tilespmem:$0x1E930]  }
0x649: {  	v5 =	vld.idx.msk [tilespmem:v38+s23+$0x0], $0xffff;
	v38 =	vadd.s32 v15, v4  }
0x64a: {  	v15 =	vadd.s32 v20, v4;
	v20 =	vld [tilespmem:$0x1E910]  }
0x64b: {  	v27 =	vadd.s32 v22, v4;
	v53 =	vld.idx.msk [tilespmem:v9+s23+$0x0], $0xffff  }
0x64c: {  	v23 =	vld.idx.msk [tilespmem:v3+s23+$0x0], $0xffff;
	v3 =	vadd.s32 v31, v4;
	v18 =	vadd.s32 v16, v0  }
0x64d: {  	v28 =	vadd.s32 v28, v4;
	v31 =	vor.u32 v1, v18;
	v18 =	vadd.s32 v60, v0;
	v60 =	vld [tilespmem:$0x1E950]  }
0x64e: {  	v38 =	vld.idx.msk [tilespmem:v38+s23+$0x0], $0xffff  }
0x64f: {  	v9 =	vld.idx.msk [tilespmem:v15+s23+$0x0], $0xffff;
	v15 =	vadd.s32 v33, v4;
	v22 =	vadd.s32 v20, v0;
	v33 =	vadd.s32 v40, v4  }
0x650: {  	v27 =	vld.idx.msk [tilespmem:v27+s23+$0x0], $0xffff;
	v40 =	vadd.s32 v57, v4;
	v57 =	vadd.s32 v58, v4;
	v16 =	vor.u32 v1, v22  }
0x651: {  	v58 =	vadd.s32 v41, v4;
	v20 =	vld.idx.msk [tilespmem:v3+s23+$0x0], $0xffff;
	v3 =	vand.u32 $0xFFFFFF80, v52;
	v22 =	vor.u32 v1, v18  }
0x652: {  	v28 =	vld.idx.msk [tilespmem:v28+s23+$0x0], $0xffff;
	v41 =	vadd.s32 v11, v3;
	v55 =	vadd.s32 v55, v3;
	v10 =	vadd.s32 v60, v0  }
0x653: {  	v60 =	vld.idx.msk [tilespmem:v48+s23+$0x0], $0xffff;
	v48 =	vand.u32 $0x7F, v52;
	v18 =	vor.u32 v1, v10;
	v10 =	vadd.s32 v62, v4  }
0x654: {  	v15 =	vld.idx.msk [tilespmem:v15+s23+$0x0], $0xffff;
	v11 =	vadd.s32 v43, v3;
	[tilespmem:v31+s28+$0x0] =	vst.idx.msk $0xffff, v7;
	v52 =	vor.u32 v48, v41  }
0x655: {  	v12 =	vadd.s32 v12, v3;
	v7 =	vld.idx.msk [tilespmem:v40+s23+$0x0], $0xffff;
	v40 =	vadd.s32 v47, v3;
	[tilespmem:v16+s28+$0x0] =	vst.idx.msk $0xffff, v8  }
0x656: {  	v33 =	vld.idx.msk [tilespmem:v33+s23+$0x0], $0xffff;
	v31 =	vor.u32 v48, v55;
	v62 =	vadd.s32 v54, v3;
	v55 =	vadd.s32 v42, v3  }
0x657: {  	v8 =	vld.idx.msk [tilespmem:v57+s23+$0x0], $0xffff;
	[tilespmem:v22+s28+$0x0] =	vst.idx.msk $0xffff, v25;
	v43 =	vor.u32 v48, v12;
	v54 =	vor.u32 v48, v62  }
0x658: {  	v57 =	vor.u32 v48, v55;
	v62 =	vadd.s32 v56, v3;
	v10 =	vld.idx.msk [tilespmem:v10+s23+$0x0], $0xffff;
	[tilespmem:v18+s28+$0x0] =	vst.idx.msk $0xffff, v32  }
0x659: {  	v12 =	vadd.s32 v45, v3;
	v25 =	vor.u32 v48, v62;
	v18 =	vld.idx.msk [tilespmem:v58+s23+$0x0], $0xffff;
	[tilespmem:v52+s28+$0x0] =	vst.idx.msk $0xffff, v53  }
0x65a: {  	v32 =	vor.u32 v48, v11;
	v58 =	vadd.s32 v13, v3;
	v13 =	vor.u32 v48, v12;
	v12 =	vld [tilespmem:$0x1E970]  }
0x65b: {  	v47 =	vld [tilespmem:$0x1E160];
	v56 =	vadd.s32 v39, v3;
	v52 =	vadd.s32 v44, v3;
	[tilespmem:v31+s28+$0x0] =	vst.idx.msk $0xffff, v26  }
0x65c: {  	v45 =	vld [tilespmem:$0x1E140];
	v53 =	vor.u32 v48, v52;
	[tilespmem:v54+s28+$0x0] =	vst.idx.msk $0xffff, v38;
	v54 =	vadd.s32 v21, v3  }
0x65d: {  	v62 =	vor.u32 v48, v58;
	v58 =	vld [tilespmem:$0x1E9D0];
	[tilespmem:v57+s28+$0x0] =	vst.idx.msk $0xffff, v29;
	v55 =	vor.u32 v48, v54  }
0x65e: {  	v42 =	vadd.s32 v14, v4;
	v57 =	vor.u32 v48, v56;
	v56 =	vld [tilespmem:$0x1E1A0];
	[tilespmem:v25+s28+$0x0] =	vst.idx.msk $0xffff, v30  }
0x65f: {  	v14 =	vld [tilespmem:$0x1E9B0];
	[tilespmem:v32+s28+$0x0] =	vst.idx.msk $0xffff, v9;
	v32 =	vadd.s32 v46, v3;
	v46 =	vadd.s32 v12, v0  }
0x660: {  	[tilespmem:v43+s28+$0x0] =	vst.idx.msk $0xffff, v27;
	v16 =	vor.u32 v1, v46;
	v46 =	vld [tilespmem:$0x1E260]  }
0x661: {  	[tilespmem:v53+s28+$0x0] =	vst.idx.msk $0xffff, v28;
	v53 =	vld [tilespmem:$0x1E180]  }
0x662: {  	[tilespmem:v55+s28+$0x0] =	vst.idx.msk $0xffff, v60;
	v60 =	vadd.s32 v58, v0;
	v58 =	vld [tilespmem:$0x1EA30]  }
0x663: {  	v30 =	vadd.s32 v36, v3;
	[tilespmem:v57+s28+$0x0] =	vst.idx.msk $0xffff, v20;
	v57 =	vadd.s32 v56, v4;
	v56 =	vld [tilespmem:$0x1E0F0]  }
0x664: {  	v31 =	vor.u32 v48, v30;
	v26 =	vor.u32 v1, v60;
	v60 =	vld [tilespmem:$0x1E110]  }
0x665: {  	v36 =	vor.u32 v48, v32;
	[tilespmem:v62+s28+$0x0] =	vst.idx.msk $0xffff, v15;
	v62 =	vld [tilespmem:$0x1E1C0]  }
0x666: {  	v38 =	vadd.s32 v19, v3;
	[tilespmem:v13+s28+$0x0] =	vst.idx.msk $0xffff, v33;
	v13 =	vld [tilespmem:$0x1E990]  }
0x667: {  	v39 =	vor.u32 v48, v38;
	v33 =	vld [tilespmem:$0x1E1E0]  }
0x668: {  	v41 =	vor.u32 v48, v40;
	v9 =	vadd.s32 v47, v4;
	v47 =	vadd.s32 v46, v4;
	v46 =	vld [tilespmem:$0x1E170]  }
0x669: {  	[tilespmem:v31+s28+$0x0] =	vst.idx.msk $0xffff, v7;
	v31 =	vld [tilespmem:$0x1E9F0]  }
0x66a: {  	v43 =	vadd.s32 v34, v4;
	[tilespmem:v36+s28+$0x0] =	vst.idx.msk $0xffff, v8;
	v36 =	vld [tilespmem:$0x1EA10]  }
0x66b: {  	v44 =	vadd.s32 v63, v4;
	[tilespmem:v16+s28+$0x0] =	vst.idx.msk $0xffff, v59;
	v59 =	vadd.s32 v58, v0;
	v58 =	vld [tilespmem:$0x1E1B0]  }
0x66c: {  	[tilespmem:v39+s28+$0x0] =	vst.idx.msk $0xffff, v10;
	v39 =	vld [tilespmem:$0x1E200]  }
0x66d: {  	[tilespmem:v41+s28+$0x0] =	vst.idx.msk $0xffff, v18;
	v63 =	vadd.s32 v62, v4;
	v62 =	vld [tilespmem:$0x1E130]  }
0x66e: {  	v54 =	vadd.s32 v53, v4;
	v15 =	vld.idx.msk [tilespmem:v42+s23+$0x0], $0xffff  }
0x66f: {  	v7 =	vld.idx.msk [tilespmem:v43+s23+$0x0], $0xffff  }
0x670: {  	v8 =	vld.idx.msk [tilespmem:v44+s23+$0x0], $0xffff  }
0x671: {  	v9 =	vld.idx.msk [tilespmem:v9+s23+$0x0], $0xffff  }
0x672: {  	v44 =	vld [tilespmem:$0x1E240]  }
0x673: {  	v10 =	vadd.s32 v45, v4;
	v52 =	vadd.s32 v13, v0;
	v20 =	vld.idx.msk [tilespmem:v54+s23+$0x0], $0xffff  }
0x674: {  	v55 =	vadd.s32 v14, v0;
	v18 =	vor.u32 v1, v52;
	v54 =	vld [tilespmem:$0x1E2C0]  }
0x675: {  	v22 =	vor.u32 v1, v55;
	v42 =	vld [tilespmem:$0x1E220]  }
0x676: {  	v27 =	vld.idx.msk [tilespmem:v47+s23+$0x0], $0xffff  }
0x677: {  	v52 =	vld [tilespmem:$0x1E2A0]  }
0x678: {  	v10 =	vld.idx.msk [tilespmem:v10+s23+$0x0], $0xffff  }
0x679: {  	v45 =	vadd.s32 v44, v4;
	v44 =	vld [tilespmem:$0x1E150];
	[tilespmem:v18+s28+$0x0] =	vst.idx.msk $0xffff, v61;
	v55 =	vadd.s32 v54, v4  }
0x67a: {  	v18 =	vld.idx.msk [tilespmem:v57+s23+$0x0], $0xffff;
	[tilespmem:v22+s28+$0x0] =	vst.idx.msk $0xffff, v51  }
0x67b: {  	v34 =	vadd.s32 v33, v4;
	v32 =	vadd.s32 v31, v0;
	[tilespmem:v26+s28+$0x0] =	vst.idx.msk $0xffff, v50;
	v50 =	vld [tilespmem:$0x1E280]  }
0x67c: {  	v28 =	vor.u32 v1, v32;
	v40 =	vadd.s32 v39, v4;
	v61 =	vadd.s32 v60, v3;
	v22 =	vld.idx.msk [tilespmem:v63+s23+$0x0], $0xffff  }
0x67d: {  	v38 =	vadd.s32 v36, v0;
	v32 =	vor.u32 v48, v61;
	v61 =	vld [tilespmem:$0x1E1D0]  }
0x67e: {  	v41 =	vor.u32 v1, v38;
	v43 =	vadd.s32 v42, v4;
	v16 =	vld.idx.msk [tilespmem:v55+s23+$0x0], $0xffff  }
0x67f: {  	v53 =	vadd.s32 v52, v4;
	v57 =	vadd.s32 v56, v3;
	v55 =	vld [tilespmem:$0x1E190]  }
0x680: {  	v30 =	vor.u32 v48, v57;
	v26 =	vld.idx.msk [tilespmem:v34+s23+$0x0], $0xffff;
	v51 =	vadd.s32 v50, v4  }
0x681: {  	v63 =	vadd.s32 v62, v3;
	[tilespmem:v28+s28+$0x0] =	vst.idx.msk $0xffff, v24;
	v24 =	vld.idx.msk [tilespmem:v40+s23+$0x0], $0xffff  }
0x682: {  	v33 =	vor.u32 v48, v63;
	v25 =	vld.idx.msk [tilespmem:v45+s23+$0x0], $0xffff;
	v45 =	vadd.s32 v44, v3  }
0x683: {  	v47 =	vadd.s32 v46, v3;
	[tilespmem:v41+s28+$0x0] =	vst.idx.msk $0xffff, v6;
	v6 =	vld.idx.msk [tilespmem:v43+s23+$0x0], $0xffff;
	v40 =	vor.u32 v48, v45  }
0x684: {  	v31 =	vor.u32 v1, v59;
	v28 =	vld.idx.msk [tilespmem:v53+s23+$0x0], $0xffff;
	v50 =	vor.u32 v48, v47;
	v56 =	vadd.s32 v55, v3  }
0x685: {  	v59 =	vadd.s32 v58, v3;
	v57 =	vor.u32 v48, v56;
	v29 =	vld.idx.msk [tilespmem:v51+s23+$0x0], $0xffff;
	[tilespmem:v30+s28+$0x0] =	vst.idx.msk $0xffff, v15  }
0x686: {  	v19 =	vld [tilespmem:$0x1EA50];
	v60 =	vor.u32 v48, v59;
	v62 =	vadd.s32 v61, v3;
	[tilespmem:v32+s28+$0x0] =	vst.idx.msk $0xffff, v7  }
0x687: {  	v39 =	vld [tilespmem:$0x1E210];
	v63 =	vor.u32 v48, v62;
	[tilespmem:v33+s28+$0x0] =	vst.idx.msk $0xffff, v8  }
0x688: {  	v54 =	vld [tilespmem:$0x1EA70];
	[tilespmem:v40+s28+$0x0] =	vst.idx.msk $0xffff, v10  }
0x689: {  	v42 =	vld [tilespmem:$0x1E230];
	[tilespmem:v50+s28+$0x0] =	vst.idx.msk $0xffff, v9  }
0x68a: {  	v45 =	vld [tilespmem:$0x1E250];
	[tilespmem:v57+s28+$0x0] =	vst.idx.msk $0xffff, v20  }
0x68b: {  	v33 =	vld [tilespmem:$0x1E1F0];
	[tilespmem:v60+s28+$0x0] =	vst.idx.msk $0xffff, v18  }
0x68c: {  	v50 =	vld [tilespmem:$0x1E270];
	[tilespmem:v63+s28+$0x0] =	vst.idx.msk $0xffff, v22  }
0x68d: {  	v51 =	vadd.s32 v54, v0;
	v54 =	vld [tilespmem:$0x1E290]  }
0x68e: {  	v57 =	vld [tilespmem:$0x1E2B0]  }
0x68f: {  	v60 =	vld [tilespmem:$0x1E2D0]  }
0x690: {  	v22 =	vld [tilespmem:$0x1EA90]  }
0x691: {  	v30 =	vld [tilespmem:$0x1EAB0]  }
0x692: {  	v21 =	vadd.s32 v19, v0;
	v40 =	vadd.s32 v39, v3;
	v34 =	vadd.s32 v33, v3;
	v33 =	vld [tilespmem:$0x1E320]  }
0x693: {  	v38 =	vor.u32 v1, v21;
	v41 =	vor.u32 v48, v40;
	v40 =	vld [tilespmem:$0x1E360]  }
0x694: {  	v43 =	vadd.s32 v42, v3;
	v46 =	vadd.s32 v45, v3;
	v42 =	vld [tilespmem:$0x1E380]  }
0x695: {  	v47 =	vor.u32 v48, v46;
	v46 =	vld [tilespmem:$0x1E3C0]  }
0x696: {  	v62 =	vor.u32 v1, v51;
	v51 =	vld [tilespmem:$0x1E400]  }
0x697: {  	[tilespmem:v31+s28+$0x0] =	vst.idx.msk $0xffff, v37;
	v37 =	vld [tilespmem:$0x1EBA0]  }
0x698: {  	[tilespmem:v38+s28+$0x0] =	vst.idx.msk $0xffff, v35;
	v38 =	vld [tilespmem:$0x1E480]  }
0x699: {  	v19 =	vld [tilespmem:$0x1EC60]  }
0x69a: {  	v21 =	vld [tilespmem:$0x1E350]  }
0x69b: {  	v36 =	vor.u32 v48, v34;
	v34 =	vld [tilespmem:$0x1E340]  }
0x69c: {  	[tilespmem:v62+s28+$0x0] =	vst.idx.msk $0xffff, v17;
	v62 =	vld [tilespmem:$0x1E460]  }
0x69d: {  	v52 =	vadd.s32 v50, v3;
	v50 =	vld [tilespmem:$0x1E3E0]  }
0x69e: {  	v55 =	vadd.s32 v54, v3;
	v54 =	vld [tilespmem:$0x1E420]  }
0x69f: {  	v58 =	vadd.s32 v57, v3;
	v57 =	vld [tilespmem:$0x1EB20]  }
0x6a0: {  	v61 =	vadd.s32 v60, v3;
	v60 =	vld [tilespmem:$0x1EB40]  }
0x6a1: {  	v44 =	vor.u32 v48, v43;
	v43 =	vadd.s32 v42, v4;
	v42 =	vld [tilespmem:$0x1EC00]  }
0x6a2: {  	[tilespmem:v36+s28+$0x0] =	vst.idx.msk $0xffff, v26;
	v26 =	vld [tilespmem:$0x1E2E0]  }
0x6a3: {  	v36 =	vld [tilespmem:$0x1EAD0]  }
0x6a4: {  	v59 =	vor.u32 v48, v58;
	v58 =	vld [tilespmem:$0x1E440]  }
0x6a5: {  	v53 =	vor.u32 v48, v52;
	v63 =	vor.u32 v48, v61;
	v61 =	vld [tilespmem:$0x1EB60]  }
0x6a6: {  	v9 =	vadd.s32 v34, v4;
	v34 =	vadd.s32 v21, v3;
	v21 =	vld [tilespmem:$0x1E4B0];
	[tilespmem:v41+s28+$0x0] =	vst.idx.msk $0xffff, v24  }
0x6a7: {  	[tilespmem:v44+s28+$0x0] =	vst.idx.msk $0xffff, v6;
	v44 =	vld [tilespmem:$0x1E3A0]  }
0x6a8: {  	v56 =	vor.u32 v48, v55;
	v6 =	vadd.s32 v40, v4;
	v40 =	vld [tilespmem:$0x1EBE0]  }
0x6a9: {  	[tilespmem:v47+s28+$0x0] =	vst.idx.msk $0xffff, v25;
	v47 =	vadd.s32 v46, v4;
	v46 =	vld [tilespmem:$0x1EC20]  }
0x6aa: {  	[tilespmem:v53+s28+$0x0] =	vst.idx.msk $0xffff, v27;
	v27 =	vld [tilespmem:$0x1E300]  }
0x6ab: {  	v53 =	vld [tilespmem:$0x1EAE0]  }
0x6ac: {  	v32 =	vadd.s32 v30, v0;
	v30 =	vadd.s32 v37, v2;
	v37 =	vadd.s32 v42, v2;
	v42 =	vld [tilespmem:$0x1ECA0]  }
0x6ad: {  	v10 =	vadd.s32 v33, v4;
	v24 =	vadd.s32 v22, v0;
	[tilespmem:v56+s28+$0x0] =	vst.idx.msk $0xffff, v29;
	v56 =	vld [tilespmem:$0x1EB00]  }
0x6ae: {  	v15 =	vor.u32 v1, v24;
	v39 =	vadd.s32 v36, v0;
	v36 =	vld [tilespmem:$0x1EB80]  }
0x6af: {  	v41 =	vor.u32 v1, v39;
	v39 =	vld [tilespmem:$0x1EBC0]  }
0x6b0: {  	v18 =	vor.u32 v1, v32;
	[tilespmem:v59+s28+$0x0] =	vst.idx.msk $0xffff, v28;
	v45 =	vadd.s32 v44, v4;
	v44 =	vld [tilespmem:$0x1E2F0]  }
0x6b1: {  	[tilespmem:v63+s28+$0x0] =	vst.idx.msk $0xffff, v16;
	v63 =	vadd.s32 v62, v4;
	v62 =	vld [tilespmem:$0x1E330]  }
0x6b2: {  	v52 =	vadd.s32 v51, v4;
	v10 =	vld.idx.msk [tilespmem:v10+s23+$0x0], $0xffff  }
0x6b3: {  	[tilespmem:v15+s28+$0x0] =	vst.idx.msk $0xffff, v5;
	v5 =	vld.idx.msk [tilespmem:v9+s23+$0x0], $0xffff  }
0x6b4: {  	v31 =	vadd.s32 v38, v4;
	v6 =	vld.idx.msk [tilespmem:v6+s23+$0x0], $0xffff  }
0x6b5: {  	[tilespmem:v18+s28+$0x0] =	vst.idx.msk $0xffff, v49;
	v18 =	vld.idx.msk [tilespmem:v43+s23+$0x0], $0xffff  }
0x6b6: {  	v55 =	vadd.s32 v54, v4;
	v17 =	vld.idx.msk [tilespmem:v47+s23+$0x0], $0xffff  }
0x6b7: {  	v15 =	vld.idx.msk [tilespmem:v52+s23+$0x0], $0xffff  }
0x6b8: {  	v43 =	vld [tilespmem:$0x1E4C0]  }
0x6b9: {  	v7 =	vadd.s32 v26, v4;
	v31 =	vld.idx.msk [tilespmem:v31+s23+$0x0], $0xffff  }
0x6ba: {  	v49 =	vadd.s32 v46, v2;
	v46 =	vld [tilespmem:$0x1E3B0]  }
0x6bb: {  	v20 =	vld.idx.msk [tilespmem:v55+s23+$0x0], $0xffff  }
0x6bc: {  	v59 =	vadd.s32 v58, v4;
	v8 =	vadd.s32 v27, v4;
	v27 =	vadd.s32 v61, v2;
	v61 =	vld [tilespmem:$0x1EC40]  }
0x6bd: {  	v55 =	vld [tilespmem:$0x1E3D0]  }
0x6be: {  	v7 =	vld.idx.msk [tilespmem:v7+s23+$0x0], $0xffff  }
0x6bf: {  	v29 =	vadd.s32 v36, v2;
	v36 =	vld [tilespmem:$0x1EC80]  }
0x6c0: {  	[tilespmem:v41+s28+$0x0] =	vst.idx.msk $0xffff, v23;
	v41 =	vld [tilespmem:$0x1E4A0]  }
0x6c1: {  	v52 =	vld.idx.msk [tilespmem:v59+s23+$0x0], $0xffff  }
0x6c2: {  	v26 =	vadd.s32 v60, v2;
	v59 =	vld [tilespmem:$0x1E310]  }
0x6c3: {  	v9 =	vadd.s32 v50, v4;
	v32 =	vadd.s32 v39, v2;
	v39 =	vld [tilespmem:$0x1E370]  }
0x6c4: {  	v23 =	vadd.s32 v57, v2;
	v57 =	vadd.s32 v19, v2;
	v19 =	vld [tilespmem:$0x1EB50]  }
0x6c5: {  	v25 =	vld.idx.msk [tilespmem:v45+s23+$0x0], $0xffff  }
0x6c6: {  	v16 =	vadd.s32 v53, v2;
	v28 =	vld.idx.msk [tilespmem:v63+s23+$0x0], $0xffff  }
0x6c7: {  	v22 =	vadd.s32 v56, v2;
	v26 =	vld.idx.msk [tilespmem:v26+s23+$0x0], $0xffff  }
0x6c8: {  	v9 =	vld.idx.msk [tilespmem:v9+s23+$0x0], $0xffff  }
0x6c9: {  	v38 =	vadd.s32 v43, v4;
	v43 =	vld [tilespmem:$0x1E390]  }
0x6ca: {  	v8 =	vld.idx.msk [tilespmem:v8+s23+$0x0], $0xffff  }
0x6cb: {  	v16 =	vld.idx.msk [tilespmem:v16+s23+$0x0], $0xffff  }
0x6cc: {  	v45 =	vadd.s32 v44, v3;
	v22 =	vld.idx.msk [tilespmem:v22+s23+$0x0], $0xffff  }
0x6cd: {  	v47 =	vor.u32 v48, v45;
	v24 =	vld.idx.msk [tilespmem:v29+s23+$0x0], $0xffff  }
0x6ce: {  	v53 =	vadd.s32 v61, v2;
	v56 =	vadd.s32 v55, v3;
	v35 =	vadd.s32 v41, v4;
	v61 =	vld.idx.msk [tilespmem:v32+s23+$0x0], $0xffff  }
0x6cf: {  	v60 =	vadd.s32 v59, v3;
	v41 =	vadd.s32 v39, v3;
	v59 =	vor.u32 v48, v56;
	v56 =	vld [tilespmem:$0x1E490]  }
0x6d0: {  	v33 =	vadd.s32 v40, v2;
	v40 =	vor.u32 v48, v60;
	v51 =	vor.u32 v48, v41;
	v41 =	vld [tilespmem:$0x1E410]  }
0x6d1: {  	v63 =	vadd.s32 v62, v3;
	v38 =	vld.idx.msk [tilespmem:v38+s23+$0x0], $0xffff  }
0x6d2: {  	v50 =	vor.u32 v48, v63;
	v44 =	vadd.s32 v43, v3;
	v43 =	vld [tilespmem:$0x1E430]  }
0x6d3: {  	v60 =	vld.idx.msk [tilespmem:v35+s23+$0x0], $0xffff  }
0x6d4: {  	v35 =	vor.u32 v48, v34;
	[tilespmem:v47+s28+$0x0] =	vst.idx.msk $0xffff, v7;
	v34 =	vld [tilespmem:$0x1E3F0]  }
0x6d5: {  	v58 =	vadd.s32 v36, v2;
	[tilespmem:v40+s28+$0x0] =	vst.idx.msk $0xffff, v8;
	v40 =	vld.idx.msk [tilespmem:v23+s23+$0x0], $0xffff  }
0x6d6: {  	v62 =	vadd.s32 v42, v2;
	v42 =	vadd.s32 v41, v3;
	v41 =	vld [tilespmem:$0x1E500]  }
0x6d7: {  	[tilespmem:v50+s28+$0x0] =	vst.idx.msk $0xffff, v10;
	v50 =	vld.idx.msk [tilespmem:v27+s23+$0x0], $0xffff  }
0x6d8: {  	v27 =	vld [tilespmem:$0x1ECC0]  }
0x6d9: {  	v23 =	vor.u32 v48, v42;
	v42 =	vld [tilespmem:$0x1E520]  }
0x6da: {  	[tilespmem:v35+s28+$0x0] =	vst.idx.msk $0xffff, v5;
	v35 =	vld.idx.msk [tilespmem:v58+s23+$0x0], $0xffff  }
0x6db: {  	v5 =	vld.idx.msk [tilespmem:v62+s23+$0x0], $0xffff  }
0x6dc: {  	v58 =	vld [tilespmem:$0x1E600]  }
0x6dd: {  	v45 =	vor.u32 v48, v44;
	v47 =	vadd.s32 v46, v3;
	v62 =	vld [tilespmem:$0x1E620]  }
0x6de: {  	v54 =	vor.u32 v48, v47;
	v36 =	vadd.s32 v34, v3;
	v34 =	vld [tilespmem:$0x1E6A0]  }
0x6df: {  	[tilespmem:v51+s28+$0x0] =	vst.idx.msk $0xffff, v6;
	v51 =	vld [tilespmem:$0x1E470]  }
0x6e0: {  	v39 =	vor.u32 v48, v36;
	v36 =	vld [tilespmem:$0x1EAF0]  }
0x6e1: {  	v10 =	vadd.s32 v41, v4;
	v41 =	vld [tilespmem:$0x1EB10]  }
0x6e2: {  	v6 =	vadd.s32 v43, v3;
	[tilespmem:v45+s28+$0x0] =	vst.idx.msk $0xffff, v18;
	v45 =	vld [tilespmem:$0x1E450]  }
0x6e3: {  	v44 =	vor.u32 v48, v6;
	v6 =	vld.idx.msk [tilespmem:v30+s23+$0x0], $0xffff;
	[tilespmem:v54+s28+$0x0] =	vst.idx.msk $0xffff, v25  }
0x6e4: {  	[tilespmem:v59+s28+$0x0] =	vst.idx.msk $0xffff, v17;
	v59 =	vadd.s32 v56, v3;
	v56 =	vld [tilespmem:$0x1E5E0]  }
0x6e5: {  	v63 =	vor.u32 v48, v59;
	v59 =	vld.idx.msk [tilespmem:v37+s23+$0x0], $0xffff  }
0x6e6: {  	v29 =	vadd.s32 v27, v2;
	v37 =	vld.idx.msk [tilespmem:v57+s23+$0x0], $0xffff  }
0x6e7: {  	v54 =	vadd.s32 v51, v3;
	v51 =	vld.idx.msk [tilespmem:v33+s23+$0x0], $0xffff  }
0x6e8: {  	[tilespmem:v39+s28+$0x0] =	vst.idx.msk $0xffff, v9;
	v39 =	vld [tilespmem:$0x1E4E0]  }
0x6e9: {  	v9 =	vadd.s32 v21, v3;
	v21 =	vadd.s32 v19, v0;
	v19 =	vld [tilespmem:$0x1E5B0]  }
0x6ea: {  	[tilespmem:v23+s28+$0x0] =	vst.idx.msk $0xffff, v15;
	v23 =	vld [tilespmem:$0x1E4D0]  }
0x6eb: {  	v17 =	vld.idx.msk [tilespmem:v29+s23+$0x0], $0xffff  }
0x6ec: {  	v46 =	vadd.s32 v45, v3;
	v45 =	vld [tilespmem:$0x1E560]  }
0x6ed: {  	v43 =	vadd.s32 v42, v4;
	v42 =	vadd.s32 v41, v0;
	v55 =	vor.u32 v48, v54;
	v54 =	vld [tilespmem:$0x1E5C0]  }
0x6ee: {  	v32 =	vor.u32 v1, v42;
	v42 =	vld [tilespmem:$0x1E510]  }
0x6ef: {  	[tilespmem:v44+s28+$0x0] =	vst.idx.msk $0xffff, v20;
	v44 =	vld [tilespmem:$0x1E540]  }
0x6f0: {  	v47 =	vor.u32 v48, v46;
	v46 =	vld [tilespmem:$0x1E580]  }
0x6f1: {  	v57 =	vadd.s32 v56, v4;
	v56 =	vld [tilespmem:$0x1E570]  }
0x6f2: {  	v8 =	vadd.s32 v39, v4;
	v39 =	vld [tilespmem:$0x1E640]  }
0x6f3: {  	v9 =	vor.u32 v48, v9;
	v25 =	vadd.s32 v23, v3;
	v23 =	vld.idx.msk [tilespmem:v49+s23+$0x0], $0xffff  }
0x6f4: {  	v49 =	vld.idx.msk [tilespmem:v53+s23+$0x0], $0xffff  }
0x6f5: {  	v30 =	vor.u32 v48, v25;
	[tilespmem:v47+s28+$0x0] =	vst.idx.msk $0xffff, v52;
	v52 =	vld [tilespmem:$0x1E5A0]  }
0x6f6: {  	v47 =	vadd.s32 v46, v4;
	v46 =	vld [tilespmem:$0x1E680];
	[tilespmem:v55+s28+$0x0] =	vst.idx.msk $0xffff, v28  }
0x6f7: {  	v55 =	vadd.s32 v54, v4;
	v54 =	vld [tilespmem:$0x1E550];
	[tilespmem:v63+s28+$0x0] =	vst.idx.msk $0xffff, v31  }
0x6f8: {  	[tilespmem:v9+s28+$0x0] =	vst.idx.msk $0xffff, v60;
	v9 =	vadd.s32 v44, v4;
	v44 =	vld [tilespmem:$0x1EB30]  }
0x6f9: {  	v31 =	vadd.s32 v39, v4;
	v39 =	vld [tilespmem:$0x1E4F0]  }
0x6fa: {  	v7 =	vadd.s32 v45, v4;
	[tilespmem:v30+s28+$0x0] =	vst.idx.msk $0xffff, v38;
	v38 =	vadd.s32 v36, v0;
	v36 =	vld [tilespmem:$0x1E6C0]  }
0x6fb: {  	v53 =	vadd.s32 v52, v4;
	v52 =	vld [tilespmem:$0x1E630]  }
0x6fc: {  	v8 =	vld.idx.msk [tilespmem:v8+s23+$0x0], $0xffff  }
0x6fd: {  	v10 =	vld.idx.msk [tilespmem:v10+s23+$0x0], $0xffff  }
0x6fe: {  	v15 =	vld.idx.msk [tilespmem:v43+s23+$0x0], $0xffff  }
0x6ff: {  	v63 =	vadd.s32 v62, v4;
	v7 =	vld.idx.msk [tilespmem:v7+s23+$0x0], $0xffff  }
0x700: {  	v18 =	vld.idx.msk [tilespmem:v47+s23+$0x0], $0xffff  }
0x701: {  	v60 =	vadd.s32 v58, v4;
	v25 =	vld.idx.msk [tilespmem:v55+s23+$0x0], $0xffff  }
0x702: {  	v43 =	vld [tilespmem:$0x1E660]  }
0x703: {  	v27 =	vld.idx.msk [tilespmem:v57+s23+$0x0], $0xffff  }
0x704: {  	v29 =	vld.idx.msk [tilespmem:v63+s23+$0x0], $0xffff  }
0x705: {  	v9 =	vld.idx.msk [tilespmem:v9+s23+$0x0], $0xffff  }
0x706: {  	v28 =	vld.idx.msk [tilespmem:v60+s23+$0x0], $0xffff  }
0x707: {  	v30 =	vor.u32 v1, v38;
	v45 =	vadd.s32 v44, v0;
	v31 =	vld.idx.msk [tilespmem:v31+s23+$0x0], $0xffff  }
0x708: {  	v47 =	vadd.s32 v46, v4;
	v38 =	vor.u32 v1, v45;
	v45 =	vld [tilespmem:$0x1E530]  }
0x709: {  	v20 =	vld.idx.msk [tilespmem:v53+s23+$0x0], $0xffff  }
0x70a: {  	v57 =	vadd.s32 v34, v4;
	v58 =	vadd.s32 v36, v4;
	v36 =	vld [tilespmem:$0x1E5D0]  }
0x70b: {  	v53 =	vor.u32 v1, v21;
	v21 =	vadd.s32 v19, v3;
	v19 =	vld [tilespmem:$0x1EBF0]  }
0x70c: {  	v33 =	vadd.s32 v43, v4;
	v43 =	vadd.s32 v42, v3;
	[tilespmem:v30+s28+$0x0] =	vst.idx.msk $0xffff, v16;
	v42 =	vld [tilespmem:$0x1E5F0]  }
0x70d: {  	[tilespmem:v32+s28+$0x0] =	vst.idx.msk $0xffff, v22;
	v22 =	vld.idx.msk [tilespmem:v47+s23+$0x0], $0xffff  }
0x70e: {  	v32 =	vld [tilespmem:$0x1E6D0]  }
0x70f: {  	[tilespmem:v38+s28+$0x0] =	vst.idx.msk $0xffff, v40;
	v38 =	vld.idx.msk [tilespmem:v57+s23+$0x0], $0xffff  }
0x710: {  	v46 =	vadd.s32 v45, v3;
	v45 =	vld [tilespmem:$0x1E610]  }
0x711: {  	[tilespmem:v53+s28+$0x0] =	vst.idx.msk $0xffff, v26;
	v26 =	vld.idx.msk [tilespmem:v58+s23+$0x0], $0xffff  }
0x712: {  	v41 =	vadd.s32 v39, v3;
	v58 =	vld [tilespmem:$0x1E590]  }
0x713: {  	v60 =	vor.u32 v48, v41;
	v39 =	vadd.s32 v36, v3;
	v36 =	vld [tilespmem:$0x1E6E0]  }
0x714: {  	v44 =	vor.u32 v48, v43;
	v53 =	vadd.s32 v52, v3;
	v52 =	vld [tilespmem:$0x1E780]  }
0x715: {  	v55 =	vadd.s32 v54, v3;
	v16 =	vld.idx.msk [tilespmem:v33+s23+$0x0], $0xffff  }
0x716: {  	v33 =	vor.u32 v48, v55;
	v55 =	vld [tilespmem:$0x1E650]  }
0x717: {  	v47 =	vor.u32 v48, v46;
	v41 =	vor.u32 v48, v39;
	v39 =	vld [tilespmem:$0x1E700]  }
0x718: {  	[tilespmem:v60+s28+$0x0] =	vst.idx.msk $0xffff, v8;
	v43 =	vadd.s32 v42, v3;
	v42 =	vld [tilespmem:$0x1E740]  }
0x719: {  	[tilespmem:v44+s28+$0x0] =	vst.idx.msk $0xffff, v10;
	v44 =	vor.u32 v48, v43;
	v43 =	vld [tilespmem:$0x1EB70]  }
0x71a: {  	v57 =	vadd.s32 v56, v3;
	v46 =	vadd.s32 v45, v3;
	v45 =	vld [tilespmem:$0x1E760]  }
0x71b: {  	v40 =	vor.u32 v48, v57;
	v62 =	vadd.s32 v58, v3;
	v58 =	vld [tilespmem:$0x1E670]  }
0x71c: {  	[tilespmem:v47+s28+$0x0] =	vst.idx.msk $0xffff, v15;
	v47 =	vor.u32 v48, v46;
	v46 =	vld [tilespmem:$0x1EB90];
	v63 =	vor.u32 v48, v62  }
0x71d: {  	v34 =	vor.u32 v48, v21;
	v54 =	vor.u32 v48, v53;
	v53 =	vadd.s32 v52, v4;
	v52 =	vld [tilespmem:$0x1E8A0]  }
0x71e: {  	[tilespmem:v33+s28+$0x0] =	vst.idx.msk $0xffff, v9;
	v56 =	vadd.s32 v55, v3;
	v33 =	vadd.s32 v32, v3;
	v32 =	vld [tilespmem:$0x1E7E0]  }
0x71f: {  	v57 =	vor.u32 v48, v56;
	v56 =	vld [tilespmem:$0x1E7A0]  }
0x720: {  	[tilespmem:v40+s28+$0x0] =	vst.idx.msk $0xffff, v7;
	v8 =	vadd.s32 v45, v4;
	v45 =	vld [tilespmem:$0x1E860]  }
0x721: {  	v60 =	vadd.s32 v58, v3;
	v58 =	vld [tilespmem:$0x1EBD0];
	[tilespmem:v63+s28+$0x0] =	vst.idx.msk $0xffff, v18  }
0x722: {  	v63 =	vld [tilespmem:$0x1E690];
	[tilespmem:v34+s28+$0x0] =	vst.idx.msk $0xffff, v20  }
0x723: {  	[tilespmem:v41+s28+$0x0] =	vst.idx.msk $0xffff, v25;
	v25 =	vld [tilespmem:$0x1E6B0]  }
0x724: {  	v62 =	vor.u32 v48, v60;
	v41 =	vld [tilespmem:$0x1E720]  }
0x725: {  	[tilespmem:v44+s28+$0x0] =	vst.idx.msk $0xffff, v27;
	v44 =	vadd.s32 v43, v0;
	v43 =	vld [tilespmem:$0x1E840]  }
0x726: {  	[tilespmem:v47+s28+$0x0] =	vst.idx.msk $0xffff, v28;
	v60 =	vadd.s32 v58, v0;
	v58 =	vld [tilespmem:$0x1EC30]  }
0x727: {  	v47 =	vadd.s32 v46, v0;
	v11 =	vadd.s32 v63, v3;
	[tilespmem:v54+s28+$0x0] =	vst.idx.msk $0xffff, v29;
	v54 =	vld [tilespmem:$0x1EBB0]  }
0x728: {  	v18 =	vor.u32 v1, v47;
	v47 =	vld [tilespmem:$0x1E880];
	v21 =	vor.u32 v48, v11;
	[tilespmem:v57+s28+$0x0] =	vst.idx.msk $0xffff, v31  }
0x729: {  	v27 =	vadd.s32 v25, v3;
	[tilespmem:v62+s28+$0x0] =	vst.idx.msk $0xffff, v16;
	v62 =	vld [tilespmem:$0x1E7C0]  }
0x72a: {  	v57 =	vadd.s32 v56, v4;
	v56 =	vld [tilespmem:$0x1E6F0];
	v30 =	vor.u32 v48, v27  }
0x72b: {  	v34 =	vor.u32 v48, v33;
	v9 =	vadd.s32 v41, v4;
	v41 =	vld [tilespmem:$0x1E820]  }
0x72c: {  	v55 =	vadd.s32 v54, v0;
	v54 =	vld [tilespmem:$0x1E8C0]  }
0x72d: {  	v10 =	vadd.s32 v36, v4;
	[tilespmem:v21+s28+$0x0] =	vst.idx.msk $0xffff, v22;
	v21 =	vadd.s32 v19, v0;
	v19 =	vld [tilespmem:$0x1EC50]  }
0x72e: {  	v40 =	vadd.s32 v39, v4;
	v63 =	vadd.s32 v62, v4;
	v62 =	vld [tilespmem:$0x1E730]  }
0x72f: {  	[tilespmem:v30+s28+$0x0] =	vst.idx.msk $0xffff, v38;
	v38 =	vld [tilespmem:$0x1E800]  }
0x730: {  	v7 =	vadd.s32 v42, v4;
	[tilespmem:v34+s28+$0x0] =	vst.idx.msk $0xffff, v26;
	v34 =	vld [tilespmem:$0x1EC10]  }
0x731: {  	v26 =	vor.u32 v1, v60;
	v60 =	vld [tilespmem:$0x1E710]  }
0x732: {  	v16 =	vor.u32 v1, v44;
	v10 =	vld.idx.msk [tilespmem:v10+s23+$0x0], $0xffff  }
0x733: {  	v15 =	vld.idx.msk [tilespmem:v40+s23+$0x0], $0xffff  }
0x734: {  	v33 =	vadd.s32 v32, v4;
	v9 =	vld.idx.msk [tilespmem:v9+s23+$0x0], $0xffff  }
0x735: {  	v44 =	vadd.s32 v43, v4;
	v7 =	vld.idx.msk [tilespmem:v7+s23+$0x0], $0xffff  }
0x736: {  	v8 =	vld.idx.msk [tilespmem:v8+s23+$0x0], $0xffff  }
0x737: {  	[tilespmem:v16+s28+$0x0] =	vst.idx.msk $0xffff, v50;
	v20 =	vld.idx.msk [tilespmem:v53+s23+$0x0], $0xffff  }
0x738: {  	v46 =	vadd.s32 v45, v4;
	v22 =	vor.u32 v1, v55;
	[tilespmem:v18+s28+$0x0] =	vst.idx.msk $0xffff, v24;
	v18 =	vld.idx.msk [tilespmem:v57+s23+$0x0], $0xffff  }
0x739: {  	v25 =	vld.idx.msk [tilespmem:v33+s23+$0x0], $0xffff  }
0x73a: {  	v24 =	vld.idx.msk [tilespmem:v44+s23+$0x0], $0xffff  }
0x73b: {  	v44 =	vld [tilespmem:$0x1E750]  }
0x73c: {  	v42 =	vadd.s32 v41, v4;
	v55 =	vadd.s32 v54, v4;
	v54 =	vld [tilespmem:$0x1EC70]  }
0x73d: {  	[tilespmem:v22+s28+$0x0] =	vst.idx.msk $0xffff, v6;
	v22 =	vld.idx.msk [tilespmem:v46+s23+$0x0], $0xffff  }
0x73e: {  	v46 =	vld [tilespmem:$0x1E770]  }
0x73f: {  	v28 =	vor.u32 v1, v21;
	v50 =	vadd.s32 v47, v4;
	v21 =	vadd.s32 v19, v0;
	v19 =	vld [tilespmem:$0x1EDE0]  }
0x740: {  	v53 =	vadd.s32 v52, v4;
	v6 =	vld.idx.msk [tilespmem:v63+s23+$0x0], $0xffff  }
0x741: {  	v16 =	vld.idx.msk [tilespmem:v42+s23+$0x0], $0xffff  }
0x742: {  	v42 =	vld [tilespmem:$0x1E830]  }
0x743: {  	v39 =	vadd.s32 v38, v4;
	v38 =	vor.u32 v1, v21;
	v21 =	vld [tilespmem:$0x1EE00]  }
0x744: {  	[tilespmem:v26+s28+$0x0] =	vst.idx.msk $0xffff, v61;
	v26 =	vld.idx.msk [tilespmem:v50+s23+$0x0], $0xffff  }
0x745: {  	[tilespmem:v28+s28+$0x0] =	vst.idx.msk $0xffff, v51;
	v28 =	vld.idx.msk [tilespmem:v53+s23+$0x0], $0xffff  }
0x746: {  	v29 =	vld.idx.msk [tilespmem:v55+s23+$0x0], $0xffff  }
0x747: {  	v36 =	vadd.s32 v34, v0;
	v61 =	vadd.s32 v60, v3;
	v55 =	vld [tilespmem:$0x1E790]  }
0x748: {  	v57 =	vadd.s32 v56, v3;
	v40 =	vor.u32 v1, v36;
	v32 =	vor.u32 v48, v61;
	v61 =	vld [tilespmem:$0x1E7D0]  }
0x749: {  	v30 =	vor.u32 v48, v57;
	v51 =	vadd.s32 v54, v0;
	v54 =	vld [tilespmem:$0x1E890]  }
0x74a: {  	v63 =	vadd.s32 v62, v3;
	v27 =	vld.idx.msk [tilespmem:v39+s23+$0x0], $0xffff  }
0x74b: {  	v33 =	vor.u32 v48, v63;
	v43 =	vadd.s32 v42, v3;
	v39 =	vld [tilespmem:$0x1E810]  }
0x74c: {  	v45 =	vadd.s32 v44, v3;
	v44 =	vor.u32 v48, v43;
	v43 =	vld [tilespmem:$0x1E9A0]  }
0x74d: {  	[tilespmem:v40+s28+$0x0] =	vst.idx.msk $0xffff, v59;
	v59 =	vadd.s32 v58, v0;
	v58 =	vld [tilespmem:$0x1E7B0]  }
0x74e: {  	[tilespmem:v30+s28+$0x0] =	vst.idx.msk $0xffff, v10;
	v40 =	vor.u32 v48, v45;
	v45 =	vld [tilespmem:$0x1E850]  }
0x74f: {  	[tilespmem:v32+s28+$0x0] =	vst.idx.msk $0xffff, v15;
	v32 =	vld [tilespmem:$0x1E900]  }
0x750: {  	v47 =	vadd.s32 v46, v3;
	v56 =	vadd.s32 v55, v3;
	[tilespmem:v33+s28+$0x0] =	vst.idx.msk $0xffff, v9;
	v33 =	vld [tilespmem:$0x1E7F0]  }
0x751: {  	v50 =	vor.u32 v48, v47;
	v62 =	vadd.s32 v61, v3;
	v57 =	vor.u32 v48, v56;
	v56 =	vld [tilespmem:$0x1E8B0]  }
0x752: {  	v63 =	vor.u32 v48, v62;
	v62 =	vld [tilespmem:$0x1ECD0]  }
0x753: {  	v9 =	vadd.s32 v54, v3;
	v54 =	vld [tilespmem:$0x1EF00]  }
0x754: {  	v31 =	vor.u32 v1, v59;
	v59 =	vadd.s32 v58, v3;
	v58 =	vld [tilespmem:$0x1E8D0]  }
0x755: {  	[tilespmem:v40+s28+$0x0] =	vst.idx.msk $0xffff, v7;
	v46 =	vadd.s32 v45, v3;
	v45 =	vld [tilespmem:$0x1E9C0]  }
0x756: {  	v40 =	vadd.s32 v39, v3;
	[tilespmem:v50+s28+$0x0] =	vst.idx.msk $0xffff, v8;
	v50 =	vld [tilespmem:$0x1E870]  }
0x757: {  	v55 =	vor.u32 v48, v9;
	v41 =	vor.u32 v48, v40;
	v40 =	vld [tilespmem:$0x1E960]  }
0x758: {  	v60 =	vor.u32 v48, v59;
	v34 =	vadd.s32 v33, v3;
	v9 =	vadd.s32 v56, v3;
	v56 =	vld [tilespmem:$0x1EF40]  }
0x759: {  	v59 =	vor.u32 v1, v51;
	[tilespmem:v31+s28+$0x0] =	vst.idx.msk $0xffff, v23;
	v36 =	vor.u32 v48, v34;
	v34 =	vld [tilespmem:$0x1E920]  }
0x75a: {  	v39 =	vadd.s32 v62, v0;
	[tilespmem:v38+s28+$0x0] =	vst.idx.msk $0xffff, v49;
	v49 =	vld [tilespmem:$0x1EA00]  }
0x75b: {  	[tilespmem:v57+s28+$0x0] =	vst.idx.msk $0xffff, v20;
	v20 =	vor.u32 v1, v39;
	v39 =	vld [tilespmem:$0x1EE60]  }
0x75c: {  	v47 =	vor.u32 v48, v46;
	v46 =	vadd.s32 v45, v4;
	v45 =	vld [tilespmem:$0x1E910]  }
0x75d: {  	v52 =	vadd.s32 v50, v3;
	v50 =	vld [tilespmem:$0x1EA20]  }
0x75e: {  	[tilespmem:v59+s28+$0x0] =	vst.idx.msk $0xffff, v37;
	v59 =	vld [tilespmem:$0x1EA60]  }
0x75f: {  	[tilespmem:v60+s28+$0x0] =	vst.idx.msk $0xffff, v18;
	v60 =	vld [tilespmem:$0x1EA80]  }
0x760: {  	v37 =	vld [tilespmem:$0x1EAC0]  }
0x761: {  	[tilespmem:v63+s28+$0x0] =	vst.idx.msk $0xffff, v6;
	v63 =	vld [tilespmem:$0x1ECB0]  }
0x762: {  	v7 =	vadd.s32 v34, v4;
	v34 =	vld [tilespmem:$0x1EE20]  }
0x763: {  	[tilespmem:v36+s28+$0x0] =	vst.idx.msk $0xffff, v25;
	v25 =	vld [tilespmem:$0x1EC90]  }
0x764: {  	v53 =	vor.u32 v48, v52;
	v36 =	vld [tilespmem:$0x1E940]  }
0x765: {  	[tilespmem:v41+s28+$0x0] =	vst.idx.msk $0xffff, v27;
	v27 =	vld [tilespmem:$0x1E8E0]  }
0x766: {  	v57 =	vor.u32 v48, v9;
	v41 =	vld [tilespmem:$0x1E980]  }
0x767: {  	[tilespmem:v44+s28+$0x0] =	vst.idx.msk $0xffff, v16;
	v44 =	vadd.s32 v43, v4;
	v43 =	vld [tilespmem:$0x1EEC0]  }
0x768: {  	v9 =	vadd.s32 v58, v3;
	[tilespmem:v47+s28+$0x0] =	vst.idx.msk $0xffff, v24;
	v47 =	vld [tilespmem:$0x1E9E0]  }
0x769: {  	v9 =	vor.u32 v48, v9;
	[tilespmem:v53+s28+$0x0] =	vst.idx.msk $0xffff, v22;
	v8 =	vadd.s32 v36, v4;
	v36 =	vld [tilespmem:$0x1EE40]  }
0x76a: {  	v6 =	vadd.s32 v32, v4;
	[tilespmem:v55+s28+$0x0] =	vst.idx.msk $0xffff, v26;
	v55 =	vld [tilespmem:$0x1EF20]  }
0x76b: {  	[tilespmem:v57+s28+$0x0] =	vst.idx.msk $0xffff, v28;
	v57 =	vld [tilespmem:$0x1EA40]  }
0x76c: {  	v42 =	vadd.s32 v41, v4;
	v41 =	vld [tilespmem:$0x1EE80]  }
0x76d: {  	v28 =	vadd.s32 v59, v4;
	v59 =	vld [tilespmem:$0x1E930]  }
0x76e: {  	v61 =	vadd.s32 v60, v4;
	[tilespmem:v9+s28+$0x0] =	vst.idx.msk $0xffff, v29;
	v9 =	vadd.s32 v40, v4;
	v40 =	vld [tilespmem:$0x1E8F0]  }
0x76f: {  	v6 =	vld.idx.msk [tilespmem:v6+s23+$0x0], $0xffff  }
0x770: {  	v7 =	vld.idx.msk [tilespmem:v7+s23+$0x0], $0xffff  }
0x771: {  	v23 =	vld.idx.msk [tilespmem:v44+s23+$0x0], $0xffff  }
0x772: {  	v10 =	vadd.s32 v25, v0;
	v30 =	vadd.s32 v27, v4;
	v18 =	vld.idx.msk [tilespmem:v46+s23+$0x0], $0xffff  }
0x773: {  	v10 =	vor.u32 v1, v10;
	v31 =	vld.idx.msk [tilespmem:v61+s23+$0x0], $0xffff  }
0x774: {  	v61 =	vld [tilespmem:$0x1E950]  }
0x775: {  	v33 =	vadd.s32 v63, v0;
	v46 =	vadd.s32 v45, v3;
	v45 =	vld [tilespmem:$0x1EF80]  }
0x776: {  	v16 =	vor.u32 v1, v33;
	v8 =	vld.idx.msk [tilespmem:v8+s23+$0x0], $0xffff  }
0x777: {  	v15 =	vld.idx.msk [tilespmem:v30+s23+$0x0], $0xffff  }
0x778: {  	[tilespmem:v10+s28+$0x0] =	vst.idx.msk $0xffff, v35;
	v10 =	vadd.s32 v47, v4;
	v47 =	vld [tilespmem:$0x1EEE0]  }
0x779: {  	v35 =	vld [tilespmem:$0x1EAA0]  }
0x77a: {  	v51 =	vadd.s32 v50, v4;
	v28 =	vld.idx.msk [tilespmem:v28+s23+$0x0], $0xffff  }
0x77b: {  	[tilespmem:v16+s28+$0x0] =	vst.idx.msk $0xffff, v5;
	v5 =	vld.idx.msk [tilespmem:v9+s23+$0x0], $0xffff  }
0x77c: {  	v37 =	vadd.s32 v37, v4;
	v9 =	vadd.s32 v49, v4;
	v49 =	vor.u32 v48, v46;
	v46 =	vld [tilespmem:$0x1EFA0]  }
0x77d: {  	[tilespmem:v20+s28+$0x0] =	vst.idx.msk $0xffff, v17;
	v17 =	vld.idx.msk [tilespmem:v42+s23+$0x0], $0xffff  }
0x77e: {  	v22 =	vadd.s32 v21, v2;
	v42 =	vld [tilespmem:$0x1EEA0]  }
0x77f: {  	v24 =	vadd.s32 v34, v2;
	v44 =	vadd.s32 v40, v3;
	v20 =	vld.idx.msk [tilespmem:v51+s23+$0x0], $0xffff  }
0x780: {  	v40 =	vor.u32 v48, v44;
	v44 =	vld [tilespmem:$0x1EF60]  }
0x781: {  	v12 =	vadd.s32 v12, v3;
	v27 =	vadd.s32 v39, v2;
	v11 =	vadd.s32 v61, v3;
	v61 =	vld.idx.msk [tilespmem:v37+s23+$0x0], $0xffff  }
0x782: {  	v26 =	vadd.s32 v36, v2;
	v37 =	vor.u32 v48, v12;
	v12 =	vadd.s32 v14, v3;
	v14 =	vld [tilespmem:$0x1E9F0]  }
0x783: {  	v22 =	vld.idx.msk [tilespmem:v22+s23+$0x0], $0xffff  }
0x784: {  	v58 =	vadd.s32 v57, v4;
	v57 =	vld.idx.msk [tilespmem:v24+s23+$0x0], $0xffff  }
0x785: {  	v24 =	vld [tilespmem:$0x1EA10];
	v35 =	vadd.s32 v35, v4  }
0x786: {  	v27 =	vld.idx.msk [tilespmem:v27+s23+$0x0], $0xffff  }
0x787: {  	v26 =	vld.idx.msk [tilespmem:v26+s23+$0x0], $0xffff  }
0x788: {  	v60 =	vadd.s32 v59, v3;
	v16 =	vadd.s32 v19, v2;
	v10 =	vld.idx.msk [tilespmem:v10+s23+$0x0], $0xffff  }
0x789: {  	v50 =	vor.u32 v48, v60;
	v25 =	vld.idx.msk [tilespmem:v58+s23+$0x0], $0xffff  }
0x78a: {  	v59 =	vld.idx.msk [tilespmem:v35+s23+$0x0], $0xffff  }
0x78b: {  	v35 =	vor.u32 v48, v11;
	v11 =	vadd.s32 v13, v3;
	v13 =	vld [tilespmem:$0x1E9D0]  }
0x78c: {  	v9 =	vld.idx.msk [tilespmem:v9+s23+$0x0], $0xffff;
	[tilespmem:v40+s28+$0x0] =	vst.idx.msk $0xffff, v15  }
0x78d: {  	v16 =	vld.idx.msk [tilespmem:v16+s23+$0x0], $0xffff;
	v30 =	vadd.s32 v42, v2;
	[tilespmem:v49+s28+$0x0] =	vst.idx.msk $0xffff, v6  }
0x78e: {  	v38 =	vadd.s32 v54, v2;
	[tilespmem:v50+s28+$0x0] =	vst.idx.msk $0xffff, v7;
	v50 =	vld [tilespmem:$0x1EA50]  }
0x78f: {  	v15 =	vor.u32 v48, v11;
	v11 =	vld [tilespmem:$0x1EE30]  }
0x790: {  	v29 =	vadd.s32 v41, v2;
	v6 =	vadd.s32 v13, v3;
	[tilespmem:v35+s28+$0x0] =	vst.idx.msk $0xffff, v8;
	v13 =	vld [tilespmem:$0x1EA70]  }
0x791: {  	v7 =	vor.u32 v48, v6;
	v6 =	vadd.s32 v14, v3;
	[tilespmem:v37+s28+$0x0] =	vst.idx.msk $0xffff, v5;
	v37 =	vld [tilespmem:$0x1EA30]  }
0x792: {  	v8 =	vor.u32 v48, v6;
	v6 =	vadd.s32 v24, v3;
	v24 =	vld.idx.msk [tilespmem:v30+s23+$0x0], $0xffff  }
0x793: {  	v40 =	vor.u32 v48, v12;
	v12 =	vadd.s32 v50, v3;
	v50 =	vld.idx.msk [tilespmem:v38+s23+$0x0], $0xffff  }
0x794: {  	v32 =	vadd.s32 v43, v2;
	v38 =	vld [tilespmem:$0x1EAE0]  }
0x795: {  	v35 =	vor.u32 v48, v6;
	v6 =	vld.idx.msk [tilespmem:v29+s23+$0x0], $0xffff  }
0x796: {  	v29 =	vld [tilespmem:$0x1EAB0]  }
0x797: {  	[tilespmem:v15+s28+$0x0] =	vst.idx.msk $0xffff, v17;
	v17 =	vor.u32 v48, v12;
	v12 =	vld [tilespmem:$0x1EE50]  }
0x798: {  	v33 =	vadd.s32 v47, v2;
	v14 =	vadd.s32 v13, v3;
	v13 =	vld [tilespmem:$0x1EE70]  }
0x799: {  	[tilespmem:v40+s28+$0x0] =	vst.idx.msk $0xffff, v23;
	v49 =	vadd.s32 v37, v3;
	v37 =	vld.idx.msk [tilespmem:v32+s23+$0x0], $0xffff  }
0x79a: {  	[tilespmem:v7+s28+$0x0] =	vst.idx.msk $0xffff, v18;
	v18 =	vld [tilespmem:$0x1EA90]  }
0x79b: {  	v60 =	vadd.s32 v46, v2;
	v7 =	vor.u32 v48, v14;
	v14 =	vld [tilespmem:$0x1EFC0]  }
0x79c: {  	v32 =	vld [tilespmem:$0x1EB60]  }
0x79d: {  	v15 =	vor.u32 v48, v49;
	v49 =	vld.idx.msk [tilespmem:v33+s23+$0x0], $0xffff  }
0x79e: {  	v53 =	vadd.s32 v44, v2;
	[tilespmem:v8+s28+$0x0] =	vst.idx.msk $0xffff, v10;
	v40 =	vadd.s32 v38, v4;
	v38 =	vld [tilespmem:$0x1EB80]  }
0x79f: {  	v52 =	vadd.s32 v56, v2;
	[tilespmem:v35+s28+$0x0] =	vst.idx.msk $0xffff, v9;
	v35 =	vld [tilespmem:$0x1EAD0]  }
0x7a0: {  	v10 =	vadd.s32 v29, v3;
	v29 =	vld.idx.msk [tilespmem:v60+s23+$0x0], $0xffff  }
0x7a1: {  	v58 =	vadd.s32 v45, v2;
	v60 =	vld [tilespmem:$0x1EBE0]  }
0x7a2: {  	v23 =	vadd.s32 v18, v3;
	v33 =	vadd.s32 v32, v4;
	v32 =	vld [tilespmem:$0x1EC00]  }
0x7a3: {  	v8 =	vor.u32 v48, v23;
	v23 =	vld.idx.msk [tilespmem:v53+s23+$0x0], $0xffff  }
0x7a4: {  	v5 =	vadd.s32 v35, v3;
	v35 =	vld.idx.msk [tilespmem:v52+s23+$0x0], $0xffff  }
0x7a5: {  	v51 =	vadd.s32 v55, v2;
	v2 =	vadd.s32 v14, v2;
	[tilespmem:v15+s28+$0x0] =	vst.idx.msk $0xffff, v20;
	v52 =	vld [tilespmem:$0x1EB00]  }
0x7a6: {  	v30 =	vor.u32 v48, v10;
	[tilespmem:v17+s28+$0x0] =	vst.idx.msk $0xffff, v25;
	v17 =	vld.idx.msk [tilespmem:v58+s23+$0x0], $0xffff  }
0x7a7: {  	v25 =	vld [tilespmem:$0x1EB20]  }
0x7a8: {  	v58 =	vld [tilespmem:$0x1EBC0]  }
0x7a9: {  	v10 =	vor.u32 v48, v5;
	[tilespmem:v7+s28+$0x0] =	vst.idx.msk $0xffff, v28;
	v5 =	vld [tilespmem:$0x1EE10]  }
0x7aa: {  	v2 =	vld.idx.msk [tilespmem:v2+s23+$0x0], $0xffff;
	[tilespmem:v8+s28+$0x0] =	vst.idx.msk $0xffff, v31  }
0x7ab: {  	[tilespmem:v30+s28+$0x0] =	vst.idx.msk $0xffff, v59;
	v30 =	vld [tilespmem:$0x1EB40]  }
0x7ac: {  	v53 =	vadd.s32 v52, v4;
	v52 =	vld [tilespmem:$0x1EBA0]  }
0x7ad: {  	v59 =	vadd.s32 v58, v4;
	v58 =	vld [tilespmem:$0x1EC60]  }
0x7ae: {  	[tilespmem:v10+s28+$0x0] =	vst.idx.msk $0xffff, v61;
	v61 =	vadd.s32 v60, v4;
	v60 =	vld [tilespmem:$0x1EC80]  }
0x7af: {  	v28 =	vadd.s32 v25, v4;
	v15 =	vld.idx.msk [tilespmem:v40+s23+$0x0], $0xffff  }
0x7b0: {  	v10 =	vld.idx.msk [tilespmem:v33+s23+$0x0], $0xffff  }
0x7b1: {  	v40 =	vadd.s32 v38, v4;
	v38 =	vld [tilespmem:$0x1EC20]  }
0x7b2: {  	[tilespmem:$0x1DFD0] =	vst v2;
	v2 =	vld [tilespmem:$0x1EDF0]  }
0x7b3: {  	v7 =	vld.idx.msk [tilespmem:v53+s23+$0x0], $0xffff  }
0x7b4: {  	v31 =	vadd.s32 v30, v4;
	v8 =	vld.idx.msk [tilespmem:v28+s23+$0x0], $0xffff  }
0x7b5: {  	v53 =	vadd.s32 v52, v4;
	v52 =	vld [tilespmem:$0x1EC40]  }
0x7b6: {  	[tilespmem:$0x1DFC0] =	vst v29;
	v28 =	vld.idx.msk [tilespmem:v61+s23+$0x0], $0xffff  }
0x7b7: {  	v29 =	vadd.s32 v32, v4;
	v61 =	vadd.s32 v13, v0;
	v18 =	vld.idx.msk [tilespmem:v40+s23+$0x0], $0xffff;
	v40 =	vadd.s32 v5, v0  }
0x7b8: {  	v32 =	vor.u32 v1, v40;
	v40 =	vadd.s32 v58, v4;
	v58 =	vor.u32 v1, v61;
	v61 =	vld [tilespmem:$0x1EAF0]  }
0x7b9: {  	v33 =	vadd.s32 v2, v0;
	v9 =	vld.idx.msk [tilespmem:v31+s23+$0x0], $0xffff  }
0x7ba: {  	v30 =	vor.u32 v1, v33;
	v20 =	vld.idx.msk [tilespmem:v53+s23+$0x0], $0xffff;
	v53 =	vadd.s32 v11, v0  }
0x7bb: {  	v31 =	vadd.s32 v38, v4;
	v38 =	vor.u32 v1, v53;
	v53 =	vadd.s32 v60, v4;
	v60 =	vld [tilespmem:$0x1ECA0]  }
0x7bc: {  	v51 =	vld.idx.msk [tilespmem:v51+s23+$0x0], $0xffff  }
0x7bd: {  	v29 =	vld.idx.msk [tilespmem:v29+s23+$0x0], $0xffff;
	v33 =	vadd.s32 v52, v4  }
0x7be: {  	v25 =	vld.idx.msk [tilespmem:v59+s23+$0x0], $0xffff;
	v61 =	vadd.s32 v61, v3  }
0x7bf: {  	v59 =	vadd.s32 v12, v0;
	[tilespmem:v30+s28+$0x0] =	vst.idx.msk $0xffff, v16;
	v30 =	vor.u32 v48, v61;
	v61 =	vld [tilespmem:$0x1EB10]  }
0x7c0: {  	v52 =	vor.u32 v1, v59;
	v59 =	vadd.s32 v60, v4;
	v60 =	vld [tilespmem:$0x1ECC0]  }
0x7c1: {  	v31 =	vld.idx.msk [tilespmem:v31+s23+$0x0], $0xffff  }
0x7c2: {  	v16 =	vld.idx.msk [tilespmem:v33+s23+$0x0], $0xffff  }
0x7c3: {  	[tilespmem:v32+s28+$0x0] =	vst.idx.msk $0xffff, v22;
	v22 =	vld.idx.msk [tilespmem:v40+s23+$0x0], $0xffff  }
0x7c4: {  	v40 =	vld [tilespmem:$0x1EB30]  }
0x7c5: {  	[tilespmem:v38+s28+$0x0] =	vst.idx.msk $0xffff, v57;
	v38 =	vld.idx.msk [tilespmem:v53+s23+$0x0], $0xffff;
	v60 =	vadd.s32 v60, v4  }
0x7c6: {  	v53 =	vld [tilespmem:$0x1EB50];
	v33 =	vadd.s32 v61, v3  }
0x7c7: {  	v57 =	vld [tilespmem:$0x1EB70];
	v61 =	vor.u32 v48, v33  }
0x7c8: {  	[tilespmem:v52+s28+$0x0] =	vst.idx.msk $0xffff, v26;
	v26 =	vld.idx.msk [tilespmem:v59+s23+$0x0], $0xffff  }
0x7c9: {  	v59 =	vld [tilespmem:$0x1EB90]  }
0x7ca: {  	[tilespmem:v58+s28+$0x0] =	vst.idx.msk $0xffff, v27;
	v27 =	vld.idx.msk [tilespmem:v60+s23+$0x0], $0xffff  }
0x7cb: {  	[tilespmem:v30+s28+$0x0] =	vst.idx.msk $0xffff, v15;
	v60 =	vld [tilespmem:$0x1EBB0]  }
0x7cc: {  	v33 =	vadd.s32 v40, v3;
	[tilespmem:v61+s28+$0x0] =	vst.idx.msk $0xffff, v7;
	v61 =	vld [tilespmem:$0x1EBD0]  }
0x7cd: {  	v33 =	vor.u32 v48, v33;
	v40 =	vadd.s32 v53, v3;
	v52 =	vadd.s32 v57, v3;
	v57 =	vld [tilespmem:$0x1EBF0]  }
0x7ce: {  	v40 =	vor.u32 v48, v40  }
0x7cf: {  	v52 =	vor.u32 v48, v52;
	v53 =	vadd.s32 v59, v3;
	v59 =	vld [tilespmem:$0x1EC10]  }
0x7d0: {  	v15 =	vor.u32 v48, v53;
	v30 =	vadd.s32 v60, v3;
	v60 =	vld [tilespmem:$0x1EC30]  }
0x7d1: {  	v7 =	vor.u32 v48, v30;
	v30 =	vadd.s32 v61, v3  }
0x7d2: {  	[tilespmem:v33+s28+$0x0] =	vst.idx.msk $0xffff, v8;
	v53 =	vor.u32 v48, v30;
	v30 =	vadd.s32 v57, v3  }
0x7d3: {  	v33 =	vld [tilespmem:$0x1EE90];
	[tilespmem:v40+s28+$0x0] =	vst.idx.msk $0xffff, v9;
	v58 =	vor.u32 v48, v30  }
0x7d4: {  	[tilespmem:v52+s28+$0x0] =	vst.idx.msk $0xffff, v10;
	v10 =	vadd.s32 v59, v3;
	v30 =	vld [tilespmem:$0x1EC50]  }
0x7d5: {  	v40 =	vld [tilespmem:$0x1EEB0];
	[tilespmem:v15+s28+$0x0] =	vst.idx.msk $0xffff, v18;
	v10 =	vor.u32 v48, v10;
	v15 =	vadd.s32 v60, v3  }
0x7d6: {  	v52 =	vld [tilespmem:$0x1EED0];
	[tilespmem:v7+s28+$0x0] =	vst.idx.msk $0xffff, v20;
	v61 =	vor.u32 v48, v15  }
0x7d7: {  	[tilespmem:v53+s28+$0x0] =	vst.idx.msk $0xffff, v25;
	v53 =	vld [tilespmem:$0x1EC70]  }
0x7d8: {  	v25 =	vadd.s32 v33, v0;
	[tilespmem:v58+s28+$0x0] =	vst.idx.msk $0xffff, v28;
	v58 =	vld [tilespmem:$0x1EC90]  }
0x7d9: {  	v8 =	vor.u32 v1, v25;
	v9 =	vadd.s32 v30, v3  }
0x7da: {  	v32 =	vadd.s32 v40, v0;
	v9 =	vor.u32 v48, v9;
	[tilespmem:v10+s28+$0x0] =	vst.idx.msk $0xffff, v29  }
0x7db: {  	v15 =	vor.u32 v1, v32;
	[tilespmem:v61+s28+$0x0] =	vst.idx.msk $0xffff, v31;
	v61 =	vadd.s32 v52, v0  }
0x7dc: {  	v30 =	vadd.s32 v21, v4;
	v21 =	vld [tilespmem:$0x1EF30];
	v18 =	vadd.s32 v53, v3;
	v20 =	vor.u32 v1, v61  }
0x7dd: {  	v29 =	vadd.s32 v19, v4;
	v19 =	vld [tilespmem:$0x1EF10];
	v57 =	vor.u32 v48, v18;
	v18 =	vadd.s32 v58, v3  }
0x7de: {  	v60 =	vadd.s32 v63, v3;
	v53 =	vld [tilespmem:$0x1EEF0];
	[tilespmem:v8+s28+$0x0] =	vst.idx.msk $0xffff, v6;
	v59 =	vor.u32 v48, v18  }
0x7df: {  	v63 =	vadd.s32 v62, v3;
	v18 =	vor.u32 v48, v60;
	[tilespmem:v9+s28+$0x0] =	vst.idx.msk $0xffff, v16  }
0x7e0: {  	v25 =	vor.u32 v48, v63;
	[tilespmem:v15+s28+$0x0] =	vst.idx.msk $0xffff, v24  }
0x7e1: {  	v41 =	vadd.s32 v41, v4;
	v32 =	vadd.s32 v34, v4;
	[tilespmem:v20+s28+$0x0] =	vst.idx.msk $0xffff, v37  }
0x7e2: {  	v34 =	vadd.s32 v36, v4;
	v36 =	vadd.s32 v21, v0;
	[tilespmem:v57+s28+$0x0] =	vst.idx.msk $0xffff, v22  }
0x7e3: {  	v31 =	vadd.s32 v19, v0;
	v28 =	vadd.s32 v53, v0;
	v37 =	vld [tilespmem:$0x1EF90];
	[tilespmem:v59+s28+$0x0] =	vst.idx.msk $0xffff, v38  }
0x7e4: {  	v9 =	vor.u32 v1, v28;
	v22 =	vor.u32 v1, v31;
	v31 =	vld [tilespmem:$0x1DFC0];
	[tilespmem:v18+s28+$0x0] =	vst.idx.msk $0xffff, v26  }
0x7e5: {  	v38 =	vadd.s32 v39, v4;
	v39 =	vor.u32 v1, v36;
	v36 =	vld [tilespmem:$0x1EF70];
	[tilespmem:v25+s28+$0x0] =	vst.idx.msk $0xffff, v27  }
0x7e6: {  	v8 =	vld.idx.msk [tilespmem:v29+s23+$0x0], $0xffff  }
0x7e7: {  	v42 =	vadd.s32 v42, v4;
	v10 =	vld.idx.msk [tilespmem:v30+s23+$0x0], $0xffff  }
0x7e8: {  	v43 =	vadd.s32 v43, v4;
	v7 =	vld.idx.msk [tilespmem:v32+s23+$0x0], $0xffff  }
0x7e9: {  	v16 =	vld.idx.msk [tilespmem:v41+s23+$0x0], $0xffff  }
0x7ea: {  	[tilespmem:v9+s28+$0x0] =	vst.idx.msk $0xffff, v49;
	v9 =	vld.idx.msk [tilespmem:v34+s23+$0x0], $0xffff  }
0x7eb: {  	v34 =	vld [tilespmem:$0x1EF50]  }
0x7ec: {  	v47 =	vadd.s32 v47, v4;
	v15 =	vld.idx.msk [tilespmem:v42+s23+$0x0], $0xffff  }
0x7ed: {  	v60 =	vadd.s32 v46, v4;
	v20 =	vld.idx.msk [tilespmem:v43+s23+$0x0], $0xffff  }
0x7ee: {  	v57 =	vadd.s32 v44, v4;
	v59 =	vadd.s32 v45, v4;
	[tilespmem:v22+s28+$0x0] =	vst.idx.msk $0xffff, v50;
	v22 =	vld.idx.msk [tilespmem:v38+s23+$0x0], $0xffff  }
0x7ef: {  	v49 =	vadd.s32 v54, v4;
	v38 =	vld [tilespmem:$0x1EFB0];
	[tilespmem:v39+s28+$0x0] =	vst.idx.msk $0xffff, v51;
	v51 =	vadd.s32 v55, v4  }
0x7f0: {  	v55 =	vadd.s32 v56, v4;
	v39 =	vld [tilespmem:$0x1EFD0];
	v4 =	vadd.s32 v14, v4;
	v50 =	vadd.s32 v34, v0  }
0x7f1: {  	v18 =	vld.idx.msk [tilespmem:v47+s23+$0x0], $0xffff;
	v54 =	vadd.s32 v36, v0;
	v6 =	vor.u32 v1, v50  }
0x7f2: {  	v32 =	vld.idx.msk [tilespmem:v60+s23+$0x0], $0xffff;
	v26 =	vor.u32 v1, v54;
	v56 =	vadd.s32 v37, v0  }
0x7f3: {  	v61 =	vadd.s32 v2, v3;
	v41 =	vld [tilespmem:$0x1DFD0];
	v28 =	vor.u32 v1, v56  }
0x7f4: {  	v25 =	vor.u32 v48, v61;
	v24 =	vld.idx.msk [tilespmem:v49+s23+$0x0], $0xffff;
	v58 =	vadd.s32 v38, v0  }
0x7f5: {  	v62 =	vadd.s32 v5, v3;
	v30 =	vor.u32 v1, v58;
	v0 =	vadd.s32 v39, v0;
	v42 =	vld.idx.msk [tilespmem:v4+s23+$0x0], $0xffff  }
0x7f6: {  	v63 =	vor.u32 v48, v62;
	v0 =	vor.u32 v1, v0;
	v1 =	vld.idx.msk [tilespmem:v51+s23+$0x0], $0xffff;
	[tilespmem:v6+s28+$0x0] =	vst.idx.msk $0xffff, v35  }
0x7f7: {  	v11 =	vadd.s32 v11, v3;
	v6 =	vld.idx.msk [tilespmem:v55+s23+$0x0], $0xffff;
	[tilespmem:v26+s28+$0x0] =	vst.idx.msk $0xffff, v23  }
0x7f8: {  	v27 =	vor.u32 v48, v11;
	v14 =	vadd.s32 v12, v3;
	v23 =	vld.idx.msk [tilespmem:v57+s23+$0x0], $0xffff;
	[tilespmem:v28+s28+$0x0] =	vst.idx.msk $0xffff, v17  }
0x7f9: {  	v35 =	vadd.s32 v13, v3;
	v17 =	vld.idx.msk [tilespmem:v59+s23+$0x0], $0xffff;
	v28 =	vor.u32 v48, v14;
	[tilespmem:v25+s28+$0x0] =	vst.idx.msk $0xffff, v8  }
0x7fa: {  	v44 =	vadd.s32 v33, v3;
	v43 =	vor.u32 v48, v35;
	[tilespmem:v30+s28+$0x0] =	vst.idx.msk $0xffff, v31  }
0x7fb: {  	v45 =	vadd.s32 v40, v3;
	v4 =	vor.u32 v48, v44;
	[tilespmem:v63+s28+$0x0] =	vst.idx.msk $0xffff, v10  }
0x7fc: {  	v46 =	vadd.s32 v52, v3;
	v8 =	vor.u32 v48, v45;
	[tilespmem:v0+s28+$0x0] =	vst.idx.msk $0xffff, v41  }
0x7fd: {  	v47 =	vor.u32 v48, v46;
	v49 =	vadd.s32 v53, v3;
	[tilespmem:v27+s28+$0x0] =	vst.idx.msk $0xffff, v7  }
0x7fe: {  	v50 =	vor.u32 v48, v49;
	v51 =	vadd.s32 v19, v3;
	[tilespmem:v28+s28+$0x0] =	vst.idx.msk $0xffff, v9  }
0x7ff: {  	v53 =	vadd.s32 v21, v3;
	v52 =	vor.u32 v48, v51;
	[tilespmem:v43+s28+$0x0] =	vst.idx.msk $0xffff, v22  }
0x800: {  	v54 =	vor.u32 v48, v53;
	v55 =	vadd.s32 v34, v3;
	[tilespmem:v4+s28+$0x0] =	vst.idx.msk $0xffff, v16  }
0x801: {  	v56 =	vor.u32 v48, v55;
	v57 =	vadd.s32 v36, v3;
	[tilespmem:v8+s28+$0x0] =	vst.idx.msk $0xffff, v15  }
0x802: {  	v58 =	vor.u32 v48, v57;
	v59 =	vadd.s32 v37, v3;
	[tilespmem:v47+s28+$0x0] =	vst.idx.msk $0xffff, v20  }
0x803: {  	v61 =	vadd.s32 v38, v3;
	v60 =	vor.u32 v48, v59;
	[tilespmem:v50+s28+$0x0] =	vst.idx.msk $0xffff, v18  }
0x804: {  	s3 =	sadd.s32 $0x2, s3;
	v62 =	vor.u32 v48, v61;
	v3 =	vadd.s32 v39, v3;
	[tilespmem:v52+s28+$0x0] =	vst.idx.msk $0xffff, v24  }
0x805: {  	p0 =	slt.u32 s3, $0x6;
	v63 =	vor.u32 v48, v3;
	[tilespmem:v54+s28+$0x0] =	vst.idx.msk $0xffff, v1  }
.Ltmp1:
0x806: {  	[tilespmem:v56+s28+$0x0] =	vst.idx.msk $0xffff, v6;
	(pc) =	sbr.rel @p0 .LBB2_5-.Ltmp1, $4  }
0x807: {  	[tilespmem:v58+s28+$0x0] =	vst.idx.msk $0xffff, v23  }
0x808: {  	[tilespmem:v60+s28+$0x0] =	vst.idx.msk $0xffff, v17  }
0x809: {  	[tilespmem:v62+s28+$0x0] =	vst.idx.msk $0xffff, v32  }
0x80a: {  	s6 =	sadd.s32 $0x20, s6;
	[tilespmem:v63+s28+$0x0] =	vst.idx.msk $0xffff, v42  }
0x80b: {  	s2 =	sadd.s32 $0x1, s2  }
0x80c: {  	p0 =	sne.s32 s2, $0x20  }
.Ltmp2:
0x80d: {  	s3 =	sshll.u32 s18, $0x12;
	(pc) =	sbr.rel @p0 .LBB2_2-.Ltmp2, $4  }
0x80e: {  	s3 =	sand.u32 $0x3C0000, s3  }
0x80f: {  	s3 =	sor.u32 s3, s4  }
0x810: {  	s3 =	sadd.s32 s3, s5  }
0x811: {  	[hbm4b:s3+s20] =	stream.strided.scatter [tilespmem:s28], [sflag:$0x4], $0x4000, s19, s20, $0x38;
	[tilespmem:$0x12400] =	vst v63  }
0x812: {  	_ =	swait.ge [sflag:s29], $0x4000  }
0x813: {  	[sflag:s29] =	ssyncset.done $0x0  }
0x814: {  	[sflag:s29] =	ssyncadd.s32 $0xFFFFC000  }
0x815: {  	_ =	swait.ge [sflag:s30], $0x4000  }
0x816: {  	[sflag:s30] =	ssyncset.done $0x0  }
0x817: {  	[sflag:s30] =	ssyncadd.s32 $0xFFFFC000  }
0x818: {  	_ =	swait.ge [sflag:s31], $0x400  }
0x819: {  	[sflag:s31] =	ssyncset.done $0x0  }
0x81a: {  	s1 =	sadd.s32 $0x1, s1;
	[sflag:s31] =	ssyncadd.s32 $0xFFFFFC00  }
0x81b: {  	p0 =	sne.s32 s1, s14;
	_ =	swait.ge [sflag:s31], $0x400  }
.Ltmp3:
0x81c: {  	[sflag:s31] =	ssyncset.done $0x0;
	(pc) =	sbr.rel @p0 .LBB2_1-.Ltmp3, $4  }
0x81d: {  	[sflag:s31] =	ssyncadd.s32 $0xFFFFFC00  }
0x81e: {  	_ =	swait.ge [sflag:s31], $0x400  }
0x81f: {  	[sflag:s31] =	ssyncset.done $0x0  }
0x820: {  	[sflag:s31] =	ssyncadd.s32 $0xFFFFFC00  }
0x821: {  	_ =	sfence.sel $0x180000  }
0x822: {  	[bflag:$0x0] =	sbarrier.arrive $0xFFFF  }
0x823: {  	_ =	strace $0x90000047  }
0x824: {  	s0 =	stileid.u32;
	[bflag:$0x2] =	sbarrier.arrive $0xFFFF  }
0x825: {  	p0 =	sne.s32 s0, $0x0;
	s0 =	rddreg [dreg:$0x7]  }
0x826: {  	s0 =	sadd.s32 @!p0 $0x100000, s0  }
0x827: {  	[sflag:s0] =	ssyncadd.tile.s32 @!p0 $0x1;
	_ =	shalt  }
.Lfunc_end2:
_tile_overlayer_lowered:
.L_overlay_start_2:
0x828: {  	(tag) =	ssettag $0x2  }
0x829: {  	s0 =	rddreg [dreg:$0x0];
	s2 =	stileid.u32  }
0x82a: {  	s1 =	rddreg [dreg:$0x1];
	p0 =	sne.s32 s2, $0x0  }
0x82b: {  	s3 =	rddreg [dreg:$0x2];
	[bflag:$0x3] =	sbarrier.arrive $0xFFFF;
	s2 =	simm.s32 @!p0 $0x1C06  }
0x82c: {  	[timem:s3], [sflag:s2] =	dma.local @!p0 [hbm:s0], s1  }
0x82d: {  	s0 =	simm.s32 @!p0 $0x6  }
0x82e: {  	_ =	swait.ge @!p0 [sflag:s0], s1  }
0x82f: {  	s1 =	ssub.s32 @!p0 $0x0, s1;
	[sflag:s0] =	ssyncset.done @!p0 $0x0  }
0x830: {  	[sflag:s0] =	ssyncadd.s32 @!p0 s1  }
0x831: {  	[bflag:$0x3] =	sbarrier.arrive $0xFFFF  }
0x832: {  	_ =	shalt  }

</sc_bundles>
